<compile_context>
chip_gen: v7x
topology: tpu7x:2x2x1
jax: 0.10.2.dev20260603
libtpu: 0.0.44.dev20260713+nightly
codegen_flags: <defaults>
</compile_context>

<pallas_src>
import dataclasses

import jax
import jax.numpy as jnp
from jax import lax
from jax.experimental import pallas as pl
from jax.experimental.pallas import tpu as pltpu
from jax.experimental.pallas import tpu_sc as plsc

_K = 20
_B = 128
_N = 8192
_NC = 2
_NS = 16
_NW = _NC * _NS
_RPW = _B // _NW
_NCHUNK = 64
_CSZ = _N // _NCHUNK
_VPC = _CSZ // 16
_PAD = 1 << 20
_BIG = 1 << 30


def _store1(ref, pos, val, iota16):
    plsc.store_scatter(
        ref,
        [jnp.broadcast_to(pos, (16,))],
        jnp.broadcast_to(val, (16,)),
        mask=iota16 == 0,
    )


def _sort16(v, descending=False):
    s, _ = plsc.sort_key_val(v, v, descending=descending)
    return s


def _chunk_max(buf, cm_ref, c, iota16):
    base = c * _CSZ
    m = jnp.full((16,), -1.0, jnp.float32)
    for j in range(_VPC):
        m = jnp.maximum(m, jnp.abs(buf[pl.ds(base + j * 16, 16)]))
    _store1(cm_ref, c, jnp.max(m), iota16)


def _sc_topk_body(z_hbm, idx_hbm, b0, b1, b2, b3, cma, cmb, out_v,
                  s0, s1, s2, s3):
    wid = lax.axis_index("s") * _NC + lax.axis_index("c")
    iota16 = lax.broadcasted_iota(jnp.int32, (16,), 0)
    bufs = (b0, b1, b2, b3)
    cms = (cma, cmb)
    sems = (s0, s1, s2, s3)
    row0 = wid * _RPW

    copies = [
        pltpu.async_copy(z_hbm.at[row0 + r], bufs[r], sems[r])
        for r in range(_RPW)
    ]

    out_v[pl.ds(0, 16)] = jnp.full((16,), _PAD, jnp.int32)
    out_v[pl.ds(16, 16)] = jnp.full((16,), _PAD, jnp.int32)

    copies[0].wait()

    @pl.loop(0, _NCHUNK)
    def _(c):
        _chunk_max(bufs[0], cms[0], c, iota16)

    for r in range(_RPW):
        buf = bufs[r]
        cm_v = cms[r % 2]
        if r + 1 < _RPW:
            copies[r + 1].wait()

        @pl.loop(0, _K)
        def _(k):
            if r + 1 < _RPW:
                for t in range(6):
                    _chunk_max(
                        bufs[r + 1], cms[(r + 1) % 2], k * 6 + t, iota16
                    )
            cvecs = [
                cm_v[pl.ds(16 * t, 16)] for t in range(_NCHUNK // 16)
            ]
            m01 = cvecs[0]
            for t in range(1, _NCHUNK // 16):
                m01 = jnp.maximum(m01, cvecs[t])
            gmax = jnp.max(m01)
            cand = jnp.full((16,), _BIG, jnp.int32)
            for t in range(_NCHUNK // 16):
                cand = jnp.minimum(
                    cand,
                    jnp.where(cvecs[t] == gmax, iota16 + 16 * t, _BIG),
                )
            cstar = jnp.min(cand)
            base = cstar * _CSZ
            best = jnp.full((16,), _BIG, jnp.int32)
            cnt = jnp.zeros((16,), jnp.int32)
            m_ex = jnp.full((16,), -1.0, jnp.float32)
            for j in range(_VPC):
                v = jnp.abs(buf[pl.ds(base + j * 16, 16)])
                ismax = v == gmax
                best = jnp.minimum(
                    best, jnp.where(ismax, base + j * 16 + iota16, _BIG)
                )
                cnt = cnt + ismax.astype(jnp.int32)
                nm = jnp.where(ismax, jnp.float32(-1.0), v)
                m_ex = jnp.where(nm > m_ex, nm, m_ex)
            pos = jnp.min(best)
            ntot = jnp.sum(cnt)
            newmax = jnp.where(ntot > 1, gmax, jnp.max(m_ex))
            _store1(out_v, k, pos, iota16)
            _store1(buf, pos, jnp.float32(jnp.nan), iota16)
            _store1(cm_v, cstar, newmax, iota16)

        if r + 1 < _RPW:

            @pl.loop(6 * _K, _NCHUNK)
            def _(c):
                _chunk_max(bufs[r + 1], cms[(r + 1) % 2], c, iota16)

        a = _sort16(out_v[pl.ds(0, 16)])
        b = _sort16(out_v[pl.ds(16, 16)], descending=True)
        lo = jnp.minimum(a, b)
        hi = jnp.maximum(a, b)
        out_v[pl.ds(0, 16)] = _sort16(lo)
        out_v[pl.ds(16, 16)] = _sort16(hi)

        pltpu.sync_copy(out_v, idx_hbm.at[row0 + r])


def _sc_topk(z):
    mesh = plsc.VectorSubcoreMesh(core_axis_name="c", subcore_axis_name="s")
    cp = pltpu.CompilerParams()
    if "needs_layout_passes" in pltpu.CompilerParams.__dataclass_fields__:
        cp = dataclasses.replace(cp, needs_layout_passes=False)
    return pl.kernel(
        _sc_topk_body,
        out_type=jax.ShapeDtypeStruct((_B, 32), jnp.int32),
        mesh=mesh,
        compiler_params=cp,
        scratch_types=(
            [pltpu.VMEM((_N,), jnp.float32)] * _RPW
            + [
                pltpu.VMEM((_NCHUNK,), jnp.float32),
                pltpu.VMEM((_NCHUNK,), jnp.float32),
                pltpu.VMEM((32,), jnp.int32),
            ]
            + [pltpu.SemaphoreType.DMA] * _RPW
        ),
    )(z)


def _labels_body(idx_ref, labels_ref, ones_ref):
    idx = idx_ref[...]
    idx_t = idx.T
    acc = idx[:, 0:1] == idx_t[0:1, :]
    for k in range(1, _K):
        acc = acc & (idx[:, k : k + 1] == idx_t[k : k + 1, :])
    labels_ref[...] = acc.astype(jnp.float32)
    ones_ref[...] = jnp.ones((_B, _B), jnp.float32)


def kernel(z):
    idx = _sc_topk(z)
    labels, ones = pl.pallas_call(
        _labels_body,
        out_shape=(
            jax.ShapeDtypeStruct((_B, _B), jnp.float32),
            jax.ShapeDtypeStruct((_B, _B), jnp.float32),
        ),
    )(idx)
    return labels, ones

# --- scband reference (transcript-rebuilt; emitter-appended) ---
"""Pipeline reference for scband-ranking-statistics-6614249636515 (READ-ONLY COPY).

The authoritative reference and input builder live on the scoring server;
editing this copy changes nothing except your own understanding.
"""

import jax, jax.numpy as jnp
import numpy as np

K_NUM = 20

def setup_inputs(seed: int = 0) -> dict:
    key = jax.random.key(seed)
    z = jax.random.normal(key, (128, 8192), dtype=jnp.float32)
    return {"z": z}

def reference(z):
    # RankingStatistics.forward
    za = jnp.abs(z).reshape(z.shape[0], -1)
    _, idx = jax.lax.top_k(za, K_NUM)            # [B, K] indices of top-k |z|
    topk_z = jnp.sort(idx, axis=-1)              # sorted index sets
    # labels[i, j] = all(topk_z[j] == topk_z[i])  (broadcast [B,1,K] vs [B,K] -> [B,B,K])
    labels = (topk_z[None, :, :] == topk_z[:, None, :]).all(axis=-1).astype(jnp.float32)
    return (labels, jnp.ones_like(labels))

if __name__ == "__main__":
    import jax
    _d = setup_inputs()
    print(jax.jit(kernel)(*tuple(_d.values())))

</pallas_src>

<mosaic_0001>
#map = affine_map<(d0, d1) -> (0, 0)>
module attributes {stable_mosaic.version = 14 : i64} {
  func.func @_sc_topk_body(%arg0: i32, %arg1: i32, %arg2: memref<128x8192xf32, #tpu.memory_space<hbm>>, %arg3: memref<128x32xi32, #tpu.memory_space<hbm>>, %arg4: memref<8192xf32, #tpu.memory_space<vmem>>, %arg5: memref<8192xf32, #tpu.memory_space<vmem>>, %arg6: memref<8192xf32, #tpu.memory_space<vmem>>, %arg7: memref<8192xf32, #tpu.memory_space<vmem>>, %arg8: memref<64xf32, #tpu.memory_space<vmem>>, %arg9: memref<64xf32, #tpu.memory_space<vmem>>, %arg10: memref<32xi32, #tpu.memory_space<vmem>>, %arg11: memref<!tpu.dma_semaphore, #tpu.memory_space<semaphore_mem>>, %arg12: memref<!tpu.dma_semaphore, #tpu.memory_space<semaphore_mem>>, %arg13: memref<!tpu.dma_semaphore, #tpu.memory_space<semaphore_mem>>, %arg14: memref<!tpu.dma_semaphore, #tpu.memory_space<semaphore_mem>>) attributes {dimension_semantics = [#tpu.dimension_semantics<core_parallel>, #tpu.dimension_semantics<subcore_parallel>], iteration_bounds = array<i64: 2, 16>, scalar_prefetch = 0 : i64, scratch_operands = 11 : i64, tpu.core_type = #tpu.core_type<sc_vector_subcore>, window_params = [{transform_indices = #map}, {transform_indices = #map}]} {
    %mul3A = arith.constant 2 : i32
    %mul3A_0 = arith.muli %arg1, %mul3A : i32
    %add3A = arith.addi %mul3A_0, %arg0 : i32
    %iota3A = tpu.iota {dimensions = array<i32: 0>} : vector<16xi32>
    %mul3A_1 = arith.constant 4 : i32
    %mul3A_2 = arith.muli %add3A, %mul3A_1 : i32
    %add3A_3 = arith.constant 0 : i32
    %add3A_4 = arith.addi %mul3A_2, %add3A_3 : i32
    %dma_start3A = arith.constant 0 : i32
    %dma_start3A_5 = tpu.memref_slice %arg2[%add3A_4, %dma_start3A] : memref<128x8192xf32, #tpu.memory_space<hbm>> -> memref<1x8192xf32, #tpu.memory_space<hbm>>
    %dma_start3A_6 = tpu.memref_squeeze %dma_start3A_5 : memref<1x8192xf32, #tpu.memory_space<hbm>> -> memref<8192xf32, #tpu.memory_space<hbm>>
    %dma_start3A_7 = arith.constant 0 : i32
    %dma_start3A_8 = tpu.memref_slice %arg2[%add3A_4, %dma_start3A_7] : memref<128x8192xf32, #tpu.memory_space<hbm>> -> memref<1x8192xf32, #tpu.memory_space<hbm>>
    %dma_start3A_9 = tpu.memref_squeeze %dma_start3A_8 : memref<1x8192xf32, #tpu.memory_space<hbm>> -> memref<8192xf32, #tpu.memory_space<hbm>>
    tpu.enqueue_dma source(%dma_start3A_9 : memref<8192xf32, #tpu.memory_space<hbm>>) target(%arg4 : memref<8192xf32, #tpu.memory_space<vmem>>) target_semaphore(%arg11 : memref<!tpu.dma_semaphore, #tpu.memory_space<semaphore_mem>>)
    %add3A_10 = arith.constant 1 : i32
    %add3A_11 = arith.addi %mul3A_2, %add3A_10 : i32
    %dma_start3A_12 = arith.constant 0 : i32
    %dma_start3A_13 = tpu.memref_slice %arg2[%add3A_11, %dma_start3A_12] : memref<128x8192xf32, #tpu.memory_space<hbm>> -> memref<1x8192xf32, #tpu.memory_space<hbm>>
    %dma_start3A_14 = tpu.memref_squeeze %dma_start3A_13 : memref<1x8192xf32, #tpu.memory_space<hbm>> -> memref<8192xf32, #tpu.memory_space<hbm>>
    %dma_start3A_15 = arith.constant 0 : i32
    %dma_start3A_16 = tpu.memref_slice %arg2[%add3A_11, %dma_start3A_15] : memref<128x8192xf32, #tpu.memory_space<hbm>> -> memref<1x8192xf32, #tpu.memory_space<hbm>>
    %dma_start3A_17 = tpu.memref_squeeze %dma_start3A_16 : memref<1x8192xf32, #tpu.memory_space<hbm>> -> memref<8192xf32, #tpu.memory_space<hbm>>
    tpu.enqueue_dma source(%dma_start3A_17 : memref<8192xf32, #tpu.memory_space<hbm>>) target(%arg5 : memref<8192xf32, #tpu.memory_space<vmem>>) target_semaphore(%arg12 : memref<!tpu.dma_semaphore, #tpu.memory_space<semaphore_mem>>)
    %add3A_18 = arith.constant 2 : i32
    %add3A_19 = arith.addi %mul3A_2, %add3A_18 : i32
    %dma_start3A_20 = arith.constant 0 : i32
    %dma_start3A_21 = tpu.memref_slice %arg2[%add3A_19, %dma_start3A_20] : memref<128x8192xf32, #tpu.memory_space<hbm>> -> memref<1x8192xf32, #tpu.memory_space<hbm>>
    %dma_start3A_22 = tpu.memref_squeeze %dma_start3A_21 : memref<1x8192xf32, #tpu.memory_space<hbm>> -> memref<8192xf32, #tpu.memory_space<hbm>>
    %dma_start3A_23 = arith.constant 0 : i32
    %dma_start3A_24 = tpu.memref_slice %arg2[%add3A_19, %dma_start3A_23] : memref<128x8192xf32, #tpu.memory_space<hbm>> -> memref<1x8192xf32, #tpu.memory_space<hbm>>
    %dma_start3A_25 = tpu.memref_squeeze %dma_start3A_24 : memref<1x8192xf32, #tpu.memory_space<hbm>> -> memref<8192xf32, #tpu.memory_space<hbm>>
    tpu.enqueue_dma source(%dma_start3A_25 : memref<8192xf32, #tpu.memory_space<hbm>>) target(%arg6 : memref<8192xf32, #tpu.memory_space<vmem>>) target_semaphore(%arg13 : memref<!tpu.dma_semaphore, #tpu.memory_space<semaphore_mem>>)
    %add3A_26 = arith.constant 3 : i32
    %add3A_27 = arith.addi %mul3A_2, %add3A_26 : i32
    %dma_start3A_28 = arith.constant 0 : i32
    %dma_start3A_29 = tpu.memref_slice %arg2[%add3A_27, %dma_start3A_28] : memref<128x8192xf32, #tpu.memory_space<hbm>> -> memref<1x8192xf32, #tpu.memory_space<hbm>>
    %dma_start3A_30 = tpu.memref_squeeze %dma_start3A_29 : memref<1x8192xf32, #tpu.memory_space<hbm>> -> memref<8192xf32, #tpu.memory_space<hbm>>
    %dma_start3A_31 = arith.constant 0 : i32
    %dma_start3A_32 = tpu.memref_slice %arg2[%add3A_27, %dma_start3A_31] : memref<128x8192xf32, #tpu.memory_space<hbm>> -> memref<1x8192xf32, #tpu.memory_space<hbm>>
    %dma_start3A_33 = tpu.memref_squeeze %dma_start3A_32 : memref<1x8192xf32, #tpu.memory_space<hbm>> -> memref<8192xf32, #tpu.memory_space<hbm>>
    tpu.enqueue_dma source(%dma_start3A_33 : memref<8192xf32, #tpu.memory_space<hbm>>) target(%arg7 : memref<8192xf32, #tpu.memory_space<vmem>>) target_semaphore(%arg14 : memref<!tpu.dma_semaphore, #tpu.memory_space<semaphore_mem>>)
    %broadcast_in_dim3A = arith.constant 1048576 : i32
    %broadcast_in_dim3A_34 = vector.broadcast %broadcast_in_dim3A : i32 to vector<16xi32>
    %swap3A = arith.constant 0 : index
    %swap3A_35 = tpu.vector_load %arg10[%swap3A] {strides = array<i32>} : memref<32xi32, #tpu.memory_space<vmem>>, vector<16xi32>,
    tpu.vector_store %arg10[%swap3A], %broadcast_in_dim3A_34 {strides = array<i32>} : memref<32xi32, #tpu.memory_space<vmem>>, vector<16xi32>,
    %broadcast_in_dim3A_36 = arith.constant 1048576 : i32
    %broadcast_in_dim3A_37 = vector.broadcast %broadcast_in_dim3A_36 : i32 to vector<16xi32>
    %swap3A_38 = arith.constant 16 : index
    %swap3A_39 = tpu.vector_load %arg10[%swap3A_38] {strides = array<i32>} : memref<32xi32, #tpu.memory_space<vmem>>, vector<16xi32>,
    tpu.vector_store %arg10[%swap3A_38], %broadcast_in_dim3A_37 {strides = array<i32>} : memref<32xi32, #tpu.memory_space<vmem>>, vector<16xi32>,
    %dma_wait3A = arith.constant 0 : i32
    %dma_wait3A_40 = tpu.memref_slice %arg2[%add3A_4, %dma_wait3A] : memref<128x8192xf32, #tpu.memory_space<hbm>> -> memref<1x8192xf32, #tpu.memory_space<hbm>>
    %dma_wait3A_41 = tpu.memref_squeeze %dma_wait3A_40 : memref<1x8192xf32, #tpu.memory_space<hbm>> -> memref<8192xf32, #tpu.memory_space<hbm>>
    %dma_wait3A_42 = arith.constant 0 : i32
    %dma_wait3A_43 = tpu.memref_slice %arg2[%add3A_4, %dma_wait3A_42] : memref<128x8192xf32, #tpu.memory_space<hbm>> -> memref<1x8192xf32, #tpu.memory_space<hbm>>
    %dma_wait3A_44 = tpu.memref_squeeze %dma_wait3A_43 : memref<1x8192xf32, #tpu.memory_space<hbm>> -> memref<8192xf32, #tpu.memory_space<hbm>>
    tpu.wait_dma2 semaphore(%arg11 : memref<!tpu.dma_semaphore, #tpu.memory_space<semaphore_mem>>) src(%dma_wait3A_44 : memref<8192xf32, #tpu.memory_space<hbm>>) dst(%arg4 : memref<8192xf32, #tpu.memory_space<vmem>>)
    %scan3A = arith.constant 0 : i32
    %scan3A_45 = arith.constant 64 : i32
    %scan3A_46 = arith.addi %scan3A, %scan3A_45 : i32
    %scan3A_47 = arith.constant 1 : i32
    scf.for %scan3A_271 = %scan3A to %scan3A_46 step %scan3A_47  : i32 {
      %mul3A_272 = arith.constant 1 : i32
      %mul3A_273 = arith.muli %scan3A_271, %mul3A_272 : i32
      %add3A_274 = arith.constant 0 : i32
      %add3A_275 = arith.addi %add3A_274, %mul3A_273 : i32
      %mul3A_276 = arith.constant 128 : i32
      %mul3A_277 = arith.muli %add3A_275, %mul3A_276 : i32
      %broadcast_in_dim3A_278 = arith.constant -1.000000e+00 : f32
      %broadcast_in_dim3A_279 = vector.broadcast %broadcast_in_dim3A_278 : f32 to vector<16xf32>
      %add3A_280 = arith.constant 0 : i32
      %add3A_281 = arith.addi %mul3A_277, %add3A_280 : i32
      %get3A_282 = arith.index_cast %add3A_281 : i32 to index
      %get3A_283 = tpu.vector_load %arg4[%get3A_282] {strides = array<i32>} : memref<8192xf32, #tpu.memory_space<vmem>>, vector<16xf32>,
      %abs3A = math.absf %get3A_283 : vector<16xf32>
      %max3A_284 = arith.maximumf %broadcast_in_dim3A_279, %abs3A : vector<16xf32>
      %add3A_285 = arith.constant 16 : i32
      %add3A_286 = arith.addi %mul3A_277, %add3A_285 : i32
      %get3A_287 = arith.index_cast %add3A_286 : i32 to index
      %get3A_288 = tpu.vector_load %arg4[%get3A_287] {strides = array<i32>} : memref<8192xf32, #tpu.memory_space<vmem>>, vector<16xf32>,
      %abs3A_289 = math.absf %get3A_288 : vector<16xf32>
      %max3A_290 = arith.maximumf %max3A_284, %abs3A_289 : vector<16xf32>
      %add3A_291 = arith.constant 32 : i32
      %add3A_292 = arith.addi %mul3A_277, %add3A_291 : i32
      %get3A_293 = arith.index_cast %add3A_292 : i32 to index
      %get3A_294 = tpu.vector_load %arg4[%get3A_293] {strides = array<i32>} : memref<8192xf32, #tpu.memory_space<vmem>>, vector<16xf32>,
      %abs3A_295 = math.absf %get3A_294 : vector<16xf32>
      %max3A_296 = arith.maximumf %max3A_290, %abs3A_295 : vector<16xf32>
      %add3A_297 = arith.constant 48 : i32
      %add3A_298 = arith.addi %mul3A_277, %add3A_297 : i32
      %get3A_299 = arith.index_cast %add3A_298 : i32 to index
      %get3A_300 = tpu.vector_load %arg4[%get3A_299] {strides = array<i32>} : memref<8192xf32, #tpu.memory_space<vmem>>, vector<16xf32>,
      %abs3A_301 = math.absf %get3A_300 : vector<16xf32>
      %max3A_302 = arith.maximumf %max3A_296, %abs3A_301 : vector<16xf32>
      %add3A_303 = arith.constant 64 : i32
      %add3A_304 = arith.addi %mul3A_277, %add3A_303 : i32
      %get3A_305 = arith.index_cast %add3A_304 : i32 to index
      %get3A_306 = tpu.vector_load %arg4[%get3A_305] {strides = array<i32>} : memref<8192xf32, #tpu.memory_space<vmem>>, vector<16xf32>,
      %abs3A_307 = math.absf %get3A_306 : vector<16xf32>
      %max3A_308 = arith.maximumf %max3A_302, %abs3A_307 : vector<16xf32>
      %add3A_309 = arith.constant 80 : i32
      %add3A_310 = arith.addi %mul3A_277, %add3A_309 : i32
      %get3A_311 = arith.index_cast %add3A_310 : i32 to index
      %get3A_312 = tpu.vector_load %arg4[%get3A_311] {strides = array<i32>} : memref<8192xf32, #tpu.memory_space<vmem>>, vector<16xf32>,
      %abs3A_313 = math.absf %get3A_312 : vector<16xf32>
      %max3A_314 = arith.maximumf %max3A_308, %abs3A_313 : vector<16xf32>
      %add3A_315 = arith.constant 96 : i32
      %add3A_316 = arith.addi %mul3A_277, %add3A_315 : i32
      %get3A_317 = arith.index_cast %add3A_316 : i32 to index
      %get3A_318 = tpu.vector_load %arg4[%get3A_317] {strides = array<i32>} : memref<8192xf32, #tpu.memory_space<vmem>>, vector<16xf32>,
      %abs3A_319 = math.absf %get3A_318 : vector<16xf32>
      %max3A_320 = arith.maximumf %max3A_314, %abs3A_319 : vector<16xf32>
      %add3A_321 = arith.constant 112 : i32
      %add3A_322 = arith.addi %mul3A_277, %add3A_321 : i32
      %get3A_323 = arith.index_cast %add3A_322 : i32 to index
      %get3A_324 = tpu.vector_load %arg4[%get3A_323] {strides = array<i32>} : memref<8192xf32, #tpu.memory_space<vmem>>, vector<16xf32>,
      %abs3A_325 = math.absf %get3A_324 : vector<16xf32>
      %max3A_326 = arith.maximumf %max3A_320, %abs3A_325 : vector<16xf32>
      %reduce_max3A = arith.constant true
      %reduce_max3A_327 = vector.broadcast %reduce_max3A : i1 to vector<16xi1>
      %reduce_max3A_328 = tpu.scan <max>, %max3A_326 masked %reduce_max3A_327 : vector<16xf32>, vector<16xi1> -> vector<16xf32>
      %reduce_max3A_329 = vector.extract %reduce_max3A_328[15] : f32 from vector<16xf32>
      %broadcast_in_dim3A_330 = vector.broadcast %add3A_275 : i32 to vector<16xi32>
      %broadcast_in_dim3A_331 = vector.broadcast %reduce_max3A_329 : f32 to vector<16xf32>
      %eq3A = arith.constant 0 : i32
      %eq3A_332 = vector.broadcast %eq3A : i32 to vector<16xi32>
      %eq3A_333 = arith.cmpi eq, %iota3A, %eq3A_332 : vector<16xi32>
      tpu.vector_store_idx %arg8[%broadcast_in_dim3A_330], %broadcast_in_dim3A_331 masked %eq3A_333 : memref<64xf32, #tpu.memory_space<vmem>>[vector<16xi32>], vector<16xf32>, vector<16xi1>
    }
    %scan3A_48 = arith.constant 64 : i32
    %dma_wait3A_49 = arith.constant 0 : i32
    %dma_wait3A_50 = tpu.memref_slice %arg2[%add3A_11, %dma_wait3A_49] : memref<128x8192xf32, #tpu.memory_space<hbm>> -> memref<1x8192xf32, #tpu.memory_space<hbm>>
    %dma_wait3A_51 = tpu.memref_squeeze %dma_wait3A_50 : memref<1x8192xf32, #tpu.memory_space<hbm>> -> memref<8192xf32, #tpu.memory_space<hbm>>
    %dma_wait3A_52 = arith.constant 0 : i32
    %dma_wait3A_53 = tpu.memref_slice %arg2[%add3A_11, %dma_wait3A_52] : memref<128x8192xf32, #tpu.memory_space<hbm>> -> memref<1x8192xf32, #tpu.memory_space<hbm>>
    %dma_wait3A_54 = tpu.memref_squeeze %dma_wait3A_53 : memref<1x8192xf32, #tpu.memory_space<hbm>> -> memref<8192xf32, #tpu.memory_space<hbm>>
    tpu.wait_dma2 semaphore(%arg12 : memref<!tpu.dma_semaphore, #tpu.memory_space<semaphore_mem>>) src(%dma_wait3A_54 : memref<8192xf32, #tpu.memory_space<hbm>>) dst(%arg5 : memref<8192xf32, #tpu.memory_space<vmem>>)
    %scan3A_55 = arith.constant 0 : i32
    %scan3A_56 = arith.constant 20 : i32
    %scan3A_57 = arith.addi %scan3A_55, %scan3A_56 : i32
    %scan3A_58 = arith.constant 1 : i32
    scf.for %scan3A_271 = %scan3A_55 to %scan3A_57 step %scan3A_58  : i32 {
      %mul3A_272 = arith.constant 1 : i32
      %mul3A_273 = arith.muli %scan3A_271, %mul3A_272 : i32
      %add3A_274 = arith.constant 0 : i32
      %add3A_275 = arith.addi %add3A_274, %mul3A_273 : i32
      %mul3A_276 = arith.constant 6 : i32
      %mul3A_277 = arith.muli %add3A_275, %mul3A_276 : i32
      %add3A_278 = arith.constant 0 : i32
      %add3A_279 = arith.addi %mul3A_277, %add3A_278 : i32
      %mul3A_280 = arith.constant 128 : i32
      %mul3A_281 = arith.muli %add3A_279, %mul3A_280 : i32
      %broadcast_in_dim3A_282 = arith.constant -1.000000e+00 : f32
      %broadcast_in_dim3A_283 = vector.broadcast %broadcast_in_dim3A_282 : f32 to vector<16xf32>
      %add3A_284 = arith.constant 0 : i32
      %add3A_285 = arith.addi %mul3A_281, %add3A_284 : i32
      %get3A_286 = arith.index_cast %add3A_285 : i32 to index
      %get3A_287 = tpu.vector_load %arg5[%get3A_286] {strides = array<i32>} : memref<8192xf32, #tpu.memory_space<vmem>>, vector<16xf32>,
      %abs3A = math.absf %get3A_287 : vector<16xf32>
      %max3A_288 = arith.maximumf %broadcast_in_dim3A_283, %abs3A : vector<16xf32>
      %add3A_289 = arith.constant 16 : i32
      %add3A_290 = arith.addi %mul3A_281, %add3A_289 : i32
      %get3A_291 = arith.index_cast %add3A_290 : i32 to index
      %get3A_292 = tpu.vector_load %arg5[%get3A_291] {strides = array<i32>} : memref<8192xf32, #tpu.memory_space<vmem>>, vector<16xf32>,
      %abs3A_293 = math.absf %get3A_292 : vector<16xf32>
      %max3A_294 = arith.maximumf %max3A_288, %abs3A_293 : vector<16xf32>
      %add3A_295 = arith.constant 32 : i32
      %add3A_296 = arith.addi %mul3A_281, %add3A_295 : i32
      %get3A_297 = arith.index_cast %add3A_296 : i32 to index
      %get3A_298 = tpu.vector_load %arg5[%get3A_297] {strides = array<i32>} : memref<8192xf32, #tpu.memory_space<vmem>>, vector<16xf32>,
      %abs3A_299 = math.absf %get3A_298 : vector<16xf32>
      %max3A_300 = arith.maximumf %max3A_294, %abs3A_299 : vector<16xf32>
      %add3A_301 = arith.constant 48 : i32
      %add3A_302 = arith.addi %mul3A_281, %add3A_301 : i32
      %get3A_303 = arith.index_cast %add3A_302 : i32 to index
      %get3A_304 = tpu.vector_load %arg5[%get3A_303] {strides = array<i32>} : memref<8192xf32, #tpu.memory_space<vmem>>, vector<16xf32>,
      %abs3A_305 = math.absf %get3A_304 : vector<16xf32>
      %max3A_306 = arith.maximumf %max3A_300, %abs3A_305 : vector<16xf32>
      %add3A_307 = arith.constant 64 : i32
      %add3A_308 = arith.addi %mul3A_281, %add3A_307 : i32
      %get3A_309 = arith.index_cast %add3A_308 : i32 to index
      %get3A_310 = tpu.vector_load %arg5[%get3A_309] {strides = array<i32>} : memref<8192xf32, #tpu.memory_space<vmem>>, vector<16xf32>,
      %abs3A_311 = math.absf %get3A_310 : vector<16xf32>
      %max3A_312 = arith.maximumf %max3A_306, %abs3A_311 : vector<16xf32>
      %add3A_313 = arith.constant 80 : i32
      %add3A_314 = arith.addi %mul3A_281, %add3A_313 : i32
      %get3A_315 = arith.index_cast %add3A_314 : i32 to index
      %get3A_316 = tpu.vector_load %arg5[%get3A_315] {strides = array<i32>} : memref<8192xf32, #tpu.memory_space<vmem>>, vector<16xf32>,
      %abs3A_317 = math.absf %get3A_316 : vector<16xf32>
      %max3A_318 = arith.maximumf %max3A_312, %abs3A_317 : vector<16xf32>
      %add3A_319 = arith.constant 96 : i32
      %add3A_320 = arith.addi %mul3A_281, %add3A_319 : i32
      %get3A_321 = arith.index_cast %add3A_320 : i32 to index
      %get3A_322 = tpu.vector_load %arg5[%get3A_321] {strides = array<i32>} : memref<8192xf32, #tpu.memory_space<vmem>>, vector<16xf32>,
      %abs3A_323 = math.absf %get3A_322 : vector<16xf32>
      %max3A_324 = arith.maximumf %max3A_318, %abs3A_323 : vector<16xf32>
      %add3A_325 = arith.constant 112 : i32
      %add3A_326 = arith.addi %mul3A_281, %add3A_325 : i32
      %get3A_327 = arith.index_cast %add3A_326 : i32 to index
      %get3A_328 = tpu.vector_load %arg5[%get3A_327] {strides = array<i32>} : memref<8192xf32, #tpu.memory_space<vmem>>, vector<16xf32>,
      %abs3A_329 = math.absf %get3A_328 : vector<16xf32>
      %max3A_330 = arith.maximumf %max3A_324, %abs3A_329 : vector<16xf32>
      %reduce_max3A = arith.constant true
      %reduce_max3A_331 = vector.broadcast %reduce_max3A : i1 to vector<16xi1>
      %reduce_max3A_332 = tpu.scan <max>, %max3A_330 masked %reduce_max3A_331 : vector<16xf32>, vector<16xi1> -> vector<16xf32>
      %reduce_max3A_333 = vector.extract %reduce_max3A_332[15] : f32 from vector<16xf32>
      %broadcast_in_dim3A_334 = vector.broadcast %add3A_279 : i32 to vector<16xi32>
      %broadcast_in_dim3A_335 = vector.broadcast %reduce_max3A_333 : f32 to vector<16xf32>
      %eq3A = arith.constant 0 : i32
      %eq3A_336 = vector.broadcast %eq3A : i32 to vector<16xi32>
      %eq3A_337 = arith.cmpi eq, %iota3A, %eq3A_336 : vector<16xi32>
      tpu.vector_store_idx %arg9[%broadcast_in_dim3A_334], %broadcast_in_dim3A_335 masked %eq3A_337 : memref<64xf32, #tpu.memory_space<vmem>>[vector<16xi32>], vector<16xf32>, vector<16xi1>
      %mul3A_338 = arith.constant 6 : i32
      %mul3A_339 = arith.muli %add3A_275, %mul3A_338 : i32
      %add3A_340 = arith.constant 1 : i32
      %add3A_341 = arith.addi %mul3A_339, %add3A_340 : i32
      %mul3A_342 = arith.constant 128 : i32
      %mul3A_343 = arith.muli %add3A_341, %mul3A_342 : i32
      %broadcast_in_dim3A_344 = arith.constant -1.000000e+00 : f32
      %broadcast_in_dim3A_345 = vector.broadcast %broadcast_in_dim3A_344 : f32 to vector<16xf32>
      %add3A_346 = arith.constant 0 : i32
      %add3A_347 = arith.addi %mul3A_343, %add3A_346 : i32
      %get3A_348 = arith.index_cast %add3A_347 : i32 to index
      %get3A_349 = tpu.vector_load %arg5[%get3A_348] {strides = array<i32>} : memref<8192xf32, #tpu.memory_space<vmem>>, vector<16xf32>,
      %abs3A_350 = math.absf %get3A_349 : vector<16xf32>
      %max3A_351 = arith.maximumf %broadcast_in_dim3A_345, %abs3A_350 : vector<16xf32>
      %add3A_352 = arith.constant 16 : i32
      %add3A_353 = arith.addi %mul3A_343, %add3A_352 : i32
      %get3A_354 = arith.index_cast %add3A_353 : i32 to index
      %get3A_355 = tpu.vector_load %arg5[%get3A_354] {strides = array<i32>} : memref<8192xf32, #tpu.memory_space<vmem>>, vector<16xf32>,
      %abs3A_356 = math.absf %get3A_355 : vector<16xf32>
      %max3A_357 = arith.maximumf %max3A_351, %abs3A_356 : vector<16xf32>
      %add3A_358 = arith.constant 32 : i32
      %add3A_359 = arith.addi %mul3A_343, %add3A_358 : i32
      %get3A_360 = arith.index_cast %add3A_359 : i32 to index
      %get3A_361 = tpu.vector_load %arg5[%get3A_360] {strides = array<i32>} : memref<8192xf32, #tpu.memory_space<vmem>>, vector<16xf32>,
      %abs3A_362 = math.absf %get3A_361 : vector<16xf32>
      %max3A_363 = arith.maximumf %max3A_357, %abs3A_362 : vector<16xf32>
      %add3A_364 = arith.constant 48 : i32
      %add3A_365 = arith.addi %mul3A_343, %add3A_364 : i32
      %get3A_366 = arith.index_cast %add3A_365 : i32 to index
      %get3A_367 = tpu.vector_load %arg5[%get3A_366] {strides = array<i32>} : memref<8192xf32, #tpu.memory_space<vmem>>, vector<16xf32>,
      %abs3A_368 = math.absf %get3A_367 : vector<16xf32>
      %max3A_369 = arith.maximumf %max3A_363, %abs3A_368 : vector<16xf32>
      %add3A_370 = arith.constant 64 : i32
      %add3A_371 = arith.addi %mul3A_343, %add3A_370 : i32
      %get3A_372 = arith.index_cast %add3A_371 : i32 to index
      %get3A_373 = tpu.vector_load %arg5[%get3A_372] {strides = array<i32>} : memref<8192xf32, #tpu.memory_space<vmem>>, vector<16xf32>,
      %abs3A_374 = math.absf %get3A_373 : vector<16xf32>
      %max3A_375 = arith.maximumf %max3A_369, %abs3A_374 : vector<16xf32>
      %add3A_376 = arith.constant 80 : i32
      %add3A_377 = arith.addi %mul3A_343, %add3A_376 : i32
      %get3A_378 = arith.index_cast %add3A_377 : i32 to index
      %get3A_379 = tpu.vector_load %arg5[%get3A_378] {strides = array<i32>} : memref<8192xf32, #tpu.memory_space<vmem>>, vector<16xf32>,
      %abs3A_380 = math.absf %get3A_379 : vector<16xf32>
      %max3A_381 = arith.maximumf %max3A_375, %abs3A_380 : vector<16xf32>
      %add3A_382 = arith.constant 96 : i32
      %add3A_383 = arith.addi %mul3A_343, %add3A_382 : i32
      %get3A_384 = arith.index_cast %add3A_383 : i32 to index
      %get3A_385 = tpu.vector_load %arg5[%get3A_384] {strides = array<i32>} : memref<8192xf32, #tpu.memory_space<vmem>>, vector<16xf32>,
      %abs3A_386 = math.absf %get3A_385 : vector<16xf32>
      %max3A_387 = arith.maximumf %max3A_381, %abs3A_386 : vector<16xf32>
      %add3A_388 = arith.constant 112 : i32
      %add3A_389 = arith.addi %mul3A_343, %add3A_388 : i32
      %get3A_390 = arith.index_cast %add3A_389 : i32 to index
      %get3A_391 = tpu.vector_load %arg5[%get3A_390] {strides = array<i32>} : memref<8192xf32, #tpu.memory_space<vmem>>, vector<16xf32>,
      %abs3A_392 = math.absf %get3A_391 : vector<16xf32>
      %max3A_393 = arith.maximumf %max3A_387, %abs3A_392 : vector<16xf32>
      %reduce_max3A_394 = arith.constant true
      %reduce_max3A_395 = vector.broadcast %reduce_max3A_394 : i1 to vector<16xi1>
      %reduce_max3A_396 = tpu.scan <max>, %max3A_393 masked %reduce_max3A_395 : vector<16xf32>, vector<16xi1> -> vector<16xf32>
      %reduce_max3A_397 = vector.extract %reduce_max3A_396[15] : f32 from vector<16xf32>
      %broadcast_in_dim3A_398 = vector.broadcast %add3A_341 : i32 to vector<16xi32>
      %broadcast_in_dim3A_399 = vector.broadcast %reduce_max3A_397 : f32 to vector<16xf32>
      %eq3A_400 = arith.constant 0 : i32
      %eq3A_401 = vector.broadcast %eq3A_400 : i32 to vector<16xi32>
      %eq3A_402 = arith.cmpi eq, %iota3A, %eq3A_401 : vector<16xi32>
      tpu.vector_store_idx %arg9[%broadcast_in_dim3A_398], %broadcast_in_dim3A_399 masked %eq3A_402 : memref<64xf32, #tpu.memory_space<vmem>>[vector<16xi32>], vector<16xf32>, vector<16xi1>
      %mul3A_403 = arith.constant 6 : i32
      %mul3A_404 = arith.muli %add3A_275, %mul3A_403 : i32
      %add3A_405 = arith.constant 2 : i32
      %add3A_406 = arith.addi %mul3A_404, %add3A_405 : i32
      %mul3A_407 = arith.constant 128 : i32
      %mul3A_408 = arith.muli %add3A_406, %mul3A_407 : i32
      %broadcast_in_dim3A_409 = arith.constant -1.000000e+00 : f32
      %broadcast_in_dim3A_410 = vector.broadcast %broadcast_in_dim3A_409 : f32 to vector<16xf32>
      %add3A_411 = arith.constant 0 : i32
      %add3A_412 = arith.addi %mul3A_408, %add3A_411 : i32
      %get3A_413 = arith.index_cast %add3A_412 : i32 to index
      %get3A_414 = tpu.vector_load %arg5[%get3A_413] {strides = array<i32>} : memref<8192xf32, #tpu.memory_space<vmem>>, vector<16xf32>,
      %abs3A_415 = math.absf %get3A_414 : vector<16xf32>
      %max3A_416 = arith.maximumf %broadcast_in_dim3A_410, %abs3A_415 : vector<16xf32>
      %add3A_417 = arith.constant 16 : i32
      %add3A_418 = arith.addi %mul3A_408, %add3A_417 : i32
      %get3A_419 = arith.index_cast %add3A_418 : i32 to index
      %get3A_420 = tpu.vector_load %arg5[%get3A_419] {strides = array<i32>} : memref<8192xf32, #tpu.memory_space<vmem>>, vector<16xf32>,
      %abs3A_421 = math.absf %get3A_420 : vector<16xf32>
      %max3A_422 = arith.maximumf %max3A_416, %abs3A_421 : vector<16xf32>
      %add3A_423 = arith.constant 32 : i32
      %add3A_424 = arith.addi %mul3A_408, %add3A_423 : i32
      %get3A_425 = arith.index_cast %add3A_424 : i32 to index
      %get3A_426 = tpu.vector_load %arg5[%get3A_425] {strides = array<i32>} : memref<8192xf32, #tpu.memory_space<vmem>>, vector<16xf32>,
      %abs3A_427 = math.absf %get3A_426 : vector<16xf32>
      %max3A_428 = arith.maximumf %max3A_422, %abs3A_427 : vector<16xf32>
      %add3A_429 = arith.constant 48 : i32
      %add3A_430 = arith.addi %mul3A_408, %add3A_429 : i32
      %get3A_431 = arith.index_cast %add3A_430 : i32 to index
      %get3A_432 = tpu.vector_load %arg5[%get3A_431] {strides = array<i32>} : memref<8192xf32, #tpu.memory_space<vmem>>, vector<16xf32>,
      %abs3A_433 = math.absf %get3A_432 : vector<16xf32>
      %max3A_434 = arith.maximumf %max3A_428, %abs3A_433 : vector<16xf32>
      %add3A_435 = arith.constant 64 : i32
      %add3A_436 = arith.addi %mul3A_408, %add3A_435 : i32
      %get3A_437 = arith.index_cast %add3A_436 : i32 to index
      %get3A_438 = tpu.vector_load %arg5[%get3A_437] {strides = array<i32>} : memref<8192xf32, #tpu.memory_space<vmem>>, vector<16xf32>,
      %abs3A_439 = math.absf %get3A_438 : vector<16xf32>
      %max3A_440 = arith.maximumf %max3A_434, %abs3A_439 : vector<16xf32>
      %add3A_441 = arith.constant 80 : i32
      %add3A_442 = arith.addi %mul3A_408, %add3A_441 : i32
      %get3A_443 = arith.index_cast %add3A_442 : i32 to index
      %get3A_444 = tpu.vector_load %arg5[%get3A_443] {strides = array<i32>} : memref<8192xf32, #tpu.memory_space<vmem>>, vector<16xf32>,
      %abs3A_445 = math.absf %get3A_444 : vector<16xf32>
      %max3A_446 = arith.maximumf %max3A_440, %abs3A_445 : vector<16xf32>
      %add3A_447 = arith.constant 96 : i32
      %add3A_448 = arith.addi %mul3A_408, %add3A_447 : i32
      %get3A_449 = arith.index_cast %add3A_448 : i32 to index
      %get3A_450 = tpu.vector_load %arg5[%get3A_449] {strides = array<i32>} : memref<8192xf32, #tpu.memory_space<vmem>>, vector<16xf32>,
      %abs3A_451 = math.absf %get3A_450 : vector<16xf32>
      %max3A_452 = arith.maximumf %max3A_446, %abs3A_451 : vector<16xf32>
      %add3A_453 = arith.constant 112 : i32
      %add3A_454 = arith.addi %mul3A_408, %add3A_453 : i32
      %get3A_455 = arith.index_cast %add3A_454 : i32 to index
      %get3A_456 = tpu.vector_load %arg5[%get3A_455] {strides = array<i32>} : memref<8192xf32, #tpu.memory_space<vmem>>, vector<16xf32>,
      %abs3A_457 = math.absf %get3A_456 : vector<16xf32>
      %max3A_458 = arith.maximumf %max3A_452, %abs3A_457 : vector<16xf32>
      %reduce_max3A_459 = arith.constant true
      %reduce_max3A_460 = vector.broadcast %reduce_max3A_459 : i1 to vector<16xi1>
      %reduce_max3A_461 = tpu.scan <max>, %max3A_458 masked %reduce_max3A_460 : vector<16xf32>, vector<16xi1> -> vector<16xf32>
      %reduce_max3A_462 = vector.extract %reduce_max3A_461[15] : f32 from vector<16xf32>
      %broadcast_in_dim3A_463 = vector.broadcast %add3A_406 : i32 to vector<16xi32>
      %broadcast_in_dim3A_464 = vector.broadcast %reduce_max3A_462 : f32 to vector<16xf32>
      %eq3A_465 = arith.constant 0 : i32
      %eq3A_466 = vector.broadcast %eq3A_465 : i32 to vector<16xi32>
      %eq3A_467 = arith.cmpi eq, %iota3A, %eq3A_466 : vector<16xi32>
      tpu.vector_store_idx %arg9[%broadcast_in_dim3A_463], %broadcast_in_dim3A_464 masked %eq3A_467 : memref<64xf32, #tpu.memory_space<vmem>>[vector<16xi32>], vector<16xf32>, vector<16xi1>
      %mul3A_468 = arith.constant 6 : i32
      %mul3A_469 = arith.muli %add3A_275, %mul3A_468 : i32
      %add3A_470 = arith.constant 3 : i32
      %add3A_471 = arith.addi %mul3A_469, %add3A_470 : i32
      %mul3A_472 = arith.constant 128 : i32
      %mul3A_473 = arith.muli %add3A_471, %mul3A_472 : i32
      %broadcast_in_dim3A_474 = arith.constant -1.000000e+00 : f32
      %broadcast_in_dim3A_475 = vector.broadcast %broadcast_in_dim3A_474 : f32 to vector<16xf32>
      %add3A_476 = arith.constant 0 : i32
      %add3A_477 = arith.addi %mul3A_473, %add3A_476 : i32
      %get3A_478 = arith.index_cast %add3A_477 : i32 to index
      %get3A_479 = tpu.vector_load %arg5[%get3A_478] {strides = array<i32>} : memref<8192xf32, #tpu.memory_space<vmem>>, vector<16xf32>,
      %abs3A_480 = math.absf %get3A_479 : vector<16xf32>
      %max3A_481 = arith.maximumf %broadcast_in_dim3A_475, %abs3A_480 : vector<16xf32>
      %add3A_482 = arith.constant 16 : i32
      %add3A_483 = arith.addi %mul3A_473, %add3A_482 : i32
      %get3A_484 = arith.index_cast %add3A_483 : i32 to index
      %get3A_485 = tpu.vector_load %arg5[%get3A_484] {strides = array<i32>} : memref<8192xf32, #tpu.memory_space<vmem>>, vector<16xf32>,
      %abs3A_486 = math.absf %get3A_485 : vector<16xf32>
      %max3A_487 = arith.maximumf %max3A_481, %abs3A_486 : vector<16xf32>
      %add3A_488 = arith.constant 32 : i32
      %add3A_489 = arith.addi %mul3A_473, %add3A_488 : i32
      %get3A_490 = arith.index_cast %add3A_489 : i32 to index
      %get3A_491 = tpu.vector_load %arg5[%get3A_490] {strides = array<i32>} : memref<8192xf32, #tpu.memory_space<vmem>>, vector<16xf32>,
      %abs3A_492 = math.absf %get3A_491 : vector<16xf32>
      %max3A_493 = arith.maximumf %max3A_487, %abs3A_492 : vector<16xf32>
      %add3A_494 = arith.constant 48 : i32
      %add3A_495 = arith.addi %mul3A_473, %add3A_494 : i32
      %get3A_496 = arith.index_cast %add3A_495 : i32 to index
      %get3A_497 = tpu.vector_load %arg5[%get3A_496] {strides = array<i32>} : memref<8192xf32, #tpu.memory_space<vmem>>, vector<16xf32>,
      %abs3A_498 = math.absf %get3A_497 : vector<16xf32>
      %max3A_499 = arith.maximumf %max3A_493, %abs3A_498 : vector<16xf32>
      %add3A_500 = arith.constant 64 : i32
      %add3A_501 = arith.addi %mul3A_473, %add3A_500 : i32
      %get3A_502 = arith.index_cast %add3A_501 : i32 to index
      %get3A_503 = tpu.vector_load %arg5[%get3A_502] {strides = array<i32>} : memref<8192xf32, #tpu.memory_space<vmem>>, vector<16xf32>,
      %abs3A_504 = math.absf %get3A_503 : vector<16xf32>
      %max3A_505 = arith.maximumf %max3A_499, %abs3A_504 : vector<16xf32>
      %add3A_506 = arith.constant 80 : i32
      %add3A_507 = arith.addi %mul3A_473, %add3A_506 : i32
      %get3A_508 = arith.index_cast %add3A_507 : i32 to index
      %get3A_509 = tpu.vector_load %arg5[%get3A_508] {strides = array<i32>} : memref<8192xf32, #tpu.memory_space<vmem>>, vector<16xf32>,
      %abs3A_510 = math.absf %get3A_509 : vector<16xf32>
      %max3A_511 = arith.maximumf %max3A_505, %abs3A_510 : vector<16xf32>
      %add3A_512 = arith.constant 96 : i32
      %add3A_513 = arith.addi %mul3A_473, %add3A_512 : i32
      %get3A_514 = arith.index_cast %add3A_513 : i32 to index
      %get3A_515 = tpu.vector_load %arg5[%get3A_514] {strides = array<i32>} : memref<8192xf32, #tpu.memory_space<vmem>>, vector<16xf32>,
      %abs3A_516 = math.absf %get3A_515 : vector<16xf32>
      %max3A_517 = arith.maximumf %max3A_511, %abs3A_516 : vector<16xf32>
      %add3A_518 = arith.constant 112 : i32
      %add3A_519 = arith.addi %mul3A_473, %add3A_518 : i32
      %get3A_520 = arith.index_cast %add3A_519 : i32 to index
      %get3A_521 = tpu.vector_load %arg5[%get3A_520] {strides = array<i32>} : memref<8192xf32, #tpu.memory_space<vmem>>, vector<16xf32>,
      %abs3A_522 = math.absf %get3A_521 : vector<16xf32>
      %max3A_523 = arith.maximumf %max3A_517, %abs3A_522 : vector<16xf32>
      %reduce_max3A_524 = arith.constant true
      %reduce_max3A_525 = vector.broadcast %reduce_max3A_524 : i1 to vector<16xi1>
      %reduce_max3A_526 = tpu.scan <max>, %max3A_523 masked %reduce_max3A_525 : vector<16xf32>, vector<16xi1> -> vector<16xf32>
      %reduce_max3A_527 = vector.extract %reduce_max3A_526[15] : f32 from vector<16xf32>
      %broadcast_in_dim3A_528 = vector.broadcast %add3A_471 : i32 to vector<16xi32>
      %broadcast_in_dim3A_529 = vector.broadcast %reduce_max3A_527 : f32 to vector<16xf32>
      %eq3A_530 = arith.constant 0 : i32
      %eq3A_531 = vector.broadcast %eq3A_530 : i32 to vector<16xi32>
      %eq3A_532 = arith.cmpi eq, %iota3A, %eq3A_531 : vector<16xi32>
      tpu.vector_store_idx %arg9[%broadcast_in_dim3A_528], %broadcast_in_dim3A_529 masked %eq3A_532 : memref<64xf32, #tpu.memory_space<vmem>>[vector<16xi32>], vector<16xf32>, vector<16xi1>
      %mul3A_533 = arith.constant 6 : i32
      %mul3A_534 = arith.muli %add3A_275, %mul3A_533 : i32
      %add3A_535 = arith.constant 4 : i32
      %add3A_536 = arith.addi %mul3A_534, %add3A_535 : i32
      %mul3A_537 = arith.constant 128 : i32
      %mul3A_538 = arith.muli %add3A_536, %mul3A_537 : i32
      %broadcast_in_dim3A_539 = arith.constant -1.000000e+00 : f32
      %broadcast_in_dim3A_540 = vector.broadcast %broadcast_in_dim3A_539 : f32 to vector<16xf32>
      %add3A_541 = arith.constant 0 : i32
      %add3A_542 = arith.addi %mul3A_538, %add3A_541 : i32
      %get3A_543 = arith.index_cast %add3A_542 : i32 to index
      %get3A_544 = tpu.vector_load %arg5[%get3A_543] {strides = array<i32>} : memref<8192xf32, #tpu.memory_space<vmem>>, vector<16xf32>,
      %abs3A_545 = math.absf %get3A_544 : vector<16xf32>
      %max3A_546 = arith.maximumf %broadcast_in_dim3A_540, %abs3A_545 : vector<16xf32>
      %add3A_547 = arith.constant 16 : i32
      %add3A_548 = arith.addi %mul3A_538, %add3A_547 : i32
      %get3A_549 = arith.index_cast %add3A_548 : i32 to index
      %get3A_550 = tpu.vector_load %arg5[%get3A_549] {strides = array<i32>} : memref<8192xf32, #tpu.memory_space<vmem>>, vector<16xf32>,
      %abs3A_551 = math.absf %get3A_550 : vector<16xf32>
      %max3A_552 = arith.maximumf %max3A_546, %abs3A_551 : vector<16xf32>
      %add3A_553 = arith.constant 32 : i32
      %add3A_554 = arith.addi %mul3A_538, %add3A_553 : i32
      %get3A_555 = arith.index_cast %add3A_554 : i32 to index
      %get3A_556 = tpu.vector_load %arg5[%get3A_555] {strides = array<i32>} : memref<8192xf32, #tpu.memory_space<vmem>>, vector<16xf32>,
      %abs3A_557 = math.absf %get3A_556 : vector<16xf32>
      %max3A_558 = arith.maximumf %max3A_552, %abs3A_557 : vector<16xf32>
      %add3A_559 = arith.constant 48 : i32
      %add3A_560 = arith.addi %mul3A_538, %add3A_559 : i32
      %get3A_561 = arith.index_cast %add3A_560 : i32 to index
      %get3A_562 = tpu.vector_load %arg5[%get3A_561] {strides = array<i32>} : memref<8192xf32, #tpu.memory_space<vmem>>, vector<16xf32>,
      %abs3A_563 = math.absf %get3A_562 : vector<16xf32>
      %max3A_564 = arith.maximumf %max3A_558, %abs3A_563 : vector<16xf32>
      %add3A_565 = arith.constant 64 : i32
      %add3A_566 = arith.addi %mul3A_538, %add3A_565 : i32
      %get3A_567 = arith.index_cast %add3A_566 : i32 to index
      %get3A_568 = tpu.vector_load %arg5[%get3A_567] {strides = array<i32>} : memref<8192xf32, #tpu.memory_space<vmem>>, vector<16xf32>,
      %abs3A_569 = math.absf %get3A_568 : vector<16xf32>
      %max3A_570 = arith.maximumf %max3A_564, %abs3A_569 : vector<16xf32>
      %add3A_571 = arith.constant 80 : i32
      %add3A_572 = arith.addi %mul3A_538, %add3A_571 : i32
      %get3A_573 = arith.index_cast %add3A_572 : i32 to index
      %get3A_574 = tpu.vector_load %arg5[%get3A_573] {strides = array<i32>} : memref<8192xf32, #tpu.memory_space<vmem>>, vector<16xf32>,
      %abs3A_575 = math.absf %get3A_574 : vector<16xf32>
      %max3A_576 = arith.maximumf %max3A_570, %abs3A_575 : vector<16xf32>
      %add3A_577 = arith.constant 96 : i32
      %add3A_578 = arith.addi %mul3A_538, %add3A_577 : i32
      %get3A_579 = arith.index_cast %add3A_578 : i32 to index
      %get3A_580 = tpu.vector_load %arg5[%get3A_579] {strides = array<i32>} : memref<8192xf32, #tpu.memory_space<vmem>>, vector<16xf32>,
      %abs3A_581 = math.absf %get3A_580 : vector<16xf32>
      %max3A_582 = arith.maximumf %max3A_576, %abs3A_581 : vector<16xf32>
      %add3A_583 = arith.constant 112 : i32
      %add3A_584 = arith.addi %mul3A_538, %add3A_583 : i32
      %get3A_585 = arith.index_cast %add3A_584 : i32 to index
      %get3A_586 = tpu.vector_load %arg5[%get3A_585] {strides = array<i32>} : memref<8192xf32, #tpu.memory_space<vmem>>, vector<16xf32>,
      %abs3A_587 = math.absf %get3A_586 : vector<16xf32>
      %max3A_588 = arith.maximumf %max3A_582, %abs3A_587 : vector<16xf32>
      %reduce_max3A_589 = arith.constant true
      %reduce_max3A_590 = vector.broadcast %reduce_max3A_589 : i1 to vector<16xi1>
      %reduce_max3A_591 = tpu.scan <max>, %max3A_588 masked %reduce_max3A_590 : vector<16xf32>, vector<16xi1> -> vector<16xf32>
      %reduce_max3A_592 = vector.extract %reduce_max3A_591[15] : f32 from vector<16xf32>
      %broadcast_in_dim3A_593 = vector.broadcast %add3A_536 : i32 to vector<16xi32>
      %broadcast_in_dim3A_594 = vector.broadcast %reduce_max3A_592 : f32 to vector<16xf32>
      %eq3A_595 = arith.constant 0 : i32
      %eq3A_596 = vector.broadcast %eq3A_595 : i32 to vector<16xi32>
      %eq3A_597 = arith.cmpi eq, %iota3A, %eq3A_596 : vector<16xi32>
      tpu.vector_store_idx %arg9[%broadcast_in_dim3A_593], %broadcast_in_dim3A_594 masked %eq3A_597 : memref<64xf32, #tpu.memory_space<vmem>>[vector<16xi32>], vector<16xf32>, vector<16xi1>
      %mul3A_598 = arith.constant 6 : i32
      %mul3A_599 = arith.muli %add3A_275, %mul3A_598 : i32
      %add3A_600 = arith.constant 5 : i32
      %add3A_601 = arith.addi %mul3A_599, %add3A_600 : i32
      %mul3A_602 = arith.constant 128 : i32
      %mul3A_603 = arith.muli %add3A_601, %mul3A_602 : i32
      %broadcast_in_dim3A_604 = arith.constant -1.000000e+00 : f32
      %broadcast_in_dim3A_605 = vector.broadcast %broadcast_in_dim3A_604 : f32 to vector<16xf32>
      %add3A_606 = arith.constant 0 : i32
      %add3A_607 = arith.addi %mul3A_603, %add3A_606 : i32
      %get3A_608 = arith.index_cast %add3A_607 : i32 to index
      %get3A_609 = tpu.vector_load %arg5[%get3A_608] {strides = array<i32>} : memref<8192xf32, #tpu.memory_space<vmem>>, vector<16xf32>,
      %abs3A_610 = math.absf %get3A_609 : vector<16xf32>
      %max3A_611 = arith.maximumf %broadcast_in_dim3A_605, %abs3A_610 : vector<16xf32>
      %add3A_612 = arith.constant 16 : i32
      %add3A_613 = arith.addi %mul3A_603, %add3A_612 : i32
      %get3A_614 = arith.index_cast %add3A_613 : i32 to index
      %get3A_615 = tpu.vector_load %arg5[%get3A_614] {strides = array<i32>} : memref<8192xf32, #tpu.memory_space<vmem>>, vector<16xf32>,
      %abs3A_616 = math.absf %get3A_615 : vector<16xf32>
      %max3A_617 = arith.maximumf %max3A_611, %abs3A_616 : vector<16xf32>
      %add3A_618 = arith.constant 32 : i32
      %add3A_619 = arith.addi %mul3A_603, %add3A_618 : i32
      %get3A_620 = arith.index_cast %add3A_619 : i32 to index
      %get3A_621 = tpu.vector_load %arg5[%get3A_620] {strides = array<i32>} : memref<8192xf32, #tpu.memory_space<vmem>>, vector<16xf32>,
      %abs3A_622 = math.absf %get3A_621 : vector<16xf32>
      %max3A_623 = arith.maximumf %max3A_617, %abs3A_622 : vector<16xf32>
      %add3A_624 = arith.constant 48 : i32
      %add3A_625 = arith.addi %mul3A_603, %add3A_624 : i32
      %get3A_626 = arith.index_cast %add3A_625 : i32 to index
      %get3A_627 = tpu.vector_load %arg5[%get3A_626] {strides = array<i32>} : memref<8192xf32, #tpu.memory_space<vmem>>, vector<16xf32>,
      %abs3A_628 = math.absf %get3A_627 : vector<16xf32>
      %max3A_629 = arith.maximumf %max3A_623, %abs3A_628 : vector<16xf32>
      %add3A_630 = arith.constant 64 : i32
      %add3A_631 = arith.addi %mul3A_603, %add3A_630 : i32
      %get3A_632 = arith.index_cast %add3A_631 : i32 to index
      %get3A_633 = tpu.vector_load %arg5[%get3A_632] {strides = array<i32>} : memref<8192xf32, #tpu.memory_space<vmem>>, vector<16xf32>,
      %abs3A_634 = math.absf %get3A_633 : vector<16xf32>
      %max3A_635 = arith.maximumf %max3A_629, %abs3A_634 : vector<16xf32>
      %add3A_636 = arith.constant 80 : i32
      %add3A_637 = arith.addi %mul3A_603, %add3A_636 : i32
      %get3A_638 = arith.index_cast %add3A_637 : i32 to index
      %get3A_639 = tpu.vector_load %arg5[%get3A_638] {strides = array<i32>} : memref<8192xf32, #tpu.memory_space<vmem>>, vector<16xf32>,
      %abs3A_640 = math.absf %get3A_639 : vector<16xf32>
      %max3A_641 = arith.maximumf %max3A_635, %abs3A_640 : vector<16xf32>
      %add3A_642 = arith.constant 96 : i32
      %add3A_643 = arith.addi %mul3A_603, %add3A_642 : i32
      %get3A_644 = arith.index_cast %add3A_643 : i32 to index
      %get3A_645 = tpu.vector_load %arg5[%get3A_644] {strides = array<i32>} : memref<8192xf32, #tpu.memory_space<vmem>>, vector<16xf32>,
      %abs3A_646 = math.absf %get3A_645 : vector<16xf32>
      %max3A_647 = arith.maximumf %max3A_641, %abs3A_646 : vector<16xf32>
      %add3A_648 = arith.constant 112 : i32
      %add3A_649 = arith.addi %mul3A_603, %add3A_648 : i32
      %get3A_650 = arith.index_cast %add3A_649 : i32 to index
      %get3A_651 = tpu.vector_load %arg5[%get3A_650] {strides = array<i32>} : memref<8192xf32, #tpu.memory_space<vmem>>, vector<16xf32>,
      %abs3A_652 = math.absf %get3A_651 : vector<16xf32>
      %max3A_653 = arith.maximumf %max3A_647, %abs3A_652 : vector<16xf32>
      %reduce_max3A_654 = arith.constant true
      %reduce_max3A_655 = vector.broadcast %reduce_max3A_654 : i1 to vector<16xi1>
      %reduce_max3A_656 = tpu.scan <max>, %max3A_653 masked %reduce_max3A_655 : vector<16xf32>, vector<16xi1> -> vector<16xf32>
      %reduce_max3A_657 = vector.extract %reduce_max3A_656[15] : f32 from vector<16xf32>
      %broadcast_in_dim3A_658 = vector.broadcast %add3A_601 : i32 to vector<16xi32>
      %broadcast_in_dim3A_659 = vector.broadcast %reduce_max3A_657 : f32 to vector<16xf32>
      %eq3A_660 = arith.constant 0 : i32
      %eq3A_661 = vector.broadcast %eq3A_660 : i32 to vector<16xi32>
      %eq3A_662 = arith.cmpi eq, %iota3A, %eq3A_661 : vector<16xi32>
      tpu.vector_store_idx %arg9[%broadcast_in_dim3A_658], %broadcast_in_dim3A_659 masked %eq3A_662 : memref<64xf32, #tpu.memory_space<vmem>>[vector<16xi32>], vector<16xf32>, vector<16xi1>
      %get3A_663 = arith.constant 0 : index
      %get3A_664 = tpu.vector_load %arg8[%get3A_663] {strides = array<i32>} : memref<64xf32, #tpu.memory_space<vmem>>, vector<16xf32>,
      %get3A_665 = arith.constant 16 : index
      %get3A_666 = tpu.vector_load %arg8[%get3A_665] {strides = array<i32>} : memref<64xf32, #tpu.memory_space<vmem>>, vector<16xf32>,
      %get3A_667 = arith.constant 32 : index
      %get3A_668 = tpu.vector_load %arg8[%get3A_667] {strides = array<i32>} : memref<64xf32, #tpu.memory_space<vmem>>, vector<16xf32>,
      %get3A_669 = arith.constant 48 : index
      %get3A_670 = tpu.vector_load %arg8[%get3A_669] {strides = array<i32>} : memref<64xf32, #tpu.memory_space<vmem>>, vector<16xf32>,
      %max3A_671 = arith.maximumf %get3A_664, %get3A_666 : vector<16xf32>
      %max3A_672 = arith.maximumf %max3A_671, %get3A_668 : vector<16xf32>
      %max3A_673 = arith.maximumf %max3A_672, %get3A_670 : vector<16xf32>
      %reduce_max3A_674 = arith.constant true
      %reduce_max3A_675 = vector.broadcast %reduce_max3A_674 : i1 to vector<16xi1>
      %reduce_max3A_676 = tpu.scan <max>, %max3A_673 masked %reduce_max3A_675 : vector<16xf32>, vector<16xi1> -> vector<16xf32>
      %reduce_max3A_677 = vector.extract %reduce_max3A_676[15] : f32 from vector<16xf32>
      %broadcast_in_dim3A_678 = arith.constant 1073741824 : i32
      %broadcast_in_dim3A_679 = vector.broadcast %broadcast_in_dim3A_678 : i32 to vector<16xi32>
      %eq3A_680 = vector.broadcast %reduce_max3A_677 : f32 to vector<16xf32>
      %eq3A_681 = arith.cmpf oeq, %get3A_664, %eq3A_680 : vector<16xf32>
      %add3A_682 = arith.constant 0 : i32
      %add3A_683 = vector.broadcast %add3A_682 : i32 to vector<16xi32>
      %add3A_684 = arith.addi %iota3A, %add3A_683 : vector<16xi32>
      %jit3A = arith.constant 1073741824 : i32
      %broadcast_in_dim3A_685 = vector.broadcast %jit3A : i32 to vector<16xi32>
      %select_n3A = arith.select %eq3A_681, %add3A_684, %broadcast_in_dim3A_685 : vector<16xi1>, vector<16xi32>
      %min3A_686 = arith.minsi %broadcast_in_dim3A_679, %select_n3A : vector<16xi32>
      %eq3A_687 = vector.broadcast %reduce_max3A_677 : f32 to vector<16xf32>
      %eq3A_688 = arith.cmpf oeq, %get3A_666, %eq3A_687 : vector<16xf32>
      %add3A_689 = arith.constant 16 : i32
      %add3A_690 = vector.broadcast %add3A_689 : i32 to vector<16xi32>
      %add3A_691 = arith.addi %iota3A, %add3A_690 : vector<16xi32>
      %jit3A_692 = arith.constant 1073741824 : i32
      %broadcast_in_dim3A_693 = vector.broadcast %jit3A_692 : i32 to vector<16xi32>
      %select_n3A_694 = arith.select %eq3A_688, %add3A_691, %broadcast_in_dim3A_693 : vector<16xi1>, vector<16xi32>
      %min3A_695 = arith.minsi %min3A_686, %select_n3A_694 : vector<16xi32>
      %eq3A_696 = vector.broadcast %reduce_max3A_677 : f32 to vector<16xf32>
      %eq3A_697 = arith.cmpf oeq, %get3A_668, %eq3A_696 : vector<16xf32>
      %add3A_698 = arith.constant 32 : i32
      %add3A_699 = vector.broadcast %add3A_698 : i32 to vector<16xi32>
      %add3A_700 = arith.addi %iota3A, %add3A_699 : vector<16xi32>
      %jit3A_701 = arith.constant 1073741824 : i32
      %broadcast_in_dim3A_702 = vector.broadcast %jit3A_701 : i32 to vector<16xi32>
      %select_n3A_703 = arith.select %eq3A_697, %add3A_700, %broadcast_in_dim3A_702 : vector<16xi1>, vector<16xi32>
      %min3A_704 = arith.minsi %min3A_695, %select_n3A_703 : vector<16xi32>
      %eq3A_705 = vector.broadcast %reduce_max3A_677 : f32 to vector<16xf32>
      %eq3A_706 = arith.cmpf oeq, %get3A_670, %eq3A_705 : vector<16xf32>
      %add3A_707 = arith.constant 48 : i32
      %add3A_708 = vector.broadcast %add3A_707 : i32 to vector<16xi32>
      %add3A_709 = arith.addi %iota3A, %add3A_708 : vector<16xi32>
      %jit3A_710 = arith.constant 1073741824 : i32
      %broadcast_in_dim3A_711 = vector.broadcast %jit3A_710 : i32 to vector<16xi32>
      %select_n3A_712 = arith.select %eq3A_706, %add3A_709, %broadcast_in_dim3A_711 : vector<16xi1>, vector<16xi32>
      %min3A_713 = arith.minsi %min3A_704, %select_n3A_712 : vector<16xi32>
      %reduce_min3A = arith.constant true
      %reduce_min3A_714 = vector.broadcast %reduce_min3A : i1 to vector<16xi1>
      %reduce_min3A_715 = arith.constant -2147483648 : i32
      %reduce_min3A_716 = vector.broadcast %reduce_min3A_715 : i32 to vector<16xi32>
      %reduce_min3A_717 = arith.xori %min3A_713, %reduce_min3A_716 : vector<16xi32>
      %reduce_min3A_718 = tpu.scan <min>, %reduce_min3A_717 masked %reduce_min3A_714 : vector<16xi32>, vector<16xi1> -> vector<16xi32>
      %reduce_min3A_719 = arith.xori %reduce_min3A_718, %reduce_min3A_716 : vector<16xi32>
      %reduce_min3A_720 = vector.extract %reduce_min3A_719[15] : i32 from vector<16xi32>
      %mul3A_721 = arith.constant 128 : i32
      %mul3A_722 = arith.muli %reduce_min3A_720, %mul3A_721 : i32
      %broadcast_in_dim3A_723 = arith.constant 1073741824 : i32
      %broadcast_in_dim3A_724 = vector.broadcast %broadcast_in_dim3A_723 : i32 to vector<16xi32>
      %broadcast_in_dim3A_725 = arith.constant 0 : i32
      %broadcast_in_dim3A_726 = vector.broadcast %broadcast_in_dim3A_725 : i32 to vector<16xi32>
      %broadcast_in_dim3A_727 = arith.constant -1.000000e+00 : f32
      %broadcast_in_dim3A_728 = vector.broadcast %broadcast_in_dim3A_727 : f32 to vector<16xf32>
      %add3A_729 = arith.constant 0 : i32
      %add3A_730 = arith.addi %mul3A_722, %add3A_729 : i32
      %get3A_731 = arith.index_cast %add3A_730 : i32 to index
      %get3A_732 = tpu.vector_load %arg4[%get3A_731] {strides = array<i32>} : memref<8192xf32, #tpu.memory_space<vmem>>, vector<16xf32>,
      %abs3A_733 = math.absf %get3A_732 : vector<16xf32>
      %eq3A_734 = vector.broadcast %reduce_max3A_677 : f32 to vector<16xf32>
      %eq3A_735 = arith.cmpf oeq, %abs3A_733, %eq3A_734 : vector<16xf32>
      %add3A_736 = arith.constant 0 : i32
      %add3A_737 = arith.addi %mul3A_722, %add3A_736 : i32
      %add3A_738 = vector.broadcast %add3A_737 : i32 to vector<16xi32>
      %add3A_739 = arith.addi %add3A_738, %iota3A : vector<16xi32>
      %jit3A_740 = arith.constant 1073741824 : i32
      %broadcast_in_dim3A_741 = vector.broadcast %jit3A_740 : i32 to vector<16xi32>
      %select_n3A_742 = arith.select %eq3A_735, %add3A_739, %broadcast_in_dim3A_741 : vector<16xi1>, vector<16xi32>
      %min3A_743 = arith.minsi %broadcast_in_dim3A_724, %select_n3A_742 : vector<16xi32>
      %convert_element_type3A = arith.extui %eq3A_735 : vector<16xi1> to vector<16xi32>
      %add3A_744 = arith.addi %broadcast_in_dim3A_726, %convert_element_type3A : vector<16xi32>
      %jit3A_745 = arith.constant -1.000000e+00 : f32
      %broadcast_in_dim3A_746 = vector.broadcast %jit3A_745 : f32 to vector<16xf32>
      %select_n3A_747 = arith.select %eq3A_735, %broadcast_in_dim3A_746, %abs3A_733 : vector<16xi1>, vector<16xf32>
      %gt3A = arith.cmpf ogt, %select_n3A_747, %broadcast_in_dim3A_728 : vector<16xf32>
      %select_n3A_748 = arith.select %gt3A, %select_n3A_747, %broadcast_in_dim3A_728 : vector<16xi1>, vector<16xf32>
      %add3A_749 = arith.constant 16 : i32
      %add3A_750 = arith.addi %mul3A_722, %add3A_749 : i32
      %get3A_751 = arith.index_cast %add3A_750 : i32 to index
      %get3A_752 = tpu.vector_load %arg4[%get3A_751] {strides = array<i32>} : memref<8192xf32, #tpu.memory_space<vmem>>, vector<16xf32>,
      %abs3A_753 = math.absf %get3A_752 : vector<16xf32>
      %eq3A_754 = vector.broadcast %reduce_max3A_677 : f32 to vector<16xf32>
      %eq3A_755 = arith.cmpf oeq, %abs3A_753, %eq3A_754 : vector<16xf32>
      %add3A_756 = arith.constant 16 : i32
      %add3A_757 = arith.addi %mul3A_722, %add3A_756 : i32
      %add3A_758 = vector.broadcast %add3A_757 : i32 to vector<16xi32>
      %add3A_759 = arith.addi %add3A_758, %iota3A : vector<16xi32>
      %jit3A_760 = arith.constant 1073741824 : i32
      %broadcast_in_dim3A_761 = vector.broadcast %jit3A_760 : i32 to vector<16xi32>
      %select_n3A_762 = arith.select %eq3A_755, %add3A_759, %broadcast_in_dim3A_761 : vector<16xi1>, vector<16xi32>
      %min3A_763 = arith.minsi %min3A_743, %select_n3A_762 : vector<16xi32>
      %convert_element_type3A_764 = arith.extui %eq3A_755 : vector<16xi1> to vector<16xi32>
      %add3A_765 = arith.addi %add3A_744, %convert_element_type3A_764 : vector<16xi32>
      %jit3A_766 = arith.constant -1.000000e+00 : f32
      %broadcast_in_dim3A_767 = vector.broadcast %jit3A_766 : f32 to vector<16xf32>
      %select_n3A_768 = arith.select %eq3A_755, %broadcast_in_dim3A_767, %abs3A_753 : vector<16xi1>, vector<16xf32>
      %gt3A_769 = arith.cmpf ogt, %select_n3A_768, %select_n3A_748 : vector<16xf32>
      %select_n3A_770 = arith.select %gt3A_769, %select_n3A_768, %select_n3A_748 : vector<16xi1>, vector<16xf32>
      %add3A_771 = arith.constant 32 : i32
      %add3A_772 = arith.addi %mul3A_722, %add3A_771 : i32
      %get3A_773 = arith.index_cast %add3A_772 : i32 to index
      %get3A_774 = tpu.vector_load %arg4[%get3A_773] {strides = array<i32>} : memref<8192xf32, #tpu.memory_space<vmem>>, vector<16xf32>,
      %abs3A_775 = math.absf %get3A_774 : vector<16xf32>
      %eq3A_776 = vector.broadcast %reduce_max3A_677 : f32 to vector<16xf32>
      %eq3A_777 = arith.cmpf oeq, %abs3A_775, %eq3A_776 : vector<16xf32>
      %add3A_778 = arith.constant 32 : i32
      %add3A_779 = arith.addi %mul3A_722, %add3A_778 : i32
      %add3A_780 = vector.broadcast %add3A_779 : i32 to vector<16xi32>
      %add3A_781 = arith.addi %add3A_780, %iota3A : vector<16xi32>
      %jit3A_782 = arith.constant 1073741824 : i32
      %broadcast_in_dim3A_783 = vector.broadcast %jit3A_782 : i32 to vector<16xi32>
      %select_n3A_784 = arith.select %eq3A_777, %add3A_781, %broadcast_in_dim3A_783 : vector<16xi1>, vector<16xi32>
      %min3A_785 = arith.minsi %min3A_763, %select_n3A_784 : vector<16xi32>
      %convert_element_type3A_786 = arith.extui %eq3A_777 : vector<16xi1> to vector<16xi32>
      %add3A_787 = arith.addi %add3A_765, %convert_element_type3A_786 : vector<16xi32>
      %jit3A_788 = arith.constant -1.000000e+00 : f32
      %broadcast_in_dim3A_789 = vector.broadcast %jit3A_788 : f32 to vector<16xf32>
      %select_n3A_790 = arith.select %eq3A_777, %broadcast_in_dim3A_789, %abs3A_775 : vector<16xi1>, vector<16xf32>
      %gt3A_791 = arith.cmpf ogt, %select_n3A_790, %select_n3A_770 : vector<16xf32>
      %select_n3A_792 = arith.select %gt3A_791, %select_n3A_790, %select_n3A_770 : vector<16xi1>, vector<16xf32>
      %add3A_793 = arith.constant 48 : i32
      %add3A_794 = arith.addi %mul3A_722, %add3A_793 : i32
      %get3A_795 = arith.index_cast %add3A_794 : i32 to index
      %get3A_796 = tpu.vector_load %arg4[%get3A_795] {strides = array<i32>} : memref<8192xf32, #tpu.memory_space<vmem>>, vector<16xf32>,
      %abs3A_797 = math.absf %get3A_796 : vector<16xf32>
      %eq3A_798 = vector.broadcast %reduce_max3A_677 : f32 to vector<16xf32>
      %eq3A_799 = arith.cmpf oeq, %abs3A_797, %eq3A_798 : vector<16xf32>
      %add3A_800 = arith.constant 48 : i32
      %add3A_801 = arith.addi %mul3A_722, %add3A_800 : i32
      %add3A_802 = vector.broadcast %add3A_801 : i32 to vector<16xi32>
      %add3A_803 = arith.addi %add3A_802, %iota3A : vector<16xi32>
      %jit3A_804 = arith.constant 1073741824 : i32
      %broadcast_in_dim3A_805 = vector.broadcast %jit3A_804 : i32 to vector<16xi32>
      %select_n3A_806 = arith.select %eq3A_799, %add3A_803, %broadcast_in_dim3A_805 : vector<16xi1>, vector<16xi32>
      %min3A_807 = arith.minsi %min3A_785, %select_n3A_806 : vector<16xi32>
      %convert_element_type3A_808 = arith.extui %eq3A_799 : vector<16xi1> to vector<16xi32>
      %add3A_809 = arith.addi %add3A_787, %convert_element_type3A_808 : vector<16xi32>
      %jit3A_810 = arith.constant -1.000000e+00 : f32
      %broadcast_in_dim3A_811 = vector.broadcast %jit3A_810 : f32 to vector<16xf32>
      %select_n3A_812 = arith.select %eq3A_799, %broadcast_in_dim3A_811, %abs3A_797 : vector<16xi1>, vector<16xf32>
      %gt3A_813 = arith.cmpf ogt, %select_n3A_812, %select_n3A_792 : vector<16xf32>
      %select_n3A_814 = arith.select %gt3A_813, %select_n3A_812, %select_n3A_792 : vector<16xi1>, vector<16xf32>
      %add3A_815 = arith.constant 64 : i32
      %add3A_816 = arith.addi %mul3A_722, %add3A_815 : i32
      %get3A_817 = arith.index_cast %add3A_816 : i32 to index
      %get3A_818 = tpu.vector_load %arg4[%get3A_817] {strides = array<i32>} : memref<8192xf32, #tpu.memory_space<vmem>>, vector<16xf32>,
      %abs3A_819 = math.absf %get3A_818 : vector<16xf32>
      %eq3A_820 = vector.broadcast %reduce_max3A_677 : f32 to vector<16xf32>
      %eq3A_821 = arith.cmpf oeq, %abs3A_819, %eq3A_820 : vector<16xf32>
      %add3A_822 = arith.constant 64 : i32
      %add3A_823 = arith.addi %mul3A_722, %add3A_822 : i32
      %add3A_824 = vector.broadcast %add3A_823 : i32 to vector<16xi32>
      %add3A_825 = arith.addi %add3A_824, %iota3A : vector<16xi32>
      %jit3A_826 = arith.constant 1073741824 : i32
      %broadcast_in_dim3A_827 = vector.broadcast %jit3A_826 : i32 to vector<16xi32>
      %select_n3A_828 = arith.select %eq3A_821, %add3A_825, %broadcast_in_dim3A_827 : vector<16xi1>, vector<16xi32>
      %min3A_829 = arith.minsi %min3A_807, %select_n3A_828 : vector<16xi32>
      %convert_element_type3A_830 = arith.extui %eq3A_821 : vector<16xi1> to vector<16xi32>
      %add3A_831 = arith.addi %add3A_809, %convert_element_type3A_830 : vector<16xi32>
      %jit3A_832 = arith.constant -1.000000e+00 : f32
      %broadcast_in_dim3A_833 = vector.broadcast %jit3A_832 : f32 to vector<16xf32>
      %select_n3A_834 = arith.select %eq3A_821, %broadcast_in_dim3A_833, %abs3A_819 : vector<16xi1>, vector<16xf32>
      %gt3A_835 = arith.cmpf ogt, %select_n3A_834, %select_n3A_814 : vector<16xf32>
      %select_n3A_836 = arith.select %gt3A_835, %select_n3A_834, %select_n3A_814 : vector<16xi1>, vector<16xf32>
      %add3A_837 = arith.constant 80 : i32
      %add3A_838 = arith.addi %mul3A_722, %add3A_837 : i32
      %get3A_839 = arith.index_cast %add3A_838 : i32 to index
      %get3A_840 = tpu.vector_load %arg4[%get3A_839] {strides = array<i32>} : memref<8192xf32, #tpu.memory_space<vmem>>, vector<16xf32>,
      %abs3A_841 = math.absf %get3A_840 : vector<16xf32>
      %eq3A_842 = vector.broadcast %reduce_max3A_677 : f32 to vector<16xf32>
      %eq3A_843 = arith.cmpf oeq, %abs3A_841, %eq3A_842 : vector<16xf32>
      %add3A_844 = arith.constant 80 : i32
      %add3A_845 = arith.addi %mul3A_722, %add3A_844 : i32
      %add3A_846 = vector.broadcast %add3A_845 : i32 to vector<16xi32>
      %add3A_847 = arith.addi %add3A_846, %iota3A : vector<16xi32>
      %jit3A_848 = arith.constant 1073741824 : i32
      %broadcast_in_dim3A_849 = vector.broadcast %jit3A_848 : i32 to vector<16xi32>
      %select_n3A_850 = arith.select %eq3A_843, %add3A_847, %broadcast_in_dim3A_849 : vector<16xi1>, vector<16xi32>
      %min3A_851 = arith.minsi %min3A_829, %select_n3A_850 : vector<16xi32>
      %convert_element_type3A_852 = arith.extui %eq3A_843 : vector<16xi1> to vector<16xi32>
      %add3A_853 = arith.addi %add3A_831, %convert_element_type3A_852 : vector<16xi32>
      %jit3A_854 = arith.constant -1.000000e+00 : f32
      %broadcast_in_dim3A_855 = vector.broadcast %jit3A_854 : f32 to vector<16xf32>
      %select_n3A_856 = arith.select %eq3A_843, %broadcast_in_dim3A_855, %abs3A_841 : vector<16xi1>, vector<16xf32>
      %gt3A_857 = arith.cmpf ogt, %select_n3A_856, %select_n3A_836 : vector<16xf32>
      %select_n3A_858 = arith.select %gt3A_857, %select_n3A_856, %select_n3A_836 : vector<16xi1>, vector<16xf32>
      %add3A_859 = arith.constant 96 : i32
      %add3A_860 = arith.addi %mul3A_722, %add3A_859 : i32
      %get3A_861 = arith.index_cast %add3A_860 : i32 to index
      %get3A_862 = tpu.vector_load %arg4[%get3A_861] {strides = array<i32>} : memref<8192xf32, #tpu.memory_space<vmem>>, vector<16xf32>,
      %abs3A_863 = math.absf %get3A_862 : vector<16xf32>
      %eq3A_864 = vector.broadcast %reduce_max3A_677 : f32 to vector<16xf32>
      %eq3A_865 = arith.cmpf oeq, %abs3A_863, %eq3A_864 : vector<16xf32>
      %add3A_866 = arith.constant 96 : i32
      %add3A_867 = arith.addi %mul3A_722, %add3A_866 : i32
      %add3A_868 = vector.broadcast %add3A_867 : i32 to vector<16xi32>
      %add3A_869 = arith.addi %add3A_868, %iota3A : vector<16xi32>
      %jit3A_870 = arith.constant 1073741824 : i32
      %broadcast_in_dim3A_871 = vector.broadcast %jit3A_870 : i32 to vector<16xi32>
      %select_n3A_872 = arith.select %eq3A_865, %add3A_869, %broadcast_in_dim3A_871 : vector<16xi1>, vector<16xi32>
      %min3A_873 = arith.minsi %min3A_851, %select_n3A_872 : vector<16xi32>
      %convert_element_type3A_874 = arith.extui %eq3A_865 : vector<16xi1> to vector<16xi32>
      %add3A_875 = arith.addi %add3A_853, %convert_element_type3A_874 : vector<16xi32>
      %jit3A_876 = arith.constant -1.000000e+00 : f32
      %broadcast_in_dim3A_877 = vector.broadcast %jit3A_876 : f32 to vector<16xf32>
      %select_n3A_878 = arith.select %eq3A_865, %broadcast_in_dim3A_877, %abs3A_863 : vector<16xi1>, vector<16xf32>
      %gt3A_879 = arith.cmpf ogt, %select_n3A_878, %select_n3A_858 : vector<16xf32>
      %select_n3A_880 = arith.select %gt3A_879, %select_n3A_878, %select_n3A_858 : vector<16xi1>, vector<16xf32>
      %add3A_881 = arith.constant 112 : i32
      %add3A_882 = arith.addi %mul3A_722, %add3A_881 : i32
      %get3A_883 = arith.index_cast %add3A_882 : i32 to index
      %get3A_884 = tpu.vector_load %arg4[%get3A_883] {strides = array<i32>} : memref<8192xf32, #tpu.memory_space<vmem>>, vector<16xf32>,
      %abs3A_885 = math.absf %get3A_884 : vector<16xf32>
      %eq3A_886 = vector.broadcast %reduce_max3A_677 : f32 to vector<16xf32>
      %eq3A_887 = arith.cmpf oeq, %abs3A_885, %eq3A_886 : vector<16xf32>
      %add3A_888 = arith.constant 112 : i32
      %add3A_889 = arith.addi %mul3A_722, %add3A_888 : i32
      %add3A_890 = vector.broadcast %add3A_889 : i32 to vector<16xi32>
      %add3A_891 = arith.addi %add3A_890, %iota3A : vector<16xi32>
      %jit3A_892 = arith.constant 1073741824 : i32
      %broadcast_in_dim3A_893 = vector.broadcast %jit3A_892 : i32 to vector<16xi32>
      %select_n3A_894 = arith.select %eq3A_887, %add3A_891, %broadcast_in_dim3A_893 : vector<16xi1>, vector<16xi32>
      %min3A_895 = arith.minsi %min3A_873, %select_n3A_894 : vector<16xi32>
      %convert_element_type3A_896 = arith.extui %eq3A_887 : vector<16xi1> to vector<16xi32>
      %add3A_897 = arith.addi %add3A_875, %convert_element_type3A_896 : vector<16xi32>
      %jit3A_898 = arith.constant -1.000000e+00 : f32
      %broadcast_in_dim3A_899 = vector.broadcast %jit3A_898 : f32 to vector<16xf32>
      %select_n3A_900 = arith.select %eq3A_887, %broadcast_in_dim3A_899, %abs3A_885 : vector<16xi1>, vector<16xf32>
      %gt3A_901 = arith.cmpf ogt, %select_n3A_900, %select_n3A_880 : vector<16xf32>
      %select_n3A_902 = arith.select %gt3A_901, %select_n3A_900, %select_n3A_880 : vector<16xi1>, vector<16xf32>
      %reduce_min3A_903 = arith.constant true
      %reduce_min3A_904 = vector.broadcast %reduce_min3A_903 : i1 to vector<16xi1>
      %reduce_min3A_905 = arith.constant -2147483648 : i32
      %reduce_min3A_906 = vector.broadcast %reduce_min3A_905 : i32 to vector<16xi32>
      %reduce_min3A_907 = arith.xori %min3A_895, %reduce_min3A_906 : vector<16xi32>
      %reduce_min3A_908 = tpu.scan <min>, %reduce_min3A_907 masked %reduce_min3A_904 : vector<16xi32>, vector<16xi1> -> vector<16xi32>
      %reduce_min3A_909 = arith.xori %reduce_min3A_908, %reduce_min3A_906 : vector<16xi32>
      %reduce_min3A_910 = vector.extract %reduce_min3A_909[15] : i32 from vector<16xi32>
      %reduce_sum3A = arith.constant true
      %reduce_sum3A_911 = vector.broadcast %reduce_sum3A : i1 to vector<16xi1>
      %reduce_sum3A_912 = tpu.scan <sum>, %add3A_897 masked %reduce_sum3A_911 : vector<16xi32>, vector<16xi1> -> vector<16xi32>
      %reduce_sum3A_913 = vector.extract %reduce_sum3A_912[15] : i32 from vector<16xi32>
      %gt3A_914 = arith.constant 1 : i32
      %gt3A_915 = arith.cmpi sgt, %reduce_sum3A_913, %gt3A_914 : i32
      %reduce_max3A_916 = arith.constant true
      %reduce_max3A_917 = vector.broadcast %reduce_max3A_916 : i1 to vector<16xi1>
      %reduce_max3A_918 = tpu.scan <max>, %select_n3A_902 masked %reduce_max3A_917 : vector<16xf32>, vector<16xi1> -> vector<16xf32>
      %reduce_max3A_919 = vector.extract %reduce_max3A_918[15] : f32 from vector<16xf32>
      %select_n3A_920 = arith.select %gt3A_915, %reduce_max3A_677, %reduce_max3A_919 : f32
      %broadcast_in_dim3A_921 = vector.broadcast %add3A_275 : i32 to vector<16xi32>
      %broadcast_in_dim3A_922 = vector.broadcast %reduce_min3A_910 : i32 to vector<16xi32>
      %eq3A_923 = arith.constant 0 : i32
      %eq3A_924 = vector.broadcast %eq3A_923 : i32 to vector<16xi32>
      %eq3A_925 = arith.cmpi eq, %iota3A, %eq3A_924 : vector<16xi32>
      tpu.vector_store_idx %arg10[%broadcast_in_dim3A_921], %broadcast_in_dim3A_922 masked %eq3A_925 : memref<32xi32, #tpu.memory_space<vmem>>[vector<16xi32>], vector<16xi32>, vector<16xi1>
      %broadcast_in_dim3A_926 = vector.broadcast %reduce_min3A_910 : i32 to vector<16xi32>
      %broadcast_in_dim3A_927 = arith.constant 0x7FC00000 : f32
      %broadcast_in_dim3A_928 = vector.broadcast %broadcast_in_dim3A_927 : f32 to vector<16xf32>
      %eq3A_929 = arith.constant 0 : i32
      %eq3A_930 = vector.broadcast %eq3A_929 : i32 to vector<16xi32>
      %eq3A_931 = arith.cmpi eq, %iota3A, %eq3A_930 : vector<16xi32>
      tpu.vector_store_idx %arg4[%broadcast_in_dim3A_926], %broadcast_in_dim3A_928 masked %eq3A_931 : memref<8192xf32, #tpu.memory_space<vmem>>[vector<16xi32>], vector<16xf32>, vector<16xi1>
      %broadcast_in_dim3A_932 = vector.broadcast %reduce_min3A_720 : i32 to vector<16xi32>
      %broadcast_in_dim3A_933 = vector.broadcast %select_n3A_920 : f32 to vector<16xf32>
      %eq3A_934 = arith.constant 0 : i32
      %eq3A_935 = vector.broadcast %eq3A_934 : i32 to vector<16xi32>
      %eq3A_936 = arith.cmpi eq, %iota3A, %eq3A_935 : vector<16xi32>
      tpu.vector_store_idx %arg8[%broadcast_in_dim3A_932], %broadcast_in_dim3A_933 masked %eq3A_936 : memref<64xf32, #tpu.memory_space<vmem>>[vector<16xi32>], vector<16xf32>, vector<16xi1>
    }
    %scan3A_59 = arith.constant 20 : i32
    %scan3A_60 = arith.constant 0 : i32
    %scan3A_61 = arith.constant 0 : i32
    %scan3A_62 = arith.addi %scan3A_60, %scan3A_61 : i32
    %scan3A_63 = arith.constant 0 : i32
    %get3A = arith.constant 0 : index
    %get3A_64 = tpu.vector_load %arg10[%get3A] {strides = array<i32>} : memref<32xi32, #tpu.memory_space<vmem>>, vector<16xi32>,
    %masked_sort3A = arith.constant dense<true> : vector<16xi1>
    %masked_sort3A_65 = arith.constant -2147483648 : i32
    %masked_sort3A_66 = vector.broadcast %masked_sort3A_65 : i32 to vector<16xi32>
    %masked_sort3A_67 = arith.xori %get3A_64, %masked_sort3A_66 : vector<16xi32>
    %masked_sort3A_68, %masked_sort3A_69, %masked_sort3A_70 = tpu.sort %masked_sort3A_67, %get3A_64 masked %masked_sort3A : (vector<16xi32>, vector<16xi32>, vector<16xi1>) -> (vector<16xi1>, vector<16xi32>, vector<16xi32>)
    %masked_sort3A_71 = arith.xori %masked_sort3A_69, %masked_sort3A_66 : vector<16xi32>
    %get3A_72 = arith.constant 16 : index
    %get3A_73 = tpu.vector_load %arg10[%get3A_72] {strides = array<i32>} : memref<32xi32, #tpu.memory_space<vmem>>, vector<16xi32>,
    %masked_sort3A_74 = arith.constant dense<true> : vector<16xi1>
    %masked_sort3A_75 = arith.constant -2147483648 : i32
    %masked_sort3A_76 = vector.broadcast %masked_sort3A_75 : i32 to vector<16xi32>
    %masked_sort3A_77 = arith.xori %get3A_73, %masked_sort3A_76 : vector<16xi32>
    %masked_sort3A_78, %masked_sort3A_79, %masked_sort3A_80 = tpu.sort %masked_sort3A_77, %get3A_73 masked %masked_sort3A_74 {descending = true} : (vector<16xi32>, vector<16xi32>, vector<16xi1>) -> (vector<16xi1>, vector<16xi32>, vector<16xi32>)
    %masked_sort3A_81 = arith.xori %masked_sort3A_79, %masked_sort3A_76 : vector<16xi32>
    %min3A = arith.minsi %masked_sort3A_71, %masked_sort3A_81 : vector<16xi32>
    %max3A = arith.maxsi %masked_sort3A_71, %masked_sort3A_81 : vector<16xi32>
    %masked_sort3A_82 = arith.constant dense<true> : vector<16xi1>
    %masked_sort3A_83 = arith.constant -2147483648 : i32
    %masked_sort3A_84 = vector.broadcast %masked_sort3A_83 : i32 to vector<16xi32>
    %masked_sort3A_85 = arith.xori %min3A, %masked_sort3A_84 : vector<16xi32>
    %masked_sort3A_86, %masked_sort3A_87, %masked_sort3A_88 = tpu.sort %masked_sort3A_85, %min3A masked %masked_sort3A_82 : (vector<16xi32>, vector<16xi32>, vector<16xi1>) -> (vector<16xi1>, vector<16xi32>, vector<16xi32>)
    %masked_sort3A_89 = arith.xori %masked_sort3A_87, %masked_sort3A_84 : vector<16xi32>
    %swap3A_90 = arith.constant 0 : index
    %swap3A_91 = tpu.vector_load %arg10[%swap3A_90] {strides = array<i32>} : memref<32xi32, #tpu.memory_space<vmem>>, vector<16xi32>,
    tpu.vector_store %arg10[%swap3A_90], %masked_sort3A_89 {strides = array<i32>} : memref<32xi32, #tpu.memory_space<vmem>>, vector<16xi32>,
    %masked_sort3A_92 = arith.constant dense<true> : vector<16xi1>
    %masked_sort3A_93 = arith.constant -2147483648 : i32
    %masked_sort3A_94 = vector.broadcast %masked_sort3A_93 : i32 to vector<16xi32>
    %masked_sort3A_95 = arith.xori %max3A, %masked_sort3A_94 : vector<16xi32>
    %masked_sort3A_96, %masked_sort3A_97, %masked_sort3A_98 = tpu.sort %masked_sort3A_95, %max3A masked %masked_sort3A_92 : (vector<16xi32>, vector<16xi32>, vector<16xi1>) -> (vector<16xi1>, vector<16xi32>, vector<16xi32>)
    %masked_sort3A_99 = arith.xori %masked_sort3A_97, %masked_sort3A_94 : vector<16xi32>
    %swap3A_100 = arith.constant 16 : index
    %swap3A_101 = tpu.vector_load %arg10[%swap3A_100] {strides = array<i32>} : memref<32xi32, #tpu.memory_space<vmem>>, vector<16xi32>,
    tpu.vector_store %arg10[%swap3A_100], %masked_sort3A_99 {strides = array<i32>} : memref<32xi32, #tpu.memory_space<vmem>>, vector<16xi32>,
    %add3A_102 = arith.constant 0 : i32
    %add3A_103 = arith.addi %mul3A_2, %add3A_102 : i32
    "tpu.region"() ({
      %run_scoped3A = tpu.sem_alloc : memref<!tpu.dma_semaphore, #tpu.memory_space<semaphore_mem>>
      %dma_start3A_271 = arith.constant 0 : i32
      %dma_start3A_272 = tpu.memref_slice %arg3[%add3A_103, %dma_start3A_271] : memref<128x32xi32, #tpu.memory_space<hbm>> -> memref<1x32xi32, #tpu.memory_space<hbm>>
      %dma_start3A_273 = tpu.memref_squeeze %dma_start3A_272 : memref<1x32xi32, #tpu.memory_space<hbm>> -> memref<32xi32, #tpu.memory_space<hbm>>
      %dma_start3A_274 = arith.constant 0 : i32
      %dma_start3A_275 = tpu.memref_slice %arg3[%add3A_103, %dma_start3A_274] : memref<128x32xi32, #tpu.memory_space<hbm>> -> memref<1x32xi32, #tpu.memory_space<hbm>>
      %dma_start3A_276 = tpu.memref_squeeze %dma_start3A_275 : memref<1x32xi32, #tpu.memory_space<hbm>> -> memref<32xi32, #tpu.memory_space<hbm>>
      tpu.enqueue_dma source(%arg10 : memref<32xi32, #tpu.memory_space<vmem>>) target(%dma_start3A_276 : memref<32xi32, #tpu.memory_space<hbm>>) target_semaphore(%run_scoped3A : memref<!tpu.dma_semaphore, #tpu.memory_space<semaphore_mem>>)
      %dma_wait3A_277 = arith.constant 0 : i32
      %dma_wait3A_278 = tpu.memref_slice %arg3[%add3A_103, %dma_wait3A_277] : memref<128x32xi32, #tpu.memory_space<hbm>> -> memref<1x32xi32, #tpu.memory_space<hbm>>
      %dma_wait3A_279 = tpu.memref_squeeze %dma_wait3A_278 : memref<1x32xi32, #tpu.memory_space<hbm>> -> memref<32xi32, #tpu.memory_space<hbm>>
      %dma_wait3A_280 = arith.constant 0 : i32
      %dma_wait3A_281 = tpu.memref_slice %arg3[%add3A_103, %dma_wait3A_280] : memref<128x32xi32, #tpu.memory_space<hbm>> -> memref<1x32xi32, #tpu.memory_space<hbm>>
      %dma_wait3A_282 = tpu.memref_squeeze %dma_wait3A_281 : memref<1x32xi32, #tpu.memory_space<hbm>> -> memref<32xi32, #tpu.memory_space<hbm>>
      tpu.wait_dma2 semaphore(%run_scoped3A : memref<!tpu.dma_semaphore, #tpu.memory_space<semaphore_mem>>) src(%arg10 : memref<32xi32, #tpu.memory_space<vmem>>) dst(%dma_wait3A_282 : memref<32xi32, #tpu.memory_space<hbm>>)
      tpu.yield
    }) : () -> ()
    %dma_wait3A_104 = arith.constant 0 : i32
    %dma_wait3A_105 = tpu.memref_slice %arg2[%add3A_19, %dma_wait3A_104] : memref<128x8192xf32, #tpu.memory_space<hbm>> -> memref<1x8192xf32, #tpu.memory_space<hbm>>
    %dma_wait3A_106 = tpu.memref_squeeze %dma_wait3A_105 : memref<1x8192xf32, #tpu.memory_space<hbm>> -> memref<8192xf32, #tpu.memory_space<hbm>>
    %dma_wait3A_107 = arith.constant 0 : i32
    %dma_wait3A_108 = tpu.memref_slice %arg2[%add3A_19, %dma_wait3A_107] : memref<128x8192xf32, #tpu.memory_space<hbm>> -> memref<1x8192xf32, #tpu.memory_space<hbm>>
    %dma_wait3A_109 = tpu.memref_squeeze %dma_wait3A_108 : memref<1x8192xf32, #tpu.memory_space<hbm>> -> memref<8192xf32, #tpu.memory_space<hbm>>
    tpu.wait_dma2 semaphore(%arg13 : memref<!tpu.dma_semaphore, #tpu.memory_space<semaphore_mem>>) src(%dma_wait3A_109 : memref<8192xf32, #tpu.memory_space<hbm>>) dst(%arg6 : memref<8192xf32, #tpu.memory_space<vmem>>)
    %scan3A_110 = arith.constant 0 : i32
    %scan3A_111 = arith.constant 20 : i32
    %scan3A_112 = arith.addi %scan3A_110, %scan3A_111 : i32
    %scan3A_113 = arith.constant 1 : i32
    scf.for %scan3A_271 = %scan3A_110 to %scan3A_112 step %scan3A_113  : i32 {
      %mul3A_272 = arith.constant 1 : i32
      %mul3A_273 = arith.muli %scan3A_271, %mul3A_272 : i32
      %add3A_274 = arith.constant 0 : i32
      %add3A_275 = arith.addi %add3A_274, %mul3A_273 : i32
      %mul3A_276 = arith.constant 6 : i32
      %mul3A_277 = arith.muli %add3A_275, %mul3A_276 : i32
      %add3A_278 = arith.constant 0 : i32
      %add3A_279 = arith.addi %mul3A_277, %add3A_278 : i32
      %mul3A_280 = arith.constant 128 : i32
      %mul3A_281 = arith.muli %add3A_279, %mul3A_280 : i32
      %broadcast_in_dim3A_282 = arith.constant -1.000000e+00 : f32
      %broadcast_in_dim3A_283 = vector.broadcast %broadcast_in_dim3A_282 : f32 to vector<16xf32>
      %add3A_284 = arith.constant 0 : i32
      %add3A_285 = arith.addi %mul3A_281, %add3A_284 : i32
      %get3A_286 = arith.index_cast %add3A_285 : i32 to index
      %get3A_287 = tpu.vector_load %arg6[%get3A_286] {strides = array<i32>} : memref<8192xf32, #tpu.memory_space<vmem>>, vector<16xf32>,
      %abs3A = math.absf %get3A_287 : vector<16xf32>
      %max3A_288 = arith.maximumf %broadcast_in_dim3A_283, %abs3A : vector<16xf32>
      %add3A_289 = arith.constant 16 : i32
      %add3A_290 = arith.addi %mul3A_281, %add3A_289 : i32
      %get3A_291 = arith.index_cast %add3A_290 : i32 to index
      %get3A_292 = tpu.vector_load %arg6[%get3A_291] {strides = array<i32>} : memref<8192xf32, #tpu.memory_space<vmem>>, vector<16xf32>,
      %abs3A_293 = math.absf %get3A_292 : vector<16xf32>
      %max3A_294 = arith.maximumf %max3A_288, %abs3A_293 : vector<16xf32>
      %add3A_295 = arith.constant 32 : i32
      %add3A_296 = arith.addi %mul3A_281, %add3A_295 : i32
      %get3A_297 = arith.index_cast %add3A_296 : i32 to index
      %get3A_298 = tpu.vector_load %arg6[%get3A_297] {strides = array<i32>} : memref<8192xf32, #tpu.memory_space<vmem>>, vector<16xf32>,
      %abs3A_299 = math.absf %get3A_298 : vector<16xf32>
      %max3A_300 = arith.maximumf %max3A_294, %abs3A_299 : vector<16xf32>
      %add3A_301 = arith.constant 48 : i32
      %add3A_302 = arith.addi %mul3A_281, %add3A_301 : i32
      %get3A_303 = arith.index_cast %add3A_302 : i32 to index
      %get3A_304 = tpu.vector_load %arg6[%get3A_303] {strides = array<i32>} : memref<8192xf32, #tpu.memory_space<vmem>>, vector<16xf32>,
      %abs3A_305 = math.absf %get3A_304 : vector<16xf32>
      %max3A_306 = arith.maximumf %max3A_300, %abs3A_305 : vector<16xf32>
      %add3A_307 = arith.constant 64 : i32
      %add3A_308 = arith.addi %mul3A_281, %add3A_307 : i32
      %get3A_309 = arith.index_cast %add3A_308 : i32 to index
      %get3A_310 = tpu.vector_load %arg6[%get3A_309] {strides = array<i32>} : memref<8192xf32, #tpu.memory_space<vmem>>, vector<16xf32>,
      %abs3A_311 = math.absf %get3A_310 : vector<16xf32>
      %max3A_312 = arith.maximumf %max3A_306, %abs3A_311 : vector<16xf32>
      %add3A_313 = arith.constant 80 : i32
      %add3A_314 = arith.addi %mul3A_281, %add3A_313 : i32
      %get3A_315 = arith.index_cast %add3A_314 : i32 to index
      %get3A_316 = tpu.vector_load %arg6[%get3A_315] {strides = array<i32>} : memref<8192xf32, #tpu.memory_space<vmem>>, vector<16xf32>,
      %abs3A_317 = math.absf %get3A_316 : vector<16xf32>
      %max3A_318 = arith.maximumf %max3A_312, %abs3A_317 : vector<16xf32>
      %add3A_319 = arith.constant 96 : i32
      %add3A_320 = arith.addi %mul3A_281, %add3A_319 : i32
      %get3A_321 = arith.index_cast %add3A_320 : i32 to index
      %get3A_322 = tpu.vector_load %arg6[%get3A_321] {strides = array<i32>} : memref<8192xf32, #tpu.memory_space<vmem>>, vector<16xf32>,
      %abs3A_323 = math.absf %get3A_322 : vector<16xf32>
      %max3A_324 = arith.maximumf %max3A_318, %abs3A_323 : vector<16xf32>
      %add3A_325 = arith.constant 112 : i32
      %add3A_326 = arith.addi %mul3A_281, %add3A_325 : i32
      %get3A_327 = arith.index_cast %add3A_326 : i32 to index
      %get3A_328 = tpu.vector_load %arg6[%get3A_327] {strides = array<i32>} : memref<8192xf32, #tpu.memory_space<vmem>>, vector<16xf32>,
      %abs3A_329 = math.absf %get3A_328 : vector<16xf32>
      %max3A_330 = arith.maximumf %max3A_324, %abs3A_329 : vector<16xf32>
      %reduce_max3A = arith.constant true
      %reduce_max3A_331 = vector.broadcast %reduce_max3A : i1 to vector<16xi1>
      %reduce_max3A_332 = tpu.scan <max>, %max3A_330 masked %reduce_max3A_331 : vector<16xf32>, vector<16xi1> -> vector<16xf32>
      %reduce_max3A_333 = vector.extract %reduce_max3A_332[15] : f32 from vector<16xf32>
      %broadcast_in_dim3A_334 = vector.broadcast %add3A_279 : i32 to vector<16xi32>
      %broadcast_in_dim3A_335 = vector.broadcast %reduce_max3A_333 : f32 to vector<16xf32>
      %eq3A = arith.constant 0 : i32
      %eq3A_336 = vector.broadcast %eq3A : i32 to vector<16xi32>
      %eq3A_337 = arith.cmpi eq, %iota3A, %eq3A_336 : vector<16xi32>
      tpu.vector_store_idx %arg8[%broadcast_in_dim3A_334], %broadcast_in_dim3A_335 masked %eq3A_337 : memref<64xf32, #tpu.memory_space<vmem>>[vector<16xi32>], vector<16xf32>, vector<16xi1>
      %mul3A_338 = arith.constant 6 : i32
      %mul3A_339 = arith.muli %add3A_275, %mul3A_338 : i32
      %add3A_340 = arith.constant 1 : i32
      %add3A_341 = arith.addi %mul3A_339, %add3A_340 : i32
      %mul3A_342 = arith.constant 128 : i32
      %mul3A_343 = arith.muli %add3A_341, %mul3A_342 : i32
      %broadcast_in_dim3A_344 = arith.constant -1.000000e+00 : f32
      %broadcast_in_dim3A_345 = vector.broadcast %broadcast_in_dim3A_344 : f32 to vector<16xf32>
      %add3A_346 = arith.constant 0 : i32
      %add3A_347 = arith.addi %mul3A_343, %add3A_346 : i32
      %get3A_348 = arith.index_cast %add3A_347 : i32 to index
      %get3A_349 = tpu.vector_load %arg6[%get3A_348] {strides = array<i32>} : memref<8192xf32, #tpu.memory_space<vmem>>, vector<16xf32>,
      %abs3A_350 = math.absf %get3A_349 : vector<16xf32>
      %max3A_351 = arith.maximumf %broadcast_in_dim3A_345, %abs3A_350 : vector<16xf32>
      %add3A_352 = arith.constant 16 : i32
      %add3A_353 = arith.addi %mul3A_343, %add3A_352 : i32
      %get3A_354 = arith.index_cast %add3A_353 : i32 to index
      %get3A_355 = tpu.vector_load %arg6[%get3A_354] {strides = array<i32>} : memref<8192xf32, #tpu.memory_space<vmem>>, vector<16xf32>,
      %abs3A_356 = math.absf %get3A_355 : vector<16xf32>
      %max3A_357 = arith.maximumf %max3A_351, %abs3A_356 : vector<16xf32>
      %add3A_358 = arith.constant 32 : i32
      %add3A_359 = arith.addi %mul3A_343, %add3A_358 : i32
      %get3A_360 = arith.index_cast %add3A_359 : i32 to index
      %get3A_361 = tpu.vector_load %arg6[%get3A_360] {strides = array<i32>} : memref<8192xf32, #tpu.memory_space<vmem>>, vector<16xf32>,
      %abs3A_362 = math.absf %get3A_361 : vector<16xf32>
      %max3A_363 = arith.maximumf %max3A_357, %abs3A_362 : vector<16xf32>
      %add3A_364 = arith.constant 48 : i32
      %add3A_365 = arith.addi %mul3A_343, %add3A_364 : i32
      %get3A_366 = arith.index_cast %add3A_365 : i32 to index
      %get3A_367 = tpu.vector_load %arg6[%get3A_366] {strides = array<i32>} : memref<8192xf32, #tpu.memory_space<vmem>>, vector<16xf32>,
      %abs3A_368 = math.absf %get3A_367 : vector<16xf32>
      %max3A_369 = arith.maximumf %max3A_363, %abs3A_368 : vector<16xf32>
      %add3A_370 = arith.constant 64 : i32
      %add3A_371 = arith.addi %mul3A_343, %add3A_370 : i32
      %get3A_372 = arith.index_cast %add3A_371 : i32 to index
      %get3A_373 = tpu.vector_load %arg6[%get3A_372] {strides = array<i32>} : memref<8192xf32, #tpu.memory_space<vmem>>, vector<16xf32>,
      %abs3A_374 = math.absf %get3A_373 : vector<16xf32>
      %max3A_375 = arith.maximumf %max3A_369, %abs3A_374 : vector<16xf32>
      %add3A_376 = arith.constant 80 : i32
      %add3A_377 = arith.addi %mul3A_343, %add3A_376 : i32
      %get3A_378 = arith.index_cast %add3A_377 : i32 to index
      %get3A_379 = tpu.vector_load %arg6[%get3A_378] {strides = array<i32>} : memref<8192xf32, #tpu.memory_space<vmem>>, vector<16xf32>,
      %abs3A_380 = math.absf %get3A_379 : vector<16xf32>
      %max3A_381 = arith.maximumf %max3A_375, %abs3A_380 : vector<16xf32>
      %add3A_382 = arith.constant 96 : i32
      %add3A_383 = arith.addi %mul3A_343, %add3A_382 : i32
      %get3A_384 = arith.index_cast %add3A_383 : i32 to index
      %get3A_385 = tpu.vector_load %arg6[%get3A_384] {strides = array<i32>} : memref<8192xf32, #tpu.memory_space<vmem>>, vector<16xf32>,
      %abs3A_386 = math.absf %get3A_385 : vector<16xf32>
      %max3A_387 = arith.maximumf %max3A_381, %abs3A_386 : vector<16xf32>
      %add3A_388 = arith.constant 112 : i32
      %add3A_389 = arith.addi %mul3A_343, %add3A_388 : i32
      %get3A_390 = arith.index_cast %add3A_389 : i32 to index
      %get3A_391 = tpu.vector_load %arg6[%get3A_390] {strides = array<i32>} : memref<8192xf32, #tpu.memory_space<vmem>>, vector<16xf32>,
      %abs3A_392 = math.absf %get3A_391 : vector<16xf32>
      %max3A_393 = arith.maximumf %max3A_387, %abs3A_392 : vector<16xf32>
      %reduce_max3A_394 = arith.constant true
      %reduce_max3A_395 = vector.broadcast %reduce_max3A_394 : i1 to vector<16xi1>
      %reduce_max3A_396 = tpu.scan <max>, %max3A_393 masked %reduce_max3A_395 : vector<16xf32>, vector<16xi1> -> vector<16xf32>
      %reduce_max3A_397 = vector.extract %reduce_max3A_396[15] : f32 from vector<16xf32>
      %broadcast_in_dim3A_398 = vector.broadcast %add3A_341 : i32 to vector<16xi32>
      %broadcast_in_dim3A_399 = vector.broadcast %reduce_max3A_397 : f32 to vector<16xf32>
      %eq3A_400 = arith.constant 0 : i32
      %eq3A_401 = vector.broadcast %eq3A_400 : i32 to vector<16xi32>
      %eq3A_402 = arith.cmpi eq, %iota3A, %eq3A_401 : vector<16xi32>
      tpu.vector_store_idx %arg8[%broadcast_in_dim3A_398], %broadcast_in_dim3A_399 masked %eq3A_402 : memref<64xf32, #tpu.memory_space<vmem>>[vector<16xi32>], vector<16xf32>, vector<16xi1>
      %mul3A_403 = arith.constant 6 : i32
      %mul3A_404 = arith.muli %add3A_275, %mul3A_403 : i32
      %add3A_405 = arith.constant 2 : i32
      %add3A_406 = arith.addi %mul3A_404, %add3A_405 : i32
      %mul3A_407 = arith.constant 128 : i32
      %mul3A_408 = arith.muli %add3A_406, %mul3A_407 : i32
      %broadcast_in_dim3A_409 = arith.constant -1.000000e+00 : f32
      %broadcast_in_dim3A_410 = vector.broadcast %broadcast_in_dim3A_409 : f32 to vector<16xf32>
      %add3A_411 = arith.constant 0 : i32
      %add3A_412 = arith.addi %mul3A_408, %add3A_411 : i32
      %get3A_413 = arith.index_cast %add3A_412 : i32 to index
      %get3A_414 = tpu.vector_load %arg6[%get3A_413] {strides = array<i32>} : memref<8192xf32, #tpu.memory_space<vmem>>, vector<16xf32>,
      %abs3A_415 = math.absf %get3A_414 : vector<16xf32>
      %max3A_416 = arith.maximumf %broadcast_in_dim3A_410, %abs3A_415 : vector<16xf32>
      %add3A_417 = arith.constant 16 : i32
      %add3A_418 = arith.addi %mul3A_408, %add3A_417 : i32
      %get3A_419 = arith.index_cast %add3A_418 : i32 to index
      %get3A_420 = tpu.vector_load %arg6[%get3A_419] {strides = array<i32>} : memref<8192xf32, #tpu.memory_space<vmem>>, vector<16xf32>,
      %abs3A_421 = math.absf %get3A_420 : vector<16xf32>
      %max3A_422 = arith.maximumf %max3A_416, %abs3A_421 : vector<16xf32>
      %add3A_423 = arith.constant 32 : i32
      %add3A_424 = arith.addi %mul3A_408, %add3A_423 : i32
      %get3A_425 = arith.index_cast %add3A_424 : i32 to index
      %get3A_426 = tpu.vector_load %arg6[%get3A_425] {strides = array<i32>} : memref<8192xf32, #tpu.memory_space<vmem>>, vector<16xf32>,
      %abs3A_427 = math.absf %get3A_426 : vector<16xf32>
      %max3A_428 = arith.maximumf %max3A_422, %abs3A_427 : vector<16xf32>
      %add3A_429 = arith.constant 48 : i32
      %add3A_430 = arith.addi %mul3A_408, %add3A_429 : i32
      %get3A_431 = arith.index_cast %add3A_430 : i32 to index
      %get3A_432 = tpu.vector_load %arg6[%get3A_431] {strides = array<i32>} : memref<8192xf32, #tpu.memory_space<vmem>>, vector<16xf32>,
      %abs3A_433 = math.absf %get3A_432 : vector<16xf32>
      %max3A_434 = arith.maximumf %max3A_428, %abs3A_433 : vector<16xf32>
      %add3A_435 = arith.constant 64 : i32
      %add3A_436 = arith.addi %mul3A_408, %add3A_435 : i32
      %get3A_437 = arith.index_cast %add3A_436 : i32 to index
      %get3A_438 = tpu.vector_load %arg6[%get3A_437] {strides = array<i32>} : memref<8192xf32, #tpu.memory_space<vmem>>, vector<16xf32>,
      %abs3A_439 = math.absf %get3A_438 : vector<16xf32>
      %max3A_440 = arith.maximumf %max3A_434, %abs3A_439 : vector<16xf32>
      %add3A_441 = arith.constant 80 : i32
      %add3A_442 = arith.addi %mul3A_408, %add3A_441 : i32
      %get3A_443 = arith.index_cast %add3A_442 : i32 to index
      %get3A_444 = tpu.vector_load %arg6[%get3A_443] {strides = array<i32>} : memref<8192xf32, #tpu.memory_space<vmem>>, vector<16xf32>,
      %abs3A_445 = math.absf %get3A_444 : vector<16xf32>
      %max3A_446 = arith.maximumf %max3A_440, %abs3A_445 : vector<16xf32>
      %add3A_447 = arith.constant 96 : i32
      %add3A_448 = arith.addi %mul3A_408, %add3A_447 : i32
      %get3A_449 = arith.index_cast %add3A_448 : i32 to index
      %get3A_450 = tpu.vector_load %arg6[%get3A_449] {strides = array<i32>} : memref<8192xf32, #tpu.memory_space<vmem>>, vector<16xf32>,
      %abs3A_451 = math.absf %get3A_450 : vector<16xf32>
      %max3A_452 = arith.maximumf %max3A_446, %abs3A_451 : vector<16xf32>
      %add3A_453 = arith.constant 112 : i32
      %add3A_454 = arith.addi %mul3A_408, %add3A_453 : i32
      %get3A_455 = arith.index_cast %add3A_454 : i32 to index
      %get3A_456 = tpu.vector_load %arg6[%get3A_455] {strides = array<i32>} : memref<8192xf32, #tpu.memory_space<vmem>>, vector<16xf32>,
      %abs3A_457 = math.absf %get3A_456 : vector<16xf32>
      %max3A_458 = arith.maximumf %max3A_452, %abs3A_457 : vector<16xf32>
      %reduce_max3A_459 = arith.constant true
      %reduce_max3A_460 = vector.broadcast %reduce_max3A_459 : i1 to vector<16xi1>
      %reduce_max3A_461 = tpu.scan <max>, %max3A_458 masked %reduce_max3A_460 : vector<16xf32>, vector<16xi1> -> vector<16xf32>
      %reduce_max3A_462 = vector.extract %reduce_max3A_461[15] : f32 from vector<16xf32>
      %broadcast_in_dim3A_463 = vector.broadcast %add3A_406 : i32 to vector<16xi32>
      %broadcast_in_dim3A_464 = vector.broadcast %reduce_max3A_462 : f32 to vector<16xf32>
      %eq3A_465 = arith.constant 0 : i32
      %eq3A_466 = vector.broadcast %eq3A_465 : i32 to vector<16xi32>
      %eq3A_467 = arith.cmpi eq, %iota3A, %eq3A_466 : vector<16xi32>
      tpu.vector_store_idx %arg8[%broadcast_in_dim3A_463], %broadcast_in_dim3A_464 masked %eq3A_467 : memref<64xf32, #tpu.memory_space<vmem>>[vector<16xi32>], vector<16xf32>, vector<16xi1>
      %mul3A_468 = arith.constant 6 : i32
      %mul3A_469 = arith.muli %add3A_275, %mul3A_468 : i32
      %add3A_470 = arith.constant 3 : i32
      %add3A_471 = arith.addi %mul3A_469, %add3A_470 : i32
      %mul3A_472 = arith.constant 128 : i32
      %mul3A_473 = arith.muli %add3A_471, %mul3A_472 : i32
      %broadcast_in_dim3A_474 = arith.constant -1.000000e+00 : f32
      %broadcast_in_dim3A_475 = vector.broadcast %broadcast_in_dim3A_474 : f32 to vector<16xf32>
      %add3A_476 = arith.constant 0 : i32
      %add3A_477 = arith.addi %mul3A_473, %add3A_476 : i32
      %get3A_478 = arith.index_cast %add3A_477 : i32 to index
      %get3A_479 = tpu.vector_load %arg6[%get3A_478] {strides = array<i32>} : memref<8192xf32, #tpu.memory_space<vmem>>, vector<16xf32>,
      %abs3A_480 = math.absf %get3A_479 : vector<16xf32>
      %max3A_481 = arith.maximumf %broadcast_in_dim3A_475, %abs3A_480 : vector<16xf32>
      %add3A_482 = arith.constant 16 : i32
      %add3A_483 = arith.addi %mul3A_473, %add3A_482 : i32
      %get3A_484 = arith.index_cast %add3A_483 : i32 to index
      %get3A_485 = tpu.vector_load %arg6[%get3A_484] {strides = array<i32>} : memref<8192xf32, #tpu.memory_space<vmem>>, vector<16xf32>,
      %abs3A_486 = math.absf %get3A_485 : vector<16xf32>
      %max3A_487 = arith.maximumf %max3A_481, %abs3A_486 : vector<16xf32>
      %add3A_488 = arith.constant 32 : i32
      %add3A_489 = arith.addi %mul3A_473, %add3A_488 : i32
      %get3A_490 = arith.index_cast %add3A_489 : i32 to index
      %get3A_491 = tpu.vector_load %arg6[%get3A_490] {strides = array<i32>} : memref<8192xf32, #tpu.memory_space<vmem>>, vector<16xf32>,
      %abs3A_492 = math.absf %get3A_491 : vector<16xf32>
      %max3A_493 = arith.maximumf %max3A_487, %abs3A_492 : vector<16xf32>
      %add3A_494 = arith.constant 48 : i32
      %add3A_495 = arith.addi %mul3A_473, %add3A_494 : i32
      %get3A_496 = arith.index_cast %add3A_495 : i32 to index
      %get3A_497 = tpu.vector_load %arg6[%get3A_496] {strides = array<i32>} : memref<8192xf32, #tpu.memory_space<vmem>>, vector<16xf32>,
      %abs3A_498 = math.absf %get3A_497 : vector<16xf32>
      %max3A_499 = arith.maximumf %max3A_493, %abs3A_498 : vector<16xf32>
      %add3A_500 = arith.constant 64 : i32
      %add3A_501 = arith.addi %mul3A_473, %add3A_500 : i32
      %get3A_502 = arith.index_cast %add3A_501 : i32 to index
      %get3A_503 = tpu.vector_load %arg6[%get3A_502] {strides = array<i32>} : memref<8192xf32, #tpu.memory_space<vmem>>, vector<16xf32>,
      %abs3A_504 = math.absf %get3A_503 : vector<16xf32>
      %max3A_505 = arith.maximumf %max3A_499, %abs3A_504 : vector<16xf32>
      %add3A_506 = arith.constant 80 : i32
      %add3A_507 = arith.addi %mul3A_473, %add3A_506 : i32
      %get3A_508 = arith.index_cast %add3A_507 : i32 to index
      %get3A_509 = tpu.vector_load %arg6[%get3A_508] {strides = array<i32>} : memref<8192xf32, #tpu.memory_space<vmem>>, vector<16xf32>,
      %abs3A_510 = math.absf %get3A_509 : vector<16xf32>
      %max3A_511 = arith.maximumf %max3A_505, %abs3A_510 : vector<16xf32>
      %add3A_512 = arith.constant 96 : i32
      %add3A_513 = arith.addi %mul3A_473, %add3A_512 : i32
      %get3A_514 = arith.index_cast %add3A_513 : i32 to index
      %get3A_515 = tpu.vector_load %arg6[%get3A_514] {strides = array<i32>} : memref<8192xf32, #tpu.memory_space<vmem>>, vector<16xf32>,
      %abs3A_516 = math.absf %get3A_515 : vector<16xf32>
      %max3A_517 = arith.maximumf %max3A_511, %abs3A_516 : vector<16xf32>
      %add3A_518 = arith.constant 112 : i32
      %add3A_519 = arith.addi %mul3A_473, %add3A_518 : i32
      %get3A_520 = arith.index_cast %add3A_519 : i32 to index
      %get3A_521 = tpu.vector_load %arg6[%get3A_520] {strides = array<i32>} : memref<8192xf32, #tpu.memory_space<vmem>>, vector<16xf32>,
      %abs3A_522 = math.absf %get3A_521 : vector<16xf32>
      %max3A_523 = arith.maximumf %max3A_517, %abs3A_522 : vector<16xf32>
      %reduce_max3A_524 = arith.constant true
      %reduce_max3A_525 = vector.broadcast %reduce_max3A_524 : i1 to vector<16xi1>
      %reduce_max3A_526 = tpu.scan <max>, %max3A_523 masked %reduce_max3A_525 : vector<16xf32>, vector<16xi1> -> vector<16xf32>
      %reduce_max3A_527 = vector.extract %reduce_max3A_526[15] : f32 from vector<16xf32>
      %broadcast_in_dim3A_528 = vector.broadcast %add3A_471 : i32 to vector<16xi32>
      %broadcast_in_dim3A_529 = vector.broadcast %reduce_max3A_527 : f32 to vector<16xf32>
      %eq3A_530 = arith.constant 0 : i32
      %eq3A_531 = vector.broadcast %eq3A_530 : i32 to vector<16xi32>
      %eq3A_532 = arith.cmpi eq, %iota3A, %eq3A_531 : vector<16xi32>
      tpu.vector_store_idx %arg8[%broadcast_in_dim3A_528], %broadcast_in_dim3A_529 masked %eq3A_532 : memref<64xf32, #tpu.memory_space<vmem>>[vector<16xi32>], vector<16xf32>, vector<16xi1>
      %mul3A_533 = arith.constant 6 : i32
      %mul3A_534 = arith.muli %add3A_275, %mul3A_533 : i32
      %add3A_535 = arith.constant 4 : i32
      %add3A_536 = arith.addi %mul3A_534, %add3A_535 : i32
      %mul3A_537 = arith.constant 128 : i32
      %mul3A_538 = arith.muli %add3A_536, %mul3A_537 : i32
      %broadcast_in_dim3A_539 = arith.constant -1.000000e+00 : f32
      %broadcast_in_dim3A_540 = vector.broadcast %broadcast_in_dim3A_539 : f32 to vector<16xf32>
      %add3A_541 = arith.constant 0 : i32
      %add3A_542 = arith.addi %mul3A_538, %add3A_541 : i32
      %get3A_543 = arith.index_cast %add3A_542 : i32 to index
      %get3A_544 = tpu.vector_load %arg6[%get3A_543] {strides = array<i32>} : memref<8192xf32, #tpu.memory_space<vmem>>, vector<16xf32>,
      %abs3A_545 = math.absf %get3A_544 : vector<16xf32>
      %max3A_546 = arith.maximumf %broadcast_in_dim3A_540, %abs3A_545 : vector<16xf32>
      %add3A_547 = arith.constant 16 : i32
      %add3A_548 = arith.addi %mul3A_538, %add3A_547 : i32
      %get3A_549 = arith.index_cast %add3A_548 : i32 to index
      %get3A_550 = tpu.vector_load %arg6[%get3A_549] {strides = array<i32>} : memref<8192xf32, #tpu.memory_space<vmem>>, vector<16xf32>,
      %abs3A_551 = math.absf %get3A_550 : vector<16xf32>
      %max3A_552 = arith.maximumf %max3A_546, %abs3A_551 : vector<16xf32>
      %add3A_553 = arith.constant 32 : i32
      %add3A_554 = arith.addi %mul3A_538, %add3A_553 : i32
      %get3A_555 = arith.index_cast %add3A_554 : i32 to index
      %get3A_556 = tpu.vector_load %arg6[%get3A_555] {strides = array<i32>} : memref<8192xf32, #tpu.memory_space<vmem>>, vector<16xf32>,
      %abs3A_557 = math.absf %get3A_556 : vector<16xf32>
      %max3A_558 = arith.maximumf %max3A_552, %abs3A_557 : vector<16xf32>
      %add3A_559 = arith.constant 48 : i32
      %add3A_560 = arith.addi %mul3A_538, %add3A_559 : i32
      %get3A_561 = arith.index_cast %add3A_560 : i32 to index
      %get3A_562 = tpu.vector_load %arg6[%get3A_561] {strides = array<i32>} : memref<8192xf32, #tpu.memory_space<vmem>>, vector<16xf32>,
      %abs3A_563 = math.absf %get3A_562 : vector<16xf32>
      %max3A_564 = arith.maximumf %max3A_558, %abs3A_563 : vector<16xf32>
      %add3A_565 = arith.constant 64 : i32
      %add3A_566 = arith.addi %mul3A_538, %add3A_565 : i32
      %get3A_567 = arith.index_cast %add3A_566 : i32 to index
      %get3A_568 = tpu.vector_load %arg6[%get3A_567] {strides = array<i32>} : memref<8192xf32, #tpu.memory_space<vmem>>, vector<16xf32>,
      %abs3A_569 = math.absf %get3A_568 : vector<16xf32>
      %max3A_570 = arith.maximumf %max3A_564, %abs3A_569 : vector<16xf32>
      %add3A_571 = arith.constant 80 : i32
      %add3A_572 = arith.addi %mul3A_538, %add3A_571 : i32
      %get3A_573 = arith.index_cast %add3A_572 : i32 to index
      %get3A_574 = tpu.vector_load %arg6[%get3A_573] {strides = array<i32>} : memref<8192xf32, #tpu.memory_space<vmem>>, vector<16xf32>,
      %abs3A_575 = math.absf %get3A_574 : vector<16xf32>
      %max3A_576 = arith.maximumf %max3A_570, %abs3A_575 : vector<16xf32>
      %add3A_577 = arith.constant 96 : i32
      %add3A_578 = arith.addi %mul3A_538, %add3A_577 : i32
      %get3A_579 = arith.index_cast %add3A_578 : i32 to index
      %get3A_580 = tpu.vector_load %arg6[%get3A_579] {strides = array<i32>} : memref<8192xf32, #tpu.memory_space<vmem>>, vector<16xf32>,
      %abs3A_581 = math.absf %get3A_580 : vector<16xf32>
      %max3A_582 = arith.maximumf %max3A_576, %abs3A_581 : vector<16xf32>
      %add3A_583 = arith.constant 112 : i32
      %add3A_584 = arith.addi %mul3A_538, %add3A_583 : i32
      %get3A_585 = arith.index_cast %add3A_584 : i32 to index
      %get3A_586 = tpu.vector_load %arg6[%get3A_585] {strides = array<i32>} : memref<8192xf32, #tpu.memory_space<vmem>>, vector<16xf32>,
      %abs3A_587 = math.absf %get3A_586 : vector<16xf32>
      %max3A_588 = arith.maximumf %max3A_582, %abs3A_587 : vector<16xf32>
      %reduce_max3A_589 = arith.constant true
      %reduce_max3A_590 = vector.broadcast %reduce_max3A_589 : i1 to vector<16xi1>
      %reduce_max3A_591 = tpu.scan <max>, %max3A_588 masked %reduce_max3A_590 : vector<16xf32>, vector<16xi1> -> vector<16xf32>
      %reduce_max3A_592 = vector.extract %reduce_max3A_591[15] : f32 from vector<16xf32>
      %broadcast_in_dim3A_593 = vector.broadcast %add3A_536 : i32 to vector<16xi32>
      %broadcast_in_dim3A_594 = vector.broadcast %reduce_max3A_592 : f32 to vector<16xf32>
      %eq3A_595 = arith.constant 0 : i32
      %eq3A_596 = vector.broadcast %eq3A_595 : i32 to vector<16xi32>
      %eq3A_597 = arith.cmpi eq, %iota3A, %eq3A_596 : vector<16xi32>
      tpu.vector_store_idx %arg8[%broadcast_in_dim3A_593], %broadcast_in_dim3A_594 masked %eq3A_597 : memref<64xf32, #tpu.memory_space<vmem>>[vector<16xi32>], vector<16xf32>, vector<16xi1>
      %mul3A_598 = arith.constant 6 : i32
      %mul3A_599 = arith.muli %add3A_275, %mul3A_598 : i32
      %add3A_600 = arith.constant 5 : i32
      %add3A_601 = arith.addi %mul3A_599, %add3A_600 : i32
      %mul3A_602 = arith.constant 128 : i32
      %mul3A_603 = arith.muli %add3A_601, %mul3A_602 : i32
      %broadcast_in_dim3A_604 = arith.constant -1.000000e+00 : f32
      %broadcast_in_dim3A_605 = vector.broadcast %broadcast_in_dim3A_604 : f32 to vector<16xf32>
      %add3A_606 = arith.constant 0 : i32
      %add3A_607 = arith.addi %mul3A_603, %add3A_606 : i32
      %get3A_608 = arith.index_cast %add3A_607 : i32 to index
      %get3A_609 = tpu.vector_load %arg6[%get3A_608] {strides = array<i32>} : memref<8192xf32, #tpu.memory_space<vmem>>, vector<16xf32>,
      %abs3A_610 = math.absf %get3A_609 : vector<16xf32>
      %max3A_611 = arith.maximumf %broadcast_in_dim3A_605, %abs3A_610 : vector<16xf32>
      %add3A_612 = arith.constant 16 : i32
      %add3A_613 = arith.addi %mul3A_603, %add3A_612 : i32
      %get3A_614 = arith.index_cast %add3A_613 : i32 to index
      %get3A_615 = tpu.vector_load %arg6[%get3A_614] {strides = array<i32>} : memref<8192xf32, #tpu.memory_space<vmem>>, vector<16xf32>,
      %abs3A_616 = math.absf %get3A_615 : vector<16xf32>
      %max3A_617 = arith.maximumf %max3A_611, %abs3A_616 : vector<16xf32>
      %add3A_618 = arith.constant 32 : i32
      %add3A_619 = arith.addi %mul3A_603, %add3A_618 : i32
      %get3A_620 = arith.index_cast %add3A_619 : i32 to index
      %get3A_621 = tpu.vector_load %arg6[%get3A_620] {strides = array<i32>} : memref<8192xf32, #tpu.memory_space<vmem>>, vector<16xf32>,
      %abs3A_622 = math.absf %get3A_621 : vector<16xf32>
      %max3A_623 = arith.maximumf %max3A_617, %abs3A_622 : vector<16xf32>
      %add3A_624 = arith.constant 48 : i32
      %add3A_625 = arith.addi %mul3A_603, %add3A_624 : i32
      %get3A_626 = arith.index_cast %add3A_625 : i32 to index
      %get3A_627 = tpu.vector_load %arg6[%get3A_626] {strides = array<i32>} : memref<8192xf32, #tpu.memory_space<vmem>>, vector<16xf32>,
      %abs3A_628 = math.absf %get3A_627 : vector<16xf32>
      %max3A_629 = arith.maximumf %max3A_623, %abs3A_628 : vector<16xf32>
      %add3A_630 = arith.constant 64 : i32
      %add3A_631 = arith.addi %mul3A_603, %add3A_630 : i32
      %get3A_632 = arith.index_cast %add3A_631 : i32 to index
      %get3A_633 = tpu.vector_load %arg6[%get3A_632] {strides = array<i32>} : memref<8192xf32, #tpu.memory_space<vmem>>, vector<16xf32>,
      %abs3A_634 = math.absf %get3A_633 : vector<16xf32>
      %max3A_635 = arith.maximumf %max3A_629, %abs3A_634 : vector<16xf32>
      %add3A_636 = arith.constant 80 : i32
      %add3A_637 = arith.addi %mul3A_603, %add3A_636 : i32
      %get3A_638 = arith.index_cast %add3A_637 : i32 to index
      %get3A_639 = tpu.vector_load %arg6[%get3A_638] {strides = array<i32>} : memref<8192xf32, #tpu.memory_space<vmem>>, vector<16xf32>,
      %abs3A_640 = math.absf %get3A_639 : vector<16xf32>
      %max3A_641 = arith.maximumf %max3A_635, %abs3A_640 : vector<16xf32>
      %add3A_642 = arith.constant 96 : i32
      %add3A_643 = arith.addi %mul3A_603, %add3A_642 : i32
      %get3A_644 = arith.index_cast %add3A_643 : i32 to index
      %get3A_645 = tpu.vector_load %arg6[%get3A_644] {strides = array<i32>} : memref<8192xf32, #tpu.memory_space<vmem>>, vector<16xf32>,
      %abs3A_646 = math.absf %get3A_645 : vector<16xf32>
      %max3A_647 = arith.maximumf %max3A_641, %abs3A_646 : vector<16xf32>
      %add3A_648 = arith.constant 112 : i32
      %add3A_649 = arith.addi %mul3A_603, %add3A_648 : i32
      %get3A_650 = arith.index_cast %add3A_649 : i32 to index
      %get3A_651 = tpu.vector_load %arg6[%get3A_650] {strides = array<i32>} : memref<8192xf32, #tpu.memory_space<vmem>>, vector<16xf32>,
      %abs3A_652 = math.absf %get3A_651 : vector<16xf32>
      %max3A_653 = arith.maximumf %max3A_647, %abs3A_652 : vector<16xf32>
      %reduce_max3A_654 = arith.constant true
      %reduce_max3A_655 = vector.broadcast %reduce_max3A_654 : i1 to vector<16xi1>
      %reduce_max3A_656 = tpu.scan <max>, %max3A_653 masked %reduce_max3A_655 : vector<16xf32>, vector<16xi1> -> vector<16xf32>
      %reduce_max3A_657 = vector.extract %reduce_max3A_656[15] : f32 from vector<16xf32>
      %broadcast_in_dim3A_658 = vector.broadcast %add3A_601 : i32 to vector<16xi32>
      %broadcast_in_dim3A_659 = vector.broadcast %reduce_max3A_657 : f32 to vector<16xf32>
      %eq3A_660 = arith.constant 0 : i32
      %eq3A_661 = vector.broadcast %eq3A_660 : i32 to vector<16xi32>
      %eq3A_662 = arith.cmpi eq, %iota3A, %eq3A_661 : vector<16xi32>
      tpu.vector_store_idx %arg8[%broadcast_in_dim3A_658], %broadcast_in_dim3A_659 masked %eq3A_662 : memref<64xf32, #tpu.memory_space<vmem>>[vector<16xi32>], vector<16xf32>, vector<16xi1>
      %get3A_663 = arith.constant 0 : index
      %get3A_664 = tpu.vector_load %arg9[%get3A_663] {strides = array<i32>} : memref<64xf32, #tpu.memory_space<vmem>>, vector<16xf32>,
      %get3A_665 = arith.constant 16 : index
      %get3A_666 = tpu.vector_load %arg9[%get3A_665] {strides = array<i32>} : memref<64xf32, #tpu.memory_space<vmem>>, vector<16xf32>,
      %get3A_667 = arith.constant 32 : index
      %get3A_668 = tpu.vector_load %arg9[%get3A_667] {strides = array<i32>} : memref<64xf32, #tpu.memory_space<vmem>>, vector<16xf32>,
      %get3A_669 = arith.constant 48 : index
      %get3A_670 = tpu.vector_load %arg9[%get3A_669] {strides = array<i32>} : memref<64xf32, #tpu.memory_space<vmem>>, vector<16xf32>,
      %max3A_671 = arith.maximumf %get3A_664, %get3A_666 : vector<16xf32>
      %max3A_672 = arith.maximumf %max3A_671, %get3A_668 : vector<16xf32>
      %max3A_673 = arith.maximumf %max3A_672, %get3A_670 : vector<16xf32>
      %reduce_max3A_674 = arith.constant true
      %reduce_max3A_675 = vector.broadcast %reduce_max3A_674 : i1 to vector<16xi1>
      %reduce_max3A_676 = tpu.scan <max>, %max3A_673 masked %reduce_max3A_675 : vector<16xf32>, vector<16xi1> -> vector<16xf32>
      %reduce_max3A_677 = vector.extract %reduce_max3A_676[15] : f32 from vector<16xf32>
      %broadcast_in_dim3A_678 = arith.constant 1073741824 : i32
      %broadcast_in_dim3A_679 = vector.broadcast %broadcast_in_dim3A_678 : i32 to vector<16xi32>
      %eq3A_680 = vector.broadcast %reduce_max3A_677 : f32 to vector<16xf32>
      %eq3A_681 = arith.cmpf oeq, %get3A_664, %eq3A_680 : vector<16xf32>
      %add3A_682 = arith.constant 0 : i32
      %add3A_683 = vector.broadcast %add3A_682 : i32 to vector<16xi32>
      %add3A_684 = arith.addi %iota3A, %add3A_683 : vector<16xi32>
      %jit3A = arith.constant 1073741824 : i32
      %broadcast_in_dim3A_685 = vector.broadcast %jit3A : i32 to vector<16xi32>
      %select_n3A = arith.select %eq3A_681, %add3A_684, %broadcast_in_dim3A_685 : vector<16xi1>, vector<16xi32>
      %min3A_686 = arith.minsi %broadcast_in_dim3A_679, %select_n3A : vector<16xi32>
      %eq3A_687 = vector.broadcast %reduce_max3A_677 : f32 to vector<16xf32>
      %eq3A_688 = arith.cmpf oeq, %get3A_666, %eq3A_687 : vector<16xf32>
      %add3A_689 = arith.constant 16 : i32
      %add3A_690 = vector.broadcast %add3A_689 : i32 to vector<16xi32>
      %add3A_691 = arith.addi %iota3A, %add3A_690 : vector<16xi32>
      %jit3A_692 = arith.constant 1073741824 : i32
      %broadcast_in_dim3A_693 = vector.broadcast %jit3A_692 : i32 to vector<16xi32>
      %select_n3A_694 = arith.select %eq3A_688, %add3A_691, %broadcast_in_dim3A_693 : vector<16xi1>, vector<16xi32>
      %min3A_695 = arith.minsi %min3A_686, %select_n3A_694 : vector<16xi32>
      %eq3A_696 = vector.broadcast %reduce_max3A_677 : f32 to vector<16xf32>
      %eq3A_697 = arith.cmpf oeq, %get3A_668, %eq3A_696 : vector<16xf32>
      %add3A_698 = arith.constant 32 : i32
      %add3A_699 = vector.broadcast %add3A_698 : i32 to vector<16xi32>
      %add3A_700 = arith.addi %iota3A, %add3A_699 : vector<16xi32>
      %jit3A_701 = arith.constant 1073741824 : i32
      %broadcast_in_dim3A_702 = vector.broadcast %jit3A_701 : i32 to vector<16xi32>
      %select_n3A_703 = arith.select %eq3A_697, %add3A_700, %broadcast_in_dim3A_702 : vector<16xi1>, vector<16xi32>
      %min3A_704 = arith.minsi %min3A_695, %select_n3A_703 : vector<16xi32>
      %eq3A_705 = vector.broadcast %reduce_max3A_677 : f32 to vector<16xf32>
      %eq3A_706 = arith.cmpf oeq, %get3A_670, %eq3A_705 : vector<16xf32>
      %add3A_707 = arith.constant 48 : i32
      %add3A_708 = vector.broadcast %add3A_707 : i32 to vector<16xi32>
      %add3A_709 = arith.addi %iota3A, %add3A_708 : vector<16xi32>
      %jit3A_710 = arith.constant 1073741824 : i32
      %broadcast_in_dim3A_711 = vector.broadcast %jit3A_710 : i32 to vector<16xi32>
      %select_n3A_712 = arith.select %eq3A_706, %add3A_709, %broadcast_in_dim3A_711 : vector<16xi1>, vector<16xi32>
      %min3A_713 = arith.minsi %min3A_704, %select_n3A_712 : vector<16xi32>
      %reduce_min3A = arith.constant true
      %reduce_min3A_714 = vector.broadcast %reduce_min3A : i1 to vector<16xi1>
      %reduce_min3A_715 = arith.constant -2147483648 : i32
      %reduce_min3A_716 = vector.broadcast %reduce_min3A_715 : i32 to vector<16xi32>
      %reduce_min3A_717 = arith.xori %min3A_713, %reduce_min3A_716 : vector<16xi32>
      %reduce_min3A_718 = tpu.scan <min>, %reduce_min3A_717 masked %reduce_min3A_714 : vector<16xi32>, vector<16xi1> -> vector<16xi32>
      %reduce_min3A_719 = arith.xori %reduce_min3A_718, %reduce_min3A_716 : vector<16xi32>
      %reduce_min3A_720 = vector.extract %reduce_min3A_719[15] : i32 from vector<16xi32>
      %mul3A_721 = arith.constant 128 : i32
      %mul3A_722 = arith.muli %reduce_min3A_720, %mul3A_721 : i32
      %broadcast_in_dim3A_723 = arith.constant 1073741824 : i32
      %broadcast_in_dim3A_724 = vector.broadcast %broadcast_in_dim3A_723 : i32 to vector<16xi32>
      %broadcast_in_dim3A_725 = arith.constant 0 : i32
      %broadcast_in_dim3A_726 = vector.broadcast %broadcast_in_dim3A_725 : i32 to vector<16xi32>
      %broadcast_in_dim3A_727 = arith.constant -1.000000e+00 : f32
      %broadcast_in_dim3A_728 = vector.broadcast %broadcast_in_dim3A_727 : f32 to vector<16xf32>
      %add3A_729 = arith.constant 0 : i32
      %add3A_730 = arith.addi %mul3A_722, %add3A_729 : i32
      %get3A_731 = arith.index_cast %add3A_730 : i32 to index
      %get3A_732 = tpu.vector_load %arg5[%get3A_731] {strides = array<i32>} : memref<8192xf32, #tpu.memory_space<vmem>>, vector<16xf32>,
      %abs3A_733 = math.absf %get3A_732 : vector<16xf32>
      %eq3A_734 = vector.broadcast %reduce_max3A_677 : f32 to vector<16xf32>
      %eq3A_735 = arith.cmpf oeq, %abs3A_733, %eq3A_734 : vector<16xf32>
      %add3A_736 = arith.constant 0 : i32
      %add3A_737 = arith.addi %mul3A_722, %add3A_736 : i32
      %add3A_738 = vector.broadcast %add3A_737 : i32 to vector<16xi32>
      %add3A_739 = arith.addi %add3A_738, %iota3A : vector<16xi32>
      %jit3A_740 = arith.constant 1073741824 : i32
      %broadcast_in_dim3A_741 = vector.broadcast %jit3A_740 : i32 to vector<16xi32>
      %select_n3A_742 = arith.select %eq3A_735, %add3A_739, %broadcast_in_dim3A_741 : vector<16xi1>, vector<16xi32>
      %min3A_743 = arith.minsi %broadcast_in_dim3A_724, %select_n3A_742 : vector<16xi32>
      %convert_element_type3A = arith.extui %eq3A_735 : vector<16xi1> to vector<16xi32>
      %add3A_744 = arith.addi %broadcast_in_dim3A_726, %convert_element_type3A : vector<16xi32>
      %jit3A_745 = arith.constant -1.000000e+00 : f32
      %broadcast_in_dim3A_746 = vector.broadcast %jit3A_745 : f32 to vector<16xf32>
      %select_n3A_747 = arith.select %eq3A_735, %broadcast_in_dim3A_746, %abs3A_733 : vector<16xi1>, vector<16xf32>
      %gt3A = arith.cmpf ogt, %select_n3A_747, %broadcast_in_dim3A_728 : vector<16xf32>
      %select_n3A_748 = arith.select %gt3A, %select_n3A_747, %broadcast_in_dim3A_728 : vector<16xi1>, vector<16xf32>
      %add3A_749 = arith.constant 16 : i32
      %add3A_750 = arith.addi %mul3A_722, %add3A_749 : i32
      %get3A_751 = arith.index_cast %add3A_750 : i32 to index
      %get3A_752 = tpu.vector_load %arg5[%get3A_751] {strides = array<i32>} : memref<8192xf32, #tpu.memory_space<vmem>>, vector<16xf32>,
      %abs3A_753 = math.absf %get3A_752 : vector<16xf32>
      %eq3A_754 = vector.broadcast %reduce_max3A_677 : f32 to vector<16xf32>
      %eq3A_755 = arith.cmpf oeq, %abs3A_753, %eq3A_754 : vector<16xf32>
      %add3A_756 = arith.constant 16 : i32
      %add3A_757 = arith.addi %mul3A_722, %add3A_756 : i32
      %add3A_758 = vector.broadcast %add3A_757 : i32 to vector<16xi32>
      %add3A_759 = arith.addi %add3A_758, %iota3A : vector<16xi32>
      %jit3A_760 = arith.constant 1073741824 : i32
      %broadcast_in_dim3A_761 = vector.broadcast %jit3A_760 : i32 to vector<16xi32>
      %select_n3A_762 = arith.select %eq3A_755, %add3A_759, %broadcast_in_dim3A_761 : vector<16xi1>, vector<16xi32>
      %min3A_763 = arith.minsi %min3A_743, %select_n3A_762 : vector<16xi32>
      %convert_element_type3A_764 = arith.extui %eq3A_755 : vector<16xi1> to vector<16xi32>
      %add3A_765 = arith.addi %add3A_744, %convert_element_type3A_764 : vector<16xi32>
      %jit3A_766 = arith.constant -1.000000e+00 : f32
      %broadcast_in_dim3A_767 = vector.broadcast %jit3A_766 : f32 to vector<16xf32>
      %select_n3A_768 = arith.select %eq3A_755, %broadcast_in_dim3A_767, %abs3A_753 : vector<16xi1>, vector<16xf32>
      %gt3A_769 = arith.cmpf ogt, %select_n3A_768, %select_n3A_748 : vector<16xf32>
      %select_n3A_770 = arith.select %gt3A_769, %select_n3A_768, %select_n3A_748 : vector<16xi1>, vector<16xf32>
      %add3A_771 = arith.constant 32 : i32
      %add3A_772 = arith.addi %mul3A_722, %add3A_771 : i32
      %get3A_773 = arith.index_cast %add3A_772 : i32 to index
      %get3A_774 = tpu.vector_load %arg5[%get3A_773] {strides = array<i32>} : memref<8192xf32, #tpu.memory_space<vmem>>, vector<16xf32>,
      %abs3A_775 = math.absf %get3A_774 : vector<16xf32>
      %eq3A_776 = vector.broadcast %reduce_max3A_677 : f32 to vector<16xf32>
      %eq3A_777 = arith.cmpf oeq, %abs3A_775, %eq3A_776 : vector<16xf32>
      %add3A_778 = arith.constant 32 : i32
      %add3A_779 = arith.addi %mul3A_722, %add3A_778 : i32
      %add3A_780 = vector.broadcast %add3A_779 : i32 to vector<16xi32>
      %add3A_781 = arith.addi %add3A_780, %iota3A : vector<16xi32>
      %jit3A_782 = arith.constant 1073741824 : i32
      %broadcast_in_dim3A_783 = vector.broadcast %jit3A_782 : i32 to vector<16xi32>
      %select_n3A_784 = arith.select %eq3A_777, %add3A_781, %broadcast_in_dim3A_783 : vector<16xi1>, vector<16xi32>
      %min3A_785 = arith.minsi %min3A_763, %select_n3A_784 : vector<16xi32>
      %convert_element_type3A_786 = arith.extui %eq3A_777 : vector<16xi1> to vector<16xi32>
      %add3A_787 = arith.addi %add3A_765, %convert_element_type3A_786 : vector<16xi32>
      %jit3A_788 = arith.constant -1.000000e+00 : f32
      %broadcast_in_dim3A_789 = vector.broadcast %jit3A_788 : f32 to vector<16xf32>
      %select_n3A_790 = arith.select %eq3A_777, %broadcast_in_dim3A_789, %abs3A_775 : vector<16xi1>, vector<16xf32>
      %gt3A_791 = arith.cmpf ogt, %select_n3A_790, %select_n3A_770 : vector<16xf32>
      %select_n3A_792 = arith.select %gt3A_791, %select_n3A_790, %select_n3A_770 : vector<16xi1>, vector<16xf32>
      %add3A_793 = arith.constant 48 : i32
      %add3A_794 = arith.addi %mul3A_722, %add3A_793 : i32
      %get3A_795 = arith.index_cast %add3A_794 : i32 to index
      %get3A_796 = tpu.vector_load %arg5[%get3A_795] {strides = array<i32>} : memref<8192xf32, #tpu.memory_space<vmem>>, vector<16xf32>,
      %abs3A_797 = math.absf %get3A_796 : vector<16xf32>
      %eq3A_798 = vector.broadcast %reduce_max3A_677 : f32 to vector<16xf32>
      %eq3A_799 = arith.cmpf oeq, %abs3A_797, %eq3A_798 : vector<16xf32>
      %add3A_800 = arith.constant 48 : i32
      %add3A_801 = arith.addi %mul3A_722, %add3A_800 : i32
      %add3A_802 = vector.broadcast %add3A_801 : i32 to vector<16xi32>
      %add3A_803 = arith.addi %add3A_802, %iota3A : vector<16xi32>
      %jit3A_804 = arith.constant 1073741824 : i32
      %broadcast_in_dim3A_805 = vector.broadcast %jit3A_804 : i32 to vector<16xi32>
      %select_n3A_806 = arith.select %eq3A_799, %add3A_803, %broadcast_in_dim3A_805 : vector<16xi1>, vector<16xi32>
      %min3A_807 = arith.minsi %min3A_785, %select_n3A_806 : vector<16xi32>
      %convert_element_type3A_808 = arith.extui %eq3A_799 : vector<16xi1> to vector<16xi32>
      %add3A_809 = arith.addi %add3A_787, %convert_element_type3A_808 : vector<16xi32>
      %jit3A_810 = arith.constant -1.000000e+00 : f32
      %broadcast_in_dim3A_811 = vector.broadcast %jit3A_810 : f32 to vector<16xf32>
      %select_n3A_812 = arith.select %eq3A_799, %broadcast_in_dim3A_811, %abs3A_797 : vector<16xi1>, vector<16xf32>
      %gt3A_813 = arith.cmpf ogt, %select_n3A_812, %select_n3A_792 : vector<16xf32>
      %select_n3A_814 = arith.select %gt3A_813, %select_n3A_812, %select_n3A_792 : vector<16xi1>, vector<16xf32>
      %add3A_815 = arith.constant 64 : i32
      %add3A_816 = arith.addi %mul3A_722, %add3A_815 : i32
      %get3A_817 = arith.index_cast %add3A_816 : i32 to index
      %get3A_818 = tpu.vector_load %arg5[%get3A_817] {strides = array<i32>} : memref<8192xf32, #tpu.memory_space<vmem>>, vector<16xf32>,
      %abs3A_819 = math.absf %get3A_818 : vector<16xf32>
      %eq3A_820 = vector.broadcast %reduce_max3A_677 : f32 to vector<16xf32>
      %eq3A_821 = arith.cmpf oeq, %abs3A_819, %eq3A_820 : vector<16xf32>
      %add3A_822 = arith.constant 64 : i32
      %add3A_823 = arith.addi %mul3A_722, %add3A_822 : i32
      %add3A_824 = vector.broadcast %add3A_823 : i32 to vector<16xi32>
      %add3A_825 = arith.addi %add3A_824, %iota3A : vector<16xi32>
      %jit3A_826 = arith.constant 1073741824 : i32
      %broadcast_in_dim3A_827 = vector.broadcast %jit3A_826 : i32 to vector<16xi32>
      %select_n3A_828 = arith.select %eq3A_821, %add3A_825, %broadcast_in_dim3A_827 : vector<16xi1>, vector<16xi32>
      %min3A_829 = arith.minsi %min3A_807, %select_n3A_828 : vector<16xi32>
      %convert_element_type3A_830 = arith.extui %eq3A_821 : vector<16xi1> to vector<16xi32>
      %add3A_831 = arith.addi %add3A_809, %convert_element_type3A_830 : vector<16xi32>
      %jit3A_832 = arith.constant -1.000000e+00 : f32
      %broadcast_in_dim3A_833 = vector.broadcast %jit3A_832 : f32 to vector<16xf32>
      %select_n3A_834 = arith.select %eq3A_821, %broadcast_in_dim3A_833, %abs3A_819 : vector<16xi1>, vector<16xf32>
      %gt3A_835 = arith.cmpf ogt, %select_n3A_834, %select_n3A_814 : vector<16xf32>
      %select_n3A_836 = arith.select %gt3A_835, %select_n3A_834, %select_n3A_814 : vector<16xi1>, vector<16xf32>
      %add3A_837 = arith.constant 80 : i32
      %add3A_838 = arith.addi %mul3A_722, %add3A_837 : i32
      %get3A_839 = arith.index_cast %add3A_838 : i32 to index
      %get3A_840 = tpu.vector_load %arg5[%get3A_839] {strides = array<i32>} : memref<8192xf32, #tpu.memory_space<vmem>>, vector<16xf32>,
      %abs3A_841 = math.absf %get3A_840 : vector<16xf32>
      %eq3A_842 = vector.broadcast %reduce_max3A_677 : f32 to vector<16xf32>
      %eq3A_843 = arith.cmpf oeq, %abs3A_841, %eq3A_842 : vector<16xf32>
      %add3A_844 = arith.constant 80 : i32
      %add3A_845 = arith.addi %mul3A_722, %add3A_844 : i32
      %add3A_846 = vector.broadcast %add3A_845 : i32 to vector<16xi32>
      %add3A_847 = arith.addi %add3A_846, %iota3A : vector<16xi32>
      %jit3A_848 = arith.constant 1073741824 : i32
      %broadcast_in_dim3A_849 = vector.broadcast %jit3A_848 : i32 to vector<16xi32>
      %select_n3A_850 = arith.select %eq3A_843, %add3A_847, %broadcast_in_dim3A_849 : vector<16xi1>, vector<16xi32>
      %min3A_851 = arith.minsi %min3A_829, %select_n3A_850 : vector<16xi32>
      %convert_element_type3A_852 = arith.extui %eq3A_843 : vector<16xi1> to vector<16xi32>
      %add3A_853 = arith.addi %add3A_831, %convert_element_type3A_852 : vector<16xi32>
      %jit3A_854 = arith.constant -1.000000e+00 : f32
      %broadcast_in_dim3A_855 = vector.broadcast %jit3A_854 : f32 to vector<16xf32>
      %select_n3A_856 = arith.select %eq3A_843, %broadcast_in_dim3A_855, %abs3A_841 : vector<16xi1>, vector<16xf32>
      %gt3A_857 = arith.cmpf ogt, %select_n3A_856, %select_n3A_836 : vector<16xf32>
      %select_n3A_858 = arith.select %gt3A_857, %select_n3A_856, %select_n3A_836 : vector<16xi1>, vector<16xf32>
      %add3A_859 = arith.constant 96 : i32
      %add3A_860 = arith.addi %mul3A_722, %add3A_859 : i32
      %get3A_861 = arith.index_cast %add3A_860 : i32 to index
      %get3A_862 = tpu.vector_load %arg5[%get3A_861] {strides = array<i32>} : memref<8192xf32, #tpu.memory_space<vmem>>, vector<16xf32>,
      %abs3A_863 = math.absf %get3A_862 : vector<16xf32>
      %eq3A_864 = vector.broadcast %reduce_max3A_677 : f32 to vector<16xf32>
      %eq3A_865 = arith.cmpf oeq, %abs3A_863, %eq3A_864 : vector<16xf32>
      %add3A_866 = arith.constant 96 : i32
      %add3A_867 = arith.addi %mul3A_722, %add3A_866 : i32
      %add3A_868 = vector.broadcast %add3A_867 : i32 to vector<16xi32>
      %add3A_869 = arith.addi %add3A_868, %iota3A : vector<16xi32>
      %jit3A_870 = arith.constant 1073741824 : i32
      %broadcast_in_dim3A_871 = vector.broadcast %jit3A_870 : i32 to vector<16xi32>
      %select_n3A_872 = arith.select %eq3A_865, %add3A_869, %broadcast_in_dim3A_871 : vector<16xi1>, vector<16xi32>
      %min3A_873 = arith.minsi %min3A_851, %select_n3A_872 : vector<16xi32>
      %convert_element_type3A_874 = arith.extui %eq3A_865 : vector<16xi1> to vector<16xi32>
      %add3A_875 = arith.addi %add3A_853, %convert_element_type3A_874 : vector<16xi32>
      %jit3A_876 = arith.constant -1.000000e+00 : f32
      %broadcast_in_dim3A_877 = vector.broadcast %jit3A_876 : f32 to vector<16xf32>
      %select_n3A_878 = arith.select %eq3A_865, %broadcast_in_dim3A_877, %abs3A_863 : vector<16xi1>, vector<16xf32>
      %gt3A_879 = arith.cmpf ogt, %select_n3A_878, %select_n3A_858 : vector<16xf32>
      %select_n3A_880 = arith.select %gt3A_879, %select_n3A_878, %select_n3A_858 : vector<16xi1>, vector<16xf32>
      %add3A_881 = arith.constant 112 : i32
      %add3A_882 = arith.addi %mul3A_722, %add3A_881 : i32
      %get3A_883 = arith.index_cast %add3A_882 : i32 to index
      %get3A_884 = tpu.vector_load %arg5[%get3A_883] {strides = array<i32>} : memref<8192xf32, #tpu.memory_space<vmem>>, vector<16xf32>,
      %abs3A_885 = math.absf %get3A_884 : vector<16xf32>
      %eq3A_886 = vector.broadcast %reduce_max3A_677 : f32 to vector<16xf32>
      %eq3A_887 = arith.cmpf oeq, %abs3A_885, %eq3A_886 : vector<16xf32>
      %add3A_888 = arith.constant 112 : i32
      %add3A_889 = arith.addi %mul3A_722, %add3A_888 : i32
      %add3A_890 = vector.broadcast %add3A_889 : i32 to vector<16xi32>
      %add3A_891 = arith.addi %add3A_890, %iota3A : vector<16xi32>
      %jit3A_892 = arith.constant 1073741824 : i32
      %broadcast_in_dim3A_893 = vector.broadcast %jit3A_892 : i32 to vector<16xi32>
      %select_n3A_894 = arith.select %eq3A_887, %add3A_891, %broadcast_in_dim3A_893 : vector<16xi1>, vector<16xi32>
      %min3A_895 = arith.minsi %min3A_873, %select_n3A_894 : vector<16xi32>
      %convert_element_type3A_896 = arith.extui %eq3A_887 : vector<16xi1> to vector<16xi32>
      %add3A_897 = arith.addi %add3A_875, %convert_element_type3A_896 : vector<16xi32>
      %jit3A_898 = arith.constant -1.000000e+00 : f32
      %broadcast_in_dim3A_899 = vector.broadcast %jit3A_898 : f32 to vector<16xf32>
      %select_n3A_900 = arith.select %eq3A_887, %broadcast_in_dim3A_899, %abs3A_885 : vector<16xi1>, vector<16xf32>
      %gt3A_901 = arith.cmpf ogt, %select_n3A_900, %select_n3A_880 : vector<16xf32>
      %select_n3A_902 = arith.select %gt3A_901, %select_n3A_900, %select_n3A_880 : vector<16xi1>, vector<16xf32>
      %reduce_min3A_903 = arith.constant true
      %reduce_min3A_904 = vector.broadcast %reduce_min3A_903 : i1 to vector<16xi1>
      %reduce_min3A_905 = arith.constant -2147483648 : i32
      %reduce_min3A_906 = vector.broadcast %reduce_min3A_905 : i32 to vector<16xi32>
      %reduce_min3A_907 = arith.xori %min3A_895, %reduce_min3A_906 : vector<16xi32>
      %reduce_min3A_908 = tpu.scan <min>, %reduce_min3A_907 masked %reduce_min3A_904 : vector<16xi32>, vector<16xi1> -> vector<16xi32>
      %reduce_min3A_909 = arith.xori %reduce_min3A_908, %reduce_min3A_906 : vector<16xi32>
      %reduce_min3A_910 = vector.extract %reduce_min3A_909[15] : i32 from vector<16xi32>
      %reduce_sum3A = arith.constant true
      %reduce_sum3A_911 = vector.broadcast %reduce_sum3A : i1 to vector<16xi1>
      %reduce_sum3A_912 = tpu.scan <sum>, %add3A_897 masked %reduce_sum3A_911 : vector<16xi32>, vector<16xi1> -> vector<16xi32>
      %reduce_sum3A_913 = vector.extract %reduce_sum3A_912[15] : i32 from vector<16xi32>
      %gt3A_914 = arith.constant 1 : i32
      %gt3A_915 = arith.cmpi sgt, %reduce_sum3A_913, %gt3A_914 : i32
      %reduce_max3A_916 = arith.constant true
      %reduce_max3A_917 = vector.broadcast %reduce_max3A_916 : i1 to vector<16xi1>
      %reduce_max3A_918 = tpu.scan <max>, %select_n3A_902 masked %reduce_max3A_917 : vector<16xf32>, vector<16xi1> -> vector<16xf32>
      %reduce_max3A_919 = vector.extract %reduce_max3A_918[15] : f32 from vector<16xf32>
      %select_n3A_920 = arith.select %gt3A_915, %reduce_max3A_677, %reduce_max3A_919 : f32
      %broadcast_in_dim3A_921 = vector.broadcast %add3A_275 : i32 to vector<16xi32>
      %broadcast_in_dim3A_922 = vector.broadcast %reduce_min3A_910 : i32 to vector<16xi32>
      %eq3A_923 = arith.constant 0 : i32
      %eq3A_924 = vector.broadcast %eq3A_923 : i32 to vector<16xi32>
      %eq3A_925 = arith.cmpi eq, %iota3A, %eq3A_924 : vector<16xi32>
      tpu.vector_store_idx %arg10[%broadcast_in_dim3A_921], %broadcast_in_dim3A_922 masked %eq3A_925 : memref<32xi32, #tpu.memory_space<vmem>>[vector<16xi32>], vector<16xi32>, vector<16xi1>
      %broadcast_in_dim3A_926 = vector.broadcast %reduce_min3A_910 : i32 to vector<16xi32>
      %broadcast_in_dim3A_927 = arith.constant 0x7FC00000 : f32
      %broadcast_in_dim3A_928 = vector.broadcast %broadcast_in_dim3A_927 : f32 to vector<16xf32>
      %eq3A_929 = arith.constant 0 : i32
      %eq3A_930 = vector.broadcast %eq3A_929 : i32 to vector<16xi32>
      %eq3A_931 = arith.cmpi eq, %iota3A, %eq3A_930 : vector<16xi32>
      tpu.vector_store_idx %arg5[%broadcast_in_dim3A_926], %broadcast_in_dim3A_928 masked %eq3A_931 : memref<8192xf32, #tpu.memory_space<vmem>>[vector<16xi32>], vector<16xf32>, vector<16xi1>
      %broadcast_in_dim3A_932 = vector.broadcast %reduce_min3A_720 : i32 to vector<16xi32>
      %broadcast_in_dim3A_933 = vector.broadcast %select_n3A_920 : f32 to vector<16xf32>
      %eq3A_934 = arith.constant 0 : i32
      %eq3A_935 = vector.broadcast %eq3A_934 : i32 to vector<16xi32>
      %eq3A_936 = arith.cmpi eq, %iota3A, %eq3A_935 : vector<16xi32>
      tpu.vector_store_idx %arg9[%broadcast_in_dim3A_932], %broadcast_in_dim3A_933 masked %eq3A_936 : memref<64xf32, #tpu.memory_space<vmem>>[vector<16xi32>], vector<16xf32>, vector<16xi1>
    }
    %scan3A_114 = arith.constant 20 : i32
    %scan3A_115 = arith.constant 0 : i32
    %scan3A_116 = arith.constant 0 : i32
    %scan3A_117 = arith.addi %scan3A_115, %scan3A_116 : i32
    %scan3A_118 = arith.constant 0 : i32
    %get3A_119 = arith.constant 0 : index
    %get3A_120 = tpu.vector_load %arg10[%get3A_119] {strides = array<i32>} : memref<32xi32, #tpu.memory_space<vmem>>, vector<16xi32>,
    %masked_sort3A_121 = arith.constant dense<true> : vector<16xi1>
    %masked_sort3A_122 = arith.constant -2147483648 : i32
    %masked_sort3A_123 = vector.broadcast %masked_sort3A_122 : i32 to vector<16xi32>
    %masked_sort3A_124 = arith.xori %get3A_120, %masked_sort3A_123 : vector<16xi32>
    %masked_sort3A_125, %masked_sort3A_126, %masked_sort3A_127 = tpu.sort %masked_sort3A_124, %get3A_120 masked %masked_sort3A_121 : (vector<16xi32>, vector<16xi32>, vector<16xi1>) -> (vector<16xi1>, vector<16xi32>, vector<16xi32>)
    %masked_sort3A_128 = arith.xori %masked_sort3A_126, %masked_sort3A_123 : vector<16xi32>
    %get3A_129 = arith.constant 16 : index
    %get3A_130 = tpu.vector_load %arg10[%get3A_129] {strides = array<i32>} : memref<32xi32, #tpu.memory_space<vmem>>, vector<16xi32>,
    %masked_sort3A_131 = arith.constant dense<true> : vector<16xi1>
    %masked_sort3A_132 = arith.constant -2147483648 : i32
    %masked_sort3A_133 = vector.broadcast %masked_sort3A_132 : i32 to vector<16xi32>
    %masked_sort3A_134 = arith.xori %get3A_130, %masked_sort3A_133 : vector<16xi32>
    %masked_sort3A_135, %masked_sort3A_136, %masked_sort3A_137 = tpu.sort %masked_sort3A_134, %get3A_130 masked %masked_sort3A_131 {descending = true} : (vector<16xi32>, vector<16xi32>, vector<16xi1>) -> (vector<16xi1>, vector<16xi32>, vector<16xi32>)
    %masked_sort3A_138 = arith.xori %masked_sort3A_136, %masked_sort3A_133 : vector<16xi32>
    %min3A_139 = arith.minsi %masked_sort3A_128, %masked_sort3A_138 : vector<16xi32>
    %max3A_140 = arith.maxsi %masked_sort3A_128, %masked_sort3A_138 : vector<16xi32>
    %masked_sort3A_141 = arith.constant dense<true> : vector<16xi1>
    %masked_sort3A_142 = arith.constant -2147483648 : i32
    %masked_sort3A_143 = vector.broadcast %masked_sort3A_142 : i32 to vector<16xi32>
    %masked_sort3A_144 = arith.xori %min3A_139, %masked_sort3A_143 : vector<16xi32>
    %masked_sort3A_145, %masked_sort3A_146, %masked_sort3A_147 = tpu.sort %masked_sort3A_144, %min3A_139 masked %masked_sort3A_141 : (vector<16xi32>, vector<16xi32>, vector<16xi1>) -> (vector<16xi1>, vector<16xi32>, vector<16xi32>)
    %masked_sort3A_148 = arith.xori %masked_sort3A_146, %masked_sort3A_143 : vector<16xi32>
    %swap3A_149 = arith.constant 0 : index
    %swap3A_150 = tpu.vector_load %arg10[%swap3A_149] {strides = array<i32>} : memref<32xi32, #tpu.memory_space<vmem>>, vector<16xi32>,
    tpu.vector_store %arg10[%swap3A_149], %masked_sort3A_148 {strides = array<i32>} : memref<32xi32, #tpu.memory_space<vmem>>, vector<16xi32>,
    %masked_sort3A_151 = arith.constant dense<true> : vector<16xi1>
    %masked_sort3A_152 = arith.constant -2147483648 : i32
    %masked_sort3A_153 = vector.broadcast %masked_sort3A_152 : i32 to vector<16xi32>
    %masked_sort3A_154 = arith.xori %max3A_140, %masked_sort3A_153 : vector<16xi32>
    %masked_sort3A_155, %masked_sort3A_156, %masked_sort3A_157 = tpu.sort %masked_sort3A_154, %max3A_140 masked %masked_sort3A_151 : (vector<16xi32>, vector<16xi32>, vector<16xi1>) -> (vector<16xi1>, vector<16xi32>, vector<16xi32>)
    %masked_sort3A_158 = arith.xori %masked_sort3A_156, %masked_sort3A_153 : vector<16xi32>
    %swap3A_159 = arith.constant 16 : index
    %swap3A_160 = tpu.vector_load %arg10[%swap3A_159] {strides = array<i32>} : memref<32xi32, #tpu.memory_space<vmem>>, vector<16xi32>,
    tpu.vector_store %arg10[%swap3A_159], %masked_sort3A_158 {strides = array<i32>} : memref<32xi32, #tpu.memory_space<vmem>>, vector<16xi32>,
    %add3A_161 = arith.constant 1 : i32
    %add3A_162 = arith.addi %mul3A_2, %add3A_161 : i32
    "tpu.region"() ({
      %run_scoped3A = tpu.sem_alloc : memref<!tpu.dma_semaphore, #tpu.memory_space<semaphore_mem>>
      %dma_start3A_271 = arith.constant 0 : i32
      %dma_start3A_272 = tpu.memref_slice %arg3[%add3A_162, %dma_start3A_271] : memref<128x32xi32, #tpu.memory_space<hbm>> -> memref<1x32xi32, #tpu.memory_space<hbm>>
      %dma_start3A_273 = tpu.memref_squeeze %dma_start3A_272 : memref<1x32xi32, #tpu.memory_space<hbm>> -> memref<32xi32, #tpu.memory_space<hbm>>
      %dma_start3A_274 = arith.constant 0 : i32
      %dma_start3A_275 = tpu.memref_slice %arg3[%add3A_162, %dma_start3A_274] : memref<128x32xi32, #tpu.memory_space<hbm>> -> memref<1x32xi32, #tpu.memory_space<hbm>>
      %dma_start3A_276 = tpu.memref_squeeze %dma_start3A_275 : memref<1x32xi32, #tpu.memory_space<hbm>> -> memref<32xi32, #tpu.memory_space<hbm>>
      tpu.enqueue_dma source(%arg10 : memref<32xi32, #tpu.memory_space<vmem>>) target(%dma_start3A_276 : memref<32xi32, #tpu.memory_space<hbm>>) target_semaphore(%run_scoped3A : memref<!tpu.dma_semaphore, #tpu.memory_space<semaphore_mem>>)
      %dma_wait3A_277 = arith.constant 0 : i32
      %dma_wait3A_278 = tpu.memref_slice %arg3[%add3A_162, %dma_wait3A_277] : memref<128x32xi32, #tpu.memory_space<hbm>> -> memref<1x32xi32, #tpu.memory_space<hbm>>
      %dma_wait3A_279 = tpu.memref_squeeze %dma_wait3A_278 : memref<1x32xi32, #tpu.memory_space<hbm>> -> memref<32xi32, #tpu.memory_space<hbm>>
      %dma_wait3A_280 = arith.constant 0 : i32
      %dma_wait3A_281 = tpu.memref_slice %arg3[%add3A_162, %dma_wait3A_280] : memref<128x32xi32, #tpu.memory_space<hbm>> -> memref<1x32xi32, #tpu.memory_space<hbm>>
      %dma_wait3A_282 = tpu.memref_squeeze %dma_wait3A_281 : memref<1x32xi32, #tpu.memory_space<hbm>> -> memref<32xi32, #tpu.memory_space<hbm>>
      tpu.wait_dma2 semaphore(%run_scoped3A : memref<!tpu.dma_semaphore, #tpu.memory_space<semaphore_mem>>) src(%arg10 : memref<32xi32, #tpu.memory_space<vmem>>) dst(%dma_wait3A_282 : memref<32xi32, #tpu.memory_space<hbm>>)
      tpu.yield
    }) : () -> ()
    %dma_wait3A_163 = arith.constant 0 : i32
    %dma_wait3A_164 = tpu.memref_slice %arg2[%add3A_27, %dma_wait3A_163] : memref<128x8192xf32, #tpu.memory_space<hbm>> -> memref<1x8192xf32, #tpu.memory_space<hbm>>
    %dma_wait3A_165 = tpu.memref_squeeze %dma_wait3A_164 : memref<1x8192xf32, #tpu.memory_space<hbm>> -> memref<8192xf32, #tpu.memory_space<hbm>>
    %dma_wait3A_166 = arith.constant 0 : i32
    %dma_wait3A_167 = tpu.memref_slice %arg2[%add3A_27, %dma_wait3A_166] : memref<128x8192xf32, #tpu.memory_space<hbm>> -> memref<1x8192xf32, #tpu.memory_space<hbm>>
    %dma_wait3A_168 = tpu.memref_squeeze %dma_wait3A_167 : memref<1x8192xf32, #tpu.memory_space<hbm>> -> memref<8192xf32, #tpu.memory_space<hbm>>
    tpu.wait_dma2 semaphore(%arg14 : memref<!tpu.dma_semaphore, #tpu.memory_space<semaphore_mem>>) src(%dma_wait3A_168 : memref<8192xf32, #tpu.memory_space<hbm>>) dst(%arg7 : memref<8192xf32, #tpu.memory_space<vmem>>)
    %scan3A_169 = arith.constant 0 : i32
    %scan3A_170 = arith.constant 20 : i32
    %scan3A_171 = arith.addi %scan3A_169, %scan3A_170 : i32
    %scan3A_172 = arith.constant 1 : i32
    scf.for %scan3A_271 = %scan3A_169 to %scan3A_171 step %scan3A_172  : i32 {
      %mul3A_272 = arith.constant 1 : i32
      %mul3A_273 = arith.muli %scan3A_271, %mul3A_272 : i32
      %add3A_274 = arith.constant 0 : i32
      %add3A_275 = arith.addi %add3A_274, %mul3A_273 : i32
      %mul3A_276 = arith.constant 6 : i32
      %mul3A_277 = arith.muli %add3A_275, %mul3A_276 : i32
      %add3A_278 = arith.constant 0 : i32
      %add3A_279 = arith.addi %mul3A_277, %add3A_278 : i32
      %mul3A_280 = arith.constant 128 : i32
      %mul3A_281 = arith.muli %add3A_279, %mul3A_280 : i32
      %broadcast_in_dim3A_282 = arith.constant -1.000000e+00 : f32
      %broadcast_in_dim3A_283 = vector.broadcast %broadcast_in_dim3A_282 : f32 to vector<16xf32>
      %add3A_284 = arith.constant 0 : i32
      %add3A_285 = arith.addi %mul3A_281, %add3A_284 : i32
      %get3A_286 = arith.index_cast %add3A_285 : i32 to index
      %get3A_287 = tpu.vector_load %arg7[%get3A_286] {strides = array<i32>} : memref<8192xf32, #tpu.memory_space<vmem>>, vector<16xf32>,
      %abs3A = math.absf %get3A_287 : vector<16xf32>
      %max3A_288 = arith.maximumf %broadcast_in_dim3A_283, %abs3A : vector<16xf32>
      %add3A_289 = arith.constant 16 : i32
      %add3A_290 = arith.addi %mul3A_281, %add3A_289 : i32
      %get3A_291 = arith.index_cast %add3A_290 : i32 to index
      %get3A_292 = tpu.vector_load %arg7[%get3A_291] {strides = array<i32>} : memref<8192xf32, #tpu.memory_space<vmem>>, vector<16xf32>,
      %abs3A_293 = math.absf %get3A_292 : vector<16xf32>
      %max3A_294 = arith.maximumf %max3A_288, %abs3A_293 : vector<16xf32>
      %add3A_295 = arith.constant 32 : i32
      %add3A_296 = arith.addi %mul3A_281, %add3A_295 : i32
      %get3A_297 = arith.index_cast %add3A_296 : i32 to index
      %get3A_298 = tpu.vector_load %arg7[%get3A_297] {strides = array<i32>} : memref<8192xf32, #tpu.memory_space<vmem>>, vector<16xf32>,
      %abs3A_299 = math.absf %get3A_298 : vector<16xf32>
      %max3A_300 = arith.maximumf %max3A_294, %abs3A_299 : vector<16xf32>
      %add3A_301 = arith.constant 48 : i32
      %add3A_302 = arith.addi %mul3A_281, %add3A_301 : i32
      %get3A_303 = arith.index_cast %add3A_302 : i32 to index
      %get3A_304 = tpu.vector_load %arg7[%get3A_303] {strides = array<i32>} : memref<8192xf32, #tpu.memory_space<vmem>>, vector<16xf32>,
      %abs3A_305 = math.absf %get3A_304 : vector<16xf32>
      %max3A_306 = arith.maximumf %max3A_300, %abs3A_305 : vector<16xf32>
      %add3A_307 = arith.constant 64 : i32
      %add3A_308 = arith.addi %mul3A_281, %add3A_307 : i32
      %get3A_309 = arith.index_cast %add3A_308 : i32 to index
      %get3A_310 = tpu.vector_load %arg7[%get3A_309] {strides = array<i32>} : memref<8192xf32, #tpu.memory_space<vmem>>, vector<16xf32>,
      %abs3A_311 = math.absf %get3A_310 : vector<16xf32>
      %max3A_312 = arith.maximumf %max3A_306, %abs3A_311 : vector<16xf32>
      %add3A_313 = arith.constant 80 : i32
      %add3A_314 = arith.addi %mul3A_281, %add3A_313 : i32
      %get3A_315 = arith.index_cast %add3A_314 : i32 to index
      %get3A_316 = tpu.vector_load %arg7[%get3A_315] {strides = array<i32>} : memref<8192xf32, #tpu.memory_space<vmem>>, vector<16xf32>,
      %abs3A_317 = math.absf %get3A_316 : vector<16xf32>
      %max3A_318 = arith.maximumf %max3A_312, %abs3A_317 : vector<16xf32>
      %add3A_319 = arith.constant 96 : i32
      %add3A_320 = arith.addi %mul3A_281, %add3A_319 : i32
      %get3A_321 = arith.index_cast %add3A_320 : i32 to index
      %get3A_322 = tpu.vector_load %arg7[%get3A_321] {strides = array<i32>} : memref<8192xf32, #tpu.memory_space<vmem>>, vector<16xf32>,
      %abs3A_323 = math.absf %get3A_322 : vector<16xf32>
      %max3A_324 = arith.maximumf %max3A_318, %abs3A_323 : vector<16xf32>
      %add3A_325 = arith.constant 112 : i32
      %add3A_326 = arith.addi %mul3A_281, %add3A_325 : i32
      %get3A_327 = arith.index_cast %add3A_326 : i32 to index
      %get3A_328 = tpu.vector_load %arg7[%get3A_327] {strides = array<i32>} : memref<8192xf32, #tpu.memory_space<vmem>>, vector<16xf32>,
      %abs3A_329 = math.absf %get3A_328 : vector<16xf32>
      %max3A_330 = arith.maximumf %max3A_324, %abs3A_329 : vector<16xf32>
      %reduce_max3A = arith.constant true
      %reduce_max3A_331 = vector.broadcast %reduce_max3A : i1 to vector<16xi1>
      %reduce_max3A_332 = tpu.scan <max>, %max3A_330 masked %reduce_max3A_331 : vector<16xf32>, vector<16xi1> -> vector<16xf32>
      %reduce_max3A_333 = vector.extract %reduce_max3A_332[15] : f32 from vector<16xf32>
      %broadcast_in_dim3A_334 = vector.broadcast %add3A_279 : i32 to vector<16xi32>
      %broadcast_in_dim3A_335 = vector.broadcast %reduce_max3A_333 : f32 to vector<16xf32>
      %eq3A = arith.constant 0 : i32
      %eq3A_336 = vector.broadcast %eq3A : i32 to vector<16xi32>
      %eq3A_337 = arith.cmpi eq, %iota3A, %eq3A_336 : vector<16xi32>
      tpu.vector_store_idx %arg9[%broadcast_in_dim3A_334], %broadcast_in_dim3A_335 masked %eq3A_337 : memref<64xf32, #tpu.memory_space<vmem>>[vector<16xi32>], vector<16xf32>, vector<16xi1>
      %mul3A_338 = arith.constant 6 : i32
      %mul3A_339 = arith.muli %add3A_275, %mul3A_338 : i32
      %add3A_340 = arith.constant 1 : i32
      %add3A_341 = arith.addi %mul3A_339, %add3A_340 : i32
      %mul3A_342 = arith.constant 128 : i32
      %mul3A_343 = arith.muli %add3A_341, %mul3A_342 : i32
      %broadcast_in_dim3A_344 = arith.constant -1.000000e+00 : f32
      %broadcast_in_dim3A_345 = vector.broadcast %broadcast_in_dim3A_344 : f32 to vector<16xf32>
      %add3A_346 = arith.constant 0 : i32
      %add3A_347 = arith.addi %mul3A_343, %add3A_346 : i32
      %get3A_348 = arith.index_cast %add3A_347 : i32 to index
      %get3A_349 = tpu.vector_load %arg7[%get3A_348] {strides = array<i32>} : memref<8192xf32, #tpu.memory_space<vmem>>, vector<16xf32>,
      %abs3A_350 = math.absf %get3A_349 : vector<16xf32>
      %max3A_351 = arith.maximumf %broadcast_in_dim3A_345, %abs3A_350 : vector<16xf32>
      %add3A_352 = arith.constant 16 : i32
      %add3A_353 = arith.addi %mul3A_343, %add3A_352 : i32
      %get3A_354 = arith.index_cast %add3A_353 : i32 to index
      %get3A_355 = tpu.vector_load %arg7[%get3A_354] {strides = array<i32>} : memref<8192xf32, #tpu.memory_space<vmem>>, vector<16xf32>,
      %abs3A_356 = math.absf %get3A_355 : vector<16xf32>
      %max3A_357 = arith.maximumf %max3A_351, %abs3A_356 : vector<16xf32>
      %add3A_358 = arith.constant 32 : i32
      %add3A_359 = arith.addi %mul3A_343, %add3A_358 : i32
      %get3A_360 = arith.index_cast %add3A_359 : i32 to index
      %get3A_361 = tpu.vector_load %arg7[%get3A_360] {strides = array<i32>} : memref<8192xf32, #tpu.memory_space<vmem>>, vector<16xf32>,
      %abs3A_362 = math.absf %get3A_361 : vector<16xf32>
      %max3A_363 = arith.maximumf %max3A_357, %abs3A_362 : vector<16xf32>
      %add3A_364 = arith.constant 48 : i32
      %add3A_365 = arith.addi %mul3A_343, %add3A_364 : i32
      %get3A_366 = arith.index_cast %add3A_365 : i32 to index
      %get3A_367 = tpu.vector_load %arg7[%get3A_366] {strides = array<i32>} : memref<8192xf32, #tpu.memory_space<vmem>>, vector<16xf32>,
      %abs3A_368 = math.absf %get3A_367 : vector<16xf32>
      %max3A_369 = arith.maximumf %max3A_363, %abs3A_368 : vector<16xf32>
      %add3A_370 = arith.constant 64 : i32
      %add3A_371 = arith.addi %mul3A_343, %add3A_370 : i32
      %get3A_372 = arith.index_cast %add3A_371 : i32 to index
      %get3A_373 = tpu.vector_load %arg7[%get3A_372] {strides = array<i32>} : memref<8192xf32, #tpu.memory_space<vmem>>, vector<16xf32>,
      %abs3A_374 = math.absf %get3A_373 : vector<16xf32>
      %max3A_375 = arith.maximumf %max3A_369, %abs3A_374 : vector<16xf32>
      %add3A_376 = arith.constant 80 : i32
      %add3A_377 = arith.addi %mul3A_343, %add3A_376 : i32
      %get3A_378 = arith.index_cast %add3A_377 : i32 to index
      %get3A_379 = tpu.vector_load %arg7[%get3A_378] {strides = array<i32>} : memref<8192xf32, #tpu.memory_space<vmem>>, vector<16xf32>,
      %abs3A_380 = math.absf %get3A_379 : vector<16xf32>
      %max3A_381 = arith.maximumf %max3A_375, %abs3A_380 : vector<16xf32>
      %add3A_382 = arith.constant 96 : i32
      %add3A_383 = arith.addi %mul3A_343, %add3A_382 : i32
      %get3A_384 = arith.index_cast %add3A_383 : i32 to index
      %get3A_385 = tpu.vector_load %arg7[%get3A_384] {strides = array<i32>} : memref<8192xf32, #tpu.memory_space<vmem>>, vector<16xf32>,
      %abs3A_386 = math.absf %get3A_385 : vector<16xf32>
      %max3A_387 = arith.maximumf %max3A_381, %abs3A_386 : vector<16xf32>
      %add3A_388 = arith.constant 112 : i32
      %add3A_389 = arith.addi %mul3A_343, %add3A_388 : i32
      %get3A_390 = arith.index_cast %add3A_389 : i32 to index
      %get3A_391 = tpu.vector_load %arg7[%get3A_390] {strides = array<i32>} : memref<8192xf32, #tpu.memory_space<vmem>>, vector<16xf32>,
      %abs3A_392 = math.absf %get3A_391 : vector<16xf32>
      %max3A_393 = arith.maximumf %max3A_387, %abs3A_392 : vector<16xf32>
      %reduce_max3A_394 = arith.constant true
      %reduce_max3A_395 = vector.broadcast %reduce_max3A_394 : i1 to vector<16xi1>
      %reduce_max3A_396 = tpu.scan <max>, %max3A_393 masked %reduce_max3A_395 : vector<16xf32>, vector<16xi1> -> vector<16xf32>
      %reduce_max3A_397 = vector.extract %reduce_max3A_396[15] : f32 from vector<16xf32>
      %broadcast_in_dim3A_398 = vector.broadcast %add3A_341 : i32 to vector<16xi32>
      %broadcast_in_dim3A_399 = vector.broadcast %reduce_max3A_397 : f32 to vector<16xf32>
      %eq3A_400 = arith.constant 0 : i32
      %eq3A_401 = vector.broadcast %eq3A_400 : i32 to vector<16xi32>
      %eq3A_402 = arith.cmpi eq, %iota3A, %eq3A_401 : vector<16xi32>
      tpu.vector_store_idx %arg9[%broadcast_in_dim3A_398], %broadcast_in_dim3A_399 masked %eq3A_402 : memref<64xf32, #tpu.memory_space<vmem>>[vector<16xi32>], vector<16xf32>, vector<16xi1>
      %mul3A_403 = arith.constant 6 : i32
      %mul3A_404 = arith.muli %add3A_275, %mul3A_403 : i32
      %add3A_405 = arith.constant 2 : i32
      %add3A_406 = arith.addi %mul3A_404, %add3A_405 : i32
      %mul3A_407 = arith.constant 128 : i32
      %mul3A_408 = arith.muli %add3A_406, %mul3A_407 : i32
      %broadcast_in_dim3A_409 = arith.constant -1.000000e+00 : f32
      %broadcast_in_dim3A_410 = vector.broadcast %broadcast_in_dim3A_409 : f32 to vector<16xf32>
      %add3A_411 = arith.constant 0 : i32
      %add3A_412 = arith.addi %mul3A_408, %add3A_411 : i32
      %get3A_413 = arith.index_cast %add3A_412 : i32 to index
      %get3A_414 = tpu.vector_load %arg7[%get3A_413] {strides = array<i32>} : memref<8192xf32, #tpu.memory_space<vmem>>, vector<16xf32>,
      %abs3A_415 = math.absf %get3A_414 : vector<16xf32>
      %max3A_416 = arith.maximumf %broadcast_in_dim3A_410, %abs3A_415 : vector<16xf32>
      %add3A_417 = arith.constant 16 : i32
      %add3A_418 = arith.addi %mul3A_408, %add3A_417 : i32
      %get3A_419 = arith.index_cast %add3A_418 : i32 to index
      %get3A_420 = tpu.vector_load %arg7[%get3A_419] {strides = array<i32>} : memref<8192xf32, #tpu.memory_space<vmem>>, vector<16xf32>,
      %abs3A_421 = math.absf %get3A_420 : vector<16xf32>
      %max3A_422 = arith.maximumf %max3A_416, %abs3A_421 : vector<16xf32>
      %add3A_423 = arith.constant 32 : i32
      %add3A_424 = arith.addi %mul3A_408, %add3A_423 : i32
      %get3A_425 = arith.index_cast %add3A_424 : i32 to index
      %get3A_426 = tpu.vector_load %arg7[%get3A_425] {strides = array<i32>} : memref<8192xf32, #tpu.memory_space<vmem>>, vector<16xf32>,
      %abs3A_427 = math.absf %get3A_426 : vector<16xf32>
      %max3A_428 = arith.maximumf %max3A_422, %abs3A_427 : vector<16xf32>
      %add3A_429 = arith.constant 48 : i32
      %add3A_430 = arith.addi %mul3A_408, %add3A_429 : i32
      %get3A_431 = arith.index_cast %add3A_430 : i32 to index
      %get3A_432 = tpu.vector_load %arg7[%get3A_431] {strides = array<i32>} : memref<8192xf32, #tpu.memory_space<vmem>>, vector<16xf32>,
      %abs3A_433 = math.absf %get3A_432 : vector<16xf32>
      %max3A_434 = arith.maximumf %max3A_428, %abs3A_433 : vector<16xf32>
      %add3A_435 = arith.constant 64 : i32
      %add3A_436 = arith.addi %mul3A_408, %add3A_435 : i32
      %get3A_437 = arith.index_cast %add3A_436 : i32 to index
      %get3A_438 = tpu.vector_load %arg7[%get3A_437] {strides = array<i32>} : memref<8192xf32, #tpu.memory_space<vmem>>, vector<16xf32>,
      %abs3A_439 = math.absf %get3A_438 : vector<16xf32>
      %max3A_440 = arith.maximumf %max3A_434, %abs3A_439 : vector<16xf32>
      %add3A_441 = arith.constant 80 : i32
      %add3A_442 = arith.addi %mul3A_408, %add3A_441 : i32
      %get3A_443 = arith.index_cast %add3A_442 : i32 to index
      %get3A_444 = tpu.vector_load %arg7[%get3A_443] {strides = array<i32>} : memref<8192xf32, #tpu.memory_space<vmem>>, vector<16xf32>,
      %abs3A_445 = math.absf %get3A_444 : vector<16xf32>
      %max3A_446 = arith.maximumf %max3A_440, %abs3A_445 : vector<16xf32>
      %add3A_447 = arith.constant 96 : i32
      %add3A_448 = arith.addi %mul3A_408, %add3A_447 : i32
      %get3A_449 = arith.index_cast %add3A_448 : i32 to index
      %get3A_450 = tpu.vector_load %arg7[%get3A_449] {strides = array<i32>} : memref<8192xf32, #tpu.memory_space<vmem>>, vector<16xf32>,
      %abs3A_451 = math.absf %get3A_450 : vector<16xf32>
      %max3A_452 = arith.maximumf %max3A_446, %abs3A_451 : vector<16xf32>
      %add3A_453 = arith.constant 112 : i32
      %add3A_454 = arith.addi %mul3A_408, %add3A_453 : i32
      %get3A_455 = arith.index_cast %add3A_454 : i32 to index
      %get3A_456 = tpu.vector_load %arg7[%get3A_455] {strides = array<i32>} : memref<8192xf32, #tpu.memory_space<vmem>>, vector<16xf32>,
      %abs3A_457 = math.absf %get3A_456 : vector<16xf32>
      %max3A_458 = arith.maximumf %max3A_452, %abs3A_457 : vector<16xf32>
      %reduce_max3A_459 = arith.constant true
      %reduce_max3A_460 = vector.broadcast %reduce_max3A_459 : i1 to vector<16xi1>
      %reduce_max3A_461 = tpu.scan <max>, %max3A_458 masked %reduce_max3A_460 : vector<16xf32>, vector<16xi1> -> vector<16xf32>
      %reduce_max3A_462 = vector.extract %reduce_max3A_461[15] : f32 from vector<16xf32>
      %broadcast_in_dim3A_463 = vector.broadcast %add3A_406 : i32 to vector<16xi32>
      %broadcast_in_dim3A_464 = vector.broadcast %reduce_max3A_462 : f32 to vector<16xf32>
      %eq3A_465 = arith.constant 0 : i32
      %eq3A_466 = vector.broadcast %eq3A_465 : i32 to vector<16xi32>
      %eq3A_467 = arith.cmpi eq, %iota3A, %eq3A_466 : vector<16xi32>
      tpu.vector_store_idx %arg9[%broadcast_in_dim3A_463], %broadcast_in_dim3A_464 masked %eq3A_467 : memref<64xf32, #tpu.memory_space<vmem>>[vector<16xi32>], vector<16xf32>, vector<16xi1>
      %mul3A_468 = arith.constant 6 : i32
      %mul3A_469 = arith.muli %add3A_275, %mul3A_468 : i32
      %add3A_470 = arith.constant 3 : i32
      %add3A_471 = arith.addi %mul3A_469, %add3A_470 : i32
      %mul3A_472 = arith.constant 128 : i32
      %mul3A_473 = arith.muli %add3A_471, %mul3A_472 : i32
      %broadcast_in_dim3A_474 = arith.constant -1.000000e+00 : f32
      %broadcast_in_dim3A_475 = vector.broadcast %broadcast_in_dim3A_474 : f32 to vector<16xf32>
      %add3A_476 = arith.constant 0 : i32
      %add3A_477 = arith.addi %mul3A_473, %add3A_476 : i32
      %get3A_478 = arith.index_cast %add3A_477 : i32 to index
      %get3A_479 = tpu.vector_load %arg7[%get3A_478] {strides = array<i32>} : memref<8192xf32, #tpu.memory_space<vmem>>, vector<16xf32>,
      %abs3A_480 = math.absf %get3A_479 : vector<16xf32>
      %max3A_481 = arith.maximumf %broadcast_in_dim3A_475, %abs3A_480 : vector<16xf32>
      %add3A_482 = arith.constant 16 : i32
      %add3A_483 = arith.addi %mul3A_473, %add3A_482 : i32
      %get3A_484 = arith.index_cast %add3A_483 : i32 to index
      %get3A_485 = tpu.vector_load %arg7[%get3A_484] {strides = array<i32>} : memref<8192xf32, #tpu.memory_space<vmem>>, vector<16xf32>,
      %abs3A_486 = math.absf %get3A_485 : vector<16xf32>
      %max3A_487 = arith.maximumf %max3A_481, %abs3A_486 : vector<16xf32>
      %add3A_488 = arith.constant 32 : i32
      %add3A_489 = arith.addi %mul3A_473, %add3A_488 : i32
      %get3A_490 = arith.index_cast %add3A_489 : i32 to index
      %get3A_491 = tpu.vector_load %arg7[%get3A_490] {strides = array<i32>} : memref<8192xf32, #tpu.memory_space<vmem>>, vector<16xf32>,
      %abs3A_492 = math.absf %get3A_491 : vector<16xf32>
      %max3A_493 = arith.maximumf %max3A_487, %abs3A_492 : vector<16xf32>
      %add3A_494 = arith.constant 48 : i32
      %add3A_495 = arith.addi %mul3A_473, %add3A_494 : i32
      %get3A_496 = arith.index_cast %add3A_495 : i32 to index
      %get3A_497 = tpu.vector_load %arg7[%get3A_496] {strides = array<i32>} : memref<8192xf32, #tpu.memory_space<vmem>>, vector<16xf32>,
      %abs3A_498 = math.absf %get3A_497 : vector<16xf32>
      %max3A_499 = arith.maximumf %max3A_493, %abs3A_498 : vector<16xf32>
      %add3A_500 = arith.constant 64 : i32
      %add3A_501 = arith.addi %mul3A_473, %add3A_500 : i32
      %get3A_502 = arith.index_cast %add3A_501 : i32 to index
      %get3A_503 = tpu.vector_load %arg7[%get3A_502] {strides = array<i32>} : memref<8192xf32, #tpu.memory_space<vmem>>, vector<16xf32>,
      %abs3A_504 = math.absf %get3A_503 : vector<16xf32>
      %max3A_505 = arith.maximumf %max3A_499, %abs3A_504 : vector<16xf32>
      %add3A_506 = arith.constant 80 : i32
      %add3A_507 = arith.addi %mul3A_473, %add3A_506 : i32
      %get3A_508 = arith.index_cast %add3A_507 : i32 to index
      %get3A_509 = tpu.vector_load %arg7[%get3A_508] {strides = array<i32>} : memref<8192xf32, #tpu.memory_space<vmem>>, vector<16xf32>,
      %abs3A_510 = math.absf %get3A_509 : vector<16xf32>
      %max3A_511 = arith.maximumf %max3A_505, %abs3A_510 : vector<16xf32>
      %add3A_512 = arith.constant 96 : i32
      %add3A_513 = arith.addi %mul3A_473, %add3A_512 : i32
      %get3A_514 = arith.index_cast %add3A_513 : i32 to index
      %get3A_515 = tpu.vector_load %arg7[%get3A_514] {strides = array<i32>} : memref<8192xf32, #tpu.memory_space<vmem>>, vector<16xf32>,
      %abs3A_516 = math.absf %get3A_515 : vector<16xf32>
      %max3A_517 = arith.maximumf %max3A_511, %abs3A_516 : vector<16xf32>
      %add3A_518 = arith.constant 112 : i32
      %add3A_519 = arith.addi %mul3A_473, %add3A_518 : i32
      %get3A_520 = arith.index_cast %add3A_519 : i32 to index
      %get3A_521 = tpu.vector_load %arg7[%get3A_520] {strides = array<i32>} : memref<8192xf32, #tpu.memory_space<vmem>>, vector<16xf32>,
      %abs3A_522 = math.absf %get3A_521 : vector<16xf32>
      %max3A_523 = arith.maximumf %max3A_517, %abs3A_522 : vector<16xf32>
      %reduce_max3A_524 = arith.constant true
      %reduce_max3A_525 = vector.broadcast %reduce_max3A_524 : i1 to vector<16xi1>
      %reduce_max3A_526 = tpu.scan <max>, %max3A_523 masked %reduce_max3A_525 : vector<16xf32>, vector<16xi1> -> vector<16xf32>
      %reduce_max3A_527 = vector.extract %reduce_max3A_526[15] : f32 from vector<16xf32>
      %broadcast_in_dim3A_528 = vector.broadcast %add3A_471 : i32 to vector<16xi32>
      %broadcast_in_dim3A_529 = vector.broadcast %reduce_max3A_527 : f32 to vector<16xf32>
      %eq3A_530 = arith.constant 0 : i32
      %eq3A_531 = vector.broadcast %eq3A_530 : i32 to vector<16xi32>
      %eq3A_532 = arith.cmpi eq, %iota3A, %eq3A_531 : vector<16xi32>
      tpu.vector_store_idx %arg9[%broadcast_in_dim3A_528], %broadcast_in_dim3A_529 masked %eq3A_532 : memref<64xf32, #tpu.memory_space<vmem>>[vector<16xi32>], vector<16xf32>, vector<16xi1>
      %mul3A_533 = arith.constant 6 : i32
      %mul3A_534 = arith.muli %add3A_275, %mul3A_533 : i32
      %add3A_535 = arith.constant 4 : i32
      %add3A_536 = arith.addi %mul3A_534, %add3A_535 : i32
      %mul3A_537 = arith.constant 128 : i32
      %mul3A_538 = arith.muli %add3A_536, %mul3A_537 : i32
      %broadcast_in_dim3A_539 = arith.constant -1.000000e+00 : f32
      %broadcast_in_dim3A_540 = vector.broadcast %broadcast_in_dim3A_539 : f32 to vector<16xf32>
      %add3A_541 = arith.constant 0 : i32
      %add3A_542 = arith.addi %mul3A_538, %add3A_541 : i32
      %get3A_543 = arith.index_cast %add3A_542 : i32 to index
      %get3A_544 = tpu.vector_load %arg7[%get3A_543] {strides = array<i32>} : memref<8192xf32, #tpu.memory_space<vmem>>, vector<16xf32>,
      %abs3A_545 = math.absf %get3A_544 : vector<16xf32>
      %max3A_546 = arith.maximumf %broadcast_in_dim3A_540, %abs3A_545 : vector<16xf32>
      %add3A_547 = arith.constant 16 : i32
      %add3A_548 = arith.addi %mul3A_538, %add3A_547 : i32
      %get3A_549 = arith.index_cast %add3A_548 : i32 to index
      %get3A_550 = tpu.vector_load %arg7[%get3A_549] {strides = array<i32>} : memref<8192xf32, #tpu.memory_space<vmem>>, vector<16xf32>,
      %abs3A_551 = math.absf %get3A_550 : vector<16xf32>
      %max3A_552 = arith.maximumf %max3A_546, %abs3A_551 : vector<16xf32>
      %add3A_553 = arith.constant 32 : i32
      %add3A_554 = arith.addi %mul3A_538, %add3A_553 : i32
      %get3A_555 = arith.index_cast %add3A_554 : i32 to index
      %get3A_556 = tpu.vector_load %arg7[%get3A_555] {strides = array<i32>} : memref<8192xf32, #tpu.memory_space<vmem>>, vector<16xf32>,
      %abs3A_557 = math.absf %get3A_556 : vector<16xf32>
      %max3A_558 = arith.maximumf %max3A_552, %abs3A_557 : vector<16xf32>
      %add3A_559 = arith.constant 48 : i32
      %add3A_560 = arith.addi %mul3A_538, %add3A_559 : i32
      %get3A_561 = arith.index_cast %add3A_560 : i32 to index
      %get3A_562 = tpu.vector_load %arg7[%get3A_561] {strides = array<i32>} : memref<8192xf32, #tpu.memory_space<vmem>>, vector<16xf32>,
      %abs3A_563 = math.absf %get3A_562 : vector<16xf32>
      %max3A_564 = arith.maximumf %max3A_558, %abs3A_563 : vector<16xf32>
      %add3A_565 = arith.constant 64 : i32
      %add3A_566 = arith.addi %mul3A_538, %add3A_565 : i32
      %get3A_567 = arith.index_cast %add3A_566 : i32 to index
      %get3A_568 = tpu.vector_load %arg7[%get3A_567] {strides = array<i32>} : memref<8192xf32, #tpu.memory_space<vmem>>, vector<16xf32>,
      %abs3A_569 = math.absf %get3A_568 : vector<16xf32>
      %max3A_570 = arith.maximumf %max3A_564, %abs3A_569 : vector<16xf32>
      %add3A_571 = arith.constant 80 : i32
      %add3A_572 = arith.addi %mul3A_538, %add3A_571 : i32
      %get3A_573 = arith.index_cast %add3A_572 : i32 to index
      %get3A_574 = tpu.vector_load %arg7[%get3A_573] {strides = array<i32>} : memref<8192xf32, #tpu.memory_space<vmem>>, vector<16xf32>,
      %abs3A_575 = math.absf %get3A_574 : vector<16xf32>
      %max3A_576 = arith.maximumf %max3A_570, %abs3A_575 : vector<16xf32>
      %add3A_577 = arith.constant 96 : i32
      %add3A_578 = arith.addi %mul3A_538, %add3A_577 : i32
      %get3A_579 = arith.index_cast %add3A_578 : i32 to index
      %get3A_580 = tpu.vector_load %arg7[%get3A_579] {strides = array<i32>} : memref<8192xf32, #tpu.memory_space<vmem>>, vector<16xf32>,
      %abs3A_581 = math.absf %get3A_580 : vector<16xf32>
      %max3A_582 = arith.maximumf %max3A_576, %abs3A_581 : vector<16xf32>
      %add3A_583 = arith.constant 112 : i32
      %add3A_584 = arith.addi %mul3A_538, %add3A_583 : i32
      %get3A_585 = arith.index_cast %add3A_584 : i32 to index
      %get3A_586 = tpu.vector_load %arg7[%get3A_585] {strides = array<i32>} : memref<8192xf32, #tpu.memory_space<vmem>>, vector<16xf32>,
      %abs3A_587 = math.absf %get3A_586 : vector<16xf32>
      %max3A_588 = arith.maximumf %max3A_582, %abs3A_587 : vector<16xf32>
      %reduce_max3A_589 = arith.constant true
      %reduce_max3A_590 = vector.broadcast %reduce_max3A_589 : i1 to vector<16xi1>
      %reduce_max3A_591 = tpu.scan <max>, %max3A_588 masked %reduce_max3A_590 : vector<16xf32>, vector<16xi1> -> vector<16xf32>
      %reduce_max3A_592 = vector.extract %reduce_max3A_591[15] : f32 from vector<16xf32>
      %broadcast_in_dim3A_593 = vector.broadcast %add3A_536 : i32 to vector<16xi32>
      %broadcast_in_dim3A_594 = vector.broadcast %reduce_max3A_592 : f32 to vector<16xf32>
      %eq3A_595 = arith.constant 0 : i32
      %eq3A_596 = vector.broadcast %eq3A_595 : i32 to vector<16xi32>
      %eq3A_597 = arith.cmpi eq, %iota3A, %eq3A_596 : vector<16xi32>
      tpu.vector_store_idx %arg9[%broadcast_in_dim3A_593], %broadcast_in_dim3A_594 masked %eq3A_597 : memref<64xf32, #tpu.memory_space<vmem>>[vector<16xi32>], vector<16xf32>, vector<16xi1>
      %mul3A_598 = arith.constant 6 : i32
      %mul3A_599 = arith.muli %add3A_275, %mul3A_598 : i32
      %add3A_600 = arith.constant 5 : i32
      %add3A_601 = arith.addi %mul3A_599, %add3A_600 : i32
      %mul3A_602 = arith.constant 128 : i32
      %mul3A_603 = arith.muli %add3A_601, %mul3A_602 : i32
      %broadcast_in_dim3A_604 = arith.constant -1.000000e+00 : f32
      %broadcast_in_dim3A_605 = vector.broadcast %broadcast_in_dim3A_604 : f32 to vector<16xf32>
      %add3A_606 = arith.constant 0 : i32
      %add3A_607 = arith.addi %mul3A_603, %add3A_606 : i32
      %get3A_608 = arith.index_cast %add3A_607 : i32 to index
      %get3A_609 = tpu.vector_load %arg7[%get3A_608] {strides = array<i32>} : memref<8192xf32, #tpu.memory_space<vmem>>, vector<16xf32>,
      %abs3A_610 = math.absf %get3A_609 : vector<16xf32>
      %max3A_611 = arith.maximumf %broadcast_in_dim3A_605, %abs3A_610 : vector<16xf32>
      %add3A_612 = arith.constant 16 : i32
      %add3A_613 = arith.addi %mul3A_603, %add3A_612 : i32
      %get3A_614 = arith.index_cast %add3A_613 : i32 to index
      %get3A_615 = tpu.vector_load %arg7[%get3A_614] {strides = array<i32>} : memref<8192xf32, #tpu.memory_space<vmem>>, vector<16xf32>,
      %abs3A_616 = math.absf %get3A_615 : vector<16xf32>
      %max3A_617 = arith.maximumf %max3A_611, %abs3A_616 : vector<16xf32>
      %add3A_618 = arith.constant 32 : i32
      %add3A_619 = arith.addi %mul3A_603, %add3A_618 : i32
      %get3A_620 = arith.index_cast %add3A_619 : i32 to index
      %get3A_621 = tpu.vector_load %arg7[%get3A_620] {strides = array<i32>} : memref<8192xf32, #tpu.memory_space<vmem>>, vector<16xf32>,
      %abs3A_622 = math.absf %get3A_621 : vector<16xf32>
      %max3A_623 = arith.maximumf %max3A_617, %abs3A_622 : vector<16xf32>
      %add3A_624 = arith.constant 48 : i32
      %add3A_625 = arith.addi %mul3A_603, %add3A_624 : i32
      %get3A_626 = arith.index_cast %add3A_625 : i32 to index
      %get3A_627 = tpu.vector_load %arg7[%get3A_626] {strides = array<i32>} : memref<8192xf32, #tpu.memory_space<vmem>>, vector<16xf32>,
      %abs3A_628 = math.absf %get3A_627 : vector<16xf32>
      %max3A_629 = arith.maximumf %max3A_623, %abs3A_628 : vector<16xf32>
      %add3A_630 = arith.constant 64 : i32
      %add3A_631 = arith.addi %mul3A_603, %add3A_630 : i32
      %get3A_632 = arith.index_cast %add3A_631 : i32 to index
      %get3A_633 = tpu.vector_load %arg7[%get3A_632] {strides = array<i32>} : memref<8192xf32, #tpu.memory_space<vmem>>, vector<16xf32>,
      %abs3A_634 = math.absf %get3A_633 : vector<16xf32>
      %max3A_635 = arith.maximumf %max3A_629, %abs3A_634 : vector<16xf32>
      %add3A_636 = arith.constant 80 : i32
      %add3A_637 = arith.addi %mul3A_603, %add3A_636 : i32
      %get3A_638 = arith.index_cast %add3A_637 : i32 to index
      %get3A_639 = tpu.vector_load %arg7[%get3A_638] {strides = array<i32>} : memref<8192xf32, #tpu.memory_space<vmem>>, vector<16xf32>,
      %abs3A_640 = math.absf %get3A_639 : vector<16xf32>
      %max3A_641 = arith.maximumf %max3A_635, %abs3A_640 : vector<16xf32>
      %add3A_642 = arith.constant 96 : i32
      %add3A_643 = arith.addi %mul3A_603, %add3A_642 : i32
      %get3A_644 = arith.index_cast %add3A_643 : i32 to index
      %get3A_645 = tpu.vector_load %arg7[%get3A_644] {strides = array<i32>} : memref<8192xf32, #tpu.memory_space<vmem>>, vector<16xf32>,
      %abs3A_646 = math.absf %get3A_645 : vector<16xf32>
      %max3A_647 = arith.maximumf %max3A_641, %abs3A_646 : vector<16xf32>
      %add3A_648 = arith.constant 112 : i32
      %add3A_649 = arith.addi %mul3A_603, %add3A_648 : i32
      %get3A_650 = arith.index_cast %add3A_649 : i32 to index
      %get3A_651 = tpu.vector_load %arg7[%get3A_650] {strides = array<i32>} : memref<8192xf32, #tpu.memory_space<vmem>>, vector<16xf32>,
      %abs3A_652 = math.absf %get3A_651 : vector<16xf32>
      %max3A_653 = arith.maximumf %max3A_647, %abs3A_652 : vector<16xf32>
      %reduce_max3A_654 = arith.constant true
      %reduce_max3A_655 = vector.broadcast %reduce_max3A_654 : i1 to vector<16xi1>
      %reduce_max3A_656 = tpu.scan <max>, %max3A_653 masked %reduce_max3A_655 : vector<16xf32>, vector<16xi1> -> vector<16xf32>
      %reduce_max3A_657 = vector.extract %reduce_max3A_656[15] : f32 from vector<16xf32>
      %broadcast_in_dim3A_658 = vector.broadcast %add3A_601 : i32 to vector<16xi32>
      %broadcast_in_dim3A_659 = vector.broadcast %reduce_max3A_657 : f32 to vector<16xf32>
      %eq3A_660 = arith.constant 0 : i32
      %eq3A_661 = vector.broadcast %eq3A_660 : i32 to vector<16xi32>
      %eq3A_662 = arith.cmpi eq, %iota3A, %eq3A_661 : vector<16xi32>
      tpu.vector_store_idx %arg9[%broadcast_in_dim3A_658], %broadcast_in_dim3A_659 masked %eq3A_662 : memref<64xf32, #tpu.memory_space<vmem>>[vector<16xi32>], vector<16xf32>, vector<16xi1>
      %get3A_663 = arith.constant 0 : index
      %get3A_664 = tpu.vector_load %arg8[%get3A_663] {strides = array<i32>} : memref<64xf32, #tpu.memory_space<vmem>>, vector<16xf32>,
      %get3A_665 = arith.constant 16 : index
      %get3A_666 = tpu.vector_load %arg8[%get3A_665] {strides = array<i32>} : memref<64xf32, #tpu.memory_space<vmem>>, vector<16xf32>,
      %get3A_667 = arith.constant 32 : index
      %get3A_668 = tpu.vector_load %arg8[%get3A_667] {strides = array<i32>} : memref<64xf32, #tpu.memory_space<vmem>>, vector<16xf32>,
      %get3A_669 = arith.constant 48 : index
      %get3A_670 = tpu.vector_load %arg8[%get3A_669] {strides = array<i32>} : memref<64xf32, #tpu.memory_space<vmem>>, vector<16xf32>,
      %max3A_671 = arith.maximumf %get3A_664, %get3A_666 : vector<16xf32>
      %max3A_672 = arith.maximumf %max3A_671, %get3A_668 : vector<16xf32>
      %max3A_673 = arith.maximumf %max3A_672, %get3A_670 : vector<16xf32>
      %reduce_max3A_674 = arith.constant true
      %reduce_max3A_675 = vector.broadcast %reduce_max3A_674 : i1 to vector<16xi1>
      %reduce_max3A_676 = tpu.scan <max>, %max3A_673 masked %reduce_max3A_675 : vector<16xf32>, vector<16xi1> -> vector<16xf32>
      %reduce_max3A_677 = vector.extract %reduce_max3A_676[15] : f32 from vector<16xf32>
      %broadcast_in_dim3A_678 = arith.constant 1073741824 : i32
      %broadcast_in_dim3A_679 = vector.broadcast %broadcast_in_dim3A_678 : i32 to vector<16xi32>
      %eq3A_680 = vector.broadcast %reduce_max3A_677 : f32 to vector<16xf32>
      %eq3A_681 = arith.cmpf oeq, %get3A_664, %eq3A_680 : vector<16xf32>
      %add3A_682 = arith.constant 0 : i32
      %add3A_683 = vector.broadcast %add3A_682 : i32 to vector<16xi32>
      %add3A_684 = arith.addi %iota3A, %add3A_683 : vector<16xi32>
      %jit3A = arith.constant 1073741824 : i32
      %broadcast_in_dim3A_685 = vector.broadcast %jit3A : i32 to vector<16xi32>
      %select_n3A = arith.select %eq3A_681, %add3A_684, %broadcast_in_dim3A_685 : vector<16xi1>, vector<16xi32>
      %min3A_686 = arith.minsi %broadcast_in_dim3A_679, %select_n3A : vector<16xi32>
      %eq3A_687 = vector.broadcast %reduce_max3A_677 : f32 to vector<16xf32>
      %eq3A_688 = arith.cmpf oeq, %get3A_666, %eq3A_687 : vector<16xf32>
      %add3A_689 = arith.constant 16 : i32
      %add3A_690 = vector.broadcast %add3A_689 : i32 to vector<16xi32>
      %add3A_691 = arith.addi %iota3A, %add3A_690 : vector<16xi32>
      %jit3A_692 = arith.constant 1073741824 : i32
      %broadcast_in_dim3A_693 = vector.broadcast %jit3A_692 : i32 to vector<16xi32>
      %select_n3A_694 = arith.select %eq3A_688, %add3A_691, %broadcast_in_dim3A_693 : vector<16xi1>, vector<16xi32>
      %min3A_695 = arith.minsi %min3A_686, %select_n3A_694 : vector<16xi32>
      %eq3A_696 = vector.broadcast %reduce_max3A_677 : f32 to vector<16xf32>
      %eq3A_697 = arith.cmpf oeq, %get3A_668, %eq3A_696 : vector<16xf32>
      %add3A_698 = arith.constant 32 : i32
      %add3A_699 = vector.broadcast %add3A_698 : i32 to vector<16xi32>
      %add3A_700 = arith.addi %iota3A, %add3A_699 : vector<16xi32>
      %jit3A_701 = arith.constant 1073741824 : i32
      %broadcast_in_dim3A_702 = vector.broadcast %jit3A_701 : i32 to vector<16xi32>
      %select_n3A_703 = arith.select %eq3A_697, %add3A_700, %broadcast_in_dim3A_702 : vector<16xi1>, vector<16xi32>
      %min3A_704 = arith.minsi %min3A_695, %select_n3A_703 : vector<16xi32>
      %eq3A_705 = vector.broadcast %reduce_max3A_677 : f32 to vector<16xf32>
      %eq3A_706 = arith.cmpf oeq, %get3A_670, %eq3A_705 : vector<16xf32>
      %add3A_707 = arith.constant 48 : i32
      %add3A_708 = vector.broadcast %add3A_707 : i32 to vector<16xi32>
      %add3A_709 = arith.addi %iota3A, %add3A_708 : vector<16xi32>
      %jit3A_710 = arith.constant 1073741824 : i32
      %broadcast_in_dim3A_711 = vector.broadcast %jit3A_710 : i32 to vector<16xi32>
      %select_n3A_712 = arith.select %eq3A_706, %add3A_709, %broadcast_in_dim3A_711 : vector<16xi1>, vector<16xi32>
      %min3A_713 = arith.minsi %min3A_704, %select_n3A_712 : vector<16xi32>
      %reduce_min3A = arith.constant true
      %reduce_min3A_714 = vector.broadcast %reduce_min3A : i1 to vector<16xi1>
      %reduce_min3A_715 = arith.constant -2147483648 : i32
      %reduce_min3A_716 = vector.broadcast %reduce_min3A_715 : i32 to vector<16xi32>
      %reduce_min3A_717 = arith.xori %min3A_713, %reduce_min3A_716 : vector<16xi32>
      %reduce_min3A_718 = tpu.scan <min>, %reduce_min3A_717 masked %reduce_min3A_714 : vector<16xi32>, vector<16xi1> -> vector<16xi32>
      %reduce_min3A_719 = arith.xori %reduce_min3A_718, %reduce_min3A_716 : vector<16xi32>
      %reduce_min3A_720 = vector.extract %reduce_min3A_719[15] : i32 from vector<16xi32>
      %mul3A_721 = arith.constant 128 : i32
      %mul3A_722 = arith.muli %reduce_min3A_720, %mul3A_721 : i32
      %broadcast_in_dim3A_723 = arith.constant 1073741824 : i32
      %broadcast_in_dim3A_724 = vector.broadcast %broadcast_in_dim3A_723 : i32 to vector<16xi32>
      %broadcast_in_dim3A_725 = arith.constant 0 : i32
      %broadcast_in_dim3A_726 = vector.broadcast %broadcast_in_dim3A_725 : i32 to vector<16xi32>
      %broadcast_in_dim3A_727 = arith.constant -1.000000e+00 : f32
      %broadcast_in_dim3A_728 = vector.broadcast %broadcast_in_dim3A_727 : f32 to vector<16xf32>
      %add3A_729 = arith.constant 0 : i32
      %add3A_730 = arith.addi %mul3A_722, %add3A_729 : i32
      %get3A_731 = arith.index_cast %add3A_730 : i32 to index
      %get3A_732 = tpu.vector_load %arg6[%get3A_731] {strides = array<i32>} : memref<8192xf32, #tpu.memory_space<vmem>>, vector<16xf32>,
      %abs3A_733 = math.absf %get3A_732 : vector<16xf32>
      %eq3A_734 = vector.broadcast %reduce_max3A_677 : f32 to vector<16xf32>
      %eq3A_735 = arith.cmpf oeq, %abs3A_733, %eq3A_734 : vector<16xf32>
      %add3A_736 = arith.constant 0 : i32
      %add3A_737 = arith.addi %mul3A_722, %add3A_736 : i32
      %add3A_738 = vector.broadcast %add3A_737 : i32 to vector<16xi32>
      %add3A_739 = arith.addi %add3A_738, %iota3A : vector<16xi32>
      %jit3A_740 = arith.constant 1073741824 : i32
      %broadcast_in_dim3A_741 = vector.broadcast %jit3A_740 : i32 to vector<16xi32>
      %select_n3A_742 = arith.select %eq3A_735, %add3A_739, %broadcast_in_dim3A_741 : vector<16xi1>, vector<16xi32>
      %min3A_743 = arith.minsi %broadcast_in_dim3A_724, %select_n3A_742 : vector<16xi32>
      %convert_element_type3A = arith.extui %eq3A_735 : vector<16xi1> to vector<16xi32>
      %add3A_744 = arith.addi %broadcast_in_dim3A_726, %convert_element_type3A : vector<16xi32>
      %jit3A_745 = arith.constant -1.000000e+00 : f32
      %broadcast_in_dim3A_746 = vector.broadcast %jit3A_745 : f32 to vector<16xf32>
      %select_n3A_747 = arith.select %eq3A_735, %broadcast_in_dim3A_746, %abs3A_733 : vector<16xi1>, vector<16xf32>
      %gt3A = arith.cmpf ogt, %select_n3A_747, %broadcast_in_dim3A_728 : vector<16xf32>
      %select_n3A_748 = arith.select %gt3A, %select_n3A_747, %broadcast_in_dim3A_728 : vector<16xi1>, vector<16xf32>
      %add3A_749 = arith.constant 16 : i32
      %add3A_750 = arith.addi %mul3A_722, %add3A_749 : i32
      %get3A_751 = arith.index_cast %add3A_750 : i32 to index
      %get3A_752 = tpu.vector_load %arg6[%get3A_751] {strides = array<i32>} : memref<8192xf32, #tpu.memory_space<vmem>>, vector<16xf32>,
      %abs3A_753 = math.absf %get3A_752 : vector<16xf32>
      %eq3A_754 = vector.broadcast %reduce_max3A_677 : f32 to vector<16xf32>
      %eq3A_755 = arith.cmpf oeq, %abs3A_753, %eq3A_754 : vector<16xf32>
      %add3A_756 = arith.constant 16 : i32
      %add3A_757 = arith.addi %mul3A_722, %add3A_756 : i32
      %add3A_758 = vector.broadcast %add3A_757 : i32 to vector<16xi32>
      %add3A_759 = arith.addi %add3A_758, %iota3A : vector<16xi32>
      %jit3A_760 = arith.constant 1073741824 : i32
      %broadcast_in_dim3A_761 = vector.broadcast %jit3A_760 : i32 to vector<16xi32>
      %select_n3A_762 = arith.select %eq3A_755, %add3A_759, %broadcast_in_dim3A_761 : vector<16xi1>, vector<16xi32>
      %min3A_763 = arith.minsi %min3A_743, %select_n3A_762 : vector<16xi32>
      %convert_element_type3A_764 = arith.extui %eq3A_755 : vector<16xi1> to vector<16xi32>
      %add3A_765 = arith.addi %add3A_744, %convert_element_type3A_764 : vector<16xi32>
      %jit3A_766 = arith.constant -1.000000e+00 : f32
      %broadcast_in_dim3A_767 = vector.broadcast %jit3A_766 : f32 to vector<16xf32>
      %select_n3A_768 = arith.select %eq3A_755, %broadcast_in_dim3A_767, %abs3A_753 : vector<16xi1>, vector<16xf32>
      %gt3A_769 = arith.cmpf ogt, %select_n3A_768, %select_n3A_748 : vector<16xf32>
      %select_n3A_770 = arith.select %gt3A_769, %select_n3A_768, %select_n3A_748 : vector<16xi1>, vector<16xf32>
      %add3A_771 = arith.constant 32 : i32
      %add3A_772 = arith.addi %mul3A_722, %add3A_771 : i32
      %get3A_773 = arith.index_cast %add3A_772 : i32 to index
      %get3A_774 = tpu.vector_load %arg6[%get3A_773] {strides = array<i32>} : memref<8192xf32, #tpu.memory_space<vmem>>, vector<16xf32>,
      %abs3A_775 = math.absf %get3A_774 : vector<16xf32>
      %eq3A_776 = vector.broadcast %reduce_max3A_677 : f32 to vector<16xf32>
      %eq3A_777 = arith.cmpf oeq, %abs3A_775, %eq3A_776 : vector<16xf32>
      %add3A_778 = arith.constant 32 : i32
      %add3A_779 = arith.addi %mul3A_722, %add3A_778 : i32
      %add3A_780 = vector.broadcast %add3A_779 : i32 to vector<16xi32>
      %add3A_781 = arith.addi %add3A_780, %iota3A : vector<16xi32>
      %jit3A_782 = arith.constant 1073741824 : i32
      %broadcast_in_dim3A_783 = vector.broadcast %jit3A_782 : i32 to vector<16xi32>
      %select_n3A_784 = arith.select %eq3A_777, %add3A_781, %broadcast_in_dim3A_783 : vector<16xi1>, vector<16xi32>
      %min3A_785 = arith.minsi %min3A_763, %select_n3A_784 : vector<16xi32>
      %convert_element_type3A_786 = arith.extui %eq3A_777 : vector<16xi1> to vector<16xi32>
      %add3A_787 = arith.addi %add3A_765, %convert_element_type3A_786 : vector<16xi32>
      %jit3A_788 = arith.constant -1.000000e+00 : f32
      %broadcast_in_dim3A_789 = vector.broadcast %jit3A_788 : f32 to vector<16xf32>
      %select_n3A_790 = arith.select %eq3A_777, %broadcast_in_dim3A_789, %abs3A_775 : vector<16xi1>, vector<16xf32>
      %gt3A_791 = arith.cmpf ogt, %select_n3A_790, %select_n3A_770 : vector<16xf32>
      %select_n3A_792 = arith.select %gt3A_791, %select_n3A_790, %select_n3A_770 : vector<16xi1>, vector<16xf32>
      %add3A_793 = arith.constant 48 : i32
      %add3A_794 = arith.addi %mul3A_722, %add3A_793 : i32
      %get3A_795 = arith.index_cast %add3A_794 : i32 to index
      %get3A_796 = tpu.vector_load %arg6[%get3A_795] {strides = array<i32>} : memref<8192xf32, #tpu.memory_space<vmem>>, vector<16xf32>,
      %abs3A_797 = math.absf %get3A_796 : vector<16xf32>
      %eq3A_798 = vector.broadcast %reduce_max3A_677 : f32 to vector<16xf32>
      %eq3A_799 = arith.cmpf oeq, %abs3A_797, %eq3A_798 : vector<16xf32>
      %add3A_800 = arith.constant 48 : i32
      %add3A_801 = arith.addi %mul3A_722, %add3A_800 : i32
      %add3A_802 = vector.broadcast %add3A_801 : i32 to vector<16xi32>
      %add3A_803 = arith.addi %add3A_802, %iota3A : vector<16xi32>
      %jit3A_804 = arith.constant 1073741824 : i32
      %broadcast_in_dim3A_805 = vector.broadcast %jit3A_804 : i32 to vector<16xi32>
      %select_n3A_806 = arith.select %eq3A_799, %add3A_803, %broadcast_in_dim3A_805 : vector<16xi1>, vector<16xi32>
      %min3A_807 = arith.minsi %min3A_785, %select_n3A_806 : vector<16xi32>
      %convert_element_type3A_808 = arith.extui %eq3A_799 : vector<16xi1> to vector<16xi32>
      %add3A_809 = arith.addi %add3A_787, %convert_element_type3A_808 : vector<16xi32>
      %jit3A_810 = arith.constant -1.000000e+00 : f32
      %broadcast_in_dim3A_811 = vector.broadcast %jit3A_810 : f32 to vector<16xf32>
      %select_n3A_812 = arith.select %eq3A_799, %broadcast_in_dim3A_811, %abs3A_797 : vector<16xi1>, vector<16xf32>
      %gt3A_813 = arith.cmpf ogt, %select_n3A_812, %select_n3A_792 : vector<16xf32>
      %select_n3A_814 = arith.select %gt3A_813, %select_n3A_812, %select_n3A_792 : vector<16xi1>, vector<16xf32>
      %add3A_815 = arith.constant 64 : i32
      %add3A_816 = arith.addi %mul3A_722, %add3A_815 : i32
      %get3A_817 = arith.index_cast %add3A_816 : i32 to index
      %get3A_818 = tpu.vector_load %arg6[%get3A_817] {strides = array<i32>} : memref<8192xf32, #tpu.memory_space<vmem>>, vector<16xf32>,
      %abs3A_819 = math.absf %get3A_818 : vector<16xf32>
      %eq3A_820 = vector.broadcast %reduce_max3A_677 : f32 to vector<16xf32>
      %eq3A_821 = arith.cmpf oeq, %abs3A_819, %eq3A_820 : vector<16xf32>
      %add3A_822 = arith.constant 64 : i32
      %add3A_823 = arith.addi %mul3A_722, %add3A_822 : i32
      %add3A_824 = vector.broadcast %add3A_823 : i32 to vector<16xi32>
      %add3A_825 = arith.addi %add3A_824, %iota3A : vector<16xi32>
      %jit3A_826 = arith.constant 1073741824 : i32
      %broadcast_in_dim3A_827 = vector.broadcast %jit3A_826 : i32 to vector<16xi32>
      %select_n3A_828 = arith.select %eq3A_821, %add3A_825, %broadcast_in_dim3A_827 : vector<16xi1>, vector<16xi32>
      %min3A_829 = arith.minsi %min3A_807, %select_n3A_828 : vector<16xi32>
      %convert_element_type3A_830 = arith.extui %eq3A_821 : vector<16xi1> to vector<16xi32>
      %add3A_831 = arith.addi %add3A_809, %convert_element_type3A_830 : vector<16xi32>
      %jit3A_832 = arith.constant -1.000000e+00 : f32
      %broadcast_in_dim3A_833 = vector.broadcast %jit3A_832 : f32 to vector<16xf32>
      %select_n3A_834 = arith.select %eq3A_821, %broadcast_in_dim3A_833, %abs3A_819 : vector<16xi1>, vector<16xf32>
      %gt3A_835 = arith.cmpf ogt, %select_n3A_834, %select_n3A_814 : vector<16xf32>
      %select_n3A_836 = arith.select %gt3A_835, %select_n3A_834, %select_n3A_814 : vector<16xi1>, vector<16xf32>
      %add3A_837 = arith.constant 80 : i32
      %add3A_838 = arith.addi %mul3A_722, %add3A_837 : i32
      %get3A_839 = arith.index_cast %add3A_838 : i32 to index
      %get3A_840 = tpu.vector_load %arg6[%get3A_839] {strides = array<i32>} : memref<8192xf32, #tpu.memory_space<vmem>>, vector<16xf32>,
      %abs3A_841 = math.absf %get3A_840 : vector<16xf32>
      %eq3A_842 = vector.broadcast %reduce_max3A_677 : f32 to vector<16xf32>
      %eq3A_843 = arith.cmpf oeq, %abs3A_841, %eq3A_842 : vector<16xf32>
      %add3A_844 = arith.constant 80 : i32
      %add3A_845 = arith.addi %mul3A_722, %add3A_844 : i32
      %add3A_846 = vector.broadcast %add3A_845 : i32 to vector<16xi32>
      %add3A_847 = arith.addi %add3A_846, %iota3A : vector<16xi32>
      %jit3A_848 = arith.constant 1073741824 : i32
      %broadcast_in_dim3A_849 = vector.broadcast %jit3A_848 : i32 to vector<16xi32>
      %select_n3A_850 = arith.select %eq3A_843, %add3A_847, %broadcast_in_dim3A_849 : vector<16xi1>, vector<16xi32>
      %min3A_851 = arith.minsi %min3A_829, %select_n3A_850 : vector<16xi32>
      %convert_element_type3A_852 = arith.extui %eq3A_843 : vector<16xi1> to vector<16xi32>
      %add3A_853 = arith.addi %add3A_831, %convert_element_type3A_852 : vector<16xi32>
      %jit3A_854 = arith.constant -1.000000e+00 : f32
      %broadcast_in_dim3A_855 = vector.broadcast %jit3A_854 : f32 to vector<16xf32>
      %select_n3A_856 = arith.select %eq3A_843, %broadcast_in_dim3A_855, %abs3A_841 : vector<16xi1>, vector<16xf32>
      %gt3A_857 = arith.cmpf ogt, %select_n3A_856, %select_n3A_836 : vector<16xf32>
      %select_n3A_858 = arith.select %gt3A_857, %select_n3A_856, %select_n3A_836 : vector<16xi1>, vector<16xf32>
      %add3A_859 = arith.constant 96 : i32
      %add3A_860 = arith.addi %mul3A_722, %add3A_859 : i32
      %get3A_861 = arith.index_cast %add3A_860 : i32 to index
      %get3A_862 = tpu.vector_load %arg6[%get3A_861] {strides = array<i32>} : memref<8192xf32, #tpu.memory_space<vmem>>, vector<16xf32>,
      %abs3A_863 = math.absf %get3A_862 : vector<16xf32>
      %eq3A_864 = vector.broadcast %reduce_max3A_677 : f32 to vector<16xf32>
      %eq3A_865 = arith.cmpf oeq, %abs3A_863, %eq3A_864 : vector<16xf32>
      %add3A_866 = arith.constant 96 : i32
      %add3A_867 = arith.addi %mul3A_722, %add3A_866 : i32
      %add3A_868 = vector.broadcast %add3A_867 : i32 to vector<16xi32>
      %add3A_869 = arith.addi %add3A_868, %iota3A : vector<16xi32>
      %jit3A_870 = arith.constant 1073741824 : i32
      %broadcast_in_dim3A_871 = vector.broadcast %jit3A_870 : i32 to vector<16xi32>
      %select_n3A_872 = arith.select %eq3A_865, %add3A_869, %broadcast_in_dim3A_871 : vector<16xi1>, vector<16xi32>
      %min3A_873 = arith.minsi %min3A_851, %select_n3A_872 : vector<16xi32>
      %convert_element_type3A_874 = arith.extui %eq3A_865 : vector<16xi1> to vector<16xi32>
      %add3A_875 = arith.addi %add3A_853, %convert_element_type3A_874 : vector<16xi32>
      %jit3A_876 = arith.constant -1.000000e+00 : f32
      %broadcast_in_dim3A_877 = vector.broadcast %jit3A_876 : f32 to vector<16xf32>
      %select_n3A_878 = arith.select %eq3A_865, %broadcast_in_dim3A_877, %abs3A_863 : vector<16xi1>, vector<16xf32>
      %gt3A_879 = arith.cmpf ogt, %select_n3A_878, %select_n3A_858 : vector<16xf32>
      %select_n3A_880 = arith.select %gt3A_879, %select_n3A_878, %select_n3A_858 : vector<16xi1>, vector<16xf32>
      %add3A_881 = arith.constant 112 : i32
      %add3A_882 = arith.addi %mul3A_722, %add3A_881 : i32
      %get3A_883 = arith.index_cast %add3A_882 : i32 to index
      %get3A_884 = tpu.vector_load %arg6[%get3A_883] {strides = array<i32>} : memref<8192xf32, #tpu.memory_space<vmem>>, vector<16xf32>,
      %abs3A_885 = math.absf %get3A_884 : vector<16xf32>
      %eq3A_886 = vector.broadcast %reduce_max3A_677 : f32 to vector<16xf32>
      %eq3A_887 = arith.cmpf oeq, %abs3A_885, %eq3A_886 : vector<16xf32>
      %add3A_888 = arith.constant 112 : i32
      %add3A_889 = arith.addi %mul3A_722, %add3A_888 : i32
      %add3A_890 = vector.broadcast %add3A_889 : i32 to vector<16xi32>
      %add3A_891 = arith.addi %add3A_890, %iota3A : vector<16xi32>
      %jit3A_892 = arith.constant 1073741824 : i32
      %broadcast_in_dim3A_893 = vector.broadcast %jit3A_892 : i32 to vector<16xi32>
      %select_n3A_894 = arith.select %eq3A_887, %add3A_891, %broadcast_in_dim3A_893 : vector<16xi1>, vector<16xi32>
      %min3A_895 = arith.minsi %min3A_873, %select_n3A_894 : vector<16xi32>
      %convert_element_type3A_896 = arith.extui %eq3A_887 : vector<16xi1> to vector<16xi32>
      %add3A_897 = arith.addi %add3A_875, %convert_element_type3A_896 : vector<16xi32>
      %jit3A_898 = arith.constant -1.000000e+00 : f32
      %broadcast_in_dim3A_899 = vector.broadcast %jit3A_898 : f32 to vector<16xf32>
      %select_n3A_900 = arith.select %eq3A_887, %broadcast_in_dim3A_899, %abs3A_885 : vector<16xi1>, vector<16xf32>
      %gt3A_901 = arith.cmpf ogt, %select_n3A_900, %select_n3A_880 : vector<16xf32>
      %select_n3A_902 = arith.select %gt3A_901, %select_n3A_900, %select_n3A_880 : vector<16xi1>, vector<16xf32>
      %reduce_min3A_903 = arith.constant true
      %reduce_min3A_904 = vector.broadcast %reduce_min3A_903 : i1 to vector<16xi1>
      %reduce_min3A_905 = arith.constant -2147483648 : i32
      %reduce_min3A_906 = vector.broadcast %reduce_min3A_905 : i32 to vector<16xi32>
      %reduce_min3A_907 = arith.xori %min3A_895, %reduce_min3A_906 : vector<16xi32>
      %reduce_min3A_908 = tpu.scan <min>, %reduce_min3A_907 masked %reduce_min3A_904 : vector<16xi32>, vector<16xi1> -> vector<16xi32>
      %reduce_min3A_909 = arith.xori %reduce_min3A_908, %reduce_min3A_906 : vector<16xi32>
      %reduce_min3A_910 = vector.extract %reduce_min3A_909[15] : i32 from vector<16xi32>
      %reduce_sum3A = arith.constant true
      %reduce_sum3A_911 = vector.broadcast %reduce_sum3A : i1 to vector<16xi1>
      %reduce_sum3A_912 = tpu.scan <sum>, %add3A_897 masked %reduce_sum3A_911 : vector<16xi32>, vector<16xi1> -> vector<16xi32>
      %reduce_sum3A_913 = vector.extract %reduce_sum3A_912[15] : i32 from vector<16xi32>
      %gt3A_914 = arith.constant 1 : i32
      %gt3A_915 = arith.cmpi sgt, %reduce_sum3A_913, %gt3A_914 : i32
      %reduce_max3A_916 = arith.constant true
      %reduce_max3A_917 = vector.broadcast %reduce_max3A_916 : i1 to vector<16xi1>
      %reduce_max3A_918 = tpu.scan <max>, %select_n3A_902 masked %reduce_max3A_917 : vector<16xf32>, vector<16xi1> -> vector<16xf32>
      %reduce_max3A_919 = vector.extract %reduce_max3A_918[15] : f32 from vector<16xf32>
      %select_n3A_920 = arith.select %gt3A_915, %reduce_max3A_677, %reduce_max3A_919 : f32
      %broadcast_in_dim3A_921 = vector.broadcast %add3A_275 : i32 to vector<16xi32>
      %broadcast_in_dim3A_922 = vector.broadcast %reduce_min3A_910 : i32 to vector<16xi32>
      %eq3A_923 = arith.constant 0 : i32
      %eq3A_924 = vector.broadcast %eq3A_923 : i32 to vector<16xi32>
      %eq3A_925 = arith.cmpi eq, %iota3A, %eq3A_924 : vector<16xi32>
      tpu.vector_store_idx %arg10[%broadcast_in_dim3A_921], %broadcast_in_dim3A_922 masked %eq3A_925 : memref<32xi32, #tpu.memory_space<vmem>>[vector<16xi32>], vector<16xi32>, vector<16xi1>
      %broadcast_in_dim3A_926 = vector.broadcast %reduce_min3A_910 : i32 to vector<16xi32>
      %broadcast_in_dim3A_927 = arith.constant 0x7FC00000 : f32
      %broadcast_in_dim3A_928 = vector.broadcast %broadcast_in_dim3A_927 : f32 to vector<16xf32>
      %eq3A_929 = arith.constant 0 : i32
      %eq3A_930 = vector.broadcast %eq3A_929 : i32 to vector<16xi32>
      %eq3A_931 = arith.cmpi eq, %iota3A, %eq3A_930 : vector<16xi32>
      tpu.vector_store_idx %arg6[%broadcast_in_dim3A_926], %broadcast_in_dim3A_928 masked %eq3A_931 : memref<8192xf32, #tpu.memory_space<vmem>>[vector<16xi32>], vector<16xf32>, vector<16xi1>
      %broadcast_in_dim3A_932 = vector.broadcast %reduce_min3A_720 : i32 to vector<16xi32>
      %broadcast_in_dim3A_933 = vector.broadcast %select_n3A_920 : f32 to vector<16xf32>
      %eq3A_934 = arith.constant 0 : i32
      %eq3A_935 = vector.broadcast %eq3A_934 : i32 to vector<16xi32>
      %eq3A_936 = arith.cmpi eq, %iota3A, %eq3A_935 : vector<16xi32>
      tpu.vector_store_idx %arg8[%broadcast_in_dim3A_932], %broadcast_in_dim3A_933 masked %eq3A_936 : memref<64xf32, #tpu.memory_space<vmem>>[vector<16xi32>], vector<16xf32>, vector<16xi1>
    }
    %scan3A_173 = arith.constant 20 : i32
    %scan3A_174 = arith.constant 0 : i32
    %scan3A_175 = arith.constant 0 : i32
    %scan3A_176 = arith.addi %scan3A_174, %scan3A_175 : i32
    %scan3A_177 = arith.constant 0 : i32
    %get3A_178 = arith.constant 0 : index
    %get3A_179 = tpu.vector_load %arg10[%get3A_178] {strides = array<i32>} : memref<32xi32, #tpu.memory_space<vmem>>, vector<16xi32>,
    %masked_sort3A_180 = arith.constant dense<true> : vector<16xi1>
    %masked_sort3A_181 = arith.constant -2147483648 : i32
    %masked_sort3A_182 = vector.broadcast %masked_sort3A_181 : i32 to vector<16xi32>
    %masked_sort3A_183 = arith.xori %get3A_179, %masked_sort3A_182 : vector<16xi32>
    %masked_sort3A_184, %masked_sort3A_185, %masked_sort3A_186 = tpu.sort %masked_sort3A_183, %get3A_179 masked %masked_sort3A_180 : (vector<16xi32>, vector<16xi32>, vector<16xi1>) -> (vector<16xi1>, vector<16xi32>, vector<16xi32>)
    %masked_sort3A_187 = arith.xori %masked_sort3A_185, %masked_sort3A_182 : vector<16xi32>
    %get3A_188 = arith.constant 16 : index
    %get3A_189 = tpu.vector_load %arg10[%get3A_188] {strides = array<i32>} : memref<32xi32, #tpu.memory_space<vmem>>, vector<16xi32>,
    %masked_sort3A_190 = arith.constant dense<true> : vector<16xi1>
    %masked_sort3A_191 = arith.constant -2147483648 : i32
    %masked_sort3A_192 = vector.broadcast %masked_sort3A_191 : i32 to vector<16xi32>
    %masked_sort3A_193 = arith.xori %get3A_189, %masked_sort3A_192 : vector<16xi32>
    %masked_sort3A_194, %masked_sort3A_195, %masked_sort3A_196 = tpu.sort %masked_sort3A_193, %get3A_189 masked %masked_sort3A_190 {descending = true} : (vector<16xi32>, vector<16xi32>, vector<16xi1>) -> (vector<16xi1>, vector<16xi32>, vector<16xi32>)
    %masked_sort3A_197 = arith.xori %masked_sort3A_195, %masked_sort3A_192 : vector<16xi32>
    %min3A_198 = arith.minsi %masked_sort3A_187, %masked_sort3A_197 : vector<16xi32>
    %max3A_199 = arith.maxsi %masked_sort3A_187, %masked_sort3A_197 : vector<16xi32>
    %masked_sort3A_200 = arith.constant dense<true> : vector<16xi1>
    %masked_sort3A_201 = arith.constant -2147483648 : i32
    %masked_sort3A_202 = vector.broadcast %masked_sort3A_201 : i32 to vector<16xi32>
    %masked_sort3A_203 = arith.xori %min3A_198, %masked_sort3A_202 : vector<16xi32>
    %masked_sort3A_204, %masked_sort3A_205, %masked_sort3A_206 = tpu.sort %masked_sort3A_203, %min3A_198 masked %masked_sort3A_200 : (vector<16xi32>, vector<16xi32>, vector<16xi1>) -> (vector<16xi1>, vector<16xi32>, vector<16xi32>)
    %masked_sort3A_207 = arith.xori %masked_sort3A_205, %masked_sort3A_202 : vector<16xi32>
    %swap3A_208 = arith.constant 0 : index
    %swap3A_209 = tpu.vector_load %arg10[%swap3A_208] {strides = array<i32>} : memref<32xi32, #tpu.memory_space<vmem>>, vector<16xi32>,
    tpu.vector_store %arg10[%swap3A_208], %masked_sort3A_207 {strides = array<i32>} : memref<32xi32, #tpu.memory_space<vmem>>, vector<16xi32>,
    %masked_sort3A_210 = arith.constant dense<true> : vector<16xi1>
    %masked_sort3A_211 = arith.constant -2147483648 : i32
    %masked_sort3A_212 = vector.broadcast %masked_sort3A_211 : i32 to vector<16xi32>
    %masked_sort3A_213 = arith.xori %max3A_199, %masked_sort3A_212 : vector<16xi32>
    %masked_sort3A_214, %masked_sort3A_215, %masked_sort3A_216 = tpu.sort %masked_sort3A_213, %max3A_199 masked %masked_sort3A_210 : (vector<16xi32>, vector<16xi32>, vector<16xi1>) -> (vector<16xi1>, vector<16xi32>, vector<16xi32>)
    %masked_sort3A_217 = arith.xori %masked_sort3A_215, %masked_sort3A_212 : vector<16xi32>
    %swap3A_218 = arith.constant 16 : index
    %swap3A_219 = tpu.vector_load %arg10[%swap3A_218] {strides = array<i32>} : memref<32xi32, #tpu.memory_space<vmem>>, vector<16xi32>,
    tpu.vector_store %arg10[%swap3A_218], %masked_sort3A_217 {strides = array<i32>} : memref<32xi32, #tpu.memory_space<vmem>>, vector<16xi32>,
    %add3A_220 = arith.constant 2 : i32
    %add3A_221 = arith.addi %mul3A_2, %add3A_220 : i32
    "tpu.region"() ({
      %run_scoped3A = tpu.sem_alloc : memref<!tpu.dma_semaphore, #tpu.memory_space<semaphore_mem>>
      %dma_start3A_271 = arith.constant 0 : i32
      %dma_start3A_272 = tpu.memref_slice %arg3[%add3A_221, %dma_start3A_271] : memref<128x32xi32, #tpu.memory_space<hbm>> -> memref<1x32xi32, #tpu.memory_space<hbm>>
      %dma_start3A_273 = tpu.memref_squeeze %dma_start3A_272 : memref<1x32xi32, #tpu.memory_space<hbm>> -> memref<32xi32, #tpu.memory_space<hbm>>
      %dma_start3A_274 = arith.constant 0 : i32
      %dma_start3A_275 = tpu.memref_slice %arg3[%add3A_221, %dma_start3A_274] : memref<128x32xi32, #tpu.memory_space<hbm>> -> memref<1x32xi32, #tpu.memory_space<hbm>>
      %dma_start3A_276 = tpu.memref_squeeze %dma_start3A_275 : memref<1x32xi32, #tpu.memory_space<hbm>> -> memref<32xi32, #tpu.memory_space<hbm>>
      tpu.enqueue_dma source(%arg10 : memref<32xi32, #tpu.memory_space<vmem>>) target(%dma_start3A_276 : memref<32xi32, #tpu.memory_space<hbm>>) target_semaphore(%run_scoped3A : memref<!tpu.dma_semaphore, #tpu.memory_space<semaphore_mem>>)
      %dma_wait3A_277 = arith.constant 0 : i32
      %dma_wait3A_278 = tpu.memref_slice %arg3[%add3A_221, %dma_wait3A_277] : memref<128x32xi32, #tpu.memory_space<hbm>> -> memref<1x32xi32, #tpu.memory_space<hbm>>
      %dma_wait3A_279 = tpu.memref_squeeze %dma_wait3A_278 : memref<1x32xi32, #tpu.memory_space<hbm>> -> memref<32xi32, #tpu.memory_space<hbm>>
      %dma_wait3A_280 = arith.constant 0 : i32
      %dma_wait3A_281 = tpu.memref_slice %arg3[%add3A_221, %dma_wait3A_280] : memref<128x32xi32, #tpu.memory_space<hbm>> -> memref<1x32xi32, #tpu.memory_space<hbm>>
      %dma_wait3A_282 = tpu.memref_squeeze %dma_wait3A_281 : memref<1x32xi32, #tpu.memory_space<hbm>> -> memref<32xi32, #tpu.memory_space<hbm>>
      tpu.wait_dma2 semaphore(%run_scoped3A : memref<!tpu.dma_semaphore, #tpu.memory_space<semaphore_mem>>) src(%arg10 : memref<32xi32, #tpu.memory_space<vmem>>) dst(%dma_wait3A_282 : memref<32xi32, #tpu.memory_space<hbm>>)
      tpu.yield
    }) : () -> ()
    %scan3A_222 = arith.constant 0 : i32
    %scan3A_223 = arith.constant 20 : i32
    %scan3A_224 = arith.addi %scan3A_222, %scan3A_223 : i32
    %scan3A_225 = arith.constant 1 : i32
    scf.for %scan3A_271 = %scan3A_222 to %scan3A_224 step %scan3A_225  : i32 {
      %mul3A_272 = arith.constant 1 : i32
      %mul3A_273 = arith.muli %scan3A_271, %mul3A_272 : i32
      %add3A_274 = arith.constant 0 : i32
      %add3A_275 = arith.addi %add3A_274, %mul3A_273 : i32
      %get3A_276 = arith.constant 0 : index
      %get3A_277 = tpu.vector_load %arg9[%get3A_276] {strides = array<i32>} : memref<64xf32, #tpu.memory_space<vmem>>, vector<16xf32>,
      %get3A_278 = arith.constant 16 : index
      %get3A_279 = tpu.vector_load %arg9[%get3A_278] {strides = array<i32>} : memref<64xf32, #tpu.memory_space<vmem>>, vector<16xf32>,
      %get3A_280 = arith.constant 32 : index
      %get3A_281 = tpu.vector_load %arg9[%get3A_280] {strides = array<i32>} : memref<64xf32, #tpu.memory_space<vmem>>, vector<16xf32>,
      %get3A_282 = arith.constant 48 : index
      %get3A_283 = tpu.vector_load %arg9[%get3A_282] {strides = array<i32>} : memref<64xf32, #tpu.memory_space<vmem>>, vector<16xf32>,
      %max3A_284 = arith.maximumf %get3A_277, %get3A_279 : vector<16xf32>
      %max3A_285 = arith.maximumf %max3A_284, %get3A_281 : vector<16xf32>
      %max3A_286 = arith.maximumf %max3A_285, %get3A_283 : vector<16xf32>
      %reduce_max3A = arith.constant true
      %reduce_max3A_287 = vector.broadcast %reduce_max3A : i1 to vector<16xi1>
      %reduce_max3A_288 = tpu.scan <max>, %max3A_286 masked %reduce_max3A_287 : vector<16xf32>, vector<16xi1> -> vector<16xf32>
      %reduce_max3A_289 = vector.extract %reduce_max3A_288[15] : f32 from vector<16xf32>
      %broadcast_in_dim3A_290 = arith.constant 1073741824 : i32
      %broadcast_in_dim3A_291 = vector.broadcast %broadcast_in_dim3A_290 : i32 to vector<16xi32>
      %eq3A = vector.broadcast %reduce_max3A_289 : f32 to vector<16xf32>
      %eq3A_292 = arith.cmpf oeq, %get3A_277, %eq3A : vector<16xf32>
      %add3A_293 = arith.constant 0 : i32
      %add3A_294 = vector.broadcast %add3A_293 : i32 to vector<16xi32>
      %add3A_295 = arith.addi %iota3A, %add3A_294 : vector<16xi32>
      %jit3A = arith.constant 1073741824 : i32
      %broadcast_in_dim3A_296 = vector.broadcast %jit3A : i32 to vector<16xi32>
      %select_n3A = arith.select %eq3A_292, %add3A_295, %broadcast_in_dim3A_296 : vector<16xi1>, vector<16xi32>
      %min3A_297 = arith.minsi %broadcast_in_dim3A_291, %select_n3A : vector<16xi32>
      %eq3A_298 = vector.broadcast %reduce_max3A_289 : f32 to vector<16xf32>
      %eq3A_299 = arith.cmpf oeq, %get3A_279, %eq3A_298 : vector<16xf32>
      %add3A_300 = arith.constant 16 : i32
      %add3A_301 = vector.broadcast %add3A_300 : i32 to vector<16xi32>
      %add3A_302 = arith.addi %iota3A, %add3A_301 : vector<16xi32>
      %jit3A_303 = arith.constant 1073741824 : i32
      %broadcast_in_dim3A_304 = vector.broadcast %jit3A_303 : i32 to vector<16xi32>
      %select_n3A_305 = arith.select %eq3A_299, %add3A_302, %broadcast_in_dim3A_304 : vector<16xi1>, vector<16xi32>
      %min3A_306 = arith.minsi %min3A_297, %select_n3A_305 : vector<16xi32>
      %eq3A_307 = vector.broadcast %reduce_max3A_289 : f32 to vector<16xf32>
      %eq3A_308 = arith.cmpf oeq, %get3A_281, %eq3A_307 : vector<16xf32>
      %add3A_309 = arith.constant 32 : i32
      %add3A_310 = vector.broadcast %add3A_309 : i32 to vector<16xi32>
      %add3A_311 = arith.addi %iota3A, %add3A_310 : vector<16xi32>
      %jit3A_312 = arith.constant 1073741824 : i32
      %broadcast_in_dim3A_313 = vector.broadcast %jit3A_312 : i32 to vector<16xi32>
      %select_n3A_314 = arith.select %eq3A_308, %add3A_311, %broadcast_in_dim3A_313 : vector<16xi1>, vector<16xi32>
      %min3A_315 = arith.minsi %min3A_306, %select_n3A_314 : vector<16xi32>
      %eq3A_316 = vector.broadcast %reduce_max3A_289 : f32 to vector<16xf32>
      %eq3A_317 = arith.cmpf oeq, %get3A_283, %eq3A_316 : vector<16xf32>
      %add3A_318 = arith.constant 48 : i32
      %add3A_319 = vector.broadcast %add3A_318 : i32 to vector<16xi32>
      %add3A_320 = arith.addi %iota3A, %add3A_319 : vector<16xi32>
      %jit3A_321 = arith.constant 1073741824 : i32
      %broadcast_in_dim3A_322 = vector.broadcast %jit3A_321 : i32 to vector<16xi32>
      %select_n3A_323 = arith.select %eq3A_317, %add3A_320, %broadcast_in_dim3A_322 : vector<16xi1>, vector<16xi32>
      %min3A_324 = arith.minsi %min3A_315, %select_n3A_323 : vector<16xi32>
      %reduce_min3A = arith.constant true
      %reduce_min3A_325 = vector.broadcast %reduce_min3A : i1 to vector<16xi1>
      %reduce_min3A_326 = arith.constant -2147483648 : i32
      %reduce_min3A_327 = vector.broadcast %reduce_min3A_326 : i32 to vector<16xi32>
      %reduce_min3A_328 = arith.xori %min3A_324, %reduce_min3A_327 : vector<16xi32>
      %reduce_min3A_329 = tpu.scan <min>, %reduce_min3A_328 masked %reduce_min3A_325 : vector<16xi32>, vector<16xi1> -> vector<16xi32>
      %reduce_min3A_330 = arith.xori %reduce_min3A_329, %reduce_min3A_327 : vector<16xi32>
      %reduce_min3A_331 = vector.extract %reduce_min3A_330[15] : i32 from vector<16xi32>
      %mul3A_332 = arith.constant 128 : i32
      %mul3A_333 = arith.muli %reduce_min3A_331, %mul3A_332 : i32
      %broadcast_in_dim3A_334 = arith.constant 1073741824 : i32
      %broadcast_in_dim3A_335 = vector.broadcast %broadcast_in_dim3A_334 : i32 to vector<16xi32>
      %broadcast_in_dim3A_336 = arith.constant 0 : i32
      %broadcast_in_dim3A_337 = vector.broadcast %broadcast_in_dim3A_336 : i32 to vector<16xi32>
      %broadcast_in_dim3A_338 = arith.constant -1.000000e+00 : f32
      %broadcast_in_dim3A_339 = vector.broadcast %broadcast_in_dim3A_338 : f32 to vector<16xf32>
      %add3A_340 = arith.constant 0 : i32
      %add3A_341 = arith.addi %mul3A_333, %add3A_340 : i32
      %get3A_342 = arith.index_cast %add3A_341 : i32 to index
      %get3A_343 = tpu.vector_load %arg7[%get3A_342] {strides = array<i32>} : memref<8192xf32, #tpu.memory_space<vmem>>, vector<16xf32>,
      %abs3A = math.absf %get3A_343 : vector<16xf32>
      %eq3A_344 = vector.broadcast %reduce_max3A_289 : f32 to vector<16xf32>
      %eq3A_345 = arith.cmpf oeq, %abs3A, %eq3A_344 : vector<16xf32>
      %add3A_346 = arith.constant 0 : i32
      %add3A_347 = arith.addi %mul3A_333, %add3A_346 : i32
      %add3A_348 = vector.broadcast %add3A_347 : i32 to vector<16xi32>
      %add3A_349 = arith.addi %add3A_348, %iota3A : vector<16xi32>
      %jit3A_350 = arith.constant 1073741824 : i32
      %broadcast_in_dim3A_351 = vector.broadcast %jit3A_350 : i32 to vector<16xi32>
      %select_n3A_352 = arith.select %eq3A_345, %add3A_349, %broadcast_in_dim3A_351 : vector<16xi1>, vector<16xi32>
      %min3A_353 = arith.minsi %broadcast_in_dim3A_335, %select_n3A_352 : vector<16xi32>
      %convert_element_type3A = arith.extui %eq3A_345 : vector<16xi1> to vector<16xi32>
      %add3A_354 = arith.addi %broadcast_in_dim3A_337, %convert_element_type3A : vector<16xi32>
      %jit3A_355 = arith.constant -1.000000e+00 : f32
      %broadcast_in_dim3A_356 = vector.broadcast %jit3A_355 : f32 to vector<16xf32>
      %select_n3A_357 = arith.select %eq3A_345, %broadcast_in_dim3A_356, %abs3A : vector<16xi1>, vector<16xf32>
      %gt3A = arith.cmpf ogt, %select_n3A_357, %broadcast_in_dim3A_339 : vector<16xf32>
      %select_n3A_358 = arith.select %gt3A, %select_n3A_357, %broadcast_in_dim3A_339 : vector<16xi1>, vector<16xf32>
      %add3A_359 = arith.constant 16 : i32
      %add3A_360 = arith.addi %mul3A_333, %add3A_359 : i32
      %get3A_361 = arith.index_cast %add3A_360 : i32 to index
      %get3A_362 = tpu.vector_load %arg7[%get3A_361] {strides = array<i32>} : memref<8192xf32, #tpu.memory_space<vmem>>, vector<16xf32>,
      %abs3A_363 = math.absf %get3A_362 : vector<16xf32>
      %eq3A_364 = vector.broadcast %reduce_max3A_289 : f32 to vector<16xf32>
      %eq3A_365 = arith.cmpf oeq, %abs3A_363, %eq3A_364 : vector<16xf32>
      %add3A_366 = arith.constant 16 : i32
      %add3A_367 = arith.addi %mul3A_333, %add3A_366 : i32
      %add3A_368 = vector.broadcast %add3A_367 : i32 to vector<16xi32>
      %add3A_369 = arith.addi %add3A_368, %iota3A : vector<16xi32>
      %jit3A_370 = arith.constant 1073741824 : i32
      %broadcast_in_dim3A_371 = vector.broadcast %jit3A_370 : i32 to vector<16xi32>
      %select_n3A_372 = arith.select %eq3A_365, %add3A_369, %broadcast_in_dim3A_371 : vector<16xi1>, vector<16xi32>
      %min3A_373 = arith.minsi %min3A_353, %select_n3A_372 : vector<16xi32>
      %convert_element_type3A_374 = arith.extui %eq3A_365 : vector<16xi1> to vector<16xi32>
      %add3A_375 = arith.addi %add3A_354, %convert_element_type3A_374 : vector<16xi32>
      %jit3A_376 = arith.constant -1.000000e+00 : f32
      %broadcast_in_dim3A_377 = vector.broadcast %jit3A_376 : f32 to vector<16xf32>
      %select_n3A_378 = arith.select %eq3A_365, %broadcast_in_dim3A_377, %abs3A_363 : vector<16xi1>, vector<16xf32>
      %gt3A_379 = arith.cmpf ogt, %select_n3A_378, %select_n3A_358 : vector<16xf32>
      %select_n3A_380 = arith.select %gt3A_379, %select_n3A_378, %select_n3A_358 : vector<16xi1>, vector<16xf32>
      %add3A_381 = arith.constant 32 : i32
      %add3A_382 = arith.addi %mul3A_333, %add3A_381 : i32
      %get3A_383 = arith.index_cast %add3A_382 : i32 to index
      %get3A_384 = tpu.vector_load %arg7[%get3A_383] {strides = array<i32>} : memref<8192xf32, #tpu.memory_space<vmem>>, vector<16xf32>,
      %abs3A_385 = math.absf %get3A_384 : vector<16xf32>
      %eq3A_386 = vector.broadcast %reduce_max3A_289 : f32 to vector<16xf32>
      %eq3A_387 = arith.cmpf oeq, %abs3A_385, %eq3A_386 : vector<16xf32>
      %add3A_388 = arith.constant 32 : i32
      %add3A_389 = arith.addi %mul3A_333, %add3A_388 : i32
      %add3A_390 = vector.broadcast %add3A_389 : i32 to vector<16xi32>
      %add3A_391 = arith.addi %add3A_390, %iota3A : vector<16xi32>
      %jit3A_392 = arith.constant 1073741824 : i32
      %broadcast_in_dim3A_393 = vector.broadcast %jit3A_392 : i32 to vector<16xi32>
      %select_n3A_394 = arith.select %eq3A_387, %add3A_391, %broadcast_in_dim3A_393 : vector<16xi1>, vector<16xi32>
      %min3A_395 = arith.minsi %min3A_373, %select_n3A_394 : vector<16xi32>
      %convert_element_type3A_396 = arith.extui %eq3A_387 : vector<16xi1> to vector<16xi32>
      %add3A_397 = arith.addi %add3A_375, %convert_element_type3A_396 : vector<16xi32>
      %jit3A_398 = arith.constant -1.000000e+00 : f32
      %broadcast_in_dim3A_399 = vector.broadcast %jit3A_398 : f32 to vector<16xf32>
      %select_n3A_400 = arith.select %eq3A_387, %broadcast_in_dim3A_399, %abs3A_385 : vector<16xi1>, vector<16xf32>
      %gt3A_401 = arith.cmpf ogt, %select_n3A_400, %select_n3A_380 : vector<16xf32>
      %select_n3A_402 = arith.select %gt3A_401, %select_n3A_400, %select_n3A_380 : vector<16xi1>, vector<16xf32>
      %add3A_403 = arith.constant 48 : i32
      %add3A_404 = arith.addi %mul3A_333, %add3A_403 : i32
      %get3A_405 = arith.index_cast %add3A_404 : i32 to index
      %get3A_406 = tpu.vector_load %arg7[%get3A_405] {strides = array<i32>} : memref<8192xf32, #tpu.memory_space<vmem>>, vector<16xf32>,
      %abs3A_407 = math.absf %get3A_406 : vector<16xf32>
      %eq3A_408 = vector.broadcast %reduce_max3A_289 : f32 to vector<16xf32>
      %eq3A_409 = arith.cmpf oeq, %abs3A_407, %eq3A_408 : vector<16xf32>
      %add3A_410 = arith.constant 48 : i32
      %add3A_411 = arith.addi %mul3A_333, %add3A_410 : i32
      %add3A_412 = vector.broadcast %add3A_411 : i32 to vector<16xi32>
      %add3A_413 = arith.addi %add3A_412, %iota3A : vector<16xi32>
      %jit3A_414 = arith.constant 1073741824 : i32
      %broadcast_in_dim3A_415 = vector.broadcast %jit3A_414 : i32 to vector<16xi32>
      %select_n3A_416 = arith.select %eq3A_409, %add3A_413, %broadcast_in_dim3A_415 : vector<16xi1>, vector<16xi32>
      %min3A_417 = arith.minsi %min3A_395, %select_n3A_416 : vector<16xi32>
      %convert_element_type3A_418 = arith.extui %eq3A_409 : vector<16xi1> to vector<16xi32>
      %add3A_419 = arith.addi %add3A_397, %convert_element_type3A_418 : vector<16xi32>
      %jit3A_420 = arith.constant -1.000000e+00 : f32
      %broadcast_in_dim3A_421 = vector.broadcast %jit3A_420 : f32 to vector<16xf32>
      %select_n3A_422 = arith.select %eq3A_409, %broadcast_in_dim3A_421, %abs3A_407 : vector<16xi1>, vector<16xf32>
      %gt3A_423 = arith.cmpf ogt, %select_n3A_422, %select_n3A_402 : vector<16xf32>
      %select_n3A_424 = arith.select %gt3A_423, %select_n3A_422, %select_n3A_402 : vector<16xi1>, vector<16xf32>
      %add3A_425 = arith.constant 64 : i32
      %add3A_426 = arith.addi %mul3A_333, %add3A_425 : i32
      %get3A_427 = arith.index_cast %add3A_426 : i32 to index
      %get3A_428 = tpu.vector_load %arg7[%get3A_427] {strides = array<i32>} : memref<8192xf32, #tpu.memory_space<vmem>>, vector<16xf32>,
      %abs3A_429 = math.absf %get3A_428 : vector<16xf32>
      %eq3A_430 = vector.broadcast %reduce_max3A_289 : f32 to vector<16xf32>
      %eq3A_431 = arith.cmpf oeq, %abs3A_429, %eq3A_430 : vector<16xf32>
      %add3A_432 = arith.constant 64 : i32
      %add3A_433 = arith.addi %mul3A_333, %add3A_432 : i32
      %add3A_434 = vector.broadcast %add3A_433 : i32 to vector<16xi32>
      %add3A_435 = arith.addi %add3A_434, %iota3A : vector<16xi32>
      %jit3A_436 = arith.constant 1073741824 : i32
      %broadcast_in_dim3A_437 = vector.broadcast %jit3A_436 : i32 to vector<16xi32>
      %select_n3A_438 = arith.select %eq3A_431, %add3A_435, %broadcast_in_dim3A_437 : vector<16xi1>, vector<16xi32>
      %min3A_439 = arith.minsi %min3A_417, %select_n3A_438 : vector<16xi32>
      %convert_element_type3A_440 = arith.extui %eq3A_431 : vector<16xi1> to vector<16xi32>
      %add3A_441 = arith.addi %add3A_419, %convert_element_type3A_440 : vector<16xi32>
      %jit3A_442 = arith.constant -1.000000e+00 : f32
      %broadcast_in_dim3A_443 = vector.broadcast %jit3A_442 : f32 to vector<16xf32>
      %select_n3A_444 = arith.select %eq3A_431, %broadcast_in_dim3A_443, %abs3A_429 : vector<16xi1>, vector<16xf32>
      %gt3A_445 = arith.cmpf ogt, %select_n3A_444, %select_n3A_424 : vector<16xf32>
      %select_n3A_446 = arith.select %gt3A_445, %select_n3A_444, %select_n3A_424 : vector<16xi1>, vector<16xf32>
      %add3A_447 = arith.constant 80 : i32
      %add3A_448 = arith.addi %mul3A_333, %add3A_447 : i32
      %get3A_449 = arith.index_cast %add3A_448 : i32 to index
      %get3A_450 = tpu.vector_load %arg7[%get3A_449] {strides = array<i32>} : memref<8192xf32, #tpu.memory_space<vmem>>, vector<16xf32>,
      %abs3A_451 = math.absf %get3A_450 : vector<16xf32>
      %eq3A_452 = vector.broadcast %reduce_max3A_289 : f32 to vector<16xf32>
      %eq3A_453 = arith.cmpf oeq, %abs3A_451, %eq3A_452 : vector<16xf32>
      %add3A_454 = arith.constant 80 : i32
      %add3A_455 = arith.addi %mul3A_333, %add3A_454 : i32
      %add3A_456 = vector.broadcast %add3A_455 : i32 to vector<16xi32>
      %add3A_457 = arith.addi %add3A_456, %iota3A : vector<16xi32>
      %jit3A_458 = arith.constant 1073741824 : i32
      %broadcast_in_dim3A_459 = vector.broadcast %jit3A_458 : i32 to vector<16xi32>
      %select_n3A_460 = arith.select %eq3A_453, %add3A_457, %broadcast_in_dim3A_459 : vector<16xi1>, vector<16xi32>
      %min3A_461 = arith.minsi %min3A_439, %select_n3A_460 : vector<16xi32>
      %convert_element_type3A_462 = arith.extui %eq3A_453 : vector<16xi1> to vector<16xi32>
      %add3A_463 = arith.addi %add3A_441, %convert_element_type3A_462 : vector<16xi32>
      %jit3A_464 = arith.constant -1.000000e+00 : f32
      %broadcast_in_dim3A_465 = vector.broadcast %jit3A_464 : f32 to vector<16xf32>
      %select_n3A_466 = arith.select %eq3A_453, %broadcast_in_dim3A_465, %abs3A_451 : vector<16xi1>, vector<16xf32>
      %gt3A_467 = arith.cmpf ogt, %select_n3A_466, %select_n3A_446 : vector<16xf32>
      %select_n3A_468 = arith.select %gt3A_467, %select_n3A_466, %select_n3A_446 : vector<16xi1>, vector<16xf32>
      %add3A_469 = arith.constant 96 : i32
      %add3A_470 = arith.addi %mul3A_333, %add3A_469 : i32
      %get3A_471 = arith.index_cast %add3A_470 : i32 to index
      %get3A_472 = tpu.vector_load %arg7[%get3A_471] {strides = array<i32>} : memref<8192xf32, #tpu.memory_space<vmem>>, vector<16xf32>,
      %abs3A_473 = math.absf %get3A_472 : vector<16xf32>
      %eq3A_474 = vector.broadcast %reduce_max3A_289 : f32 to vector<16xf32>
      %eq3A_475 = arith.cmpf oeq, %abs3A_473, %eq3A_474 : vector<16xf32>
      %add3A_476 = arith.constant 96 : i32
      %add3A_477 = arith.addi %mul3A_333, %add3A_476 : i32
      %add3A_478 = vector.broadcast %add3A_477 : i32 to vector<16xi32>
      %add3A_479 = arith.addi %add3A_478, %iota3A : vector<16xi32>
      %jit3A_480 = arith.constant 1073741824 : i32
      %broadcast_in_dim3A_481 = vector.broadcast %jit3A_480 : i32 to vector<16xi32>
      %select_n3A_482 = arith.select %eq3A_475, %add3A_479, %broadcast_in_dim3A_481 : vector<16xi1>, vector<16xi32>
      %min3A_483 = arith.minsi %min3A_461, %select_n3A_482 : vector<16xi32>
      %convert_element_type3A_484 = arith.extui %eq3A_475 : vector<16xi1> to vector<16xi32>
      %add3A_485 = arith.addi %add3A_463, %convert_element_type3A_484 : vector<16xi32>
      %jit3A_486 = arith.constant -1.000000e+00 : f32
      %broadcast_in_dim3A_487 = vector.broadcast %jit3A_486 : f32 to vector<16xf32>
      %select_n3A_488 = arith.select %eq3A_475, %broadcast_in_dim3A_487, %abs3A_473 : vector<16xi1>, vector<16xf32>
      %gt3A_489 = arith.cmpf ogt, %select_n3A_488, %select_n3A_468 : vector<16xf32>
      %select_n3A_490 = arith.select %gt3A_489, %select_n3A_488, %select_n3A_468 : vector<16xi1>, vector<16xf32>
      %add3A_491 = arith.constant 112 : i32
      %add3A_492 = arith.addi %mul3A_333, %add3A_491 : i32
      %get3A_493 = arith.index_cast %add3A_492 : i32 to index
      %get3A_494 = tpu.vector_load %arg7[%get3A_493] {strides = array<i32>} : memref<8192xf32, #tpu.memory_space<vmem>>, vector<16xf32>,
      %abs3A_495 = math.absf %get3A_494 : vector<16xf32>
      %eq3A_496 = vector.broadcast %reduce_max3A_289 : f32 to vector<16xf32>
      %eq3A_497 = arith.cmpf oeq, %abs3A_495, %eq3A_496 : vector<16xf32>
      %add3A_498 = arith.constant 112 : i32
      %add3A_499 = arith.addi %mul3A_333, %add3A_498 : i32
      %add3A_500 = vector.broadcast %add3A_499 : i32 to vector<16xi32>
      %add3A_501 = arith.addi %add3A_500, %iota3A : vector<16xi32>
      %jit3A_502 = arith.constant 1073741824 : i32
      %broadcast_in_dim3A_503 = vector.broadcast %jit3A_502 : i32 to vector<16xi32>
      %select_n3A_504 = arith.select %eq3A_497, %add3A_501, %broadcast_in_dim3A_503 : vector<16xi1>, vector<16xi32>
      %min3A_505 = arith.minsi %min3A_483, %select_n3A_504 : vector<16xi32>
      %convert_element_type3A_506 = arith.extui %eq3A_497 : vector<16xi1> to vector<16xi32>
      %add3A_507 = arith.addi %add3A_485, %convert_element_type3A_506 : vector<16xi32>
      %jit3A_508 = arith.constant -1.000000e+00 : f32
      %broadcast_in_dim3A_509 = vector.broadcast %jit3A_508 : f32 to vector<16xf32>
      %select_n3A_510 = arith.select %eq3A_497, %broadcast_in_dim3A_509, %abs3A_495 : vector<16xi1>, vector<16xf32>
      %gt3A_511 = arith.cmpf ogt, %select_n3A_510, %select_n3A_490 : vector<16xf32>
      %select_n3A_512 = arith.select %gt3A_511, %select_n3A_510, %select_n3A_490 : vector<16xi1>, vector<16xf32>
      %reduce_min3A_513 = arith.constant true
      %reduce_min3A_514 = vector.broadcast %reduce_min3A_513 : i1 to vector<16xi1>
      %reduce_min3A_515 = arith.constant -2147483648 : i32
      %reduce_min3A_516 = vector.broadcast %reduce_min3A_515 : i32 to vector<16xi32>
      %reduce_min3A_517 = arith.xori %min3A_505, %reduce_min3A_516 : vector<16xi32>
      %reduce_min3A_518 = tpu.scan <min>, %reduce_min3A_517 masked %reduce_min3A_514 : vector<16xi32>, vector<16xi1> -> vector<16xi32>
      %reduce_min3A_519 = arith.xori %reduce_min3A_518, %reduce_min3A_516 : vector<16xi32>
      %reduce_min3A_520 = vector.extract %reduce_min3A_519[15] : i32 from vector<16xi32>
      %reduce_sum3A = arith.constant true
      %reduce_sum3A_521 = vector.broadcast %reduce_sum3A : i1 to vector<16xi1>
      %reduce_sum3A_522 = tpu.scan <sum>, %add3A_507 masked %reduce_sum3A_521 : vector<16xi32>, vector<16xi1> -> vector<16xi32>
      %reduce_sum3A_523 = vector.extract %reduce_sum3A_522[15] : i32 from vector<16xi32>
      %gt3A_524 = arith.constant 1 : i32
      %gt3A_525 = arith.cmpi sgt, %reduce_sum3A_523, %gt3A_524 : i32
      %reduce_max3A_526 = arith.constant true
      %reduce_max3A_527 = vector.broadcast %reduce_max3A_526 : i1 to vector<16xi1>
      %reduce_max3A_528 = tpu.scan <max>, %select_n3A_512 masked %reduce_max3A_527 : vector<16xf32>, vector<16xi1> -> vector<16xf32>
      %reduce_max3A_529 = vector.extract %reduce_max3A_528[15] : f32 from vector<16xf32>
      %select_n3A_530 = arith.select %gt3A_525, %reduce_max3A_289, %reduce_max3A_529 : f32
      %broadcast_in_dim3A_531 = vector.broadcast %add3A_275 : i32 to vector<16xi32>
      %broadcast_in_dim3A_532 = vector.broadcast %reduce_min3A_520 : i32 to vector<16xi32>
      %eq3A_533 = arith.constant 0 : i32
      %eq3A_534 = vector.broadcast %eq3A_533 : i32 to vector<16xi32>
      %eq3A_535 = arith.cmpi eq, %iota3A, %eq3A_534 : vector<16xi32>
      tpu.vector_store_idx %arg10[%broadcast_in_dim3A_531], %broadcast_in_dim3A_532 masked %eq3A_535 : memref<32xi32, #tpu.memory_space<vmem>>[vector<16xi32>], vector<16xi32>, vector<16xi1>
      %broadcast_in_dim3A_536 = vector.broadcast %reduce_min3A_520 : i32 to vector<16xi32>
      %broadcast_in_dim3A_537 = arith.constant 0x7FC00000 : f32
      %broadcast_in_dim3A_538 = vector.broadcast %broadcast_in_dim3A_537 : f32 to vector<16xf32>
      %eq3A_539 = arith.constant 0 : i32
      %eq3A_540 = vector.broadcast %eq3A_539 : i32 to vector<16xi32>
      %eq3A_541 = arith.cmpi eq, %iota3A, %eq3A_540 : vector<16xi32>
      tpu.vector_store_idx %arg7[%broadcast_in_dim3A_536], %broadcast_in_dim3A_538 masked %eq3A_541 : memref<8192xf32, #tpu.memory_space<vmem>>[vector<16xi32>], vector<16xf32>, vector<16xi1>
      %broadcast_in_dim3A_542 = vector.broadcast %reduce_min3A_331 : i32 to vector<16xi32>
      %broadcast_in_dim3A_543 = vector.broadcast %select_n3A_530 : f32 to vector<16xf32>
      %eq3A_544 = arith.constant 0 : i32
      %eq3A_545 = vector.broadcast %eq3A_544 : i32 to vector<16xi32>
      %eq3A_546 = arith.cmpi eq, %iota3A, %eq3A_545 : vector<16xi32>
      tpu.vector_store_idx %arg9[%broadcast_in_dim3A_542], %broadcast_in_dim3A_543 masked %eq3A_546 : memref<64xf32, #tpu.memory_space<vmem>>[vector<16xi32>], vector<16xf32>, vector<16xi1>
    }
    %scan3A_226 = arith.constant 20 : i32
    %get3A_227 = arith.constant 0 : index
    %get3A_228 = tpu.vector_load %arg10[%get3A_227] {strides = array<i32>} : memref<32xi32, #tpu.memory_space<vmem>>, vector<16xi32>,
    %masked_sort3A_229 = arith.constant dense<true> : vector<16xi1>
    %masked_sort3A_230 = arith.constant -2147483648 : i32
    %masked_sort3A_231 = vector.broadcast %masked_sort3A_230 : i32 to vector<16xi32>
    %masked_sort3A_232 = arith.xori %get3A_228, %masked_sort3A_231 : vector<16xi32>
    %masked_sort3A_233, %masked_sort3A_234, %masked_sort3A_235 = tpu.sort %masked_sort3A_232, %get3A_228 masked %masked_sort3A_229 : (vector<16xi32>, vector<16xi32>, vector<16xi1>) -> (vector<16xi1>, vector<16xi32>, vector<16xi32>)
    %masked_sort3A_236 = arith.xori %masked_sort3A_234, %masked_sort3A_231 : vector<16xi32>
    %get3A_237 = arith.constant 16 : index
    %get3A_238 = tpu.vector_load %arg10[%get3A_237] {strides = array<i32>} : memref<32xi32, #tpu.memory_space<vmem>>, vector<16xi32>,
    %masked_sort3A_239 = arith.constant dense<true> : vector<16xi1>
    %masked_sort3A_240 = arith.constant -2147483648 : i32
    %masked_sort3A_241 = vector.broadcast %masked_sort3A_240 : i32 to vector<16xi32>
    %masked_sort3A_242 = arith.xori %get3A_238, %masked_sort3A_241 : vector<16xi32>
    %masked_sort3A_243, %masked_sort3A_244, %masked_sort3A_245 = tpu.sort %masked_sort3A_242, %get3A_238 masked %masked_sort3A_239 {descending = true} : (vector<16xi32>, vector<16xi32>, vector<16xi1>) -> (vector<16xi1>, vector<16xi32>, vector<16xi32>)
    %masked_sort3A_246 = arith.xori %masked_sort3A_244, %masked_sort3A_241 : vector<16xi32>
    %min3A_247 = arith.minsi %masked_sort3A_236, %masked_sort3A_246 : vector<16xi32>
    %max3A_248 = arith.maxsi %masked_sort3A_236, %masked_sort3A_246 : vector<16xi32>
    %masked_sort3A_249 = arith.constant dense<true> : vector<16xi1>
    %masked_sort3A_250 = arith.constant -2147483648 : i32
    %masked_sort3A_251 = vector.broadcast %masked_sort3A_250 : i32 to vector<16xi32>
    %masked_sort3A_252 = arith.xori %min3A_247, %masked_sort3A_251 : vector<16xi32>
    %masked_sort3A_253, %masked_sort3A_254, %masked_sort3A_255 = tpu.sort %masked_sort3A_252, %min3A_247 masked %masked_sort3A_249 : (vector<16xi32>, vector<16xi32>, vector<16xi1>) -> (vector<16xi1>, vector<16xi32>, vector<16xi32>)
    %masked_sort3A_256 = arith.xori %masked_sort3A_254, %masked_sort3A_251 : vector<16xi32>
    %swap3A_257 = arith.constant 0 : index
    %swap3A_258 = tpu.vector_load %arg10[%swap3A_257] {strides = array<i32>} : memref<32xi32, #tpu.memory_space<vmem>>, vector<16xi32>,
    tpu.vector_store %arg10[%swap3A_257], %masked_sort3A_256 {strides = array<i32>} : memref<32xi32, #tpu.memory_space<vmem>>, vector<16xi32>,
    %masked_sort3A_259 = arith.constant dense<true> : vector<16xi1>
    %masked_sort3A_260 = arith.constant -2147483648 : i32
    %masked_sort3A_261 = vector.broadcast %masked_sort3A_260 : i32 to vector<16xi32>
    %masked_sort3A_262 = arith.xori %max3A_248, %masked_sort3A_261 : vector<16xi32>
    %masked_sort3A_263, %masked_sort3A_264, %masked_sort3A_265 = tpu.sort %masked_sort3A_262, %max3A_248 masked %masked_sort3A_259 : (vector<16xi32>, vector<16xi32>, vector<16xi1>) -> (vector<16xi1>, vector<16xi32>, vector<16xi32>)
    %masked_sort3A_266 = arith.xori %masked_sort3A_264, %masked_sort3A_261 : vector<16xi32>
    %swap3A_267 = arith.constant 16 : index
    %swap3A_268 = tpu.vector_load %arg10[%swap3A_267] {strides = array<i32>} : memref<32xi32, #tpu.memory_space<vmem>>, vector<16xi32>,
    tpu.vector_store %arg10[%swap3A_267], %masked_sort3A_266 {strides = array<i32>} : memref<32xi32, #tpu.memory_space<vmem>>, vector<16xi32>,
    %add3A_269 = arith.constant 3 : i32
    %add3A_270 = arith.addi %mul3A_2, %add3A_269 : i32
    "tpu.region"() ({
      %run_scoped3A = tpu.sem_alloc : memref<!tpu.dma_semaphore, #tpu.memory_space<semaphore_mem>>
      %dma_start3A_271 = arith.constant 0 : i32
      %dma_start3A_272 = tpu.memref_slice %arg3[%add3A_270, %dma_start3A_271] : memref<128x32xi32, #tpu.memory_space<hbm>> -> memref<1x32xi32, #tpu.memory_space<hbm>>
      %dma_start3A_273 = tpu.memref_squeeze %dma_start3A_272 : memref<1x32xi32, #tpu.memory_space<hbm>> -> memref<32xi32, #tpu.memory_space<hbm>>
      %dma_start3A_274 = arith.constant 0 : i32
      %dma_start3A_275 = tpu.memref_slice %arg3[%add3A_270, %dma_start3A_274] : memref<128x32xi32, #tpu.memory_space<hbm>> -> memref<1x32xi32, #tpu.memory_space<hbm>>
      %dma_start3A_276 = tpu.memref_squeeze %dma_start3A_275 : memref<1x32xi32, #tpu.memory_space<hbm>> -> memref<32xi32, #tpu.memory_space<hbm>>
      tpu.enqueue_dma source(%arg10 : memref<32xi32, #tpu.memory_space<vmem>>) target(%dma_start3A_276 : memref<32xi32, #tpu.memory_space<hbm>>) target_semaphore(%run_scoped3A : memref<!tpu.dma_semaphore, #tpu.memory_space<semaphore_mem>>)
      %dma_wait3A_277 = arith.constant 0 : i32
      %dma_wait3A_278 = tpu.memref_slice %arg3[%add3A_270, %dma_wait3A_277] : memref<128x32xi32, #tpu.memory_space<hbm>> -> memref<1x32xi32, #tpu.memory_space<hbm>>
      %dma_wait3A_279 = tpu.memref_squeeze %dma_wait3A_278 : memref<1x32xi32, #tpu.memory_space<hbm>> -> memref<32xi32, #tpu.memory_space<hbm>>
      %dma_wait3A_280 = arith.constant 0 : i32
      %dma_wait3A_281 = tpu.memref_slice %arg3[%add3A_270, %dma_wait3A_280] : memref<128x32xi32, #tpu.memory_space<hbm>> -> memref<1x32xi32, #tpu.memory_space<hbm>>
      %dma_wait3A_282 = tpu.memref_squeeze %dma_wait3A_281 : memref<1x32xi32, #tpu.memory_space<hbm>> -> memref<32xi32, #tpu.memory_space<hbm>>
      tpu.wait_dma2 semaphore(%run_scoped3A : memref<!tpu.dma_semaphore, #tpu.memory_space<semaphore_mem>>) src(%arg10 : memref<32xi32, #tpu.memory_space<vmem>>) dst(%dma_wait3A_282 : memref<32xi32, #tpu.memory_space<hbm>>)
      tpu.yield
    }) : () -> ()
    return
  }
}

module attributes {stable_mosaic.version = 14 : i64} {
  func.func @_labels_body(%arg0: memref<128x32xi32, #tpu.memory_space<vmem>>, %arg1: memref<128x128xf32, #tpu.memory_space<vmem>>, %arg2: memref<128x128xf32, #tpu.memory_space<vmem>>) attributes {dimension_semantics = [], scalar_prefetch = 0 : i64, scratch_operands = 0 : i64, tpu.core_type = #tpu.core_type<tc>} {
    %get3A = arith.constant 0 : index
    %get3A_0 = arith.constant 0 : index
    %get3A_1 = vector.load %arg0[%get3A, %get3A_0] : memref<128x32xi32, #tpu.memory_space<vmem>>, vector<128x32xi32>
    %transpose3A = tpu.transpose %get3A_1, [1, 0] : vector<128x32xi32> -> vector<32x128xi32>
    %slice3A = vector.extract_strided_slice %get3A_1 {offsets = [0, 0], sizes = [128, 1], strides = [1, 1]} : vector<128x32xi32> to vector<128x1xi32>
    %slice3A_2 = vector.extract_strided_slice %transpose3A {offsets = [0, 0], sizes = [1, 128], strides = [1, 1]} : vector<32x128xi32> to vector<1x128xi32>
    %eq3A = vector.broadcast %slice3A : vector<128x1xi32> to vector<128x128xi32>
    %eq3A_3 = vector.broadcast %slice3A_2 : vector<1x128xi32> to vector<128x128xi32>
    %eq3A_4 = arith.cmpi eq, %eq3A, %eq3A_3 : vector<128x128xi32>
    %slice3A_5 = vector.extract_strided_slice %get3A_1 {offsets = [0, 1], sizes = [128, 1], strides = [1, 1]} : vector<128x32xi32> to vector<128x1xi32>
    %slice3A_6 = vector.extract_strided_slice %transpose3A {offsets = [1, 0], sizes = [1, 128], strides = [1, 1]} : vector<32x128xi32> to vector<1x128xi32>
    %eq3A_7 = vector.broadcast %slice3A_5 : vector<128x1xi32> to vector<128x128xi32>
    %eq3A_8 = vector.broadcast %slice3A_6 : vector<1x128xi32> to vector<128x128xi32>
    %eq3A_9 = arith.cmpi eq, %eq3A_7, %eq3A_8 : vector<128x128xi32>
    %and3A = arith.andi %eq3A_4, %eq3A_9 : vector<128x128xi1>
    %slice3A_10 = vector.extract_strided_slice %get3A_1 {offsets = [0, 2], sizes = [128, 1], strides = [1, 1]} : vector<128x32xi32> to vector<128x1xi32>
    %slice3A_11 = vector.extract_strided_slice %transpose3A {offsets = [2, 0], sizes = [1, 128], strides = [1, 1]} : vector<32x128xi32> to vector<1x128xi32>
    %eq3A_12 = vector.broadcast %slice3A_10 : vector<128x1xi32> to vector<128x128xi32>
    %eq3A_13 = vector.broadcast %slice3A_11 : vector<1x128xi32> to vector<128x128xi32>
    %eq3A_14 = arith.cmpi eq, %eq3A_12, %eq3A_13 : vector<128x128xi32>
    %and3A_15 = arith.andi %and3A, %eq3A_14 : vector<128x128xi1>
    %slice3A_16 = vector.extract_strided_slice %get3A_1 {offsets = [0, 3], sizes = [128, 1], strides = [1, 1]} : vector<128x32xi32> to vector<128x1xi32>
    %slice3A_17 = vector.extract_strided_slice %transpose3A {offsets = [3, 0], sizes = [1, 128], strides = [1, 1]} : vector<32x128xi32> to vector<1x128xi32>
    %eq3A_18 = vector.broadcast %slice3A_16 : vector<128x1xi32> to vector<128x128xi32>
    %eq3A_19 = vector.broadcast %slice3A_17 : vector<1x128xi32> to vector<128x128xi32>
    %eq3A_20 = arith.cmpi eq, %eq3A_18, %eq3A_19 : vector<128x128xi32>
    %and3A_21 = arith.andi %and3A_15, %eq3A_20 : vector<128x128xi1>
    %slice3A_22 = vector.extract_strided_slice %get3A_1 {offsets = [0, 4], sizes = [128, 1], strides = [1, 1]} : vector<128x32xi32> to vector<128x1xi32>
    %slice3A_23 = vector.extract_strided_slice %transpose3A {offsets = [4, 0], sizes = [1, 128], strides = [1, 1]} : vector<32x128xi32> to vector<1x128xi32>
    %eq3A_24 = vector.broadcast %slice3A_22 : vector<128x1xi32> to vector<128x128xi32>
    %eq3A_25 = vector.broadcast %slice3A_23 : vector<1x128xi32> to vector<128x128xi32>
    %eq3A_26 = arith.cmpi eq, %eq3A_24, %eq3A_25 : vector<128x128xi32>
    %and3A_27 = arith.andi %and3A_21, %eq3A_26 : vector<128x128xi1>
    %slice3A_28 = vector.extract_strided_slice %get3A_1 {offsets = [0, 5], sizes = [128, 1], strides = [1, 1]} : vector<128x32xi32> to vector<128x1xi32>
    %slice3A_29 = vector.extract_strided_slice %transpose3A {offsets = [5, 0], sizes = [1, 128], strides = [1, 1]} : vector<32x128xi32> to vector<1x128xi32>
    %eq3A_30 = vector.broadcast %slice3A_28 : vector<128x1xi32> to vector<128x128xi32>
    %eq3A_31 = vector.broadcast %slice3A_29 : vector<1x128xi32> to vector<128x128xi32>
    %eq3A_32 = arith.cmpi eq, %eq3A_30, %eq3A_31 : vector<128x128xi32>
    %and3A_33 = arith.andi %and3A_27, %eq3A_32 : vector<128x128xi1>
    %slice3A_34 = vector.extract_strided_slice %get3A_1 {offsets = [0, 6], sizes = [128, 1], strides = [1, 1]} : vector<128x32xi32> to vector<128x1xi32>
    %slice3A_35 = vector.extract_strided_slice %transpose3A {offsets = [6, 0], sizes = [1, 128], strides = [1, 1]} : vector<32x128xi32> to vector<1x128xi32>
    %eq3A_36 = vector.broadcast %slice3A_34 : vector<128x1xi32> to vector<128x128xi32>
    %eq3A_37 = vector.broadcast %slice3A_35 : vector<1x128xi32> to vector<128x128xi32>
    %eq3A_38 = arith.cmpi eq, %eq3A_36, %eq3A_37 : vector<128x128xi32>
    %and3A_39 = arith.andi %and3A_33, %eq3A_38 : vector<128x128xi1>
    %slice3A_40 = vector.extract_strided_slice %get3A_1 {offsets = [0, 7], sizes = [128, 1], strides = [1, 1]} : vector<128x32xi32> to vector<128x1xi32>
    %slice3A_41 = vector.extract_strided_slice %transpose3A {offsets = [7, 0], sizes = [1, 128], strides = [1, 1]} : vector<32x128xi32> to vector<1x128xi32>
    %eq3A_42 = vector.broadcast %slice3A_40 : vector<128x1xi32> to vector<128x128xi32>
    %eq3A_43 = vector.broadcast %slice3A_41 : vector<1x128xi32> to vector<128x128xi32>
    %eq3A_44 = arith.cmpi eq, %eq3A_42, %eq3A_43 : vector<128x128xi32>
    %and3A_45 = arith.andi %and3A_39, %eq3A_44 : vector<128x128xi1>
    %slice3A_46 = vector.extract_strided_slice %get3A_1 {offsets = [0, 8], sizes = [128, 1], strides = [1, 1]} : vector<128x32xi32> to vector<128x1xi32>
    %slice3A_47 = vector.extract_strided_slice %transpose3A {offsets = [8, 0], sizes = [1, 128], strides = [1, 1]} : vector<32x128xi32> to vector<1x128xi32>
    %eq3A_48 = vector.broadcast %slice3A_46 : vector<128x1xi32> to vector<128x128xi32>
    %eq3A_49 = vector.broadcast %slice3A_47 : vector<1x128xi32> to vector<128x128xi32>
    %eq3A_50 = arith.cmpi eq, %eq3A_48, %eq3A_49 : vector<128x128xi32>
    %and3A_51 = arith.andi %and3A_45, %eq3A_50 : vector<128x128xi1>
    %slice3A_52 = vector.extract_strided_slice %get3A_1 {offsets = [0, 9], sizes = [128, 1], strides = [1, 1]} : vector<128x32xi32> to vector<128x1xi32>
    %slice3A_53 = vector.extract_strided_slice %transpose3A {offsets = [9, 0], sizes = [1, 128], strides = [1, 1]} : vector<32x128xi32> to vector<1x128xi32>
    %eq3A_54 = vector.broadcast %slice3A_52 : vector<128x1xi32> to vector<128x128xi32>
    %eq3A_55 = vector.broadcast %slice3A_53 : vector<1x128xi32> to vector<128x128xi32>
    %eq3A_56 = arith.cmpi eq, %eq3A_54, %eq3A_55 : vector<128x128xi32>
    %and3A_57 = arith.andi %and3A_51, %eq3A_56 : vector<128x128xi1>
    %slice3A_58 = vector.extract_strided_slice %get3A_1 {offsets = [0, 10], sizes = [128, 1], strides = [1, 1]} : vector<128x32xi32> to vector<128x1xi32>
    %slice3A_59 = vector.extract_strided_slice %transpose3A {offsets = [10, 0], sizes = [1, 128], strides = [1, 1]} : vector<32x128xi32> to vector<1x128xi32>
    %eq3A_60 = vector.broadcast %slice3A_58 : vector<128x1xi32> to vector<128x128xi32>
    %eq3A_61 = vector.broadcast %slice3A_59 : vector<1x128xi32> to vector<128x128xi32>
    %eq3A_62 = arith.cmpi eq, %eq3A_60, %eq3A_61 : vector<128x128xi32>
    %and3A_63 = arith.andi %and3A_57, %eq3A_62 : vector<128x128xi1>
    %slice3A_64 = vector.extract_strided_slice %get3A_1 {offsets = [0, 11], sizes = [128, 1], strides = [1, 1]} : vector<128x32xi32> to vector<128x1xi32>
    %slice3A_65 = vector.extract_strided_slice %transpose3A {offsets = [11, 0], sizes = [1, 128], strides = [1, 1]} : vector<32x128xi32> to vector<1x128xi32>
    %eq3A_66 = vector.broadcast %slice3A_64 : vector<128x1xi32> to vector<128x128xi32>
    %eq3A_67 = vector.broadcast %slice3A_65 : vector<1x128xi32> to vector<128x128xi32>
    %eq3A_68 = arith.cmpi eq, %eq3A_66, %eq3A_67 : vector<128x128xi32>
    %and3A_69 = arith.andi %and3A_63, %eq3A_68 : vector<128x128xi1>
    %slice3A_70 = vector.extract_strided_slice %get3A_1 {offsets = [0, 12], sizes = [128, 1], strides = [1, 1]} : vector<128x32xi32> to vector<128x1xi32>
    %slice3A_71 = vector.extract_strided_slice %transpose3A {offsets = [12, 0], sizes = [1, 128], strides = [1, 1]} : vector<32x128xi32> to vector<1x128xi32>
    %eq3A_72 = vector.broadcast %slice3A_70 : vector<128x1xi32> to vector<128x128xi32>
    %eq3A_73 = vector.broadcast %slice3A_71 : vector<1x128xi32> to vector<128x128xi32>
    %eq3A_74 = arith.cmpi eq, %eq3A_72, %eq3A_73 : vector<128x128xi32>
    %and3A_75 = arith.andi %and3A_69, %eq3A_74 : vector<128x128xi1>
    %slice3A_76 = vector.extract_strided_slice %get3A_1 {offsets = [0, 13], sizes = [128, 1], strides = [1, 1]} : vector<128x32xi32> to vector<128x1xi32>
    %slice3A_77 = vector.extract_strided_slice %transpose3A {offsets = [13, 0], sizes = [1, 128], strides = [1, 1]} : vector<32x128xi32> to vector<1x128xi32>
    %eq3A_78 = vector.broadcast %slice3A_76 : vector<128x1xi32> to vector<128x128xi32>
    %eq3A_79 = vector.broadcast %slice3A_77 : vector<1x128xi32> to vector<128x128xi32>
    %eq3A_80 = arith.cmpi eq, %eq3A_78, %eq3A_79 : vector<128x128xi32>
    %and3A_81 = arith.andi %and3A_75, %eq3A_80 : vector<128x128xi1>
    %slice3A_82 = vector.extract_strided_slice %get3A_1 {offsets = [0, 14], sizes = [128, 1], strides = [1, 1]} : vector<128x32xi32> to vector<128x1xi32>
    %slice3A_83 = vector.extract_strided_slice %transpose3A {offsets = [14, 0], sizes = [1, 128], strides = [1, 1]} : vector<32x128xi32> to vector<1x128xi32>
    %eq3A_84 = vector.broadcast %slice3A_82 : vector<128x1xi32> to vector<128x128xi32>
    %eq3A_85 = vector.broadcast %slice3A_83 : vector<1x128xi32> to vector<128x128xi32>
    %eq3A_86 = arith.cmpi eq, %eq3A_84, %eq3A_85 : vector<128x128xi32>
    %and3A_87 = arith.andi %and3A_81, %eq3A_86 : vector<128x128xi1>
    %slice3A_88 = vector.extract_strided_slice %get3A_1 {offsets = [0, 15], sizes = [128, 1], strides = [1, 1]} : vector<128x32xi32> to vector<128x1xi32>
    %slice3A_89 = vector.extract_strided_slice %transpose3A {offsets = [15, 0], sizes = [1, 128], strides = [1, 1]} : vector<32x128xi32> to vector<1x128xi32>
    %eq3A_90 = vector.broadcast %slice3A_88 : vector<128x1xi32> to vector<128x128xi32>
    %eq3A_91 = vector.broadcast %slice3A_89 : vector<1x128xi32> to vector<128x128xi32>
    %eq3A_92 = arith.cmpi eq, %eq3A_90, %eq3A_91 : vector<128x128xi32>
    %and3A_93 = arith.andi %and3A_87, %eq3A_92 : vector<128x128xi1>
    %slice3A_94 = vector.extract_strided_slice %get3A_1 {offsets = [0, 16], sizes = [128, 1], strides = [1, 1]} : vector<128x32xi32> to vector<128x1xi32>
    %slice3A_95 = vector.extract_strided_slice %transpose3A {offsets = [16, 0], sizes = [1, 128], strides = [1, 1]} : vector<32x128xi32> to vector<1x128xi32>
    %eq3A_96 = vector.broadcast %slice3A_94 : vector<128x1xi32> to vector<128x128xi32>
    %eq3A_97 = vector.broadcast %slice3A_95 : vector<1x128xi32> to vector<128x128xi32>
    %eq3A_98 = arith.cmpi eq, %eq3A_96, %eq3A_97 : vector<128x128xi32>
    %and3A_99 = arith.andi %and3A_93, %eq3A_98 : vector<128x128xi1>
    %slice3A_100 = vector.extract_strided_slice %get3A_1 {offsets = [0, 17], sizes = [128, 1], strides = [1, 1]} : vector<128x32xi32> to vector<128x1xi32>
    %slice3A_101 = vector.extract_strided_slice %transpose3A {offsets = [17, 0], sizes = [1, 128], strides = [1, 1]} : vector<32x128xi32> to vector<1x128xi32>
    %eq3A_102 = vector.broadcast %slice3A_100 : vector<128x1xi32> to vector<128x128xi32>
    %eq3A_103 = vector.broadcast %slice3A_101 : vector<1x128xi32> to vector<128x128xi32>
    %eq3A_104 = arith.cmpi eq, %eq3A_102, %eq3A_103 : vector<128x128xi32>
    %and3A_105 = arith.andi %and3A_99, %eq3A_104 : vector<128x128xi1>
    %slice3A_106 = vector.extract_strided_slice %get3A_1 {offsets = [0, 18], sizes = [128, 1], strides = [1, 1]} : vector<128x32xi32> to vector<128x1xi32>
    %slice3A_107 = vector.extract_strided_slice %transpose3A {offsets = [18, 0], sizes = [1, 128], strides = [1, 1]} : vector<32x128xi32> to vector<1x128xi32>
    %eq3A_108 = vector.broadcast %slice3A_106 : vector<128x1xi32> to vector<128x128xi32>
    %eq3A_109 = vector.broadcast %slice3A_107 : vector<1x128xi32> to vector<128x128xi32>
    %eq3A_110 = arith.cmpi eq, %eq3A_108, %eq3A_109 : vector<128x128xi32>
    %and3A_111 = arith.andi %and3A_105, %eq3A_110 : vector<128x128xi1>
    %slice3A_112 = vector.extract_strided_slice %get3A_1 {offsets = [0, 19], sizes = [128, 1], strides = [1, 1]} : vector<128x32xi32> to vector<128x1xi32>
    %slice3A_113 = vector.extract_strided_slice %transpose3A {offsets = [19, 0], sizes = [1, 128], strides = [1, 1]} : vector<32x128xi32> to vector<1x128xi32>
    %eq3A_114 = vector.broadcast %slice3A_112 : vector<128x1xi32> to vector<128x128xi32>
    %eq3A_115 = vector.broadcast %slice3A_113 : vector<1x128xi32> to vector<128x128xi32>
    %eq3A_116 = arith.cmpi eq, %eq3A_114, %eq3A_115 : vector<128x128xi32>
    %and3A_117 = arith.andi %and3A_111, %eq3A_116 : vector<128x128xi1>
    %convert_element_type3A = arith.extui %and3A_117 : vector<128x128xi1> to vector<128x128xi32>
    %convert_element_type3A_118 = arith.sitofp %convert_element_type3A : vector<128x128xi32> to vector<128x128xf32>
    %swap3A = arith.constant 0 : index
    %swap3A_119 = arith.constant 0 : index
    %swap3A_120 = vector.load %arg1[%swap3A, %swap3A_119] : memref<128x128xf32, #tpu.memory_space<vmem>>, vector<128x128xf32>
    tpu.vector_store %arg1[%swap3A, %swap3A_119], %convert_element_type3A_118 {strides = array<i32>} : memref<128x128xf32, #tpu.memory_space<vmem>>, vector<128x128xf32>,
    %broadcast_in_dim3A = arith.constant 1.000000e+00 : f32
    %broadcast_in_dim3A_121 = vector.broadcast %broadcast_in_dim3A : f32 to vector<128x128xf32>
    %swap3A_122 = arith.constant 0 : index
    %swap3A_123 = arith.constant 0 : index
    %swap3A_124 = vector.load %arg2[%swap3A_122, %swap3A_123] : memref<128x128xf32, #tpu.memory_space<vmem>>, vector<128x128xf32>
    tpu.vector_store %arg2[%swap3A_122, %swap3A_123], %broadcast_in_dim3A_121 {strides = array<i32>} : memref<128x128xf32, #tpu.memory_space<vmem>>, vector<128x128xf32>,
    return
  }
}

</mosaic_0001>

<sc_bundles>
// kernel: kernel.4.cloned.1.call-start
scs
__scs_entry_jumppad:
0x0: {  	(pc) =	sbr.rel $0x88, $3  }
0x1: {  	(tag) =	ssettag $0x0;
	lr =	simm.s32 $0x1  }
0x2: {  	[smem:$0x3FA0] =	sst lr;
	_ =	strace $0xD0000000  }
0x3: {  	_ = 	snop  }
0x4: {  	_ = 	snop  }
0x5: {  	_ = 	snop  }
0x6: {  	_ = 	snop  }
0x7: {  	_ = 	snop  }
__scs_overlays_trampoline_lowered:
0x8: {  	[smem:$0x3FAF] =	sst s0  }
0x9: {  	[smem:$0x3FB0] =	sst s1  }
0xa: {  	[smem:$0x3FB1] =	sst s2  }
0xb: {  	[smem:$0x3FB2] =	sst s3  }
0xc: {  	[smem:$0x3FB3] =	sst s4  }
0xd: {  	[smem:$0x3FB4] =	sst s5  }
0xe: {  	[smem:$0x3FB5] =	sst s6  }
0xf: {  	[smem:$0x3FB6] =	sst s7  }
0x10: {  	[smem:$0x3FB7] =	sst s8  }
0x11: {  	[smem:$0x3FB8] =	sst s9;
	s0 =	simm.s32 @!p0 $0x0  }
0x12: {  	s1 =	sld [smem:$0x3F9E];
	s0 =	simm.s32 @p0 $0x1  }
0x13: {  	[smem:$0x3FB9] =	sst s0;
	s0 =	simm.s32 @!p1 $0x0  }
0x14: {  	s2 =	sld [smem:$0x3F9D];
	s0 =	simm.s32 @p1 $0x1  }
0x15: {  	[smem:$0x3FBA] =	sst s0;
	s0 =	simm.s32 @!p2 $0x0  }
0x16: {  	s3 =	sld [smem:$0x3FDB];
	s0 =	simm.s32 @p2 $0x1  }
0x17: {  	s4 =	simm.s32 $0x1BF5;
	[smem:$0x3FBC] =	sst s0  }
0x18: {  	s0 =	sld [smem:$0x3F9F];
	_ =	swait.ge [sflag:s4], $0x0  }
0x19: {  	s7 =	sld [smem:$0x3FA0]  }
0x1a: {  	s8 =	sadd.s32 $0xFFFFE003, lr  }
0x1b: {  	s9 =	sadd.s32 $0xFFFFFEF7, lr;
	s5 =	simm.s32 $0xFFFFFFFF;
	p2 =	slt.u32 s8, $0xFFFFF086  }
0x1c: {  	p1 =	slt.u32 s9, $0xF7A;
	s5 =	simm.s32 @!p2 $0x0  }
0x1d: {  	s5 =	simm.s32 @p1 $0x1;
	p0 =	seq.s32 s7, s2  }
0x1e: {  	s7 =	smul.u32 @!p0 $0xF7A, s2;
	p2 =	seq.s32 @!p0 s5, $0x0  }
0x1f: {  	s9 =	smul.u32 $0xF7A, s1;
	s8 =	simm.s32 @!p0 $0x1BF5;
	p2 =	por !p2, p0  }
0x20: {  	[sflag:s8] =	ssyncset.s32 @!p0 $0xFFFFF086;
	s6 =	sadd.s32 @!p0 s3, s7;
	s7 =	simm.s32 @!p0 $0x108  }
0x21: {  	s3 =	sadd.s32 s3, s9;
	s6 =	sadd.s32 @!p0 $0x88, s6;
	s7 =	simm.s32 @p2 $0x1082  }
0x22: {  	[simem:s7], [sflag:s8] =	dma.local @!p0 [hbm:s6], $0xF7A  }
0x23: {  	s9 =	sor.u32 $0xD0000000, s2;
	s6 =	simm.s32 $0x108;
	_ =	swait.ge @!p0 [sflag:s8], $0x0  }
0x24: {  	s3 =	sadd.s32 $0x88, s3;
	s6 =	simm.s32 @!p1 $0x1082;
	[sflag:s4] =	ssyncset.s32 $0xFFFFF086  }
0x25: {  	[simem:s6], [sflag:s4] =	dma.local [hbm:s3], $0xF7A  }
0x26: {  	[smem:$0x3FA0] =	sst s1;
	(tag) =	ssettag s2;
	_ =	strace s9  }
0x27: {  	s1 =	sld [smem:$0x3FB0]  }
0x28: {  	s2 =	sld [smem:$0x3FB1]  }
0x29: {  	s4 =	sld [smem:$0x3FB3]  }
0x2a: {  	p0 =	seq.s32 s5, $0x0;
	s5 =	sld [smem:$0x3FB4]  }
0x2b: {  	s6 =	sld [smem:$0x3FB5]  }
0x2c: {  	s7 =	sld [smem:$0x3FB6]  }
0x2d: {  	s3 =	simm.s32 $0x108;
	s8 =	sld [smem:$0x3FB7]  }
0x2e: {  	s3 =	simm.s32 @!p0 $0x1082;
	s9 =	sld [smem:$0x3FB8]  }
0x2f: {  	lr =	sadd.s32 s0, s3;
	s0 =	sld [smem:$0x3FAF]  }
0x30: {  	s3 =	sld [smem:$0x3FB2]  }
0x31: {  	[smem:$0x3FBB] =	sst s10  }
0x32: {  	s10 =	sld [smem:$0x3FB9];
	_ =	sdelay $0x3  }
0x33: {  	p0 =	seq.s32 s10, $0x1;
	s10 =	sld [smem:$0x3FBB];
	_ =	sdelay $0x3  }
0x34: {  	[smem:$0x3FBB] =	sst s10  }
0x35: {  	s10 =	sld [smem:$0x3FBA];
	_ =	sdelay $0x3  }
0x36: {  	p1 =	seq.s32 s10, $0x1;
	s10 =	sld [smem:$0x3FBB];
	_ =	sdelay $0x3  }
0x37: {  	[smem:$0x3FBB] =	sst s10  }
0x38: {  	s10 =	sld [smem:$0x3FBC]  }
0x39: {  	_ = 	snop;
	(pc) =	sbr.ind lr, $3  }
0x3a: {  	_ = 	snop  }
0x3b: {  	_ = 	snop  }
0x3c: {  	p2 =	seq.s32 s10, $0x1;
	s10 =	sld [smem:$0x3FBB]  }
0x3d: {  	_ =	shalt  }
0x3e: {  	_ =	shalt  }
0x3f: {  	_ =	shalt  }
0x40: {  	_ =	shalt  }
0x41: {  	_ =	shalt  }
0x42: {  	_ =	shalt  }
0x43: {  	_ =	shalt  }
0x44: {  	_ =	shalt  }
0x45: {  	_ =	shalt  }
0x46: {  	_ =	shalt  }
0x47: {  	_ =	shalt  }
0x48: {  	_ =	shalt  }
0x49: {  	_ =	shalt  }
0x4a: {  	_ =	shalt  }
0x4b: {  	_ =	shalt  }
0x4c: {  	_ =	shalt  }
0x4d: {  	_ =	shalt  }
0x4e: {  	_ =	shalt  }
0x4f: {  	_ =	shalt  }
0x50: {  	_ =	shalt  }
0x51: {  	_ =	shalt  }
0x52: {  	_ =	shalt  }
0x53: {  	_ =	shalt  }
0x54: {  	_ =	shalt  }
0x55: {  	_ =	shalt  }
0x56: {  	_ =	shalt  }
0x57: {  	_ =	shalt  }
0x58: {  	_ =	shalt  }
0x59: {  	_ =	shalt  }
0x5a: {  	_ =	shalt  }
0x5b: {  	_ =	shalt  }
0x5c: {  	_ =	shalt  }
0x5d: {  	_ =	shalt  }
0x5e: {  	_ =	shalt  }
0x5f: {  	_ =	shalt  }
0x60: {  	_ =	shalt  }
0x61: {  	_ =	shalt  }
0x62: {  	_ =	shalt  }
0x63: {  	_ =	shalt  }
0x64: {  	_ =	shalt  }
0x65: {  	_ =	shalt  }
0x66: {  	_ =	shalt  }
0x67: {  	_ =	shalt  }
0x68: {  	_ =	shalt  }
0x69: {  	_ =	shalt  }
0x6a: {  	_ =	shalt  }
0x6b: {  	_ =	shalt  }
0x6c: {  	_ =	shalt  }
0x6d: {  	_ =	shalt  }
0x6e: {  	_ =	shalt  }
0x6f: {  	_ =	shalt  }
0x70: {  	_ =	shalt  }
0x71: {  	_ =	shalt  }
0x72: {  	_ =	shalt  }
0x73: {  	_ =	shalt  }
0x74: {  	_ =	shalt  }
0x75: {  	_ =	shalt  }
0x76: {  	_ =	shalt  }
0x77: {  	_ =	shalt  }
0x78: {  	_ =	shalt  }
0x79: {  	_ =	shalt  }
0x7a: {  	_ =	shalt  }
0x7b: {  	_ =	shalt  }
0x7c: {  	_ =	shalt  }
0x7d: {  	_ =	shalt  }
0x7e: {  	_ =	shalt  }
0x7f: {  	_ =	shalt  }
0x80: {  	_ =	shalt  }
0x81: {  	_ =	shalt  }
0x82: {  	_ =	shalt  }
0x83: {  	_ =	shalt  }
0x84: {  	_ =	shalt  }
0x85: {  	_ =	shalt  }
0x86: {  	_ =	shalt  }
0x87: {  	_ =	shalt  }
.Lfunc_end0:
.L_simem_size_0:
called_computation_lowered:
.L_overlay_start_0:
0x88: {  	s2 =	sld [smem:$0x3FD9]  }
0x89: {  	s3 =	sld [smem:$0x3FFE];
	_ =	sdelay $0x1  }
0x8a: {  	s1 =	srdreg.scid  }
0x8b: {  	s0 =	sand.u32 $0x1, s1  }
0x8c: {  	s15 =	sshll.u32 s0, $0xA;
	s2 =	sadd.s32 s3, s2  }
0x8d: {  	s2 =	sadd.s32 s2, s15  }
0x8e: {  	[smem:$0x3FC7] =	sst s2  }
0x8f: {  	_ = 	snop  }
0x90: {  	s2 =	sld [smem:$0x3FD0];
	_ =	sdelay $0x2  }
0x91: {  	s4 =	simm.s32 $0xA;
	s5 =	simm.s32 $0x10;
	s16 =	sld [smem:$0x3FC9]  }
0x92: {  	[smem:s5], [sflag:s4] =	dma.local [hbm:s2], $0x1  }
0x93: {  	_ =	swait.eq [sflag:s4], $0x1  }
0x94: {  	[sflag:s4] =	ssyncset.done $0x0  }
0x95: {  	[sflag:s4] =	ssyncadd.s32 $0xFFFFFFFF  }
0x96: {  	s17 =	sld [smem:$0x11];
	(tm) =	ssettm $0x1  }
0x97: {  	s18 =	sld [smem:$0x3FFB];
	_ =	sdelay $0x3  }
0x98: {  	_ =	strace s18  }
0x99: {  	s4 =	sld [smem:$0x3FFC];
	_ =	sdelay $0x3  }
0x9a: {  	_ =	strace s4  }
0x9b: {  	s4 =	sld [smem:$0x3FFD];
	_ =	sdelay $0x3  }
0x9c: {  	_ =	strace s4  }
0x9d: {  	_ =	strace $0x8FFFFFFF  }
0x9e: {  	s19 =	sld [smem:$0x3FDB];
	_ =	sdelay $0x1  }
0x9f: {  	s20 =	simm.s32 $_scs_section_size  }
0xa0: {  	s6 =	simm.s32 $_size__tile_overlayer_lowered;
	s7 =	simm.s32 $_tile_overlayer_lowered  }
0xa1: {  	s23 =	simm.s32 $0x1BFF;
	s22 =	sshll.u32 s7, $0x1;
	s4 =	sadd.s32 s20, s19  }
0xa2: {  	s8 =	simm.s32 $0x0;
	s21 =	sshll.u32 s6, $0x1;
	s6 =	sadd.s32 s22, s4  }
0xa3: {  	[timem:s8], [sflag:s23] =	dma.local [hbm:s6], s21  }
0xa4: {  	_ =	swait.ge [sflag:s23], s21  }
0xa5: {  	s5 =	ssub.s32 $0x0, s21;
	[sflag:s23] =	ssyncset.done $0x0  }
0xa6: {  	[sflag:s23] =	ssyncadd.s32 s5;
	_ =	sdelay $0x1  }
0xa7: {  	s24 =	simm.s32 $0x1B8B  }
0xa8: {  	_ =	swait.ge [sflag:s24], $0x1  }
0xa9: {  	[sflag:s24] =	ssyncset.done $0x0  }
0xaa: {  	s25 =	simm.s32 $0x1B8E;
	[sflag:s24] =	ssyncadd.s32 $0xFFFFFFFF  }
0xab: {  	s26 =	simm.s32 $execute0_lowered;
	[smem:$0x3FD2] =	sst s25  }
0xac: {  	s5 =	sshll.u32 s26, $0x1;
	_ =	strace $0x80000046;
	[dreg:$0x1] =	wrdreg $0xFFFFFFFF  }
0xad: {  	s28 =	simm.s32 $_size_execute0_lowered;
	s4 =	sadd.s32 s4, s5;
	[dreg:$0x0] =	wrdreg $0x0  }
0xae: {  	s5 =	sshll.u32 s28, $0x1;
	[dreg:$0x2] =	wrdreg s4  }
0xaf: {  	[dreg:$0x3] =	wrdreg s5  }
0xb0: {  	[dreg:$0x4] =	wrdreg $0xC0  }
0xb1: {  	_ =	task [dreg:s8], $0x5FFFF  }
0xb2: {  	[dreg:$0x1] =	wrdreg $0xFFFFFFFF  }
0xb3: {  	[dreg:$0x0] =	wrdreg $0x60  }
0xb4: {  	[dreg:$0x2] =	wrdreg s16  }
0xb5: {  	[dreg:$0x3] =	wrdreg s17  }
0xb6: {  	[dreg:$0x4] =	wrdreg $0x9  }
0xb7: {  	_ =	task.clear_ibuf [dreg:s8], $0x5FFFF;
	_ =	strace $0x90000046  }
0xb8: {  	s29 =	simm.s32 $0x9;
	_ =	strace $0x80000048  }
0xb9: {  	_ =	swait.ge [sflag:s29], $0x1  }
0xba: {  	[sflag:s29] =	ssyncadd.s32 $0xFFFFFFFF  }
0xbb: {  	_ =	strace $0x90000048  }
0xbc: {  	_ =	sfence  }
0xbd: {  	s30 =	sld [smem:$0x0];
	_ =	sdelay $0x2  }
0xbe: {  	s31 =	sshll.u32 s1, $0xD;
	s1 =	sshrl.u32 s1, $0x2  }
0xbf: {  	s3 =	sand.u32 $0x4000, s31;
	s1 =	sadd.s32 s1, s30  }
0xc0: {  	s0 =	sor.u32 s3, s0;
	s1 =	sshll.u32 s1, $0x11  }
0xc1: {  	s0 =	sor.u32 s1, s0  }
0xc2: {  	s0 =	sadd.s32 $0x8F2B, s0  }
0xc3: {  	[sflag:s0] =	ssyncadd.remote.s32 $0x1  }
0xc4: {  	_ =	sfence.sel $0xFFFF  }
0xc5: {  	[dreg:$0x0] =	wrdreg $0xFFFFFFFF;
	(pc) =	sbr.abs _section_cstart, $3  }
0xc6: {  	[dreg:$0x1] =	wrdreg $0xFFFFFFFF  }
0xc7: {  	_ =	task.clear_ibuf [dreg:s8], $0x2FFFF;
	_ =	strace $0x9FFFFFFF  }
0xc8: {  	(tm) =	ssettm $0x7FFFFFFF  }
0xc9: {  	_ =	shalt  }
tec
execute0_lowered:
.L_overlay_start_1:
0x0: {  	(tag) =	ssettag $0x1  }
0x1: {  	s0 =	rddreg [dreg:$0x0]  }
0x2: {  	s10 =	rddreg [dreg:$0x1];
	s1 =	srdreg.scid;
	s2 =	simm.s32 $0x0  }
0x3: {  	s20 =	stileid.u32;
	s15 =	simm.s32 $0x4000;
	s16 =	simm.s32 $0x6000  }
0x4: {  	s17 =	simm.s32 $0x1;
	s18 =	simm.s32 $0x8000;
	s19 =	simm.s32 $0x2  }
0x5: {  	s3 =	sand.u32 $0x1, s1;
	[smem:$0x7FF] =	sst s2;
	s6 =	sshll.u32 s20, $0x10  }
0x6: {  	s13 =	sshll.u32 s20, $0xA;
	s20 =	simm.s32 $0x8080;
	s5 =	sshll.u32 s3, $0x9  }
0x7: {  	_ =	strace $0x80000047;
	s3 =	ssub.s32 $0x2, s3;
	s8 =	sor.u32 $0x80, s5  }
0x8: {  	s4 =	sor.u32 s5, s6;
	s9 =	sshrl.u32 s3, $0x1;
	s23 =	sor.u32 $0x100, s5  }
0x9: {  	s12 =	sor.u32 $0x180, s5;
	s5 =	sor.u32 s5, s13;
	s7 =	sor.u32 s6, s8  }
0xa: {  	s4 =	sshrl.u32 s4, $0x3;
	s11 =	ssub.s32 s3, s9;
	s24 =	sor.u32 s6, s23  }
0xb: {  	s6 =	sor.u32 s6, s12;
	s14 =	sshrl.u32 s5, $0x3;
	s28 =	sor.u32 s13, s8  }
0xc: {  	s29 =	sor.u32 s13, s23;
	s30 =	sor.u32 s13, s12;
	s12 =	simm.s32 $0x80  }
0xd: {  	s23 =	simm.s32 $0x4;
	s7 =	sshrl.u32 s7, $0x3;
	s21 =	sadd.s32 s0, s4  }
0xe: {  	s6 =	sshrl.u32 s6, $0x3;
	s26 =	sadd.s32 s10, s14;
	s31 =	sshrl.u32 s29, $0x3  }
0xf: {  	s13 =	sshrl.u32 s30, $0x3;
	s11 =	smax.u32 s11, $0x1;
	s14 =	simm.s32 $0x2000  }
0x10: {  	[dreg:$0x3] =	wrdreg s21;
	s22 =	sadd.s32 s0, s7;
	s7 =	sshrl.u32 s24, $0x3  }
0x11: {  	[dreg:$0x7] =	wrdreg s26;
	s9 =	sadd.s32 s10, s31;
	s21 =	simm.s32 $0x8100  }
0x12: {  	s24 =	simm.s32 $0x5;
	[dreg:$0x4] =	wrdreg s22;
	s25 =	sadd.s32 s0, s7  }
0x13: {  	v0 =	vlaneseq.u32;
	v1 =	vimm.s32 $0x100000;
	s0 =	sadd.s32 s0, s6;
	s22 =	simm.s32 $0x3;
	[dreg:$0x5] =	wrdreg s25  }
0x14: {  	v6 =	vimm.s32 $0x0;
	v2 =	vor.u32 $0x80000030, v0;
	v3 =	vor.u32 $0x80000020, v0;
	[dreg:$0x6] =	wrdreg s0;
	s0 =	sshrl.u32 s28, $0x3;
	s25 =	simm.s32 $0x0  }
0x15: {  	v7 =	vimm.f32 $NaN;
	v4 =	vor.u32 $0x80000010, v0;
	v5 =	vor.u32 $0x80000000, v0;
	s8 =	sadd.s32 s10, s0;
	s10 =	sadd.s32 s10, s13;
	s13 =	simm.s32 $0x400  }
.LBB2_1:
0x16: {  	s0 =	rddreg [dreg:$0x3]  }
0x17: {  	[tilespmem:s2], [sflag:$0x1] =	stream.strided.gather [hbm4b:s0+s12], $0x2000, s13, s12, $0x38;
	[tilespmem:$0x8180] =	vst v63  }
0x18: {  	s26 =	rddreg [dreg:$0x4]  }
0x19: {  	[tilespmem:s14], [sflag:$0x2] =	stream.strided.gather [hbm4b:s26+s12], $0x2000, s13, s12, $0x38;
	[tilespmem:$0x8180] =	vst v63  }
0x1a: {  	s30 =	rddreg [dreg:$0x5]  }
0x1b: {  	[tilespmem:s15], [sflag:$0x3] =	stream.strided.gather [hbm4b:s30+s12], $0x2000, s13, s12, $0x38;
	[tilespmem:$0x8180] =	vst v63  }
0x1c: {  	s31 =	rddreg [dreg:$0x6]  }
0x1d: {  	[tilespmem:s16], [sflag:$0x4] =	stream.strided.gather [hbm4b:s31+s12], $0x2000, s13, s12, $0x38;
	[tilespmem:$0x8180] =	vst v63  }
0x1e: {  	[tilespmem:$0x8100] =	vst v1  }
0x1f: {  	[tilespmem:$0x8110] =	vst v1  }
0x20: {  	_ =	swait.ge [sflag:s17], $0x2000  }
0x21: {  	[sflag:s17] =	ssyncset.done $0x0  }
0x22: {  	s28 =	simm.s32 $0x40;
	[sflag:s17] =	ssyncadd.s32 $0xFFFFE000  }
0x23: {  	s29 =	simm.s32 $0x1;
	s26 =	simm.s32 $0x0;
	v8 =	vld [tilespmem:s28+$0xFFFFFFC0]  }
.LBB2_2:
0x24: {  	p0 =	sne.s32 s29, $0x3F;
	v9 =	vld [tilespmem:s28+$0xFFFFFFD0]  }
0x25: {  	v10 =	vld [tilespmem:s28+$0xFFFFFFE0]  }
0x26: {  	v11 =	vld [tilespmem:s28+$0xFFFFFFF0]  }
0x27: {  	v12 =	vld [tilespmem:s28+$0x0]  }
0x28: {  	v8 =	vand.u32 $0x7FFFFFFF, v8;
	v13 =	vld [tilespmem:s28+$0x10]  }
0x29: {  	v8 =	vmax.f32 v8, $-1.000000000e+00;
	v9 =	vand.u32 $0x7FFFFFFF, v9;
	v14 =	vld [tilespmem:s28+$0x20]  }
0x2a: {  	v8 =	vmax.f32 v8, v9;
	v9 =	vand.u32 $0x7FFFFFFF, v10;
	v10 =	vld [tilespmem:s28+$0x30]  }
0x2b: {  	v8 =	vmax.f32 v8, v9;
	v9 =	vand.u32 $0x7FFFFFFF, v11  }
0x2c: {  	v8 =	vmax.f32 v8, v9;
	v9 =	vand.u32 $0x7FFFFFFF, v12  }
0x2d: {  	v8 =	vmax.f32 v8, v9;
	v9 =	vand.u32 $0x7FFFFFFF, v13  }
0x2e: {  	v8 =	vmax.f32 v8, v9;
	v9 =	vand.u32 $0x7FFFFFFF, v14  }
0x2f: {  	v8 =	vmax.f32 v8, v9;
	v9 =	vand.u32 $0x7FFFFFFF, v10  }
0x30: {  	v8 =	vmax.f32 v8, v9  }
0x31: {  	(xrf0) =	vmax.scan.msk.f32 $0xffff, v8;
	_ =	sdelay $0x3  }
0x32: {  	v8 =	vmov s26;
	s26 =	smov.u32 s29;
	_ =	sdelay $0x1  }
.Ltmp0:
0x33: {  	v9, _, _ =	vpop (xrf0);
	(pc) =	sbr.rel @p0 .LBB2_2-.Ltmp0, $3  }
0x34: {  	v9 =	vbroadcast v9, $0xF;
	_ =	sdelay $0x1  }
0x35: {  	s28 =	sadd.s32 $0x80, s28;
	[tilespmem:v8+s18+$0x0] =	vst.idx.msk $0x1, v9  }
0x36: {  	s29 =	sadd.s32 $0x1, s29;
	v8 =	vld [tilespmem:s28+$0xFFFFFFC0]  }
0x37: {  	v9 =	vld [tilespmem:s28+$0xFFFFFFD0]  }
0x38: {  	v10 =	vld [tilespmem:s28+$0xFFFFFFE0]  }
0x39: {  	v11 =	vld [tilespmem:s28+$0xFFFFFFF0]  }
0x3a: {  	v12 =	vld [tilespmem:s28+$0x0]  }
0x3b: {  	v13 =	vld [tilespmem:s28+$0x10];
	v8 =	vand.u32 $0x7FFFFFFF, v8  }
0x3c: {  	v14 =	vld [tilespmem:s28+$0x20];
	v8 =	vmax.f32 v8, $-1.000000000e+00;
	v9 =	vand.u32 $0x7FFFFFFF, v9  }
0x3d: {  	v8 =	vmax.f32 v8, v9;
	v9 =	vand.u32 $0x7FFFFFFF, v10;
	v10 =	vld [tilespmem:s28+$0x30]  }
0x3e: {  	v8 =	vmax.f32 v8, v9;
	v9 =	vand.u32 $0x7FFFFFFF, v11  }
0x3f: {  	v8 =	vmax.f32 v8, v9;
	v9 =	vand.u32 $0x7FFFFFFF, v12  }
0x40: {  	v8 =	vmax.f32 v8, v9;
	v9 =	vand.u32 $0x7FFFFFFF, v13  }
0x41: {  	v8 =	vmax.f32 v8, v9;
	v9 =	vand.u32 $0x7FFFFFFF, v14  }
0x42: {  	v8 =	vmax.f32 v8, v9;
	v9 =	vand.u32 $0x7FFFFFFF, v10  }
0x43: {  	v8 =	vmax.f32 v8, v9  }
0x44: {  	(xrf0) =	vmax.scan.msk.f32 $0xffff, v8;
	_ =	sdelay $0x3  }
0x45: {  	v8 =	vmov s26;
	_ =	sdelay $0x1  }
0x46: {  	v9, _, _ =	vpop (xrf0)  }
0x47: {  	v9 =	vbroadcast v9, $0xF;
	_ =	sdelay $0x1  }
0x48: {  	[tilespmem:v8+s18+$0x0] =	vst.idx.msk $0x1, v9  }
0x49: {  	_ =	swait.ge [sflag:s19], $0x2000  }
0x4a: {  	[sflag:s19] =	ssyncset.done $0x0  }
0x4b: {  	s26 =	simm.s32 $0x2180;
	[sflag:s19] =	ssyncadd.s32 $0xFFFFE000  }
0x4c: {  	v8 =	vld [tilespmem:s26+$0xFFFFFE80]  }
0x4d: {  	v9 =	vld [tilespmem:s26+$0xFFFFFE90]  }
0x4e: {  	v10 =	vld [tilespmem:s26+$0xFFFFFEA0]  }
0x4f: {  	v11 =	vld [tilespmem:s26+$0xFFFFFEB0]  }
0x50: {  	v28 =	vld [tilespmem:s26+$0xFFFFFEC0]  }
0x51: {  	v29 =	vld [tilespmem:s26+$0xFFFFFED0];
	v8 =	vand.u32 $0x7FFFFFFF, v8  }
0x52: {  	v30 =	vld [tilespmem:s26+$0xFFFFFEE0];
	v9 =	vand.u32 $0x7FFFFFFF, v9;
	v8 =	vmax.f32 v8, $-1.000000000e+00  }
0x53: {  	v8 =	vmax.f32 v8, v9;
	v9 =	vand.u32 $0x7FFFFFFF, v10;
	v10 =	vld [tilespmem:s26+$0xFFFFFEF0]  }
0x54: {  	v8 =	vmax.f32 v8, v9;
	v9 =	vand.u32 $0x7FFFFFFF, v11  }
0x55: {  	v8 =	vmax.f32 v8, v9;
	v9 =	vand.u32 $0x7FFFFFFF, v28  }
0x56: {  	v8 =	vmax.f32 v8, v9;
	v9 =	vand.u32 $0x7FFFFFFF, v29  }
0x57: {  	v8 =	vmax.f32 v8, v9;
	v9 =	vand.u32 $0x7FFFFFFF, v30  }
0x58: {  	v8 =	vmax.f32 v8, v9;
	v9 =	vand.u32 $0x7FFFFFFF, v10  }
0x59: {  	v8 =	vmax.f32 v8, v9  }
0x5a: {  	s0 =	simm.s32 $0x0;
	(xrf0) =	vmax.scan.msk.f32 $0xffff, v8  }
0x5b: {  	v8 =	vmov s0  }
0x5c: {  	v8 =	vand.u32 $0xFFFFFFFE, v8  }
0x5d: {  	v8 =	vbroadcast v8, $0x0;
	_ =	sdelay $0x2  }
0x5e: {  	v9, _, _ =	vpop (xrf0)  }
0x5f: {  	v9 =	vbroadcast v9, $0xF;
	_ =	sdelay $0x1  }
0x60: {  	[tilespmem:v8+s20+$0x0] =	vst.idx.msk $0x1, v9  }
0x61: {  	v8 =	vld [tilespmem:s26+$0xFFFFFF00]  }
0x62: {  	v9 =	vld [tilespmem:s26+$0xFFFFFF10]  }
0x63: {  	v10 =	vld [tilespmem:s26+$0xFFFFFF20]  }
0x64: {  	v11 =	vld [tilespmem:s26+$0xFFFFFF30]  }
0x65: {  	v31 =	vld [tilespmem:s26+$0xFFFFFF40]  }
0x66: {  	v32 =	vld [tilespmem:s26+$0xFFFFFF50];
	v8 =	vand.u32 $0x7FFFFFFF, v8  }
0x67: {  	v33 =	vld [tilespmem:s26+$0xFFFFFF60];
	v9 =	vand.u32 $0x7FFFFFFF, v9;
	v8 =	vmax.f32 v8, $-1.000000000e+00  }
0x68: {  	v8 =	vmax.f32 v8, v9;
	v9 =	vand.u32 $0x7FFFFFFF, v10;
	v10 =	vld [tilespmem:s26+$0xFFFFFF70]  }
0x69: {  	v8 =	vmax.f32 v8, v9;
	v9 =	vand.u32 $0x7FFFFFFF, v11  }
0x6a: {  	v8 =	vmax.f32 v8, v9;
	v9 =	vand.u32 $0x7FFFFFFF, v31  }
0x6b: {  	v8 =	vmax.f32 v8, v9;
	v9 =	vand.u32 $0x7FFFFFFF, v32  }
0x6c: {  	v8 =	vmax.f32 v8, v9;
	v9 =	vand.u32 $0x7FFFFFFF, v33  }
0x6d: {  	v8 =	vmax.f32 v8, v9;
	v9 =	vand.u32 $0x7FFFFFFF, v10  }
0x6e: {  	v8 =	vmax.f32 v8, v9  }
0x6f: {  	(xrf0) =	vmax.scan.msk.f32 $0xffff, v8;
	_ =	sdelay $0x2  }
0x70: {  	s7 =	simm.s32 $0x1  }
0x71: {  	v8 =	vmov s7;
	_ =	sdelay $0x1  }
0x72: {  	v9, _, _ =	vpop (xrf0)  }
0x73: {  	v9 =	vbroadcast v9, $0xF;
	_ =	sdelay $0x1  }
0x74: {  	[tilespmem:v8+s20+$0x0] =	vst.idx.msk $0x1, v9  }
0x75: {  	v8 =	vld [tilespmem:s26+$0xFFFFFF80]  }
0x76: {  	v9 =	vld [tilespmem:s26+$0xFFFFFF90]  }
0x77: {  	v10 =	vld [tilespmem:s26+$0xFFFFFFA0]  }
0x78: {  	v11 =	vld [tilespmem:s26+$0xFFFFFFB0]  }
0x79: {  	v34 =	vld [tilespmem:s26+$0xFFFFFFC0]  }
0x7a: {  	v35 =	vld [tilespmem:s26+$0xFFFFFFD0];
	v8 =	vand.u32 $0x7FFFFFFF, v8  }
0x7b: {  	v36 =	vld [tilespmem:s26+$0xFFFFFFE0];
	v9 =	vand.u32 $0x7FFFFFFF, v9;
	v8 =	vmax.f32 v8, $-1.000000000e+00  }
0x7c: {  	v8 =	vmax.f32 v8, v9;
	v9 =	vand.u32 $0x7FFFFFFF, v10;
	v10 =	vld [tilespmem:s26+$0xFFFFFFF0]  }
0x7d: {  	v8 =	vmax.f32 v8, v9;
	v9 =	vand.u32 $0x7FFFFFFF, v11  }
0x7e: {  	v8 =	vmax.f32 v8, v9;
	v9 =	vand.u32 $0x7FFFFFFF, v34  }
0x7f: {  	v8 =	vmax.f32 v8, v9;
	v9 =	vand.u32 $0x7FFFFFFF, v35  }
0x80: {  	v8 =	vmax.f32 v8, v9;
	v9 =	vand.u32 $0x7FFFFFFF, v36  }
0x81: {  	v8 =	vmax.f32 v8, v9;
	v9 =	vand.u32 $0x7FFFFFFF, v10  }
0x82: {  	v8 =	vmax.f32 v8, v9  }
0x83: {  	s30 =	simm.s32 $0x2;
	(xrf0) =	vmax.scan.msk.f32 $0xffff, v8  }
0x84: {  	v8 =	vmov s30  }
0x85: {  	v8 =	vand.u32 $0xFFFFFFFE, v8  }
0x86: {  	v8 =	vbroadcast v8, $0x0;
	_ =	sdelay $0x2  }
0x87: {  	v9, _, _ =	vpop (xrf0)  }
0x88: {  	v9 =	vbroadcast v9, $0xF;
	_ =	sdelay $0x1  }
0x89: {  	[tilespmem:v8+s20+$0x0] =	vst.idx.msk $0x1, v9  }
0x8a: {  	v8 =	vld [tilespmem:s26+$0x0]  }
0x8b: {  	v9 =	vld [tilespmem:s26+$0x10]  }
0x8c: {  	v10 =	vld [tilespmem:s26+$0x20]  }
0x8d: {  	v11 =	vld [tilespmem:s26+$0x30]  }
0x8e: {  	v37 =	vld [tilespmem:s26+$0x40]  }
0x8f: {  	v38 =	vld [tilespmem:s26+$0x50];
	v8 =	vand.u32 $0x7FFFFFFF, v8  }
0x90: {  	v39 =	vld [tilespmem:s26+$0x60];
	v9 =	vand.u32 $0x7FFFFFFF, v9;
	v8 =	vmax.f32 v8, $-1.000000000e+00  }
0x91: {  	v8 =	vmax.f32 v8, v9;
	v9 =	vand.u32 $0x7FFFFFFF, v10;
	v10 =	vld [tilespmem:s26+$0x70]  }
0x92: {  	v8 =	vmax.f32 v8, v9;
	v9 =	vand.u32 $0x7FFFFFFF, v11  }
0x93: {  	v8 =	vmax.f32 v8, v9;
	v9 =	vand.u32 $0x7FFFFFFF, v37  }
0x94: {  	v8 =	vmax.f32 v8, v9;
	v9 =	vand.u32 $0x7FFFFFFF, v38  }
0x95: {  	v8 =	vmax.f32 v8, v9;
	v9 =	vand.u32 $0x7FFFFFFF, v39  }
0x96: {  	v8 =	vmax.f32 v8, v9;
	v9 =	vand.u32 $0x7FFFFFFF, v10  }
0x97: {  	v8 =	vmax.f32 v8, v9  }
0x98: {  	(xrf0) =	vmax.scan.msk.f32 $0xffff, v8;
	_ =	sdelay $0x2  }
0x99: {  	s1 =	simm.s32 $0x3  }
0x9a: {  	v8 =	vmov s1;
	_ =	sdelay $0x1  }
0x9b: {  	v9, _, _ =	vpop (xrf0)  }
0x9c: {  	v9 =	vbroadcast v9, $0xF;
	_ =	sdelay $0x1  }
0x9d: {  	[tilespmem:v8+s20+$0x0] =	vst.idx.msk $0x1, v9  }
0x9e: {  	v8 =	vld [tilespmem:s26+$0x80]  }
0x9f: {  	v9 =	vld [tilespmem:s26+$0x90]  }
0xa0: {  	v10 =	vld [tilespmem:s26+$0xA0]  }
0xa1: {  	v11 =	vld [tilespmem:s26+$0xB0]  }
0xa2: {  	v40 =	vld [tilespmem:s26+$0xC0]  }
0xa3: {  	v41 =	vld [tilespmem:s26+$0xD0];
	v8 =	vand.u32 $0x7FFFFFFF, v8  }
0xa4: {  	v42 =	vld [tilespmem:s26+$0xE0];
	v9 =	vand.u32 $0x7FFFFFFF, v9;
	v8 =	vmax.f32 v8, $-1.000000000e+00  }
0xa5: {  	v8 =	vmax.f32 v8, v9;
	v9 =	vand.u32 $0x7FFFFFFF, v10;
	v10 =	vld [tilespmem:s26+$0xF0]  }
0xa6: {  	v8 =	vmax.f32 v8, v9;
	v9 =	vand.u32 $0x7FFFFFFF, v11  }
0xa7: {  	v8 =	vmax.f32 v8, v9;
	v9 =	vand.u32 $0x7FFFFFFF, v40  }
0xa8: {  	v8 =	vmax.f32 v8, v9;
	v9 =	vand.u32 $0x7FFFFFFF, v41  }
0xa9: {  	v8 =	vmax.f32 v8, v9;
	v9 =	vand.u32 $0x7FFFFFFF, v42  }
0xaa: {  	v8 =	vmax.f32 v8, v9;
	v9 =	vand.u32 $0x7FFFFFFF, v10  }
0xab: {  	v8 =	vmax.f32 v8, v9  }
0xac: {  	s3 =	simm.s32 $0x4;
	(xrf0) =	vmax.scan.msk.f32 $0xffff, v8  }
0xad: {  	v8 =	vmov s3  }
0xae: {  	v8 =	vand.u32 $0xFFFFFFFE, v8  }
0xaf: {  	v8 =	vbroadcast v8, $0x0;
	_ =	sdelay $0x2  }
0xb0: {  	v9, _, _ =	vpop (xrf0)  }
0xb1: {  	v9 =	vbroadcast v9, $0xF;
	_ =	sdelay $0x1  }
0xb2: {  	[tilespmem:v8+s20+$0x0] =	vst.idx.msk $0x1, v9  }
0xb3: {  	v8 =	vld [tilespmem:s26+$0x100]  }
0xb4: {  	v9 =	vld [tilespmem:s26+$0x110]  }
0xb5: {  	v10 =	vld [tilespmem:s26+$0x120]  }
0xb6: {  	v11 =	vld [tilespmem:s26+$0x130]  }
0xb7: {  	v43 =	vld [tilespmem:s26+$0x140]  }
0xb8: {  	v44 =	vld [tilespmem:s26+$0x150];
	v8 =	vand.u32 $0x7FFFFFFF, v8  }
0xb9: {  	v45 =	vld [tilespmem:s26+$0x160];
	v9 =	vand.u32 $0x7FFFFFFF, v9;
	v8 =	vmax.f32 v8, $-1.000000000e+00  }
0xba: {  	v8 =	vmax.f32 v8, v9;
	v9 =	vand.u32 $0x7FFFFFFF, v10;
	v10 =	vld [tilespmem:s26+$0x170]  }
0xbb: {  	v8 =	vmax.f32 v8, v9;
	v9 =	vand.u32 $0x7FFFFFFF, v11  }
0xbc: {  	v8 =	vmax.f32 v8, v9;
	v9 =	vand.u32 $0x7FFFFFFF, v43  }
0xbd: {  	v8 =	vmax.f32 v8, v9;
	v9 =	vand.u32 $0x7FFFFFFF, v44  }
0xbe: {  	v8 =	vmax.f32 v8, v9;
	v9 =	vand.u32 $0x7FFFFFFF, v45  }
0xbf: {  	v8 =	vmax.f32 v8, v9;
	v9 =	vand.u32 $0x7FFFFFFF, v10  }
0xc0: {  	v8 =	vmax.f32 v8, v9  }
0xc1: {  	(xrf0) =	vmax.scan.msk.f32 $0xffff, v8;
	_ =	sdelay $0x2  }
0xc2: {  	s4 =	simm.s32 $0x5  }
0xc3: {  	v8 =	vmov s4;
	_ =	sdelay $0x1  }
0xc4: {  	v9, _, _ =	vpop (xrf0)  }
0xc5: {  	v9 =	vbroadcast v9, $0xF;
	_ =	sdelay $0x1  }
0xc6: {  	[tilespmem:v8+s20+$0x0] =	vst.idx.msk $0x1, v9  }
0xc7: {  	v8 =	vld [tilespmem:$0x8000]  }
0xc8: {  	v9 =	vld [tilespmem:$0x8010]  }
0xc9: {  	v10 =	vld [tilespmem:$0x8020]  }
0xca: {  	v11 =	vld [tilespmem:$0x8030];
	_ =	sdelay $0x2  }
0xcb: {  	v46 =	vmax.f32 v8, v9  }
0xcc: {  	v12 =	vmax.f32 v46, v10  }
0xcd: {  	v12 =	vmax.f32 v12, v11  }
0xce: {  	(xrf0) =	vmax.scan.msk.f32 $0xffff, v12;
	_ =	sdelay $0x5  }
0xcf: {  	v12, _, _ =	vpop (xrf0)  }
0xd0: {  	v47 =	vbroadcast v12, $0xF;
	_ =	sdelay $0x1  }
0xd1: {  	vm0 =	veq.f32 v11, v47  }
0xd2: {  	vm1 =	veq.f32 v10, v47;
	v10 =	vnsel vm0, $0xC0000000, v2  }
0xd3: {  	vm8 =	veq.f32 v9, v47;
	v9 =	vsel vm1, v3, v10  }
0xd4: {  	vm9 =	veq.f32 v8, v47;
	v8 =	vsel vm8, v4, v9  }
0xd5: {  	v8 =	vsel vm9, v5, v8  }
0xd6: {  	(xrf0) =	vmin.scan.msk.u32 $0xffff, v8;
	_ =	sdelay $0x5  }
0xd7: {  	v8, _, _ =	vpop (xrf0)  }
0xd8: {  	(v2sf) =	vpush v8, $0xF;
	_ =	sdelay $0xe  }
0xd9: {  	s30 =	spop (v2sf)  }
0xda: {  	s5 =	sshll.u32 s30, $0x9  }
0xdb: {  	s0 =	sshra.s32 s5, $0x2  }
0xdc: {  	v8 =	vld [tilespmem:s0+$0x10]  }
0xdd: {  	v9 =	vld [tilespmem:s0+$0x0]  }
0xde: {  	v11 =	vld [tilespmem:s0+$0x20]  }
0xdf: {  	v48 =	vld [tilespmem:s0+$0x30]  }
0xe0: {  	v16 =	vld [tilespmem:s0+$0x40]  }
0xe1: {  	s28 =	sshll.u32 s30, $0x7;
	v21 =	vld [tilespmem:s0+$0x60]  }
0xe2: {  	v10 =	vor.u32 s28, v0;
	s29 =	sor.u32 $0x50, s28;
	s1 =	sor.u32 $0x60, s28;
	v23 =	vld [tilespmem:s0+$0x70]  }
0xe3: {  	s31 =	sor.u32 $0x20, s28;
	s3 =	sor.u32 $0x70, s28;
	s6 =	sor.u32 $0x10, s28;
	vm10 =	vlt.s32 v10, $0x40000000;
	v15 =	vor.u32 s29, v0;
	v17 =	vor.u32 s1, v0;
	v24 =	vld [tilespmem:s0+$0x50]  }
0xe4: {  	s7 =	sor.u32 $0x40, s28;
	s29 =	sor.u32 $0x30, s28;
	v18 =	vor.u32 s3, v0;
	v19 =	vor.u32 s31, v0;
	v22 =	vor.u32 s6, v0  }
0xe5: {  	v57 =	vor.u32 s7, v0;
	v10 =	vnsel vm10, $0x40000000, v10;
	v20 =	vor.u32 s29, v0  }
0xe6: {  	v9 =	vand.u32 $0x7FFFFFFF, v9;
	v8 =	vand.u32 $0x7FFFFFFF, v8;
	v11 =	vand.u32 $0x7FFFFFFF, v11  }
0xe7: {  	v14 =	vand.u32 $0x7FFFFFFF, v48;
	v21 =	vand.u32 $0x7FFFFFFF, v21;
	v16 =	vand.u32 $0x7FFFFFFF, v16  }
0xe8: {  	v49 =	vand.u32 $0x7FFFFFFF, v23;
	v24 =	vand.u32 $0x7FFFFFFF, v24;
	vm11 =	veq.f32 v9, v47  }
0xe9: {  	vm12 =	veq.f32 v8, v47;
	vm5 =	veq.f32 v11, v47;
	vm4 =	veq.f32 v14, v47  }
0xea: {  	vm3 =	veq.f32 v16, v47;
	vm13 =	veq.f32 v24, v47;
	vm1 =	veq.f32 v21, v47  }
0xeb: {  	vm0 =	veq.f32 v49, v47;
	v10 =	vnsel vm11, $0x40000000, v10;
	v9 =	vsel vm11, $0xBF800000, v9  }
0xec: {  	v25 =	vsel vm5, $0x1, v6;
	v26 =	vsel vm11, $0x1, v6;
	v27 =	vsel vm12, $0x1, v6  }
0xed: {  	v8 =	vsel vm12, $0xBF800000, v8;
	v51 =	vsel vm4, $0x1, v6;
	v52 =	vsel vm3, $0x1, v6  }
0xee: {  	v53 =	vsel vm13, $0x1, v6;
	v55 =	vsel vm1, $0x1, v6;
	v19 =	vnsel vm5, $0x40000000, v19  }
0xef: {  	v56 =	vsel vm0, $0x1, v6;
	v11 =	vsel vm5, $0xBF800000, v11;
	vm2 =	vlt.s32 v10, v22  }
0xf0: {  	v58 =	vnsel vm4, $0x40000000, v20;
	v59 =	vnsel vm3, $0x40000000, v57;
	v22 =	vsel vm2, v10, v22  }
0xf1: {  	v60 =	vsel vm4, $0xBF800000, v14;
	v61 =	vnsel vm1, $0x40000000, v17;
	v10 =	vsel vm12, v22, v10  }
0xf2: {  	v50 =	vadd.s32 v27, v26;
	vm14 =	vgt.f32 v9, $-1.000000000e+00;
	vm15 =	vlt.s32 v10, v19  }
0xf3: {  	v23 =	vadd.s32 v25, v50;
	v9 =	vnsel vm14, $0xBF800000, v9;
	v10 =	vsel vm15, v10, v19  }
0xf4: {  	v23 =	vadd.s32 v51, v23;
	vm8 =	vgt.f32 v8, v9;
	vm9 =	vlt.s32 v10, v58  }
0xf5: {  	v23 =	vadd.s32 v52, v23;
	v8 =	vsel vm8, v8, v9;
	v10 =	vsel vm9, v10, v58  }
0xf6: {  	v9 =	vnsel vm13, $0x40000000, v15;
	vm10 =	vgt.f32 v11, v8;
	vm11 =	vlt.s32 v10, v59  }
0xf7: {  	v54 =	vadd.s32 v53, v23;
	v8 =	vsel vm10, v11, v8;
	v10 =	vsel vm11, v10, v59  }
0xf8: {  	v13 =	vadd.s32 v55, v54;
	vm12 =	vgt.f32 v60, v8;
	vm4 =	vlt.s32 v10, v9  }
0xf9: {  	v11 =	vsel vm3, $0xBF800000, v16;
	v8 =	vsel vm12, v60, v8;
	v9 =	vsel vm4, v10, v9  }
0xfa: {  	vm3 =	vgt.f32 v11, v8;
	v10 =	vsel vm13, $0xBF800000, v24;
	vm13 =	vlt.s32 v9, v61  }
0xfb: {  	v8 =	vsel vm3, v11, v8;
	v11 =	vnsel vm0, $0x40000000, v18;
	v9 =	vsel vm13, v9, v61  }
0xfc: {  	v13 =	vadd.s32 v56, v13;
	vm15 =	vlt.s32 v9, v11  }
0xfd: {  	(xrf0) =	vadd.scan.msk.s32 $0xffff, v13;
	vm14 =	vgt.f32 v10, v8;
	v9 =	vsel vm15, v9, v11  }
0xfe: {  	v63 =	vsel vm1, $0xBF800000, v21;
	v8 =	vsel vm14, v10, v8;
	v9 =	vxor.u32 $0x80000000, v9  }
0xff: {  	vm1 =	vgt.f32 v63, v8;
	(xrf0) =	vmin.scan.msk.u32 $0xffff, v9  }
0x100: {  	v10 =	vsel vm0, $0xBF800000, v49;
	v8 =	vsel vm1, v63, v8  }
0x101: {  	vm0 =	vgt.f32 v10, v8  }
0x102: {  	v8 =	vsel vm0, v10, v8  }
0x103: {  	v62, _, _ =	vpop (xrf0)  }
0x104: {  	(v2sf) =	vpush v62, $0xF  }
0x105: {  	(xrf0) =	vmax.scan.msk.f32 $0xffff, v8;
	v8, _, _ =	vpop (xrf0)  }
0x106: {  	(v2sf) =	vpush v8, $0xF;
	_ =	sdelay $0x5  }
0x107: {  	v8, _, _ =	vpop (xrf0);
	(v2sf) =	vpush v12, $0xF  }
0x108: {  	(v2sf) =	vpush v8, $0xF;
	_ =	sdelay $0x4  }
0x109: {  	s28 =	simm.s32 $0x0  }
0x10a: {  	s31 =	sxor.u32 $0x80000000, s30;
	s29 =	simm.s32 $0xB;
	v8 =	vmov s28;
	s0 =	spop (v2sf)  }
.LBB2_4:
0x10b: {  	s28 =	sadd.s32 $0x1, s28  }
0x10c: {  	s26 =	sadd.s32 $0x300, s26;
	s30 =	smov.u32 s29;
	s1 =	spop (v2sf)  }
0x10d: {  	p0 =	sne.s32 s29, $0x77;
	s29 =	sadd.s32 $0x6, s29;
	s1 =	sxor.u32 $0x80000000, s1  }
0x10e: {  	v9 =	vmov s1  }
0x10f: {  	[tilespmem:v8+s21+$0x0] =	vst.idx.msk $0x1, v9  }
0x110: {  	v8 =	vmov s31;
	_ =	sdelay $0x1  }
0x111: {  	p1 =	sgt.s32 s0, $0x1;
	s0 =	spop (v2sf)  }
0x112: {  	[tilespmem:v9+s2+$0x0] =	vst.idx.msk $0x1, v7;
	s1 =	spop (v2sf)  }
0x113: {  	s1 =	smov.u32 @p1 s0  }
0x114: {  	v9 =	vmov s1  }
0x115: {  	[tilespmem:v8+s18+$0x0] =	vst.idx.msk $0x1, v9;
	_ =	sdelay $0x1  }
0x116: {  	v8 =	vld [tilespmem:s26+$0xFFFFFE80]  }
0x117: {  	v9 =	vld [tilespmem:s26+$0xFFFFFE90]  }
0x118: {  	v10 =	vld [tilespmem:s26+$0xFFFFFEA0]  }
0x119: {  	v11 =	vld [tilespmem:s26+$0xFFFFFEB0]  }
0x11a: {  	v12 =	vld [tilespmem:s26+$0xFFFFFEC0]  }
0x11b: {  	v8 =	vand.u32 $0x7FFFFFFF, v8;
	v13 =	vld [tilespmem:s26+$0xFFFFFED0]  }
0x11c: {  	v8 =	vmax.f32 v8, $-1.000000000e+00;
	v9 =	vand.u32 $0x7FFFFFFF, v9;
	v14 =	vld [tilespmem:s26+$0xFFFFFEE0]  }
0x11d: {  	v8 =	vmax.f32 v8, v9;
	v9 =	vand.u32 $0x7FFFFFFF, v10;
	v10 =	vld [tilespmem:s26+$0xFFFFFEF0]  }
0x11e: {  	v8 =	vmax.f32 v8, v9;
	v9 =	vand.u32 $0x7FFFFFFF, v11  }
0x11f: {  	v8 =	vmax.f32 v8, v9;
	v9 =	vand.u32 $0x7FFFFFFF, v12  }
0x120: {  	v8 =	vmax.f32 v8, v9;
	v9 =	vand.u32 $0x7FFFFFFF, v13  }
0x121: {  	v8 =	vmax.f32 v8, v9;
	v9 =	vand.u32 $0x7FFFFFFF, v14  }
0x122: {  	v8 =	vmax.f32 v8, v9;
	v9 =	vand.u32 $0x7FFFFFFF, v10  }
0x123: {  	v8 =	vmax.f32 v8, v9  }
0x124: {  	s0 =	sadd.s32 $0xFFFFFFFB, s30;
	(xrf0) =	vmax.scan.msk.f32 $0xffff, v8  }
0x125: {  	v8 =	vmov s0  }
0x126: {  	v8 =	vand.u32 $0xFFFFFFFE, v8  }
0x127: {  	v8 =	vbroadcast v8, $0x0;
	_ =	sdelay $0x2  }
0x128: {  	v9, _, _ =	vpop (xrf0)  }
0x129: {  	v9 =	vbroadcast v9, $0xF;
	_ =	sdelay $0x1  }
0x12a: {  	[tilespmem:v8+s20+$0x0] =	vst.idx.msk $0x1, v9  }
0x12b: {  	v8 =	vld [tilespmem:s26+$0xFFFFFF00]  }
0x12c: {  	v9 =	vld [tilespmem:s26+$0xFFFFFF10]  }
0x12d: {  	v10 =	vld [tilespmem:s26+$0xFFFFFF20]  }
0x12e: {  	v11 =	vld [tilespmem:s26+$0xFFFFFF30]  }
0x12f: {  	v12 =	vld [tilespmem:s26+$0xFFFFFF40]  }
0x130: {  	v8 =	vand.u32 $0x7FFFFFFF, v8;
	v13 =	vld [tilespmem:s26+$0xFFFFFF50]  }
0x131: {  	v8 =	vmax.f32 v8, $-1.000000000e+00;
	v9 =	vand.u32 $0x7FFFFFFF, v9;
	v14 =	vld [tilespmem:s26+$0xFFFFFF60]  }
0x132: {  	v8 =	vmax.f32 v8, v9;
	v9 =	vand.u32 $0x7FFFFFFF, v10;
	v10 =	vld [tilespmem:s26+$0xFFFFFF70]  }
0x133: {  	v8 =	vmax.f32 v8, v9;
	v9 =	vand.u32 $0x7FFFFFFF, v11  }
0x134: {  	v8 =	vmax.f32 v8, v9;
	v9 =	vand.u32 $0x7FFFFFFF, v12  }
0x135: {  	v8 =	vmax.f32 v8, v9;
	v9 =	vand.u32 $0x7FFFFFFF, v13  }
0x136: {  	v8 =	vmax.f32 v8, v9;
	v9 =	vand.u32 $0x7FFFFFFF, v14  }
0x137: {  	v8 =	vmax.f32 v8, v9;
	v9 =	vand.u32 $0x7FFFFFFF, v10  }
0x138: {  	v8 =	vmax.f32 v8, v9  }
0x139: {  	(xrf0) =	vmax.scan.msk.f32 $0xffff, v8;
	_ =	sdelay $0x2  }
0x13a: {  	s0 =	sadd.s32 $0xFFFFFFFC, s30  }
0x13b: {  	v8 =	vmov s0;
	_ =	sdelay $0x1  }
0x13c: {  	v9, _, _ =	vpop (xrf0)  }
0x13d: {  	v9 =	vbroadcast v9, $0xF;
	_ =	sdelay $0x1  }
0x13e: {  	[tilespmem:v8+s20+$0x0] =	vst.idx.msk $0x1, v9  }
0x13f: {  	v8 =	vld [tilespmem:s26+$0xFFFFFF80]  }
0x140: {  	v9 =	vld [tilespmem:s26+$0xFFFFFF90]  }
0x141: {  	v10 =	vld [tilespmem:s26+$0xFFFFFFA0]  }
0x142: {  	v11 =	vld [tilespmem:s26+$0xFFFFFFB0]  }
0x143: {  	v12 =	vld [tilespmem:s26+$0xFFFFFFC0]  }
0x144: {  	v8 =	vand.u32 $0x7FFFFFFF, v8;
	v13 =	vld [tilespmem:s26+$0xFFFFFFD0]  }
0x145: {  	v8 =	vmax.f32 v8, $-1.000000000e+00;
	v9 =	vand.u32 $0x7FFFFFFF, v9;
	v14 =	vld [tilespmem:s26+$0xFFFFFFE0]  }
0x146: {  	v8 =	vmax.f32 v8, v9;
	v9 =	vand.u32 $0x7FFFFFFF, v10;
	v10 =	vld [tilespmem:s26+$0xFFFFFFF0]  }
0x147: {  	v8 =	vmax.f32 v8, v9;
	v9 =	vand.u32 $0x7FFFFFFF, v11  }
0x148: {  	v8 =	vmax.f32 v8, v9;
	v9 =	vand.u32 $0x7FFFFFFF, v12  }
0x149: {  	v8 =	vmax.f32 v8, v9;
	v9 =	vand.u32 $0x7FFFFFFF, v13  }
0x14a: {  	v8 =	vmax.f32 v8, v9;
	v9 =	vand.u32 $0x7FFFFFFF, v14  }
0x14b: {  	v8 =	vmax.f32 v8, v9;
	v9 =	vand.u32 $0x7FFFFFFF, v10  }
0x14c: {  	v8 =	vmax.f32 v8, v9  }
0x14d: {  	s0 =	sadd.s32 $0xFFFFFFFD, s30;
	(xrf0) =	vmax.scan.msk.f32 $0xffff, v8  }
0x14e: {  	v8 =	vmov s0  }
0x14f: {  	v8 =	vand.u32 $0xFFFFFFFE, v8  }
0x150: {  	v8 =	vbroadcast v8, $0x0;
	_ =	sdelay $0x2  }
0x151: {  	v9, _, _ =	vpop (xrf0)  }
0x152: {  	v9 =	vbroadcast v9, $0xF;
	_ =	sdelay $0x1  }
0x153: {  	[tilespmem:v8+s20+$0x0] =	vst.idx.msk $0x1, v9  }
0x154: {  	v8 =	vld [tilespmem:s26+$0x0]  }
0x155: {  	v9 =	vld [tilespmem:s26+$0x10]  }
0x156: {  	v10 =	vld [tilespmem:s26+$0x20]  }
0x157: {  	v11 =	vld [tilespmem:s26+$0x30]  }
0x158: {  	v12 =	vld [tilespmem:s26+$0x40]  }
0x159: {  	v8 =	vand.u32 $0x7FFFFFFF, v8;
	v13 =	vld [tilespmem:s26+$0x50]  }
0x15a: {  	v8 =	vmax.f32 v8, $-1.000000000e+00;
	v9 =	vand.u32 $0x7FFFFFFF, v9;
	v14 =	vld [tilespmem:s26+$0x60]  }
0x15b: {  	v8 =	vmax.f32 v8, v9;
	v9 =	vand.u32 $0x7FFFFFFF, v10;
	v10 =	vld [tilespmem:s26+$0x70]  }
0x15c: {  	v8 =	vmax.f32 v8, v9;
	v9 =	vand.u32 $0x7FFFFFFF, v11  }
0x15d: {  	v8 =	vmax.f32 v8, v9;
	v9 =	vand.u32 $0x7FFFFFFF, v12  }
0x15e: {  	v8 =	vmax.f32 v8, v9;
	v9 =	vand.u32 $0x7FFFFFFF, v13  }
0x15f: {  	v8 =	vmax.f32 v8, v9;
	v9 =	vand.u32 $0x7FFFFFFF, v14  }
0x160: {  	v8 =	vmax.f32 v8, v9;
	v9 =	vand.u32 $0x7FFFFFFF, v10  }
0x161: {  	v8 =	vmax.f32 v8, v9  }
0x162: {  	(xrf0) =	vmax.scan.msk.f32 $0xffff, v8;
	_ =	sdelay $0x2  }
0x163: {  	s0 =	sadd.s32 $0xFFFFFFFE, s30  }
0x164: {  	v8 =	vmov s0;
	_ =	sdelay $0x1  }
0x165: {  	v9, _, _ =	vpop (xrf0)  }
0x166: {  	v9 =	vbroadcast v9, $0xF;
	_ =	sdelay $0x1  }
0x167: {  	[tilespmem:v8+s20+$0x0] =	vst.idx.msk $0x1, v9  }
0x168: {  	v8 =	vld [tilespmem:s26+$0x80]  }
0x169: {  	v9 =	vld [tilespmem:s26+$0x90]  }
0x16a: {  	v10 =	vld [tilespmem:s26+$0xA0]  }
0x16b: {  	v11 =	vld [tilespmem:s26+$0xB0]  }
0x16c: {  	v12 =	vld [tilespmem:s26+$0xC0]  }
0x16d: {  	v8 =	vand.u32 $0x7FFFFFFF, v8;
	v13 =	vld [tilespmem:s26+$0xD0]  }
0x16e: {  	v8 =	vmax.f32 v8, $-1.000000000e+00;
	v9 =	vand.u32 $0x7FFFFFFF, v9;
	v14 =	vld [tilespmem:s26+$0xE0]  }
0x16f: {  	v8 =	vmax.f32 v8, v9;
	v9 =	vand.u32 $0x7FFFFFFF, v10;
	v10 =	vld [tilespmem:s26+$0xF0]  }
0x170: {  	v8 =	vmax.f32 v8, v9;
	v9 =	vand.u32 $0x7FFFFFFF, v11  }
0x171: {  	v8 =	vmax.f32 v8, v9;
	v9 =	vand.u32 $0x7FFFFFFF, v12  }
0x172: {  	v8 =	vmax.f32 v8, v9;
	v9 =	vand.u32 $0x7FFFFFFF, v13  }
0x173: {  	v8 =	vmax.f32 v8, v9;
	v9 =	vand.u32 $0x7FFFFFFF, v14  }
0x174: {  	v8 =	vmax.f32 v8, v9;
	v9 =	vand.u32 $0x7FFFFFFF, v10  }
0x175: {  	v8 =	vmax.f32 v8, v9  }
0x176: {  	s0 =	sadd.s32 $0xFFFFFFFF, s30;
	(xrf0) =	vmax.scan.msk.f32 $0xffff, v8  }
0x177: {  	v8 =	vmov s0  }
0x178: {  	v8 =	vand.u32 $0xFFFFFFFE, v8  }
0x179: {  	v8 =	vbroadcast v8, $0x0;
	_ =	sdelay $0x2  }
0x17a: {  	v9, _, _ =	vpop (xrf0)  }
0x17b: {  	v9 =	vbroadcast v9, $0xF;
	_ =	sdelay $0x1  }
0x17c: {  	[tilespmem:v8+s20+$0x0] =	vst.idx.msk $0x1, v9  }
0x17d: {  	v8 =	vld [tilespmem:s26+$0x100]  }
0x17e: {  	v9 =	vld [tilespmem:s26+$0x110]  }
0x17f: {  	v10 =	vld [tilespmem:s26+$0x120]  }
0x180: {  	v11 =	vld [tilespmem:s26+$0x130]  }
0x181: {  	v12 =	vld [tilespmem:s26+$0x140]  }
0x182: {  	v8 =	vand.u32 $0x7FFFFFFF, v8;
	v13 =	vld [tilespmem:s26+$0x150]  }
0x183: {  	v8 =	vmax.f32 v8, $-1.000000000e+00;
	v9 =	vand.u32 $0x7FFFFFFF, v9;
	v14 =	vld [tilespmem:s26+$0x160]  }
0x184: {  	v8 =	vmax.f32 v8, v9;
	v9 =	vand.u32 $0x7FFFFFFF, v10;
	v10 =	vld [tilespmem:s26+$0x170]  }
0x185: {  	v8 =	vmax.f32 v8, v9;
	v9 =	vand.u32 $0x7FFFFFFF, v11  }
0x186: {  	v8 =	vmax.f32 v8, v9;
	v9 =	vand.u32 $0x7FFFFFFF, v12  }
0x187: {  	v8 =	vmax.f32 v8, v9;
	v9 =	vand.u32 $0x7FFFFFFF, v13  }
0x188: {  	v8 =	vmax.f32 v8, v9;
	v9 =	vand.u32 $0x7FFFFFFF, v14  }
0x189: {  	v8 =	vmax.f32 v8, v9;
	v9 =	vand.u32 $0x7FFFFFFF, v10  }
0x18a: {  	v8 =	vmax.f32 v8, v9  }
0x18b: {  	(xrf0) =	vmax.scan.msk.f32 $0xffff, v8;
	_ =	sdelay $0x3  }
0x18c: {  	v8 =	vmov s30;
	_ =	sdelay $0x1  }
0x18d: {  	v9, _, _ =	vpop (xrf0)  }
0x18e: {  	v9 =	vbroadcast v9, $0xF;
	_ =	sdelay $0x1  }
0x18f: {  	[tilespmem:v8+s20+$0x0] =	vst.idx.msk $0x1, v9  }
0x190: {  	v10 =	vld [tilespmem:$0x8020]  }
0x191: {  	v11 =	vld [tilespmem:$0x8000]  }
0x192: {  	v12 =	vld [tilespmem:$0x8010]  }
0x193: {  	v13 =	vld [tilespmem:$0x8030];
	_ =	sdelay $0x3  }
0x194: {  	v8 =	vmax.f32 v11, v12  }
0x195: {  	v8 =	vmax.f32 v8, v10  }
0x196: {  	v8 =	vmax.f32 v8, v13  }
0x197: {  	(xrf0) =	vmax.scan.msk.f32 $0xffff, v8;
	_ =	sdelay $0x5  }
0x198: {  	v8, _, _ =	vpop (xrf0)  }
0x199: {  	v9 =	vbroadcast v8, $0xF;
	_ =	sdelay $0x1  }
0x19a: {  	vm0 =	veq.f32 v12, v9;
	vm1 =	veq.f32 v10, v9;
	vm2 =	veq.f32 v13, v9  }
0x19b: {  	vm3 =	veq.f32 v11, v9;
	v10 =	vnsel vm2, $0xC0000000, v2  }
0x19c: {  	v10 =	vsel vm1, v3, v10  }
0x19d: {  	v10 =	vsel vm0, v4, v10  }
0x19e: {  	v10 =	vsel vm3, v5, v10  }
0x19f: {  	(xrf0) =	vmin.scan.msk.u32 $0xffff, v10;
	_ =	sdelay $0x5  }
0x1a0: {  	v10, _, _ =	vpop (xrf0)  }
0x1a1: {  	(v2sf) =	vpush v10, $0xF;
	_ =	sdelay $0xe  }
0x1a2: {  	s0 =	spop (v2sf)  }
0x1a3: {  	s31 =	sxor.u32 $0x80000000, s0;
	s1 =	sshll.u32 s0, $0x7;
	s0 =	sshll.u32 s0, $0x9  }
0x1a4: {  	s0 =	sshra.s32 s0, $0x2;
	v10 =	vor.u32 s1, v0;
	s3 =	sor.u32 $0x10, s1;
	s30 =	sor.u32 $0x20, s1  }
0x1a5: {  	s4 =	sor.u32 $0x30, s1;
	s5 =	sor.u32 $0x40, s1;
	s6 =	sor.u32 $0x50, s1;
	vm0 =	vlt.s32 v10, $0x40000000;
	v11 =	vld [tilespmem:s0+$0x10]  }
0x1a6: {  	s7 =	sor.u32 $0x60, s1;
	s1 =	sor.u32 $0x70, s1;
	v12 =	vld [tilespmem:s0+$0x0];
	v10 =	vnsel vm0, $0x40000000, v10  }
0x1a7: {  	v13 =	vld [tilespmem:s0+$0x20]  }
0x1a8: {  	v14 =	vld [tilespmem:s0+$0x30]  }
0x1a9: {  	v16 =	vor.u32 s6, v0;
	v17 =	vor.u32 s7, v0;
	v18 =	vor.u32 s1, v0;
	v15 =	vld [tilespmem:s0+$0x40]  }
0x1aa: {  	v19 =	vor.u32 s30, v0;
	v20 =	vor.u32 s4, v0;
	v21 =	vor.u32 s5, v0;
	v22 =	vld [tilespmem:s0+$0x50]  }
0x1ab: {  	v23 =	vor.u32 s3, v0;
	v11 =	vand.u32 $0x7FFFFFFF, v11;
	v12 =	vand.u32 $0x7FFFFFFF, v12;
	v24 =	vld [tilespmem:s0+$0x60]  }
0x1ac: {  	vm1 =	veq.f32 v11, v9;
	vm0 =	veq.f32 v12, v9;
	v13 =	vand.u32 $0x7FFFFFFF, v13;
	v25 =	vld [tilespmem:s0+$0x70]  }
0x1ad: {  	v10 =	vnsel vm0, $0x40000000, v10;
	v12 =	vsel vm0, $0xBF800000, v12;
	vm2 =	veq.f32 v13, v9  }
0x1ae: {  	vm3 =	vlt.s32 v10, v23;
	v19 =	vnsel vm2, $0x40000000, v19;
	v26 =	vsel vm2, $0x1, v6  }
0x1af: {  	v28 =	vsel vm1, $0x1, v6;
	v27 =	vsel vm0, $0x1, v6;
	v23 =	vsel vm3, v10, v23  }
0x1b0: {  	v14 =	vand.u32 $0x7FFFFFFF, v14;
	v10 =	vsel vm1, v23, v10;
	v23 =	vand.u32 $0x7FFFFFFF, v24  }
0x1b1: {  	v15 =	vand.u32 $0x7FFFFFFF, v15;
	vm3 =	vlt.s32 v10, v19;
	v24 =	vand.u32 $0x7FFFFFFF, v25  }
0x1b2: {  	vm4 =	veq.f32 v14, v9;
	vm5 =	veq.f32 v15, v9;
	vm0 =	veq.f32 v24, v9  }
0x1b3: {  	v11 =	vsel vm1, $0xBF800000, v11;
	v13 =	vsel vm2, $0xBF800000, v13;
	v25 =	vsel vm0, $0x1, v6  }
0x1b4: {  	v20 =	vnsel vm4, $0x40000000, v20;
	v22 =	vand.u32 $0x7FFFFFFF, v22;
	v18 =	vnsel vm0, $0x40000000, v18  }
0x1b5: {  	v27 =	vadd.s32 v28, v27;
	v21 =	vnsel vm5, $0x40000000, v21;
	v28 =	vsel vm5, $0x1, v6  }
0x1b6: {  	vm2 =	veq.f32 v22, v9;
	v10 =	vsel vm3, v10, v19;
	v19 =	vsel vm4, $0x1, v6  }
0x1b7: {  	v16 =	vnsel vm2, $0x40000000, v16;
	vm3 =	vgt.f32 v12, $-1.000000000e+00;
	vm6 =	vlt.s32 v10, v20  }
0x1b8: {  	v26 =	vadd.s32 v26, v27;
	v15 =	vsel vm5, $0xBF800000, v15;
	vm1 =	veq.f32 v23, v9  }
0x1b9: {  	v17 =	vnsel vm1, $0x40000000, v17;
	v9 =	vsel vm6, v10, v20;
	v10 =	vsel vm2, $0x1, v6  }
0x1ba: {  	v14 =	vsel vm4, $0xBF800000, v14;
	v20 =	vsel vm2, $0xBF800000, v22;
	vm4 =	vlt.s32 v9, v21  }
0x1bb: {  	v12 =	vnsel vm3, $0xBF800000, v12;
	v19 =	vadd.s32 v19, v26;
	v9 =	vsel vm4, v9, v21  }
0x1bc: {  	vm2 =	vgt.f32 v11, v12;
	v19 =	vadd.s32 v28, v19;
	vm3 =	vlt.s32 v9, v16  }
0x1bd: {  	v11 =	vsel vm2, v11, v12;
	v10 =	vadd.s32 v10, v19;
	v9 =	vsel vm3, v9, v16  }
0x1be: {  	v12 =	vsel vm1, $0x1, v6;
	vm2 =	vgt.f32 v13, v11;
	vm3 =	vlt.s32 v9, v17  }
0x1bf: {  	v10 =	vadd.s32 v12, v10;
	v11 =	vsel vm2, v13, v11;
	v9 =	vsel vm3, v9, v17  }
0x1c0: {  	v10 =	vadd.s32 v25, v10;
	vm2 =	vgt.f32 v14, v11;
	vm3 =	vlt.s32 v9, v18  }
0x1c1: {  	v11 =	vsel vm2, v14, v11;
	v9 =	vsel vm3, v9, v18;
	(xrf0) =	vadd.scan.msk.s32 $0xffff, v10  }
0x1c2: {  	vm2 =	vgt.f32 v15, v11;
	v9 =	vxor.u32 $0x80000000, v9;
	v10 =	vsel vm1, $0xBF800000, v23  }
0x1c3: {  	v11 =	vsel vm2, v15, v11;
	(xrf0) =	vmin.scan.msk.u32 $0xffff, v9  }
0x1c4: {  	vm1 =	vgt.f32 v20, v11  }
0x1c5: {  	v9 =	vsel vm1, v20, v11  }
0x1c6: {  	v11 =	vsel vm0, $0xBF800000, v24;
	vm1 =	vgt.f32 v10, v9  }
0x1c7: {  	v9 =	vsel vm1, v10, v9;
	v10, _, _ =	vpop (xrf0)  }
0x1c8: {  	vm0 =	vgt.f32 v11, v9;
	(v2sf) =	vpush v10, $0xF  }
0x1c9: {  	v9 =	vsel vm0, v11, v9;
	v10, _, _ =	vpop (xrf0)  }
0x1ca: {  	(v2sf) =	vpush v10, $0xF;
	(xrf0) =	vmax.scan.msk.f32 $0xffff, v9;
	_ =	sdelay $0x5  }
0x1cb: {  	(v2sf) =	vpush v8, $0xF;
	v8, _, _ =	vpop (xrf0)  }
0x1cc: {  	(v2sf) =	vpush v8, $0xF;
	_ =	sdelay $0x1  }
.Ltmp1:
0x1cd: {  	(pc) =	sbr.rel @p0 .LBB2_4-.Ltmp1, $2  }
0x1ce: {  	_ =	sdelay $0x2  }
0x1cf: {  	v8 =	vmov s28;
	s0 =	spop (v2sf)  }
0x1d0: {  	_ =	sdelay $0x2  }
0x1d1: {  	s1 =	spop (v2sf)  }
0x1d2: {  	s1 =	sxor.u32 $0x80000000, s1  }
0x1d3: {  	v9 =	vmov s1  }
0x1d4: {  	v10 =	vmov s31  }
0x1d5: {  	s1 =	spop (v2sf)  }
0x1d6: {  	p0 =	sgt.s32 s0, $0x1;
	s0 =	spop (v2sf)  }
0x1d7: {  	[tilespmem:v8+s21+$0x0] =	vst.idx.msk $0x1, v9;
	s0 =	smov.u32 @p0 s1  }
0x1d8: {  	[tilespmem:v9+s2+$0x0] =	vst.idx.msk $0x1, v7;
	v8 =	vmov s0  }
0x1d9: {  	[tilespmem:v10+s18+$0x0] =	vst.idx.msk $0x1, v8  }
0x1da: {  	v8 =	vld [tilespmem:$0x8100]  }
0x1db: {  	v9 =	vld [tilespmem:$0x8110];
	_ =	sdelay $0x3  }
0x1dc: {  	v10 =	vxor.u32 $0x80000000, v8  }
0x1dd: {  	(xrf1) =	vsort.ascd.msk.u32 $0xffff, v10, v8;
	v8 =	vxor.u32 $0x80000000, v9  }
0x1de: {  	(xrf1) =	vsort.dscd.msk.u32 $0xffff, v8, v9;
	_ =	sdelay $0xc  }
0x1df: {  	v8, _, _ =	vpop (xrf1)  }
0x1e0: {  	v9, _, _ =	vpop (xrf1)  }
0x1e1: {  	v8 =	vxor.u32 $0x80000000, v8;
	v9 =	vxor.u32 $0x80000000, v9  }
0x1e2: {  	vm0 =	vgt.s32 v8, v9  }
0x1e3: {  	v10 =	vsel vm0, v9, v8  }
0x1e4: {  	v8 =	vsel vm0, v8, v9;
	v9 =	vxor.u32 $0x80000000, v10  }
0x1e5: {  	(xrf1) =	vsort.ascd.msk.u32 $0xffff, v9, v10;
	v9 =	vxor.u32 $0x80000000, v8  }
0x1e6: {  	(xrf1) =	vsort.ascd.msk.u32 $0xffff, v9, v8;
	_ =	sdelay $0xc  }
0x1e7: {  	v8, _, _ =	vpop (xrf1)  }
0x1e8: {  	v8 =	vxor.u32 $0x80000000, v8;
	v9, _, _ =	vpop (xrf1)  }
0x1e9: {  	[tilespmem:$0x8100] =	vst v8;
	v8 =	vxor.u32 $0x80000000, v9  }
0x1ea: {  	s26 =	simm.s32 $0x0;
	s7 =	rddreg [dreg:$0x7];
	s29 =	simm.s32 $0x5;
	[tilespmem:$0x8110] =	vst v8  }
0x1eb: {  	[hbm4b:s7+s26] =	stream.linear.scatter [tilespmem:s21], [sflag:$0x5], $0x80, $0x38;
	[tilespmem:$0x8180] =	vst v63  }
0x1ec: {  	_ =	swait.ge [sflag:s29], $0x80  }
0x1ed: {  	[sflag:s29] =	ssyncset.done $0x0  }
0x1ee: {  	[sflag:s29] =	ssyncadd.s32 $0xFFFFFF80  }
0x1ef: {  	_ =	swait.ge [sflag:s22], $0x2000  }
0x1f0: {  	[sflag:s22] =	ssyncset.done $0x0  }
0x1f1: {  	s28 =	simm.s32 $0x4180;
	[sflag:s22] =	ssyncadd.s32 $0xFFFFE000  }
0x1f2: {  	v8 =	vld [tilespmem:s28+$0xFFFFFE80]  }
0x1f3: {  	v9 =	vld [tilespmem:s28+$0xFFFFFE90]  }
0x1f4: {  	v10 =	vld [tilespmem:s28+$0xFFFFFEA0]  }
0x1f5: {  	v11 =	vld [tilespmem:s28+$0xFFFFFEB0]  }
0x1f6: {  	v12 =	vld [tilespmem:s28+$0xFFFFFEC0]  }
0x1f7: {  	v13 =	vld [tilespmem:s28+$0xFFFFFED0];
	v8 =	vand.u32 $0x7FFFFFFF, v8  }
0x1f8: {  	v14 =	vld [tilespmem:s28+$0xFFFFFEE0];
	v9 =	vand.u32 $0x7FFFFFFF, v9;
	v8 =	vmax.f32 v8, $-1.000000000e+00  }
0x1f9: {  	v8 =	vmax.f32 v8, v9;
	v9 =	vand.u32 $0x7FFFFFFF, v10;
	v10 =	vld [tilespmem:s28+$0xFFFFFEF0]  }
0x1fa: {  	v8 =	vmax.f32 v8, v9;
	v9 =	vand.u32 $0x7FFFFFFF, v11  }
0x1fb: {  	v8 =	vmax.f32 v8, v9;
	v9 =	vand.u32 $0x7FFFFFFF, v12  }
0x1fc: {  	v8 =	vmax.f32 v8, v9;
	v9 =	vand.u32 $0x7FFFFFFF, v13  }
0x1fd: {  	v8 =	vmax.f32 v8, v9;
	v9 =	vand.u32 $0x7FFFFFFF, v14  }
0x1fe: {  	v8 =	vmax.f32 v8, v9;
	v9 =	vand.u32 $0x7FFFFFFF, v10  }
0x1ff: {  	v8 =	vmax.f32 v8, v9  }
0x200: {  	s30 =	simm.s32 $0x0;
	(xrf0) =	vmax.scan.msk.f32 $0xffff, v8  }
0x201: {  	v8 =	vmov s30  }
0x202: {  	v8 =	vand.u32 $0xFFFFFFFE, v8  }
0x203: {  	v8 =	vbroadcast v8, $0x0;
	_ =	sdelay $0x2  }
0x204: {  	v9, _, _ =	vpop (xrf0)  }
0x205: {  	v9 =	vbroadcast v9, $0xF;
	_ =	sdelay $0x1  }
0x206: {  	[tilespmem:v8+s18+$0x0] =	vst.idx.msk $0x1, v9  }
0x207: {  	v8 =	vld [tilespmem:s28+$0xFFFFFF00]  }
0x208: {  	v9 =	vld [tilespmem:s28+$0xFFFFFF10]  }
0x209: {  	v10 =	vld [tilespmem:s28+$0xFFFFFF20]  }
0x20a: {  	v11 =	vld [tilespmem:s28+$0xFFFFFF30]  }
0x20b: {  	v31 =	vld [tilespmem:s28+$0xFFFFFF40]  }
0x20c: {  	v32 =	vld [tilespmem:s28+$0xFFFFFF50];
	v8 =	vand.u32 $0x7FFFFFFF, v8  }
0x20d: {  	v33 =	vld [tilespmem:s28+$0xFFFFFF60];
	v9 =	vand.u32 $0x7FFFFFFF, v9;
	v8 =	vmax.f32 v8, $-1.000000000e+00  }
0x20e: {  	v8 =	vmax.f32 v8, v9;
	v9 =	vand.u32 $0x7FFFFFFF, v10;
	v10 =	vld [tilespmem:s28+$0xFFFFFF70]  }
0x20f: {  	v8 =	vmax.f32 v8, v9;
	v9 =	vand.u32 $0x7FFFFFFF, v11  }
0x210: {  	v8 =	vmax.f32 v8, v9;
	v9 =	vand.u32 $0x7FFFFFFF, v31  }
0x211: {  	v8 =	vmax.f32 v8, v9;
	v9 =	vand.u32 $0x7FFFFFFF, v32  }
0x212: {  	v8 =	vmax.f32 v8, v9;
	v9 =	vand.u32 $0x7FFFFFFF, v33  }
0x213: {  	v8 =	vmax.f32 v8, v9;
	v9 =	vand.u32 $0x7FFFFFFF, v10  }
0x214: {  	v8 =	vmax.f32 v8, v9  }
0x215: {  	(xrf0) =	vmax.scan.msk.f32 $0xffff, v8;
	_ =	sdelay $0x2  }
0x216: {  	s1 =	simm.s32 $0x1  }
0x217: {  	v8 =	vmov s1;
	_ =	sdelay $0x1  }
0x218: {  	v9, _, _ =	vpop (xrf0)  }
0x219: {  	v9 =	vbroadcast v9, $0xF;
	_ =	sdelay $0x1  }
0x21a: {  	[tilespmem:v8+s18+$0x0] =	vst.idx.msk $0x1, v9  }
0x21b: {  	v8 =	vld [tilespmem:s28+$0xFFFFFF80]  }
0x21c: {  	v9 =	vld [tilespmem:s28+$0xFFFFFF90]  }
0x21d: {  	v10 =	vld [tilespmem:s28+$0xFFFFFFA0]  }
0x21e: {  	v11 =	vld [tilespmem:s28+$0xFFFFFFB0]  }
0x21f: {  	v34 =	vld [tilespmem:s28+$0xFFFFFFC0]  }
0x220: {  	v35 =	vld [tilespmem:s28+$0xFFFFFFD0];
	v8 =	vand.u32 $0x7FFFFFFF, v8  }
0x221: {  	v36 =	vld [tilespmem:s28+$0xFFFFFFE0];
	v9 =	vand.u32 $0x7FFFFFFF, v9;
	v8 =	vmax.f32 v8, $-1.000000000e+00  }
0x222: {  	v8 =	vmax.f32 v8, v9;
	v9 =	vand.u32 $0x7FFFFFFF, v10;
	v10 =	vld [tilespmem:s28+$0xFFFFFFF0]  }
0x223: {  	v8 =	vmax.f32 v8, v9;
	v9 =	vand.u32 $0x7FFFFFFF, v11  }
0x224: {  	v8 =	vmax.f32 v8, v9;
	v9 =	vand.u32 $0x7FFFFFFF, v34  }
0x225: {  	v8 =	vmax.f32 v8, v9;
	v9 =	vand.u32 $0x7FFFFFFF, v35  }
0x226: {  	v8 =	vmax.f32 v8, v9;
	v9 =	vand.u32 $0x7FFFFFFF, v36  }
0x227: {  	v8 =	vmax.f32 v8, v9;
	v9 =	vand.u32 $0x7FFFFFFF, v10  }
0x228: {  	v8 =	vmax.f32 v8, v9  }
0x229: {  	s3 =	simm.s32 $0x2;
	(xrf0) =	vmax.scan.msk.f32 $0xffff, v8  }
0x22a: {  	v8 =	vmov s3  }
0x22b: {  	v8 =	vand.u32 $0xFFFFFFFE, v8  }
0x22c: {  	v8 =	vbroadcast v8, $0x0;
	_ =	sdelay $0x2  }
0x22d: {  	v9, _, _ =	vpop (xrf0)  }
0x22e: {  	v9 =	vbroadcast v9, $0xF;
	_ =	sdelay $0x1  }
0x22f: {  	[tilespmem:v8+s18+$0x0] =	vst.idx.msk $0x1, v9  }
0x230: {  	v8 =	vld [tilespmem:s28+$0x0]  }
0x231: {  	v9 =	vld [tilespmem:s28+$0x10]  }
0x232: {  	v10 =	vld [tilespmem:s28+$0x20]  }
0x233: {  	v11 =	vld [tilespmem:s28+$0x30]  }
0x234: {  	v37 =	vld [tilespmem:s28+$0x40]  }
0x235: {  	v38 =	vld [tilespmem:s28+$0x50];
	v8 =	vand.u32 $0x7FFFFFFF, v8  }
0x236: {  	v39 =	vld [tilespmem:s28+$0x60];
	v9 =	vand.u32 $0x7FFFFFFF, v9;
	v8 =	vmax.f32 v8, $-1.000000000e+00  }
0x237: {  	v8 =	vmax.f32 v8, v9;
	v9 =	vand.u32 $0x7FFFFFFF, v10;
	v10 =	vld [tilespmem:s28+$0x70]  }
0x238: {  	v8 =	vmax.f32 v8, v9;
	v9 =	vand.u32 $0x7FFFFFFF, v11  }
0x239: {  	v8 =	vmax.f32 v8, v9;
	v9 =	vand.u32 $0x7FFFFFFF, v37  }
0x23a: {  	v8 =	vmax.f32 v8, v9;
	v9 =	vand.u32 $0x7FFFFFFF, v38  }
0x23b: {  	v8 =	vmax.f32 v8, v9;
	v9 =	vand.u32 $0x7FFFFFFF, v39  }
0x23c: {  	v8 =	vmax.f32 v8, v9;
	v9 =	vand.u32 $0x7FFFFFFF, v10  }
0x23d: {  	v8 =	vmax.f32 v8, v9  }
0x23e: {  	(xrf0) =	vmax.scan.msk.f32 $0xffff, v8;
	_ =	sdelay $0x2  }
0x23f: {  	s4 =	simm.s32 $0x3  }
0x240: {  	v8 =	vmov s4;
	_ =	sdelay $0x1  }
0x241: {  	v9, _, _ =	vpop (xrf0)  }
0x242: {  	v9 =	vbroadcast v9, $0xF;
	_ =	sdelay $0x1  }
0x243: {  	[tilespmem:v8+s18+$0x0] =	vst.idx.msk $0x1, v9  }
0x244: {  	v8 =	vld [tilespmem:s28+$0x80]  }
0x245: {  	v9 =	vld [tilespmem:s28+$0x90]  }
0x246: {  	v10 =	vld [tilespmem:s28+$0xA0]  }
0x247: {  	v11 =	vld [tilespmem:s28+$0xB0]  }
0x248: {  	v40 =	vld [tilespmem:s28+$0xC0]  }
0x249: {  	v41 =	vld [tilespmem:s28+$0xD0];
	v8 =	vand.u32 $0x7FFFFFFF, v8  }
0x24a: {  	v42 =	vld [tilespmem:s28+$0xE0];
	v9 =	vand.u32 $0x7FFFFFFF, v9;
	v8 =	vmax.f32 v8, $-1.000000000e+00  }
0x24b: {  	v8 =	vmax.f32 v8, v9;
	v9 =	vand.u32 $0x7FFFFFFF, v10;
	v10 =	vld [tilespmem:s28+$0xF0]  }
0x24c: {  	v8 =	vmax.f32 v8, v9;
	v9 =	vand.u32 $0x7FFFFFFF, v11  }
0x24d: {  	v8 =	vmax.f32 v8, v9;
	v9 =	vand.u32 $0x7FFFFFFF, v40  }
0x24e: {  	v8 =	vmax.f32 v8, v9;
	v9 =	vand.u32 $0x7FFFFFFF, v41  }
0x24f: {  	v8 =	vmax.f32 v8, v9;
	v9 =	vand.u32 $0x7FFFFFFF, v42  }
0x250: {  	v8 =	vmax.f32 v8, v9;
	v9 =	vand.u32 $0x7FFFFFFF, v10  }
0x251: {  	v8 =	vmax.f32 v8, v9  }
0x252: {  	s5 =	simm.s32 $0x4;
	(xrf0) =	vmax.scan.msk.f32 $0xffff, v8  }
0x253: {  	v8 =	vmov s5  }
0x254: {  	v8 =	vand.u32 $0xFFFFFFFE, v8  }
0x255: {  	v8 =	vbroadcast v8, $0x0;
	_ =	sdelay $0x2  }
0x256: {  	v9, _, _ =	vpop (xrf0)  }
0x257: {  	v9 =	vbroadcast v9, $0xF;
	_ =	sdelay $0x1  }
0x258: {  	[tilespmem:v8+s18+$0x0] =	vst.idx.msk $0x1, v9  }
0x259: {  	v8 =	vld [tilespmem:s28+$0x100]  }
0x25a: {  	v9 =	vld [tilespmem:s28+$0x110]  }
0x25b: {  	v10 =	vld [tilespmem:s28+$0x120]  }
0x25c: {  	v11 =	vld [tilespmem:s28+$0x130]  }
0x25d: {  	v43 =	vld [tilespmem:s28+$0x140]  }
0x25e: {  	v44 =	vld [tilespmem:s28+$0x150];
	v8 =	vand.u32 $0x7FFFFFFF, v8  }
0x25f: {  	v45 =	vld [tilespmem:s28+$0x160];
	v9 =	vand.u32 $0x7FFFFFFF, v9;
	v8 =	vmax.f32 v8, $-1.000000000e+00  }
0x260: {  	v8 =	vmax.f32 v8, v9;
	v9 =	vand.u32 $0x7FFFFFFF, v10;
	v10 =	vld [tilespmem:s28+$0x170]  }
0x261: {  	v8 =	vmax.f32 v8, v9;
	v9 =	vand.u32 $0x7FFFFFFF, v11  }
0x262: {  	v8 =	vmax.f32 v8, v9;
	v9 =	vand.u32 $0x7FFFFFFF, v43  }
0x263: {  	v8 =	vmax.f32 v8, v9;
	v9 =	vand.u32 $0x7FFFFFFF, v44  }
0x264: {  	v8 =	vmax.f32 v8, v9;
	v9 =	vand.u32 $0x7FFFFFFF, v45  }
0x265: {  	v8 =	vmax.f32 v8, v9;
	v9 =	vand.u32 $0x7FFFFFFF, v10  }
0x266: {  	v8 =	vmax.f32 v8, v9  }
0x267: {  	(xrf0) =	vmax.scan.msk.f32 $0xffff, v8;
	_ =	sdelay $0x3  }
0x268: {  	v8 =	vmov s29;
	_ =	sdelay $0x1  }
0x269: {  	v9, _, _ =	vpop (xrf0)  }
0x26a: {  	v9 =	vbroadcast v9, $0xF;
	_ =	sdelay $0x1  }
0x26b: {  	[tilespmem:v8+s18+$0x0] =	vst.idx.msk $0x1, v9  }
0x26c: {  	v8 =	vld [tilespmem:$0x8080]  }
0x26d: {  	v9 =	vld [tilespmem:$0x8090]  }
0x26e: {  	v10 =	vld [tilespmem:$0x80A0]  }
0x26f: {  	v11 =	vld [tilespmem:$0x80B0];
	_ =	sdelay $0x2  }
0x270: {  	v46 =	vmax.f32 v8, v9  }
0x271: {  	v12 =	vmax.f32 v46, v10  }
0x272: {  	v12 =	vmax.f32 v12, v11  }
0x273: {  	(xrf0) =	vmax.scan.msk.f32 $0xffff, v12;
	_ =	sdelay $0x5  }
0x274: {  	v12, _, _ =	vpop (xrf0)  }
0x275: {  	v47 =	vbroadcast v12, $0xF;
	_ =	sdelay $0x1  }
0x276: {  	vm7 =	veq.f32 v11, v47  }
0x277: {  	vm1 =	veq.f32 v10, v47;
	v10 =	vnsel vm7, $0xC0000000, v2  }
0x278: {  	vm8 =	veq.f32 v9, v47;
	v9 =	vsel vm1, v3, v10  }
0x279: {  	vm9 =	veq.f32 v8, v47;
	v8 =	vsel vm8, v4, v9  }
0x27a: {  	v8 =	vsel vm9, v5, v8  }
0x27b: {  	(xrf0) =	vmin.scan.msk.u32 $0xffff, v8;
	_ =	sdelay $0x5  }
0x27c: {  	v8, _, _ =	vpop (xrf0)  }
0x27d: {  	(v2sf) =	vpush v8, $0xF;
	_ =	sdelay $0xe  }
0x27e: {  	s30 =	spop (v2sf)  }
0x27f: {  	s6 =	sshll.u32 s30, $0x9  }
0x280: {  	s0 =	sshra.s32 s6, $0x2  }
0x281: {  	v8 =	vld [tilespmem:s0+$0x2010]  }
0x282: {  	v9 =	vld [tilespmem:s0+$0x2000]  }
0x283: {  	v11 =	vld [tilespmem:s0+$0x2020]  }
0x284: {  	v48 =	vld [tilespmem:s0+$0x2030]  }
0x285: {  	v16 =	vld [tilespmem:s0+$0x2040]  }
0x286: {  	s1 =	sshll.u32 s30, $0x7;
	v21 =	vld [tilespmem:s0+$0x2060]  }
0x287: {  	v10 =	vor.u32 s1, v0;
	s3 =	sor.u32 $0x50, s1;
	s5 =	sor.u32 $0x60, s1;
	v23 =	vld [tilespmem:s0+$0x2070]  }
0x288: {  	s4 =	sor.u32 $0x20, s1;
	s6 =	sor.u32 $0x70, s1;
	s7 =	sor.u32 $0x30, s1;
	vm10 =	vlt.s32 v10, $0x40000000;
	v15 =	vor.u32 s3, v0;
	v17 =	vor.u32 s5, v0;
	v24 =	vld [tilespmem:s0+$0x2050]  }
0x289: {  	v18 =	vor.u32 s6, v0;
	v19 =	vor.u32 s4, v0;
	s6 =	sor.u32 $0x10, s1;
	v20 =	vor.u32 s7, v0;
	s7 =	sor.u32 $0x40, s1  }
0x28a: {  	v10 =	vnsel vm10, $0x40000000, v10;
	v22 =	vor.u32 s6, v0;
	v57 =	vor.u32 s7, v0  }
0x28b: {  	v9 =	vand.u32 $0x7FFFFFFF, v9;
	v8 =	vand.u32 $0x7FFFFFFF, v8;
	v11 =	vand.u32 $0x7FFFFFFF, v11  }
0x28c: {  	v14 =	vand.u32 $0x7FFFFFFF, v48;
	v21 =	vand.u32 $0x7FFFFFFF, v21;
	v16 =	vand.u32 $0x7FFFFFFF, v16  }
0x28d: {  	v49 =	vand.u32 $0x7FFFFFFF, v23;
	v24 =	vand.u32 $0x7FFFFFFF, v24;
	vm11 =	veq.f32 v9, v47  }
0x28e: {  	vm12 =	veq.f32 v8, v47;
	vm5 =	veq.f32 v11, v47;
	vm4 =	veq.f32 v14, v47  }
0x28f: {  	vm3 =	veq.f32 v16, v47;
	vm13 =	veq.f32 v24, v47;
	vm1 =	veq.f32 v21, v47  }
0x290: {  	vm0 =	veq.f32 v49, v47;
	v10 =	vnsel vm11, $0x40000000, v10;
	v9 =	vsel vm11, $0xBF800000, v9  }
0x291: {  	v25 =	vsel vm5, $0x1, v6;
	v26 =	vsel vm11, $0x1, v6;
	v27 =	vsel vm12, $0x1, v6  }
0x292: {  	v8 =	vsel vm12, $0xBF800000, v8;
	v51 =	vsel vm4, $0x1, v6;
	v52 =	vsel vm3, $0x1, v6  }
0x293: {  	v53 =	vsel vm13, $0x1, v6;
	v55 =	vsel vm1, $0x1, v6;
	v19 =	vnsel vm5, $0x40000000, v19  }
0x294: {  	v56 =	vsel vm0, $0x1, v6;
	v11 =	vsel vm5, $0xBF800000, v11;
	vm2 =	vlt.s32 v10, v22  }
0x295: {  	v58 =	vnsel vm4, $0x40000000, v20;
	v59 =	vnsel vm3, $0x40000000, v57;
	v22 =	vsel vm2, v10, v22  }
0x296: {  	v60 =	vsel vm4, $0xBF800000, v14;
	v61 =	vnsel vm1, $0x40000000, v17;
	v10 =	vsel vm12, v22, v10  }
0x297: {  	v50 =	vadd.s32 v27, v26;
	vm14 =	vgt.f32 v9, $-1.000000000e+00;
	vm15 =	vlt.s32 v10, v19  }
0x298: {  	v23 =	vadd.s32 v25, v50;
	v9 =	vnsel vm14, $0xBF800000, v9;
	v10 =	vsel vm15, v10, v19  }
0x299: {  	v23 =	vadd.s32 v51, v23;
	vm8 =	vgt.f32 v8, v9;
	vm9 =	vlt.s32 v10, v58  }
0x29a: {  	v23 =	vadd.s32 v52, v23;
	v8 =	vsel vm8, v8, v9;
	v10 =	vsel vm9, v10, v58  }
0x29b: {  	v9 =	vnsel vm13, $0x40000000, v15;
	vm10 =	vgt.f32 v11, v8;
	vm11 =	vlt.s32 v10, v59  }
0x29c: {  	v54 =	vadd.s32 v53, v23;
	v8 =	vsel vm10, v11, v8;
	v10 =	vsel vm11, v10, v59  }
0x29d: {  	v13 =	vadd.s32 v55, v54;
	vm12 =	vgt.f32 v60, v8;
	vm4 =	vlt.s32 v10, v9  }
0x29e: {  	v11 =	vsel vm3, $0xBF800000, v16;
	v8 =	vsel vm12, v60, v8;
	v9 =	vsel vm4, v10, v9  }
0x29f: {  	vm3 =	vgt.f32 v11, v8;
	v10 =	vsel vm13, $0xBF800000, v24;
	vm13 =	vlt.s32 v9, v61  }
0x2a0: {  	v8 =	vsel vm3, v11, v8;
	v11 =	vnsel vm0, $0x40000000, v18;
	v9 =	vsel vm13, v9, v61  }
0x2a1: {  	v13 =	vadd.s32 v56, v13;
	vm15 =	vlt.s32 v9, v11  }
0x2a2: {  	(xrf0) =	vadd.scan.msk.s32 $0xffff, v13;
	vm14 =	vgt.f32 v10, v8;
	v9 =	vsel vm15, v9, v11  }
0x2a3: {  	v63 =	vsel vm1, $0xBF800000, v21;
	v8 =	vsel vm14, v10, v8;
	v9 =	vxor.u32 $0x80000000, v9  }
0x2a4: {  	vm1 =	vgt.f32 v63, v8;
	(xrf0) =	vmin.scan.msk.u32 $0xffff, v9  }
0x2a5: {  	v10 =	vsel vm0, $0xBF800000, v49;
	v8 =	vsel vm1, v63, v8  }
0x2a6: {  	vm0 =	vgt.f32 v10, v8  }
0x2a7: {  	v8 =	vsel vm0, v10, v8  }
0x2a8: {  	v62, _, _ =	vpop (xrf0)  }
0x2a9: {  	(v2sf) =	vpush v62, $0xF  }
0x2aa: {  	(xrf0) =	vmax.scan.msk.f32 $0xffff, v8;
	v8, _, _ =	vpop (xrf0)  }
0x2ab: {  	(v2sf) =	vpush v8, $0xF;
	_ =	sdelay $0x5  }
0x2ac: {  	v8, _, _ =	vpop (xrf0);
	(v2sf) =	vpush v12, $0xF  }
0x2ad: {  	(v2sf) =	vpush v8, $0xF;
	_ =	sdelay $0x5  }
0x2ae: {  	s29 =	simm.s32 $0xB;
	s31 =	sxor.u32 $0x80000000, s30;
	v8 =	vmov s26;
	s0 =	spop (v2sf)  }
.LBB2_6:
0x2af: {  	s26 =	sadd.s32 $0x1, s26  }
0x2b0: {  	s28 =	sadd.s32 $0x300, s28;
	s30 =	smov.u32 s29;
	s1 =	spop (v2sf)  }
0x2b1: {  	p0 =	sne.s32 s29, $0x77;
	s29 =	sadd.s32 $0x6, s29;
	s1 =	sxor.u32 $0x80000000, s1  }
0x2b2: {  	v9 =	vmov s1  }
0x2b3: {  	[tilespmem:v8+s21+$0x0] =	vst.idx.msk $0x1, v9  }
0x2b4: {  	v8 =	vmov s31;
	_ =	sdelay $0x1  }
0x2b5: {  	p1 =	sgt.s32 s0, $0x1;
	s0 =	spop (v2sf)  }
0x2b6: {  	[tilespmem:v9+s14+$0x0] =	vst.idx.msk $0x1, v7;
	s1 =	spop (v2sf)  }
0x2b7: {  	s1 =	smov.u32 @p1 s0  }
0x2b8: {  	v9 =	vmov s1  }
0x2b9: {  	[tilespmem:v8+s20+$0x0] =	vst.idx.msk $0x1, v9;
	_ =	sdelay $0x1  }
0x2ba: {  	v8 =	vld [tilespmem:s28+$0xFFFFFE80]  }
0x2bb: {  	v9 =	vld [tilespmem:s28+$0xFFFFFE90]  }
0x2bc: {  	v10 =	vld [tilespmem:s28+$0xFFFFFEA0]  }
0x2bd: {  	v11 =	vld [tilespmem:s28+$0xFFFFFEB0]  }
0x2be: {  	v12 =	vld [tilespmem:s28+$0xFFFFFEC0]  }
0x2bf: {  	v8 =	vand.u32 $0x7FFFFFFF, v8;
	v13 =	vld [tilespmem:s28+$0xFFFFFED0]  }
0x2c0: {  	v8 =	vmax.f32 v8, $-1.000000000e+00;
	v9 =	vand.u32 $0x7FFFFFFF, v9;
	v14 =	vld [tilespmem:s28+$0xFFFFFEE0]  }
0x2c1: {  	v8 =	vmax.f32 v8, v9;
	v9 =	vand.u32 $0x7FFFFFFF, v10;
	v10 =	vld [tilespmem:s28+$0xFFFFFEF0]  }
0x2c2: {  	v8 =	vmax.f32 v8, v9;
	v9 =	vand.u32 $0x7FFFFFFF, v11  }
0x2c3: {  	v8 =	vmax.f32 v8, v9;
	v9 =	vand.u32 $0x7FFFFFFF, v12  }
0x2c4: {  	v8 =	vmax.f32 v8, v9;
	v9 =	vand.u32 $0x7FFFFFFF, v13  }
0x2c5: {  	v8 =	vmax.f32 v8, v9;
	v9 =	vand.u32 $0x7FFFFFFF, v14  }
0x2c6: {  	v8 =	vmax.f32 v8, v9;
	v9 =	vand.u32 $0x7FFFFFFF, v10  }
0x2c7: {  	v8 =	vmax.f32 v8, v9  }
0x2c8: {  	s0 =	sadd.s32 $0xFFFFFFFB, s30;
	(xrf0) =	vmax.scan.msk.f32 $0xffff, v8  }
0x2c9: {  	v8 =	vmov s0  }
0x2ca: {  	v8 =	vand.u32 $0xFFFFFFFE, v8  }
0x2cb: {  	v8 =	vbroadcast v8, $0x0;
	_ =	sdelay $0x2  }
0x2cc: {  	v9, _, _ =	vpop (xrf0)  }
0x2cd: {  	v9 =	vbroadcast v9, $0xF;
	_ =	sdelay $0x1  }
0x2ce: {  	[tilespmem:v8+s18+$0x0] =	vst.idx.msk $0x1, v9  }
0x2cf: {  	v8 =	vld [tilespmem:s28+$0xFFFFFF00]  }
0x2d0: {  	v9 =	vld [tilespmem:s28+$0xFFFFFF10]  }
0x2d1: {  	v10 =	vld [tilespmem:s28+$0xFFFFFF20]  }
0x2d2: {  	v11 =	vld [tilespmem:s28+$0xFFFFFF30]  }
0x2d3: {  	v12 =	vld [tilespmem:s28+$0xFFFFFF40]  }
0x2d4: {  	v8 =	vand.u32 $0x7FFFFFFF, v8;
	v13 =	vld [tilespmem:s28+$0xFFFFFF50]  }
0x2d5: {  	v8 =	vmax.f32 v8, $-1.000000000e+00;
	v9 =	vand.u32 $0x7FFFFFFF, v9;
	v14 =	vld [tilespmem:s28+$0xFFFFFF60]  }
0x2d6: {  	v8 =	vmax.f32 v8, v9;
	v9 =	vand.u32 $0x7FFFFFFF, v10;
	v10 =	vld [tilespmem:s28+$0xFFFFFF70]  }
0x2d7: {  	v8 =	vmax.f32 v8, v9;
	v9 =	vand.u32 $0x7FFFFFFF, v11  }
0x2d8: {  	v8 =	vmax.f32 v8, v9;
	v9 =	vand.u32 $0x7FFFFFFF, v12  }
0x2d9: {  	v8 =	vmax.f32 v8, v9;
	v9 =	vand.u32 $0x7FFFFFFF, v13  }
0x2da: {  	v8 =	vmax.f32 v8, v9;
	v9 =	vand.u32 $0x7FFFFFFF, v14  }
0x2db: {  	v8 =	vmax.f32 v8, v9;
	v9 =	vand.u32 $0x7FFFFFFF, v10  }
0x2dc: {  	v8 =	vmax.f32 v8, v9  }
0x2dd: {  	(xrf0) =	vmax.scan.msk.f32 $0xffff, v8;
	_ =	sdelay $0x2  }
0x2de: {  	s0 =	sadd.s32 $0xFFFFFFFC, s30  }
0x2df: {  	v8 =	vmov s0;
	_ =	sdelay $0x1  }
0x2e0: {  	v9, _, _ =	vpop (xrf0)  }
0x2e1: {  	v9 =	vbroadcast v9, $0xF;
	_ =	sdelay $0x1  }
0x2e2: {  	[tilespmem:v8+s18+$0x0] =	vst.idx.msk $0x1, v9  }
0x2e3: {  	v8 =	vld [tilespmem:s28+$0xFFFFFF80]  }
0x2e4: {  	v9 =	vld [tilespmem:s28+$0xFFFFFF90]  }
0x2e5: {  	v10 =	vld [tilespmem:s28+$0xFFFFFFA0]  }
0x2e6: {  	v11 =	vld [tilespmem:s28+$0xFFFFFFB0]  }
0x2e7: {  	v12 =	vld [tilespmem:s28+$0xFFFFFFC0]  }
0x2e8: {  	v8 =	vand.u32 $0x7FFFFFFF, v8;
	v13 =	vld [tilespmem:s28+$0xFFFFFFD0]  }
0x2e9: {  	v8 =	vmax.f32 v8, $-1.000000000e+00;
	v9 =	vand.u32 $0x7FFFFFFF, v9;
	v14 =	vld [tilespmem:s28+$0xFFFFFFE0]  }
0x2ea: {  	v8 =	vmax.f32 v8, v9;
	v9 =	vand.u32 $0x7FFFFFFF, v10;
	v10 =	vld [tilespmem:s28+$0xFFFFFFF0]  }
0x2eb: {  	v8 =	vmax.f32 v8, v9;
	v9 =	vand.u32 $0x7FFFFFFF, v11  }
0x2ec: {  	v8 =	vmax.f32 v8, v9;
	v9 =	vand.u32 $0x7FFFFFFF, v12  }
0x2ed: {  	v8 =	vmax.f32 v8, v9;
	v9 =	vand.u32 $0x7FFFFFFF, v13  }
0x2ee: {  	v8 =	vmax.f32 v8, v9;
	v9 =	vand.u32 $0x7FFFFFFF, v14  }
0x2ef: {  	v8 =	vmax.f32 v8, v9;
	v9 =	vand.u32 $0x7FFFFFFF, v10  }
0x2f0: {  	v8 =	vmax.f32 v8, v9  }
0x2f1: {  	s0 =	sadd.s32 $0xFFFFFFFD, s30;
	(xrf0) =	vmax.scan.msk.f32 $0xffff, v8  }
0x2f2: {  	v8 =	vmov s0  }
0x2f3: {  	v8 =	vand.u32 $0xFFFFFFFE, v8  }
0x2f4: {  	v8 =	vbroadcast v8, $0x0;
	_ =	sdelay $0x2  }
0x2f5: {  	v9, _, _ =	vpop (xrf0)  }
0x2f6: {  	v9 =	vbroadcast v9, $0xF;
	_ =	sdelay $0x1  }
0x2f7: {  	[tilespmem:v8+s18+$0x0] =	vst.idx.msk $0x1, v9  }
0x2f8: {  	v8 =	vld [tilespmem:s28+$0x0]  }
0x2f9: {  	v9 =	vld [tilespmem:s28+$0x10]  }
0x2fa: {  	v10 =	vld [tilespmem:s28+$0x20]  }
0x2fb: {  	v11 =	vld [tilespmem:s28+$0x30]  }
0x2fc: {  	v12 =	vld [tilespmem:s28+$0x40]  }
0x2fd: {  	v8 =	vand.u32 $0x7FFFFFFF, v8;
	v13 =	vld [tilespmem:s28+$0x50]  }
0x2fe: {  	v8 =	vmax.f32 v8, $-1.000000000e+00;
	v9 =	vand.u32 $0x7FFFFFFF, v9;
	v14 =	vld [tilespmem:s28+$0x60]  }
0x2ff: {  	v8 =	vmax.f32 v8, v9;
	v9 =	vand.u32 $0x7FFFFFFF, v10;
	v10 =	vld [tilespmem:s28+$0x70]  }
0x300: {  	v8 =	vmax.f32 v8, v9;
	v9 =	vand.u32 $0x7FFFFFFF, v11  }
0x301: {  	v8 =	vmax.f32 v8, v9;
	v9 =	vand.u32 $0x7FFFFFFF, v12  }
0x302: {  	v8 =	vmax.f32 v8, v9;
	v9 =	vand.u32 $0x7FFFFFFF, v13  }
0x303: {  	v8 =	vmax.f32 v8, v9;
	v9 =	vand.u32 $0x7FFFFFFF, v14  }
0x304: {  	v8 =	vmax.f32 v8, v9;
	v9 =	vand.u32 $0x7FFFFFFF, v10  }
0x305: {  	v8 =	vmax.f32 v8, v9  }
0x306: {  	(xrf0) =	vmax.scan.msk.f32 $0xffff, v8;
	_ =	sdelay $0x2  }
0x307: {  	s0 =	sadd.s32 $0xFFFFFFFE, s30  }
0x308: {  	v8 =	vmov s0;
	_ =	sdelay $0x1  }
0x309: {  	v9, _, _ =	vpop (xrf0)  }
0x30a: {  	v9 =	vbroadcast v9, $0xF;
	_ =	sdelay $0x1  }
0x30b: {  	[tilespmem:v8+s18+$0x0] =	vst.idx.msk $0x1, v9  }
0x30c: {  	v8 =	vld [tilespmem:s28+$0x80]  }
0x30d: {  	v9 =	vld [tilespmem:s28+$0x90]  }
0x30e: {  	v10 =	vld [tilespmem:s28+$0xA0]  }
0x30f: {  	v11 =	vld [tilespmem:s28+$0xB0]  }
0x310: {  	v12 =	vld [tilespmem:s28+$0xC0]  }
0x311: {  	v8 =	vand.u32 $0x7FFFFFFF, v8;
	v13 =	vld [tilespmem:s28+$0xD0]  }
0x312: {  	v8 =	vmax.f32 v8, $-1.000000000e+00;
	v9 =	vand.u32 $0x7FFFFFFF, v9;
	v14 =	vld [tilespmem:s28+$0xE0]  }
0x313: {  	v8 =	vmax.f32 v8, v9;
	v9 =	vand.u32 $0x7FFFFFFF, v10;
	v10 =	vld [tilespmem:s28+$0xF0]  }
0x314: {  	v8 =	vmax.f32 v8, v9;
	v9 =	vand.u32 $0x7FFFFFFF, v11  }
0x315: {  	v8 =	vmax.f32 v8, v9;
	v9 =	vand.u32 $0x7FFFFFFF, v12  }
0x316: {  	v8 =	vmax.f32 v8, v9;
	v9 =	vand.u32 $0x7FFFFFFF, v13  }
0x317: {  	v8 =	vmax.f32 v8, v9;
	v9 =	vand.u32 $0x7FFFFFFF, v14  }
0x318: {  	v8 =	vmax.f32 v8, v9;
	v9 =	vand.u32 $0x7FFFFFFF, v10  }
0x319: {  	v8 =	vmax.f32 v8, v9  }
0x31a: {  	s0 =	sadd.s32 $0xFFFFFFFF, s30;
	(xrf0) =	vmax.scan.msk.f32 $0xffff, v8  }
0x31b: {  	v8 =	vmov s0  }
0x31c: {  	v8 =	vand.u32 $0xFFFFFFFE, v8  }
0x31d: {  	v8 =	vbroadcast v8, $0x0;
	_ =	sdelay $0x2  }
0x31e: {  	v9, _, _ =	vpop (xrf0)  }
0x31f: {  	v9 =	vbroadcast v9, $0xF;
	_ =	sdelay $0x1  }
0x320: {  	[tilespmem:v8+s18+$0x0] =	vst.idx.msk $0x1, v9  }
0x321: {  	v8 =	vld [tilespmem:s28+$0x100]  }
0x322: {  	v9 =	vld [tilespmem:s28+$0x110]  }
0x323: {  	v10 =	vld [tilespmem:s28+$0x120]  }
0x324: {  	v11 =	vld [tilespmem:s28+$0x130]  }
0x325: {  	v12 =	vld [tilespmem:s28+$0x140]  }
0x326: {  	v8 =	vand.u32 $0x7FFFFFFF, v8;
	v13 =	vld [tilespmem:s28+$0x150]  }
0x327: {  	v8 =	vmax.f32 v8, $-1.000000000e+00;
	v9 =	vand.u32 $0x7FFFFFFF, v9;
	v14 =	vld [tilespmem:s28+$0x160]  }
0x328: {  	v8 =	vmax.f32 v8, v9;
	v9 =	vand.u32 $0x7FFFFFFF, v10;
	v10 =	vld [tilespmem:s28+$0x170]  }
0x329: {  	v8 =	vmax.f32 v8, v9;
	v9 =	vand.u32 $0x7FFFFFFF, v11  }
0x32a: {  	v8 =	vmax.f32 v8, v9;
	v9 =	vand.u32 $0x7FFFFFFF, v12  }
0x32b: {  	v8 =	vmax.f32 v8, v9;
	v9 =	vand.u32 $0x7FFFFFFF, v13  }
0x32c: {  	v8 =	vmax.f32 v8, v9;
	v9 =	vand.u32 $0x7FFFFFFF, v14  }
0x32d: {  	v8 =	vmax.f32 v8, v9;
	v9 =	vand.u32 $0x7FFFFFFF, v10  }
0x32e: {  	v8 =	vmax.f32 v8, v9  }
0x32f: {  	(xrf0) =	vmax.scan.msk.f32 $0xffff, v8;
	_ =	sdelay $0x3  }
0x330: {  	v8 =	vmov s30;
	_ =	sdelay $0x1  }
0x331: {  	v9, _, _ =	vpop (xrf0)  }
0x332: {  	v9 =	vbroadcast v9, $0xF;
	_ =	sdelay $0x1  }
0x333: {  	[tilespmem:v8+s18+$0x0] =	vst.idx.msk $0x1, v9  }
0x334: {  	v10 =	vld [tilespmem:$0x80A0]  }
0x335: {  	v11 =	vld [tilespmem:$0x8080]  }
0x336: {  	v12 =	vld [tilespmem:$0x8090]  }
0x337: {  	v13 =	vld [tilespmem:$0x80B0];
	_ =	sdelay $0x3  }
0x338: {  	v8 =	vmax.f32 v11, v12  }
0x339: {  	v8 =	vmax.f32 v8, v10  }
0x33a: {  	v8 =	vmax.f32 v8, v13  }
0x33b: {  	(xrf0) =	vmax.scan.msk.f32 $0xffff, v8;
	_ =	sdelay $0x5  }
0x33c: {  	v8, _, _ =	vpop (xrf0)  }
0x33d: {  	v9 =	vbroadcast v8, $0xF;
	_ =	sdelay $0x1  }
0x33e: {  	vm0 =	veq.f32 v12, v9;
	vm1 =	veq.f32 v10, v9;
	vm2 =	veq.f32 v13, v9  }
0x33f: {  	vm3 =	veq.f32 v11, v9;
	v10 =	vnsel vm2, $0xC0000000, v2  }
0x340: {  	v10 =	vsel vm1, v3, v10  }
0x341: {  	v10 =	vsel vm0, v4, v10  }
0x342: {  	v10 =	vsel vm3, v5, v10  }
0x343: {  	(xrf0) =	vmin.scan.msk.u32 $0xffff, v10;
	_ =	sdelay $0x5  }
0x344: {  	v10, _, _ =	vpop (xrf0)  }
0x345: {  	(v2sf) =	vpush v10, $0xF;
	_ =	sdelay $0xe  }
0x346: {  	s0 =	spop (v2sf)  }
0x347: {  	s31 =	sxor.u32 $0x80000000, s0;
	s1 =	sshll.u32 s0, $0x7;
	s0 =	sshll.u32 s0, $0x9  }
0x348: {  	s0 =	sshra.s32 s0, $0x2;
	v10 =	vor.u32 s1, v0;
	s3 =	sor.u32 $0x10, s1;
	s4 =	sor.u32 $0x20, s1  }
0x349: {  	s5 =	sor.u32 $0x30, s1;
	s6 =	sor.u32 $0x40, s1;
	s7 =	sor.u32 $0x50, s1;
	vm0 =	vlt.s32 v10, $0x40000000;
	v11 =	vld [tilespmem:s0+$0x2010]  }
0x34a: {  	s30 =	sor.u32 $0x60, s1;
	s1 =	sor.u32 $0x70, s1;
	v12 =	vld [tilespmem:s0+$0x2000];
	v10 =	vnsel vm0, $0x40000000, v10  }
0x34b: {  	v13 =	vld [tilespmem:s0+$0x2020]  }
0x34c: {  	v14 =	vld [tilespmem:s0+$0x2030]  }
0x34d: {  	v16 =	vor.u32 s7, v0;
	v17 =	vor.u32 s30, v0;
	v18 =	vor.u32 s1, v0;
	v15 =	vld [tilespmem:s0+$0x2040]  }
0x34e: {  	v19 =	vor.u32 s4, v0;
	v20 =	vor.u32 s5, v0;
	v21 =	vor.u32 s6, v0;
	v22 =	vld [tilespmem:s0+$0x2050]  }
0x34f: {  	v23 =	vor.u32 s3, v0;
	v11 =	vand.u32 $0x7FFFFFFF, v11;
	v12 =	vand.u32 $0x7FFFFFFF, v12;
	v24 =	vld [tilespmem:s0+$0x2060]  }
0x350: {  	vm1 =	veq.f32 v11, v9;
	vm0 =	veq.f32 v12, v9;
	v13 =	vand.u32 $0x7FFFFFFF, v13;
	v25 =	vld [tilespmem:s0+$0x2070]  }
0x351: {  	v10 =	vnsel vm0, $0x40000000, v10;
	v12 =	vsel vm0, $0xBF800000, v12;
	vm2 =	veq.f32 v13, v9  }
0x352: {  	vm3 =	vlt.s32 v10, v23;
	v19 =	vnsel vm2, $0x40000000, v19;
	v26 =	vsel vm2, $0x1, v6  }
0x353: {  	v28 =	vsel vm1, $0x1, v6;
	v27 =	vsel vm0, $0x1, v6;
	v23 =	vsel vm3, v10, v23  }
0x354: {  	v14 =	vand.u32 $0x7FFFFFFF, v14;
	v10 =	vsel vm1, v23, v10;
	v23 =	vand.u32 $0x7FFFFFFF, v24  }
0x355: {  	v15 =	vand.u32 $0x7FFFFFFF, v15;
	vm3 =	vlt.s32 v10, v19;
	v24 =	vand.u32 $0x7FFFFFFF, v25  }
0x356: {  	vm4 =	veq.f32 v14, v9;
	vm5 =	veq.f32 v15, v9;
	vm0 =	veq.f32 v24, v9  }
0x357: {  	v11 =	vsel vm1, $0xBF800000, v11;
	v13 =	vsel vm2, $0xBF800000, v13;
	v25 =	vsel vm0, $0x1, v6  }
0x358: {  	v20 =	vnsel vm4, $0x40000000, v20;
	v22 =	vand.u32 $0x7FFFFFFF, v22;
	v18 =	vnsel vm0, $0x40000000, v18  }
0x359: {  	v27 =	vadd.s32 v28, v27;
	v21 =	vnsel vm5, $0x40000000, v21;
	v28 =	vsel vm5, $0x1, v6  }
0x35a: {  	vm2 =	veq.f32 v22, v9;
	v10 =	vsel vm3, v10, v19;
	v19 =	vsel vm4, $0x1, v6  }
0x35b: {  	v16 =	vnsel vm2, $0x40000000, v16;
	vm3 =	vgt.f32 v12, $-1.000000000e+00;
	vm6 =	vlt.s32 v10, v20  }
0x35c: {  	v26 =	vadd.s32 v26, v27;
	v15 =	vsel vm5, $0xBF800000, v15;
	vm1 =	veq.f32 v23, v9  }
0x35d: {  	v17 =	vnsel vm1, $0x40000000, v17;
	v9 =	vsel vm6, v10, v20;
	v10 =	vsel vm2, $0x1, v6  }
0x35e: {  	v14 =	vsel vm4, $0xBF800000, v14;
	v20 =	vsel vm2, $0xBF800000, v22;
	vm4 =	vlt.s32 v9, v21  }
0x35f: {  	v12 =	vnsel vm3, $0xBF800000, v12;
	v19 =	vadd.s32 v19, v26;
	v9 =	vsel vm4, v9, v21  }
0x360: {  	vm2 =	vgt.f32 v11, v12;
	v19 =	vadd.s32 v28, v19;
	vm3 =	vlt.s32 v9, v16  }
0x361: {  	v11 =	vsel vm2, v11, v12;
	v10 =	vadd.s32 v10, v19;
	v9 =	vsel vm3, v9, v16  }
0x362: {  	v12 =	vsel vm1, $0x1, v6;
	vm2 =	vgt.f32 v13, v11;
	vm3 =	vlt.s32 v9, v17  }
0x363: {  	v10 =	vadd.s32 v12, v10;
	v11 =	vsel vm2, v13, v11;
	v9 =	vsel vm3, v9, v17  }
0x364: {  	v10 =	vadd.s32 v25, v10;
	vm2 =	vgt.f32 v14, v11;
	vm3 =	vlt.s32 v9, v18  }
0x365: {  	v11 =	vsel vm2, v14, v11;
	v9 =	vsel vm3, v9, v18;
	(xrf0) =	vadd.scan.msk.s32 $0xffff, v10  }
0x366: {  	vm2 =	vgt.f32 v15, v11;
	v9 =	vxor.u32 $0x80000000, v9;
	v10 =	vsel vm1, $0xBF800000, v23  }
0x367: {  	v11 =	vsel vm2, v15, v11;
	(xrf0) =	vmin.scan.msk.u32 $0xffff, v9  }
0x368: {  	vm1 =	vgt.f32 v20, v11  }
0x369: {  	v9 =	vsel vm1, v20, v11  }
0x36a: {  	v11 =	vsel vm0, $0xBF800000, v24;
	vm1 =	vgt.f32 v10, v9  }
0x36b: {  	v9 =	vsel vm1, v10, v9;
	v10, _, _ =	vpop (xrf0)  }
0x36c: {  	vm0 =	vgt.f32 v11, v9;
	(v2sf) =	vpush v10, $0xF  }
0x36d: {  	v9 =	vsel vm0, v11, v9;
	v10, _, _ =	vpop (xrf0)  }
0x36e: {  	(v2sf) =	vpush v10, $0xF;
	(xrf0) =	vmax.scan.msk.f32 $0xffff, v9;
	_ =	sdelay $0x5  }
0x36f: {  	(v2sf) =	vpush v8, $0xF;
	v8, _, _ =	vpop (xrf0)  }
0x370: {  	(v2sf) =	vpush v8, $0xF;
	_ =	sdelay $0x1  }
.Ltmp2:
0x371: {  	(pc) =	sbr.rel @p0 .LBB2_6-.Ltmp2, $2  }
0x372: {  	_ =	sdelay $0x2  }
0x373: {  	v8 =	vmov s26;
	s0 =	spop (v2sf)  }
0x374: {  	_ =	sdelay $0x2  }
0x375: {  	s1 =	spop (v2sf)  }
0x376: {  	s1 =	sxor.u32 $0x80000000, s1  }
0x377: {  	v9 =	vmov s1  }
0x378: {  	v10 =	vmov s31  }
0x379: {  	s1 =	spop (v2sf)  }
0x37a: {  	p0 =	sgt.s32 s0, $0x1;
	s0 =	spop (v2sf)  }
0x37b: {  	[tilespmem:v8+s21+$0x0] =	vst.idx.msk $0x1, v9;
	s0 =	smov.u32 @p0 s1  }
0x37c: {  	[tilespmem:v9+s14+$0x0] =	vst.idx.msk $0x1, v7;
	v8 =	vmov s0  }
0x37d: {  	[tilespmem:v10+s20+$0x0] =	vst.idx.msk $0x1, v8  }
0x37e: {  	v8 =	vld [tilespmem:$0x8100]  }
0x37f: {  	v9 =	vld [tilespmem:$0x8110];
	_ =	sdelay $0x3  }
0x380: {  	v10 =	vxor.u32 $0x80000000, v8  }
0x381: {  	(xrf1) =	vsort.ascd.msk.u32 $0xffff, v10, v8;
	v8 =	vxor.u32 $0x80000000, v9  }
0x382: {  	(xrf1) =	vsort.dscd.msk.u32 $0xffff, v8, v9;
	_ =	sdelay $0xc  }
0x383: {  	v8, _, _ =	vpop (xrf1)  }
0x384: {  	v9, _, _ =	vpop (xrf1)  }
0x385: {  	v8 =	vxor.u32 $0x80000000, v8;
	v9 =	vxor.u32 $0x80000000, v9  }
0x386: {  	vm0 =	vgt.s32 v8, v9  }
0x387: {  	v10 =	vsel vm0, v9, v8  }
0x388: {  	v8 =	vsel vm0, v8, v9;
	v9 =	vxor.u32 $0x80000000, v10  }
0x389: {  	(xrf1) =	vsort.ascd.msk.u32 $0xffff, v9, v10;
	v9 =	vxor.u32 $0x80000000, v8  }
0x38a: {  	(xrf1) =	vsort.ascd.msk.u32 $0xffff, v9, v8;
	_ =	sdelay $0xc  }
0x38b: {  	v8, _, _ =	vpop (xrf1)  }
0x38c: {  	v8 =	vxor.u32 $0x80000000, v8;
	v9, _, _ =	vpop (xrf1)  }
0x38d: {  	[tilespmem:$0x8100] =	vst v8;
	v8 =	vxor.u32 $0x80000000, v9  }
0x38e: {  	s26 =	simm.s32 $0x0;
	s29 =	simm.s32 $0x5;
	[tilespmem:$0x8110] =	vst v8  }
0x38f: {  	[hbm4b:s8+s26] =	stream.linear.scatter [tilespmem:s21], [sflag:$0x5], $0x80, $0x38;
	[tilespmem:$0x8180] =	vst v63  }
0x390: {  	_ =	swait.ge [sflag:s29], $0x80  }
0x391: {  	[sflag:s29] =	ssyncset.done $0x0  }
0x392: {  	[sflag:s29] =	ssyncadd.s32 $0xFFFFFF80  }
0x393: {  	_ =	swait.ge [sflag:s23], $0x2000  }
0x394: {  	[sflag:s23] =	ssyncset.done $0x0  }
0x395: {  	s28 =	simm.s32 $0x6180;
	[sflag:s23] =	ssyncadd.s32 $0xFFFFE000  }
0x396: {  	v8 =	vld [tilespmem:s28+$0xFFFFFE80]  }
0x397: {  	v9 =	vld [tilespmem:s28+$0xFFFFFE90]  }
0x398: {  	v10 =	vld [tilespmem:s28+$0xFFFFFEA0]  }
0x399: {  	v11 =	vld [tilespmem:s28+$0xFFFFFEB0]  }
0x39a: {  	v12 =	vld [tilespmem:s28+$0xFFFFFEC0]  }
0x39b: {  	v13 =	vld [tilespmem:s28+$0xFFFFFED0];
	v8 =	vand.u32 $0x7FFFFFFF, v8  }
0x39c: {  	v14 =	vld [tilespmem:s28+$0xFFFFFEE0];
	v9 =	vand.u32 $0x7FFFFFFF, v9;
	v8 =	vmax.f32 v8, $-1.000000000e+00  }
0x39d: {  	v8 =	vmax.f32 v8, v9;
	v9 =	vand.u32 $0x7FFFFFFF, v10;
	v10 =	vld [tilespmem:s28+$0xFFFFFEF0]  }
0x39e: {  	v8 =	vmax.f32 v8, v9;
	v9 =	vand.u32 $0x7FFFFFFF, v11  }
0x39f: {  	v8 =	vmax.f32 v8, v9;
	v9 =	vand.u32 $0x7FFFFFFF, v12  }
0x3a0: {  	v8 =	vmax.f32 v8, v9;
	v9 =	vand.u32 $0x7FFFFFFF, v13  }
0x3a1: {  	v8 =	vmax.f32 v8, v9;
	v9 =	vand.u32 $0x7FFFFFFF, v14  }
0x3a2: {  	v8 =	vmax.f32 v8, v9;
	v9 =	vand.u32 $0x7FFFFFFF, v10  }
0x3a3: {  	v8 =	vmax.f32 v8, v9  }
0x3a4: {  	s30 =	simm.s32 $0x0;
	(xrf0) =	vmax.scan.msk.f32 $0xffff, v8  }
0x3a5: {  	v8 =	vmov s30  }
0x3a6: {  	v8 =	vand.u32 $0xFFFFFFFE, v8  }
0x3a7: {  	v8 =	vbroadcast v8, $0x0;
	_ =	sdelay $0x2  }
0x3a8: {  	v9, _, _ =	vpop (xrf0)  }
0x3a9: {  	v9 =	vbroadcast v9, $0xF;
	_ =	sdelay $0x1  }
0x3aa: {  	[tilespmem:v8+s20+$0x0] =	vst.idx.msk $0x1, v9  }
0x3ab: {  	v8 =	vld [tilespmem:s28+$0xFFFFFF00]  }
0x3ac: {  	v9 =	vld [tilespmem:s28+$0xFFFFFF10]  }
0x3ad: {  	v10 =	vld [tilespmem:s28+$0xFFFFFF20]  }
0x3ae: {  	v11 =	vld [tilespmem:s28+$0xFFFFFF30]  }
0x3af: {  	v31 =	vld [tilespmem:s28+$0xFFFFFF40]  }
0x3b0: {  	v32 =	vld [tilespmem:s28+$0xFFFFFF50];
	v8 =	vand.u32 $0x7FFFFFFF, v8  }
0x3b1: {  	v33 =	vld [tilespmem:s28+$0xFFFFFF60];
	v9 =	vand.u32 $0x7FFFFFFF, v9;
	v8 =	vmax.f32 v8, $-1.000000000e+00  }
0x3b2: {  	v8 =	vmax.f32 v8, v9;
	v9 =	vand.u32 $0x7FFFFFFF, v10;
	v10 =	vld [tilespmem:s28+$0xFFFFFF70]  }
0x3b3: {  	v8 =	vmax.f32 v8, v9;
	v9 =	vand.u32 $0x7FFFFFFF, v11  }
0x3b4: {  	v8 =	vmax.f32 v8, v9;
	v9 =	vand.u32 $0x7FFFFFFF, v31  }
0x3b5: {  	v8 =	vmax.f32 v8, v9;
	v9 =	vand.u32 $0x7FFFFFFF, v32  }
0x3b6: {  	v8 =	vmax.f32 v8, v9;
	v9 =	vand.u32 $0x7FFFFFFF, v33  }
0x3b7: {  	v8 =	vmax.f32 v8, v9;
	v9 =	vand.u32 $0x7FFFFFFF, v10  }
0x3b8: {  	v8 =	vmax.f32 v8, v9  }
0x3b9: {  	(xrf0) =	vmax.scan.msk.f32 $0xffff, v8;
	_ =	sdelay $0x2  }
0x3ba: {  	s1 =	simm.s32 $0x1  }
0x3bb: {  	v8 =	vmov s1;
	_ =	sdelay $0x1  }
0x3bc: {  	v9, _, _ =	vpop (xrf0)  }
0x3bd: {  	v9 =	vbroadcast v9, $0xF;
	_ =	sdelay $0x1  }
0x3be: {  	[tilespmem:v8+s20+$0x0] =	vst.idx.msk $0x1, v9  }
0x3bf: {  	v8 =	vld [tilespmem:s28+$0xFFFFFF80]  }
0x3c0: {  	v9 =	vld [tilespmem:s28+$0xFFFFFF90]  }
0x3c1: {  	v10 =	vld [tilespmem:s28+$0xFFFFFFA0]  }
0x3c2: {  	v11 =	vld [tilespmem:s28+$0xFFFFFFB0]  }
0x3c3: {  	v34 =	vld [tilespmem:s28+$0xFFFFFFC0]  }
0x3c4: {  	v35 =	vld [tilespmem:s28+$0xFFFFFFD0];
	v8 =	vand.u32 $0x7FFFFFFF, v8  }
0x3c5: {  	v36 =	vld [tilespmem:s28+$0xFFFFFFE0];
	v9 =	vand.u32 $0x7FFFFFFF, v9;
	v8 =	vmax.f32 v8, $-1.000000000e+00  }
0x3c6: {  	v8 =	vmax.f32 v8, v9;
	v9 =	vand.u32 $0x7FFFFFFF, v10;
	v10 =	vld [tilespmem:s28+$0xFFFFFFF0]  }
0x3c7: {  	v8 =	vmax.f32 v8, v9;
	v9 =	vand.u32 $0x7FFFFFFF, v11  }
0x3c8: {  	v8 =	vmax.f32 v8, v9;
	v9 =	vand.u32 $0x7FFFFFFF, v34  }
0x3c9: {  	v8 =	vmax.f32 v8, v9;
	v9 =	vand.u32 $0x7FFFFFFF, v35  }
0x3ca: {  	v8 =	vmax.f32 v8, v9;
	v9 =	vand.u32 $0x7FFFFFFF, v36  }
0x3cb: {  	v8 =	vmax.f32 v8, v9;
	v9 =	vand.u32 $0x7FFFFFFF, v10  }
0x3cc: {  	v8 =	vmax.f32 v8, v9  }
0x3cd: {  	s3 =	simm.s32 $0x2;
	(xrf0) =	vmax.scan.msk.f32 $0xffff, v8  }
0x3ce: {  	v8 =	vmov s3  }
0x3cf: {  	v8 =	vand.u32 $0xFFFFFFFE, v8  }
0x3d0: {  	v8 =	vbroadcast v8, $0x0;
	_ =	sdelay $0x2  }
0x3d1: {  	v9, _, _ =	vpop (xrf0)  }
0x3d2: {  	v9 =	vbroadcast v9, $0xF;
	_ =	sdelay $0x1  }
0x3d3: {  	[tilespmem:v8+s20+$0x0] =	vst.idx.msk $0x1, v9  }
0x3d4: {  	v8 =	vld [tilespmem:s28+$0x0]  }
0x3d5: {  	v9 =	vld [tilespmem:s28+$0x10]  }
0x3d6: {  	v10 =	vld [tilespmem:s28+$0x20]  }
0x3d7: {  	v11 =	vld [tilespmem:s28+$0x30]  }
0x3d8: {  	v37 =	vld [tilespmem:s28+$0x40]  }
0x3d9: {  	v38 =	vld [tilespmem:s28+$0x50];
	v8 =	vand.u32 $0x7FFFFFFF, v8  }
0x3da: {  	v39 =	vld [tilespmem:s28+$0x60];
	v9 =	vand.u32 $0x7FFFFFFF, v9;
	v8 =	vmax.f32 v8, $-1.000000000e+00  }
0x3db: {  	v8 =	vmax.f32 v8, v9;
	v9 =	vand.u32 $0x7FFFFFFF, v10;
	v10 =	vld [tilespmem:s28+$0x70]  }
0x3dc: {  	v8 =	vmax.f32 v8, v9;
	v9 =	vand.u32 $0x7FFFFFFF, v11  }
0x3dd: {  	v8 =	vmax.f32 v8, v9;
	v9 =	vand.u32 $0x7FFFFFFF, v37  }
0x3de: {  	v8 =	vmax.f32 v8, v9;
	v9 =	vand.u32 $0x7FFFFFFF, v38  }
0x3df: {  	v8 =	vmax.f32 v8, v9;
	v9 =	vand.u32 $0x7FFFFFFF, v39  }
0x3e0: {  	v8 =	vmax.f32 v8, v9;
	v9 =	vand.u32 $0x7FFFFFFF, v10  }
0x3e1: {  	v8 =	vmax.f32 v8, v9  }
0x3e2: {  	(xrf0) =	vmax.scan.msk.f32 $0xffff, v8;
	_ =	sdelay $0x2  }
0x3e3: {  	s4 =	simm.s32 $0x3  }
0x3e4: {  	v8 =	vmov s4;
	_ =	sdelay $0x1  }
0x3e5: {  	v9, _, _ =	vpop (xrf0)  }
0x3e6: {  	v9 =	vbroadcast v9, $0xF;
	_ =	sdelay $0x1  }
0x3e7: {  	[tilespmem:v8+s20+$0x0] =	vst.idx.msk $0x1, v9  }
0x3e8: {  	v8 =	vld [tilespmem:s28+$0x80]  }
0x3e9: {  	v9 =	vld [tilespmem:s28+$0x90]  }
0x3ea: {  	v10 =	vld [tilespmem:s28+$0xA0]  }
0x3eb: {  	v11 =	vld [tilespmem:s28+$0xB0]  }
0x3ec: {  	v40 =	vld [tilespmem:s28+$0xC0]  }
0x3ed: {  	v41 =	vld [tilespmem:s28+$0xD0];
	v8 =	vand.u32 $0x7FFFFFFF, v8  }
0x3ee: {  	v42 =	vld [tilespmem:s28+$0xE0];
	v9 =	vand.u32 $0x7FFFFFFF, v9;
	v8 =	vmax.f32 v8, $-1.000000000e+00  }
0x3ef: {  	v8 =	vmax.f32 v8, v9;
	v9 =	vand.u32 $0x7FFFFFFF, v10;
	v10 =	vld [tilespmem:s28+$0xF0]  }
0x3f0: {  	v8 =	vmax.f32 v8, v9;
	v9 =	vand.u32 $0x7FFFFFFF, v11  }
0x3f1: {  	v8 =	vmax.f32 v8, v9;
	v9 =	vand.u32 $0x7FFFFFFF, v40  }
0x3f2: {  	v8 =	vmax.f32 v8, v9;
	v9 =	vand.u32 $0x7FFFFFFF, v41  }
0x3f3: {  	v8 =	vmax.f32 v8, v9;
	v9 =	vand.u32 $0x7FFFFFFF, v42  }
0x3f4: {  	v8 =	vmax.f32 v8, v9;
	v9 =	vand.u32 $0x7FFFFFFF, v10  }
0x3f5: {  	v8 =	vmax.f32 v8, v9  }
0x3f6: {  	s5 =	simm.s32 $0x4;
	(xrf0) =	vmax.scan.msk.f32 $0xffff, v8  }
0x3f7: {  	v8 =	vmov s5  }
0x3f8: {  	v8 =	vand.u32 $0xFFFFFFFE, v8  }
0x3f9: {  	v8 =	vbroadcast v8, $0x0;
	_ =	sdelay $0x2  }
0x3fa: {  	v9, _, _ =	vpop (xrf0)  }
0x3fb: {  	v9 =	vbroadcast v9, $0xF;
	_ =	sdelay $0x1  }
0x3fc: {  	[tilespmem:v8+s20+$0x0] =	vst.idx.msk $0x1, v9  }
0x3fd: {  	v8 =	vld [tilespmem:s28+$0x100]  }
0x3fe: {  	v9 =	vld [tilespmem:s28+$0x110]  }
0x3ff: {  	v10 =	vld [tilespmem:s28+$0x120]  }
0x400: {  	v11 =	vld [tilespmem:s28+$0x130]  }
0x401: {  	v43 =	vld [tilespmem:s28+$0x140]  }
0x402: {  	v44 =	vld [tilespmem:s28+$0x150];
	v8 =	vand.u32 $0x7FFFFFFF, v8  }
0x403: {  	v45 =	vld [tilespmem:s28+$0x160];
	v9 =	vand.u32 $0x7FFFFFFF, v9;
	v8 =	vmax.f32 v8, $-1.000000000e+00  }
0x404: {  	v8 =	vmax.f32 v8, v9;
	v9 =	vand.u32 $0x7FFFFFFF, v10;
	v10 =	vld [tilespmem:s28+$0x170]  }
0x405: {  	v8 =	vmax.f32 v8, v9;
	v9 =	vand.u32 $0x7FFFFFFF, v11  }
0x406: {  	v8 =	vmax.f32 v8, v9;
	v9 =	vand.u32 $0x7FFFFFFF, v43  }
0x407: {  	v8 =	vmax.f32 v8, v9;
	v9 =	vand.u32 $0x7FFFFFFF, v44  }
0x408: {  	v8 =	vmax.f32 v8, v9;
	v9 =	vand.u32 $0x7FFFFFFF, v45  }
0x409: {  	v8 =	vmax.f32 v8, v9;
	v9 =	vand.u32 $0x7FFFFFFF, v10  }
0x40a: {  	v8 =	vmax.f32 v8, v9  }
0x40b: {  	(xrf0) =	vmax.scan.msk.f32 $0xffff, v8;
	_ =	sdelay $0x3  }
0x40c: {  	v8 =	vmov s29;
	_ =	sdelay $0x1  }
0x40d: {  	v9, _, _ =	vpop (xrf0)  }
0x40e: {  	v9 =	vbroadcast v9, $0xF;
	_ =	sdelay $0x1  }
0x40f: {  	[tilespmem:v8+s20+$0x0] =	vst.idx.msk $0x1, v9  }
0x410: {  	v8 =	vld [tilespmem:$0x8000]  }
0x411: {  	v9 =	vld [tilespmem:$0x8010]  }
0x412: {  	v10 =	vld [tilespmem:$0x8020]  }
0x413: {  	v11 =	vld [tilespmem:$0x8030];
	_ =	sdelay $0x2  }
0x414: {  	v46 =	vmax.f32 v8, v9  }
0x415: {  	v12 =	vmax.f32 v46, v10  }
0x416: {  	v12 =	vmax.f32 v12, v11  }
0x417: {  	(xrf0) =	vmax.scan.msk.f32 $0xffff, v12;
	_ =	sdelay $0x5  }
0x418: {  	v12, _, _ =	vpop (xrf0)  }
0x419: {  	v47 =	vbroadcast v12, $0xF;
	_ =	sdelay $0x1  }
0x41a: {  	vm7 =	veq.f32 v11, v47  }
0x41b: {  	vm1 =	veq.f32 v10, v47;
	v10 =	vnsel vm7, $0xC0000000, v2  }
0x41c: {  	vm8 =	veq.f32 v9, v47;
	v9 =	vsel vm1, v3, v10  }
0x41d: {  	vm9 =	veq.f32 v8, v47;
	v8 =	vsel vm8, v4, v9  }
0x41e: {  	v8 =	vsel vm9, v5, v8  }
0x41f: {  	(xrf0) =	vmin.scan.msk.u32 $0xffff, v8;
	_ =	sdelay $0x5  }
0x420: {  	v8, _, _ =	vpop (xrf0)  }
0x421: {  	(v2sf) =	vpush v8, $0xF;
	_ =	sdelay $0xe  }
0x422: {  	s30 =	spop (v2sf)  }
0x423: {  	s6 =	sshll.u32 s30, $0x9  }
0x424: {  	s0 =	sshra.s32 s6, $0x2  }
0x425: {  	v8 =	vld [tilespmem:s0+$0x4010]  }
0x426: {  	v9 =	vld [tilespmem:s0+$0x4000]  }
0x427: {  	v11 =	vld [tilespmem:s0+$0x4020]  }
0x428: {  	v48 =	vld [tilespmem:s0+$0x4030]  }
0x429: {  	v16 =	vld [tilespmem:s0+$0x4040]  }
0x42a: {  	s1 =	sshll.u32 s30, $0x7;
	v21 =	vld [tilespmem:s0+$0x4060]  }
0x42b: {  	v10 =	vor.u32 s1, v0;
	s3 =	sor.u32 $0x50, s1;
	s5 =	sor.u32 $0x60, s1;
	v23 =	vld [tilespmem:s0+$0x4070]  }
0x42c: {  	s4 =	sor.u32 $0x20, s1;
	s6 =	sor.u32 $0x70, s1;
	s7 =	sor.u32 $0x30, s1;
	vm10 =	vlt.s32 v10, $0x40000000;
	v15 =	vor.u32 s3, v0;
	v17 =	vor.u32 s5, v0;
	v24 =	vld [tilespmem:s0+$0x4050]  }
0x42d: {  	v18 =	vor.u32 s6, v0;
	v19 =	vor.u32 s4, v0;
	s6 =	sor.u32 $0x10, s1;
	v20 =	vor.u32 s7, v0;
	s7 =	sor.u32 $0x40, s1  }
0x42e: {  	v10 =	vnsel vm10, $0x40000000, v10;
	v22 =	vor.u32 s6, v0;
	v57 =	vor.u32 s7, v0  }
0x42f: {  	v9 =	vand.u32 $0x7FFFFFFF, v9;
	v8 =	vand.u32 $0x7FFFFFFF, v8;
	v11 =	vand.u32 $0x7FFFFFFF, v11  }
0x430: {  	v14 =	vand.u32 $0x7FFFFFFF, v48;
	v21 =	vand.u32 $0x7FFFFFFF, v21;
	v16 =	vand.u32 $0x7FFFFFFF, v16  }
0x431: {  	v49 =	vand.u32 $0x7FFFFFFF, v23;
	v24 =	vand.u32 $0x7FFFFFFF, v24;
	vm11 =	veq.f32 v9, v47  }
0x432: {  	vm12 =	veq.f32 v8, v47;
	vm5 =	veq.f32 v11, v47;
	vm4 =	veq.f32 v14, v47  }
0x433: {  	vm3 =	veq.f32 v16, v47;
	vm13 =	veq.f32 v24, v47;
	vm1 =	veq.f32 v21, v47  }
0x434: {  	vm0 =	veq.f32 v49, v47;
	v10 =	vnsel vm11, $0x40000000, v10;
	v9 =	vsel vm11, $0xBF800000, v9  }
0x435: {  	v25 =	vsel vm5, $0x1, v6;
	v26 =	vsel vm11, $0x1, v6;
	v27 =	vsel vm12, $0x1, v6  }
0x436: {  	v8 =	vsel vm12, $0xBF800000, v8;
	v51 =	vsel vm4, $0x1, v6;
	v52 =	vsel vm3, $0x1, v6  }
0x437: {  	v53 =	vsel vm13, $0x1, v6;
	v55 =	vsel vm1, $0x1, v6;
	v19 =	vnsel vm5, $0x40000000, v19  }
0x438: {  	v56 =	vsel vm0, $0x1, v6;
	v11 =	vsel vm5, $0xBF800000, v11;
	vm2 =	vlt.s32 v10, v22  }
0x439: {  	v58 =	vnsel vm4, $0x40000000, v20;
	v59 =	vnsel vm3, $0x40000000, v57;
	v22 =	vsel vm2, v10, v22  }
0x43a: {  	v60 =	vsel vm4, $0xBF800000, v14;
	v61 =	vnsel vm1, $0x40000000, v17;
	v10 =	vsel vm12, v22, v10  }
0x43b: {  	v50 =	vadd.s32 v27, v26;
	vm14 =	vgt.f32 v9, $-1.000000000e+00;
	vm15 =	vlt.s32 v10, v19  }
0x43c: {  	v23 =	vadd.s32 v25, v50;
	v9 =	vnsel vm14, $0xBF800000, v9;
	v10 =	vsel vm15, v10, v19  }
0x43d: {  	v23 =	vadd.s32 v51, v23;
	vm8 =	vgt.f32 v8, v9;
	vm9 =	vlt.s32 v10, v58  }
0x43e: {  	v23 =	vadd.s32 v52, v23;
	v8 =	vsel vm8, v8, v9;
	v10 =	vsel vm9, v10, v58  }
0x43f: {  	v9 =	vnsel vm13, $0x40000000, v15;
	vm10 =	vgt.f32 v11, v8;
	vm11 =	vlt.s32 v10, v59  }
0x440: {  	v54 =	vadd.s32 v53, v23;
	v8 =	vsel vm10, v11, v8;
	v10 =	vsel vm11, v10, v59  }
0x441: {  	v13 =	vadd.s32 v55, v54;
	vm12 =	vgt.f32 v60, v8;
	vm4 =	vlt.s32 v10, v9  }
0x442: {  	v11 =	vsel vm3, $0xBF800000, v16;
	v8 =	vsel vm12, v60, v8;
	v9 =	vsel vm4, v10, v9  }
0x443: {  	vm3 =	vgt.f32 v11, v8;
	v10 =	vsel vm13, $0xBF800000, v24;
	vm13 =	vlt.s32 v9, v61  }
0x444: {  	v8 =	vsel vm3, v11, v8;
	v11 =	vnsel vm0, $0x40000000, v18;
	v9 =	vsel vm13, v9, v61  }
0x445: {  	v13 =	vadd.s32 v56, v13;
	vm15 =	vlt.s32 v9, v11  }
0x446: {  	(xrf0) =	vadd.scan.msk.s32 $0xffff, v13;
	vm14 =	vgt.f32 v10, v8;
	v9 =	vsel vm15, v9, v11  }
0x447: {  	v63 =	vsel vm1, $0xBF800000, v21;
	v8 =	vsel vm14, v10, v8;
	v9 =	vxor.u32 $0x80000000, v9  }
0x448: {  	vm1 =	vgt.f32 v63, v8;
	(xrf0) =	vmin.scan.msk.u32 $0xffff, v9  }
0x449: {  	v10 =	vsel vm0, $0xBF800000, v49;
	v8 =	vsel vm1, v63, v8  }
0x44a: {  	vm0 =	vgt.f32 v10, v8  }
0x44b: {  	v8 =	vsel vm0, v10, v8  }
0x44c: {  	v62, _, _ =	vpop (xrf0)  }
0x44d: {  	(v2sf) =	vpush v62, $0xF  }
0x44e: {  	(xrf0) =	vmax.scan.msk.f32 $0xffff, v8;
	v8, _, _ =	vpop (xrf0)  }
0x44f: {  	(v2sf) =	vpush v8, $0xF;
	_ =	sdelay $0x5  }
0x450: {  	v8, _, _ =	vpop (xrf0);
	(v2sf) =	vpush v12, $0xF  }
0x451: {  	(v2sf) =	vpush v8, $0xF;
	_ =	sdelay $0x5  }
0x452: {  	s29 =	simm.s32 $0xB;
	s31 =	sxor.u32 $0x80000000, s30;
	v8 =	vmov s26;
	s0 =	spop (v2sf)  }
.LBB2_8:
0x453: {  	s26 =	sadd.s32 $0x1, s26  }
0x454: {  	s28 =	sadd.s32 $0x300, s28;
	s30 =	smov.u32 s29;
	s1 =	spop (v2sf)  }
0x455: {  	p0 =	sne.s32 s29, $0x77;
	s29 =	sadd.s32 $0x6, s29;
	s1 =	sxor.u32 $0x80000000, s1  }
0x456: {  	v9 =	vmov s1  }
0x457: {  	[tilespmem:v8+s21+$0x0] =	vst.idx.msk $0x1, v9  }
0x458: {  	v8 =	vmov s31;
	_ =	sdelay $0x1  }
0x459: {  	p1 =	sgt.s32 s0, $0x1;
	s0 =	spop (v2sf)  }
0x45a: {  	[tilespmem:v9+s15+$0x0] =	vst.idx.msk $0x1, v7;
	s1 =	spop (v2sf)  }
0x45b: {  	s1 =	smov.u32 @p1 s0  }
0x45c: {  	v9 =	vmov s1  }
0x45d: {  	[tilespmem:v8+s18+$0x0] =	vst.idx.msk $0x1, v9;
	_ =	sdelay $0x1  }
0x45e: {  	v8 =	vld [tilespmem:s28+$0xFFFFFE80]  }
0x45f: {  	v9 =	vld [tilespmem:s28+$0xFFFFFE90]  }
0x460: {  	v10 =	vld [tilespmem:s28+$0xFFFFFEA0]  }
0x461: {  	v11 =	vld [tilespmem:s28+$0xFFFFFEB0]  }
0x462: {  	v12 =	vld [tilespmem:s28+$0xFFFFFEC0]  }
0x463: {  	v8 =	vand.u32 $0x7FFFFFFF, v8;
	v13 =	vld [tilespmem:s28+$0xFFFFFED0]  }
0x464: {  	v8 =	vmax.f32 v8, $-1.000000000e+00;
	v9 =	vand.u32 $0x7FFFFFFF, v9;
	v14 =	vld [tilespmem:s28+$0xFFFFFEE0]  }
0x465: {  	v8 =	vmax.f32 v8, v9;
	v9 =	vand.u32 $0x7FFFFFFF, v10;
	v10 =	vld [tilespmem:s28+$0xFFFFFEF0]  }
0x466: {  	v8 =	vmax.f32 v8, v9;
	v9 =	vand.u32 $0x7FFFFFFF, v11  }
0x467: {  	v8 =	vmax.f32 v8, v9;
	v9 =	vand.u32 $0x7FFFFFFF, v12  }
0x468: {  	v8 =	vmax.f32 v8, v9;
	v9 =	vand.u32 $0x7FFFFFFF, v13  }
0x469: {  	v8 =	vmax.f32 v8, v9;
	v9 =	vand.u32 $0x7FFFFFFF, v14  }
0x46a: {  	v8 =	vmax.f32 v8, v9;
	v9 =	vand.u32 $0x7FFFFFFF, v10  }
0x46b: {  	v8 =	vmax.f32 v8, v9  }
0x46c: {  	s0 =	sadd.s32 $0xFFFFFFFB, s30;
	(xrf0) =	vmax.scan.msk.f32 $0xffff, v8  }
0x46d: {  	v8 =	vmov s0  }
0x46e: {  	v8 =	vand.u32 $0xFFFFFFFE, v8  }
0x46f: {  	v8 =	vbroadcast v8, $0x0;
	_ =	sdelay $0x2  }
0x470: {  	v9, _, _ =	vpop (xrf0)  }
0x471: {  	v9 =	vbroadcast v9, $0xF;
	_ =	sdelay $0x1  }
0x472: {  	[tilespmem:v8+s20+$0x0] =	vst.idx.msk $0x1, v9  }
0x473: {  	v8 =	vld [tilespmem:s28+$0xFFFFFF00]  }
0x474: {  	v9 =	vld [tilespmem:s28+$0xFFFFFF10]  }
0x475: {  	v10 =	vld [tilespmem:s28+$0xFFFFFF20]  }
0x476: {  	v11 =	vld [tilespmem:s28+$0xFFFFFF30]  }
0x477: {  	v12 =	vld [tilespmem:s28+$0xFFFFFF40]  }
0x478: {  	v8 =	vand.u32 $0x7FFFFFFF, v8;
	v13 =	vld [tilespmem:s28+$0xFFFFFF50]  }
0x479: {  	v8 =	vmax.f32 v8, $-1.000000000e+00;
	v9 =	vand.u32 $0x7FFFFFFF, v9;
	v14 =	vld [tilespmem:s28+$0xFFFFFF60]  }
0x47a: {  	v8 =	vmax.f32 v8, v9;
	v9 =	vand.u32 $0x7FFFFFFF, v10;
	v10 =	vld [tilespmem:s28+$0xFFFFFF70]  }
0x47b: {  	v8 =	vmax.f32 v8, v9;
	v9 =	vand.u32 $0x7FFFFFFF, v11  }
0x47c: {  	v8 =	vmax.f32 v8, v9;
	v9 =	vand.u32 $0x7FFFFFFF, v12  }
0x47d: {  	v8 =	vmax.f32 v8, v9;
	v9 =	vand.u32 $0x7FFFFFFF, v13  }
0x47e: {  	v8 =	vmax.f32 v8, v9;
	v9 =	vand.u32 $0x7FFFFFFF, v14  }
0x47f: {  	v8 =	vmax.f32 v8, v9;
	v9 =	vand.u32 $0x7FFFFFFF, v10  }
0x480: {  	v8 =	vmax.f32 v8, v9  }
0x481: {  	(xrf0) =	vmax.scan.msk.f32 $0xffff, v8;
	_ =	sdelay $0x2  }
0x482: {  	s0 =	sadd.s32 $0xFFFFFFFC, s30  }
0x483: {  	v8 =	vmov s0;
	_ =	sdelay $0x1  }
0x484: {  	v9, _, _ =	vpop (xrf0)  }
0x485: {  	v9 =	vbroadcast v9, $0xF;
	_ =	sdelay $0x1  }
0x486: {  	[tilespmem:v8+s20+$0x0] =	vst.idx.msk $0x1, v9  }
0x487: {  	v8 =	vld [tilespmem:s28+$0xFFFFFF80]  }
0x488: {  	v9 =	vld [tilespmem:s28+$0xFFFFFF90]  }
0x489: {  	v10 =	vld [tilespmem:s28+$0xFFFFFFA0]  }
0x48a: {  	v11 =	vld [tilespmem:s28+$0xFFFFFFB0]  }
0x48b: {  	v12 =	vld [tilespmem:s28+$0xFFFFFFC0]  }
0x48c: {  	v8 =	vand.u32 $0x7FFFFFFF, v8;
	v13 =	vld [tilespmem:s28+$0xFFFFFFD0]  }
0x48d: {  	v8 =	vmax.f32 v8, $-1.000000000e+00;
	v9 =	vand.u32 $0x7FFFFFFF, v9;
	v14 =	vld [tilespmem:s28+$0xFFFFFFE0]  }
0x48e: {  	v8 =	vmax.f32 v8, v9;
	v9 =	vand.u32 $0x7FFFFFFF, v10;
	v10 =	vld [tilespmem:s28+$0xFFFFFFF0]  }
0x48f: {  	v8 =	vmax.f32 v8, v9;
	v9 =	vand.u32 $0x7FFFFFFF, v11  }
0x490: {  	v8 =	vmax.f32 v8, v9;
	v9 =	vand.u32 $0x7FFFFFFF, v12  }
0x491: {  	v8 =	vmax.f32 v8, v9;
	v9 =	vand.u32 $0x7FFFFFFF, v13  }
0x492: {  	v8 =	vmax.f32 v8, v9;
	v9 =	vand.u32 $0x7FFFFFFF, v14  }
0x493: {  	v8 =	vmax.f32 v8, v9;
	v9 =	vand.u32 $0x7FFFFFFF, v10  }
0x494: {  	v8 =	vmax.f32 v8, v9  }
0x495: {  	s0 =	sadd.s32 $0xFFFFFFFD, s30;
	(xrf0) =	vmax.scan.msk.f32 $0xffff, v8  }
0x496: {  	v8 =	vmov s0  }
0x497: {  	v8 =	vand.u32 $0xFFFFFFFE, v8  }
0x498: {  	v8 =	vbroadcast v8, $0x0;
	_ =	sdelay $0x2  }
0x499: {  	v9, _, _ =	vpop (xrf0)  }
0x49a: {  	v9 =	vbroadcast v9, $0xF;
	_ =	sdelay $0x1  }
0x49b: {  	[tilespmem:v8+s20+$0x0] =	vst.idx.msk $0x1, v9  }
0x49c: {  	v8 =	vld [tilespmem:s28+$0x0]  }
0x49d: {  	v9 =	vld [tilespmem:s28+$0x10]  }
0x49e: {  	v10 =	vld [tilespmem:s28+$0x20]  }
0x49f: {  	v11 =	vld [tilespmem:s28+$0x30]  }
0x4a0: {  	v12 =	vld [tilespmem:s28+$0x40]  }
0x4a1: {  	v8 =	vand.u32 $0x7FFFFFFF, v8;
	v13 =	vld [tilespmem:s28+$0x50]  }
0x4a2: {  	v8 =	vmax.f32 v8, $-1.000000000e+00;
	v9 =	vand.u32 $0x7FFFFFFF, v9;
	v14 =	vld [tilespmem:s28+$0x60]  }
0x4a3: {  	v8 =	vmax.f32 v8, v9;
	v9 =	vand.u32 $0x7FFFFFFF, v10;
	v10 =	vld [tilespmem:s28+$0x70]  }
0x4a4: {  	v8 =	vmax.f32 v8, v9;
	v9 =	vand.u32 $0x7FFFFFFF, v11  }
0x4a5: {  	v8 =	vmax.f32 v8, v9;
	v9 =	vand.u32 $0x7FFFFFFF, v12  }
0x4a6: {  	v8 =	vmax.f32 v8, v9;
	v9 =	vand.u32 $0x7FFFFFFF, v13  }
0x4a7: {  	v8 =	vmax.f32 v8, v9;
	v9 =	vand.u32 $0x7FFFFFFF, v14  }
0x4a8: {  	v8 =	vmax.f32 v8, v9;
	v9 =	vand.u32 $0x7FFFFFFF, v10  }
0x4a9: {  	v8 =	vmax.f32 v8, v9  }
0x4aa: {  	(xrf0) =	vmax.scan.msk.f32 $0xffff, v8;
	_ =	sdelay $0x2  }
0x4ab: {  	s0 =	sadd.s32 $0xFFFFFFFE, s30  }
0x4ac: {  	v8 =	vmov s0;
	_ =	sdelay $0x1  }
0x4ad: {  	v9, _, _ =	vpop (xrf0)  }
0x4ae: {  	v9 =	vbroadcast v9, $0xF;
	_ =	sdelay $0x1  }
0x4af: {  	[tilespmem:v8+s20+$0x0] =	vst.idx.msk $0x1, v9  }
0x4b0: {  	v8 =	vld [tilespmem:s28+$0x80]  }
0x4b1: {  	v9 =	vld [tilespmem:s28+$0x90]  }
0x4b2: {  	v10 =	vld [tilespmem:s28+$0xA0]  }
0x4b3: {  	v11 =	vld [tilespmem:s28+$0xB0]  }
0x4b4: {  	v12 =	vld [tilespmem:s28+$0xC0]  }
0x4b5: {  	v8 =	vand.u32 $0x7FFFFFFF, v8;
	v13 =	vld [tilespmem:s28+$0xD0]  }
0x4b6: {  	v8 =	vmax.f32 v8, $-1.000000000e+00;
	v9 =	vand.u32 $0x7FFFFFFF, v9;
	v14 =	vld [tilespmem:s28+$0xE0]  }
0x4b7: {  	v8 =	vmax.f32 v8, v9;
	v9 =	vand.u32 $0x7FFFFFFF, v10;
	v10 =	vld [tilespmem:s28+$0xF0]  }
0x4b8: {  	v8 =	vmax.f32 v8, v9;
	v9 =	vand.u32 $0x7FFFFFFF, v11  }
0x4b9: {  	v8 =	vmax.f32 v8, v9;
	v9 =	vand.u32 $0x7FFFFFFF, v12  }
0x4ba: {  	v8 =	vmax.f32 v8, v9;
	v9 =	vand.u32 $0x7FFFFFFF, v13  }
0x4bb: {  	v8 =	vmax.f32 v8, v9;
	v9 =	vand.u32 $0x7FFFFFFF, v14  }
0x4bc: {  	v8 =	vmax.f32 v8, v9;
	v9 =	vand.u32 $0x7FFFFFFF, v10  }
0x4bd: {  	v8 =	vmax.f32 v8, v9  }
0x4be: {  	s0 =	sadd.s32 $0xFFFFFFFF, s30;
	(xrf0) =	vmax.scan.msk.f32 $0xffff, v8  }
0x4bf: {  	v8 =	vmov s0  }
0x4c0: {  	v8 =	vand.u32 $0xFFFFFFFE, v8  }
0x4c1: {  	v8 =	vbroadcast v8, $0x0;
	_ =	sdelay $0x2  }
0x4c2: {  	v9, _, _ =	vpop (xrf0)  }
0x4c3: {  	v9 =	vbroadcast v9, $0xF;
	_ =	sdelay $0x1  }
0x4c4: {  	[tilespmem:v8+s20+$0x0] =	vst.idx.msk $0x1, v9  }
0x4c5: {  	v8 =	vld [tilespmem:s28+$0x100]  }
0x4c6: {  	v9 =	vld [tilespmem:s28+$0x110]  }
0x4c7: {  	v10 =	vld [tilespmem:s28+$0x120]  }
0x4c8: {  	v11 =	vld [tilespmem:s28+$0x130]  }
0x4c9: {  	v12 =	vld [tilespmem:s28+$0x140]  }
0x4ca: {  	v8 =	vand.u32 $0x7FFFFFFF, v8;
	v13 =	vld [tilespmem:s28+$0x150]  }
0x4cb: {  	v8 =	vmax.f32 v8, $-1.000000000e+00;
	v9 =	vand.u32 $0x7FFFFFFF, v9;
	v14 =	vld [tilespmem:s28+$0x160]  }
0x4cc: {  	v8 =	vmax.f32 v8, v9;
	v9 =	vand.u32 $0x7FFFFFFF, v10;
	v10 =	vld [tilespmem:s28+$0x170]  }
0x4cd: {  	v8 =	vmax.f32 v8, v9;
	v9 =	vand.u32 $0x7FFFFFFF, v11  }
0x4ce: {  	v8 =	vmax.f32 v8, v9;
	v9 =	vand.u32 $0x7FFFFFFF, v12  }
0x4cf: {  	v8 =	vmax.f32 v8, v9;
	v9 =	vand.u32 $0x7FFFFFFF, v13  }
0x4d0: {  	v8 =	vmax.f32 v8, v9;
	v9 =	vand.u32 $0x7FFFFFFF, v14  }
0x4d1: {  	v8 =	vmax.f32 v8, v9;
	v9 =	vand.u32 $0x7FFFFFFF, v10  }
0x4d2: {  	v8 =	vmax.f32 v8, v9  }
0x4d3: {  	(xrf0) =	vmax.scan.msk.f32 $0xffff, v8;
	_ =	sdelay $0x3  }
0x4d4: {  	v8 =	vmov s30;
	_ =	sdelay $0x1  }
0x4d5: {  	v9, _, _ =	vpop (xrf0)  }
0x4d6: {  	v9 =	vbroadcast v9, $0xF;
	_ =	sdelay $0x1  }
0x4d7: {  	[tilespmem:v8+s20+$0x0] =	vst.idx.msk $0x1, v9  }
0x4d8: {  	v10 =	vld [tilespmem:$0x8020]  }
0x4d9: {  	v11 =	vld [tilespmem:$0x8000]  }
0x4da: {  	v12 =	vld [tilespmem:$0x8010]  }
0x4db: {  	v13 =	vld [tilespmem:$0x8030];
	_ =	sdelay $0x3  }
0x4dc: {  	v8 =	vmax.f32 v11, v12  }
0x4dd: {  	v8 =	vmax.f32 v8, v10  }
0x4de: {  	v8 =	vmax.f32 v8, v13  }
0x4df: {  	(xrf0) =	vmax.scan.msk.f32 $0xffff, v8;
	_ =	sdelay $0x5  }
0x4e0: {  	v8, _, _ =	vpop (xrf0)  }
0x4e1: {  	v9 =	vbroadcast v8, $0xF;
	_ =	sdelay $0x1  }
0x4e2: {  	vm0 =	veq.f32 v12, v9;
	vm1 =	veq.f32 v10, v9;
	vm2 =	veq.f32 v13, v9  }
0x4e3: {  	vm3 =	veq.f32 v11, v9;
	v10 =	vnsel vm2, $0xC0000000, v2  }
0x4e4: {  	v10 =	vsel vm1, v3, v10  }
0x4e5: {  	v10 =	vsel vm0, v4, v10  }
0x4e6: {  	v10 =	vsel vm3, v5, v10  }
0x4e7: {  	(xrf0) =	vmin.scan.msk.u32 $0xffff, v10;
	_ =	sdelay $0x5  }
0x4e8: {  	v10, _, _ =	vpop (xrf0)  }
0x4e9: {  	(v2sf) =	vpush v10, $0xF;
	_ =	sdelay $0xe  }
0x4ea: {  	s0 =	spop (v2sf)  }
0x4eb: {  	s31 =	sxor.u32 $0x80000000, s0;
	s1 =	sshll.u32 s0, $0x7;
	s0 =	sshll.u32 s0, $0x9  }
0x4ec: {  	s0 =	sshra.s32 s0, $0x2;
	v10 =	vor.u32 s1, v0;
	s3 =	sor.u32 $0x10, s1;
	s4 =	sor.u32 $0x20, s1  }
0x4ed: {  	s5 =	sor.u32 $0x30, s1;
	s6 =	sor.u32 $0x40, s1;
	s7 =	sor.u32 $0x50, s1;
	vm0 =	vlt.s32 v10, $0x40000000;
	v11 =	vld [tilespmem:s0+$0x4010]  }
0x4ee: {  	s30 =	sor.u32 $0x60, s1;
	s1 =	sor.u32 $0x70, s1;
	v12 =	vld [tilespmem:s0+$0x4000];
	v10 =	vnsel vm0, $0x40000000, v10  }
0x4ef: {  	v13 =	vld [tilespmem:s0+$0x4020]  }
0x4f0: {  	v14 =	vld [tilespmem:s0+$0x4030]  }
0x4f1: {  	v16 =	vor.u32 s7, v0;
	v17 =	vor.u32 s30, v0;
	v18 =	vor.u32 s1, v0;
	v15 =	vld [tilespmem:s0+$0x4040]  }
0x4f2: {  	v19 =	vor.u32 s4, v0;
	v20 =	vor.u32 s5, v0;
	v21 =	vor.u32 s6, v0;
	v22 =	vld [tilespmem:s0+$0x4050]  }
0x4f3: {  	v23 =	vor.u32 s3, v0;
	v11 =	vand.u32 $0x7FFFFFFF, v11;
	v12 =	vand.u32 $0x7FFFFFFF, v12;
	v24 =	vld [tilespmem:s0+$0x4060]  }
0x4f4: {  	vm1 =	veq.f32 v11, v9;
	vm0 =	veq.f32 v12, v9;
	v13 =	vand.u32 $0x7FFFFFFF, v13;
	v25 =	vld [tilespmem:s0+$0x4070]  }
0x4f5: {  	v10 =	vnsel vm0, $0x40000000, v10;
	v12 =	vsel vm0, $0xBF800000, v12;
	vm2 =	veq.f32 v13, v9  }
0x4f6: {  	vm3 =	vlt.s32 v10, v23;
	v19 =	vnsel vm2, $0x40000000, v19;
	v26 =	vsel vm2, $0x1, v6  }
0x4f7: {  	v28 =	vsel vm1, $0x1, v6;
	v27 =	vsel vm0, $0x1, v6;
	v23 =	vsel vm3, v10, v23  }
0x4f8: {  	v14 =	vand.u32 $0x7FFFFFFF, v14;
	v10 =	vsel vm1, v23, v10;
	v23 =	vand.u32 $0x7FFFFFFF, v24  }
0x4f9: {  	v15 =	vand.u32 $0x7FFFFFFF, v15;
	vm3 =	vlt.s32 v10, v19;
	v24 =	vand.u32 $0x7FFFFFFF, v25  }
0x4fa: {  	vm4 =	veq.f32 v14, v9;
	vm5 =	veq.f32 v15, v9;
	vm0 =	veq.f32 v24, v9  }
0x4fb: {  	v11 =	vsel vm1, $0xBF800000, v11;
	v13 =	vsel vm2, $0xBF800000, v13;
	v25 =	vsel vm0, $0x1, v6  }
0x4fc: {  	v20 =	vnsel vm4, $0x40000000, v20;
	v22 =	vand.u32 $0x7FFFFFFF, v22;
	v18 =	vnsel vm0, $0x40000000, v18  }
0x4fd: {  	v27 =	vadd.s32 v28, v27;
	v21 =	vnsel vm5, $0x40000000, v21;
	v28 =	vsel vm5, $0x1, v6  }
0x4fe: {  	vm2 =	veq.f32 v22, v9;
	v10 =	vsel vm3, v10, v19;
	v19 =	vsel vm4, $0x1, v6  }
0x4ff: {  	v16 =	vnsel vm2, $0x40000000, v16;
	vm3 =	vgt.f32 v12, $-1.000000000e+00;
	vm6 =	vlt.s32 v10, v20  }
0x500: {  	v26 =	vadd.s32 v26, v27;
	v15 =	vsel vm5, $0xBF800000, v15;
	vm1 =	veq.f32 v23, v9  }
0x501: {  	v17 =	vnsel vm1, $0x40000000, v17;
	v9 =	vsel vm6, v10, v20;
	v10 =	vsel vm2, $0x1, v6  }
0x502: {  	v14 =	vsel vm4, $0xBF800000, v14;
	v20 =	vsel vm2, $0xBF800000, v22;
	vm4 =	vlt.s32 v9, v21  }
0x503: {  	v12 =	vnsel vm3, $0xBF800000, v12;
	v19 =	vadd.s32 v19, v26;
	v9 =	vsel vm4, v9, v21  }
0x504: {  	vm2 =	vgt.f32 v11, v12;
	v19 =	vadd.s32 v28, v19;
	vm3 =	vlt.s32 v9, v16  }
0x505: {  	v11 =	vsel vm2, v11, v12;
	v10 =	vadd.s32 v10, v19;
	v9 =	vsel vm3, v9, v16  }
0x506: {  	v12 =	vsel vm1, $0x1, v6;
	vm2 =	vgt.f32 v13, v11;
	vm3 =	vlt.s32 v9, v17  }
0x507: {  	v10 =	vadd.s32 v12, v10;
	v11 =	vsel vm2, v13, v11;
	v9 =	vsel vm3, v9, v17  }
0x508: {  	v10 =	vadd.s32 v25, v10;
	vm2 =	vgt.f32 v14, v11;
	vm3 =	vlt.s32 v9, v18  }
0x509: {  	v11 =	vsel vm2, v14, v11;
	v9 =	vsel vm3, v9, v18;
	(xrf0) =	vadd.scan.msk.s32 $0xffff, v10  }
0x50a: {  	vm2 =	vgt.f32 v15, v11;
	v9 =	vxor.u32 $0x80000000, v9;
	v10 =	vsel vm1, $0xBF800000, v23  }
0x50b: {  	v11 =	vsel vm2, v15, v11;
	(xrf0) =	vmin.scan.msk.u32 $0xffff, v9  }
0x50c: {  	vm1 =	vgt.f32 v20, v11  }
0x50d: {  	v9 =	vsel vm1, v20, v11  }
0x50e: {  	v11 =	vsel vm0, $0xBF800000, v24;
	vm1 =	vgt.f32 v10, v9  }
0x50f: {  	v9 =	vsel vm1, v10, v9;
	v10, _, _ =	vpop (xrf0)  }
0x510: {  	vm0 =	vgt.f32 v11, v9;
	(v2sf) =	vpush v10, $0xF  }
0x511: {  	v9 =	vsel vm0, v11, v9;
	v10, _, _ =	vpop (xrf0)  }
0x512: {  	(v2sf) =	vpush v10, $0xF;
	(xrf0) =	vmax.scan.msk.f32 $0xffff, v9;
	_ =	sdelay $0x5  }
0x513: {  	(v2sf) =	vpush v8, $0xF;
	v8, _, _ =	vpop (xrf0)  }
0x514: {  	(v2sf) =	vpush v8, $0xF;
	_ =	sdelay $0x1  }
.Ltmp3:
0x515: {  	(pc) =	sbr.rel @p0 .LBB2_8-.Ltmp3, $2  }
0x516: {  	_ =	sdelay $0x2  }
0x517: {  	v8 =	vmov s26;
	s0 =	spop (v2sf)  }
0x518: {  	_ =	sdelay $0x2  }
0x519: {  	s1 =	spop (v2sf)  }
0x51a: {  	s1 =	sxor.u32 $0x80000000, s1  }
0x51b: {  	v9 =	vmov s1  }
0x51c: {  	v10 =	vmov s31  }
0x51d: {  	s1 =	spop (v2sf)  }
0x51e: {  	p0 =	sgt.s32 s0, $0x1;
	s0 =	spop (v2sf)  }
0x51f: {  	[tilespmem:v8+s21+$0x0] =	vst.idx.msk $0x1, v9;
	s0 =	smov.u32 @p0 s1  }
0x520: {  	[tilespmem:v9+s15+$0x0] =	vst.idx.msk $0x1, v7;
	v8 =	vmov s0  }
0x521: {  	[tilespmem:v10+s18+$0x0] =	vst.idx.msk $0x1, v8  }
0x522: {  	v8 =	vld [tilespmem:$0x8100]  }
0x523: {  	v9 =	vld [tilespmem:$0x8110];
	_ =	sdelay $0x3  }
0x524: {  	v10 =	vxor.u32 $0x80000000, v8  }
0x525: {  	(xrf1) =	vsort.ascd.msk.u32 $0xffff, v10, v8;
	v8 =	vxor.u32 $0x80000000, v9  }
0x526: {  	(xrf1) =	vsort.dscd.msk.u32 $0xffff, v8, v9;
	_ =	sdelay $0xc  }
0x527: {  	v8, _, _ =	vpop (xrf1)  }
0x528: {  	v9, _, _ =	vpop (xrf1)  }
0x529: {  	v8 =	vxor.u32 $0x80000000, v8;
	v9 =	vxor.u32 $0x80000000, v9  }
0x52a: {  	vm0 =	vgt.s32 v8, v9  }
0x52b: {  	v10 =	vsel vm0, v9, v8  }
0x52c: {  	v8 =	vsel vm0, v8, v9;
	v9 =	vxor.u32 $0x80000000, v10  }
0x52d: {  	(xrf1) =	vsort.ascd.msk.u32 $0xffff, v9, v10;
	v9 =	vxor.u32 $0x80000000, v8  }
0x52e: {  	(xrf1) =	vsort.ascd.msk.u32 $0xffff, v9, v8;
	_ =	sdelay $0xc  }
0x52f: {  	v8, _, _ =	vpop (xrf1)  }
0x530: {  	v8 =	vxor.u32 $0x80000000, v8;
	v9, _, _ =	vpop (xrf1)  }
0x531: {  	[tilespmem:$0x8100] =	vst v8;
	v8 =	vxor.u32 $0x80000000, v9  }
0x532: {  	s26 =	simm.s32 $0x0;
	[tilespmem:$0x8110] =	vst v8  }
0x533: {  	[hbm4b:s9+s26] =	stream.linear.scatter [tilespmem:s21], [sflag:$0x5], $0x80, $0x38;
	[tilespmem:$0x8180] =	vst v63  }
0x534: {  	_ =	swait.ge [sflag:s24], $0x80  }
0x535: {  	[sflag:s24] =	ssyncset.done $0x0  }
0x536: {  	[sflag:s24] =	ssyncadd.s32 $0xFFFFFF80  }
0x537: {  	v10 =	vld [tilespmem:$0x8090]  }
0x538: {  	v11 =	vld [tilespmem:$0x8080]  }
0x539: {  	v12 =	vld [tilespmem:$0x80A0]  }
0x53a: {  	v13 =	vld [tilespmem:$0x80B0];
	_ =	sdelay $0x2  }
0x53b: {  	v8 =	vmax.f32 v11, v10  }
0x53c: {  	v8 =	vmax.f32 v8, v12  }
0x53d: {  	v8 =	vmax.f32 v8, v13  }
0x53e: {  	(xrf0) =	vmax.scan.msk.f32 $0xffff, v8;
	_ =	sdelay $0x5  }
0x53f: {  	v8, _, _ =	vpop (xrf0)  }
0x540: {  	v9 =	vbroadcast v8, $0xF;
	_ =	sdelay $0x1  }
0x541: {  	vm0 =	veq.f32 v13, v9  }
0x542: {  	vm1 =	veq.f32 v12, v9;
	v12 =	vnsel vm0, $0xC0000000, v2  }
0x543: {  	vm0 =	veq.f32 v10, v9;
	v10 =	vsel vm1, v3, v12  }
0x544: {  	vm1 =	veq.f32 v11, v9;
	v10 =	vsel vm0, v4, v10  }
0x545: {  	v10 =	vsel vm1, v5, v10  }
0x546: {  	(xrf0) =	vmin.scan.msk.u32 $0xffff, v10;
	_ =	sdelay $0x5  }
0x547: {  	v10, _, _ =	vpop (xrf0)  }
0x548: {  	(v2sf) =	vpush v10, $0xF;
	_ =	sdelay $0xe  }
0x549: {  	s29 =	spop (v2sf)  }
0x54a: {  	s6 =	sshll.u32 s29, $0x9  }
0x54b: {  	s30 =	sshra.s32 s6, $0x2  }
0x54c: {  	v12 =	vld [tilespmem:s30+$0x6000]  }
0x54d: {  	v13 =	vld [tilespmem:s30+$0x6020]  }
0x54e: {  	v15 =	vld [tilespmem:s30+$0x6010]  }
0x54f: {  	s0 =	sshll.u32 s29, $0x7;
	v19 =	vld [tilespmem:s30+$0x6030]  }
0x550: {  	v10 =	vor.u32 s0, v0;
	s3 =	sor.u32 $0x40, s0;
	s4 =	sor.u32 $0x50, s0;
	v22 =	vld [tilespmem:s30+$0x6040]  }
0x551: {  	s5 =	sor.u32 $0x60, s0;
	s31 =	sor.u32 $0x20, s0;
	s6 =	sor.u32 $0x30, s0;
	vm0 =	vlt.s32 v10, $0x40000000;
	v16 =	vor.u32 s3, v0;
	v17 =	vor.u32 s4, v0  }
0x552: {  	s7 =	sor.u32 $0x70, s0;
	s0 =	sor.u32 $0x10, s0;
	v11 =	vor.u32 s5, v0;
	v18 =	vor.u32 s31, v0;
	v20 =	vor.u32 s6, v0  }
0x553: {  	v21 =	vor.u32 s0, v0;
	v14 =	vnsel vm0, $0x40000000, v10;
	v10 =	vor.u32 s7, v0  }
0x554: {  	v12 =	vand.u32 $0x7FFFFFFF, v12;
	v13 =	vand.u32 $0x7FFFFFFF, v13;
	v15 =	vand.u32 $0x7FFFFFFF, v15  }
0x555: {  	v19 =	vand.u32 $0x7FFFFFFF, v19;
	v22 =	vand.u32 $0x7FFFFFFF, v22;
	vm0 =	veq.f32 v12, v9  }
0x556: {  	vm1 =	veq.f32 v13, v9;
	vm4 =	veq.f32 v15, v9;
	v14 =	vnsel vm0, $0x40000000, v14  }
0x557: {  	v12 =	vsel vm0, $0xBF800000, v12;
	v13 =	vsel vm1, $0xBF800000, v13;
	vm3 =	vlt.s32 v14, v21  }
0x558: {  	v18 =	vnsel vm1, $0x40000000, v18;
	vm2 =	vgt.f32 v12, $-1.000000000e+00;
	v21 =	vsel vm3, v14, v21  }
0x559: {  	v12 =	vnsel vm2, $0xBF800000, v12;
	vm2 =	veq.f32 v19, v9;
	v14 =	vsel vm4, v21, v14  }
0x55a: {  	v15 =	vsel vm4, $0xBF800000, v15;
	v20 =	vnsel vm2, $0x40000000, v20;
	vm3 =	vlt.s32 v14, v18  }
0x55b: {  	v21 =	vld [tilespmem:s30+$0x6050];
	v14 =	vsel vm3, v14, v18;
	v18 =	vsel vm1, $0x1, v6;
	vm1 =	vgt.f32 v15, v12  }
0x55c: {  	v23 =	vsel vm0, $0x1, v6;
	vm0 =	vlt.s32 v14, v20;
	v15 =	vsel vm1, v15, v12  }
0x55d: {  	v24 =	vld [tilespmem:s30+$0x6060];
	v14 =	vsel vm0, v14, v20;
	vm0 =	veq.f32 v22, v9;
	v20 =	vsel vm4, $0x1, v6  }
0x55e: {  	vm3 =	vgt.f32 v13, v15;
	v16 =	vnsel vm0, $0x40000000, v16;
	v20 =	vadd.s32 v20, v23  }
0x55f: {  	v23 =	vsel vm2, $0xBF800000, v19;
	vm1 =	vlt.s32 v14, v16;
	v12 =	vadd.s32 v18, v20;
	v20 =	vld [tilespmem:s30+$0x6070]  }
0x560: {  	v13 =	vsel vm3, v13, v15;
	v19 =	vsel vm1, v14, v16;
	v14 =	vand.u32 $0x7FFFFFFF, v21  }
0x561: {  	v15 =	vsel vm0, $0xBF800000, v22;
	vm3 =	vgt.f32 v23, v13;
	vm1 =	veq.f32 v14, v9  }
0x562: {  	v18 =	vand.u32 $0x7FFFFFFF, v24;
	v16 =	vsel vm3, v23, v13;
	v21 =	vnsel vm1, $0x40000000, v17  }
0x563: {  	s28 =	simm.s32 $0x1;
	s29 =	sxor.u32 $0x80000000, s29;
	v13 =	vsel vm1, $0x1, v6;
	v17 =	vsel vm2, $0x1, v6;
	vm2 =	vlt.s32 v19, v21  }
.LBB2_10:
0x564: {  	p0 =	sne.s32 s28, $0x13;
	v19 =	vsel vm2, v19, v21;
	vm2 =	veq.f32 v18, v9;
	v20 =	vand.u32 $0x7FFFFFFF, v20;
	s30 =	smov.u32 s28;
	s28 =	sadd.s32 $0x1, s28  }
0x565: {  	vm3 =	vgt.f32 v15, v16;
	v11 =	vnsel vm2, $0x40000000, v11;
	vm4 =	veq.f32 v20, v9  }
0x566: {  	vm5 =	vlt.s32 v19, v11;
	v9 =	vnsel vm4, $0x40000000, v10;
	v10 =	vsel vm4, $0xBF800000, v20  }
0x567: {  	v18 =	vsel vm2, $0xBF800000, v18;
	v20 =	vsel vm0, $0x1, v6;
	v11 =	vsel vm5, v19, v11  }
0x568: {  	v14 =	vsel vm1, $0xBF800000, v14;
	v15 =	vsel vm3, v15, v16;
	vm0 =	vlt.s32 v11, v9  }
0x569: {  	v12 =	vadd.s32 v17, v12;
	vm1 =	vgt.f32 v14, v15;
	v9 =	vsel vm0, v11, v9  }
0x56a: {  	v11 =	vadd.s32 v20, v12;
	v12 =	vsel vm1, v14, v15;
	v9 =	vxor.u32 $0x80000000, v9  }
0x56b: {  	v11 =	vadd.s32 v13, v11;
	v13 =	vsel vm2, $0x1, v6;
	vm0 =	vgt.f32 v18, v12;
	(xrf0) =	vmin.scan.msk.u32 $0xffff, v9  }
0x56c: {  	v9 =	vadd.s32 v13, v11;
	v11 =	vsel vm0, v18, v12;
	v12 =	vsel vm4, $0x1, v6  }
0x56d: {  	v9 =	vadd.s32 v12, v9;
	vm0 =	vgt.f32 v10, v11  }
0x56e: {  	v10 =	vsel vm0, v10, v11;
	(xrf0) =	vadd.scan.msk.s32 $0xffff, v9  }
0x56f: {  	(xrf0) =	vmax.scan.msk.f32 $0xffff, v10;
	_ =	sdelay $0x1  }
0x570: {  	v9, _, _ =	vpop (xrf0)  }
0x571: {  	(v2sf) =	vpush v9, $0xF;
	_ =	sdelay $0x1  }
0x572: {  	(v2sf) =	vpush v8, $0xF;
	v8, _, _ =	vpop (xrf0)  }
0x573: {  	(v2sf) =	vpush v8, $0xF;
	v8, _, _ =	vpop (xrf0)  }
0x574: {  	(v2sf) =	vpush v8, $0xF;
	_ =	sdelay $0x8  }
0x575: {  	v8 =	vmov s26;
	s26 =	smov.u32 s30;
	_ =	sdelay $0x1  }
0x576: {  	s0 =	spop (v2sf)  }
0x577: {  	s0 =	sxor.u32 $0x80000000, s0  }
0x578: {  	v10 =	vmov s29;
	v9 =	vmov s0;
	s0 =	spop (v2sf)  }
0x579: {  	[tilespmem:v8+s21+$0x0] =	vst.idx.msk $0x1, v9;
	s1 =	spop (v2sf)  }
0x57a: {  	p1 =	sgt.s32 s1, $0x1;
	s1 =	spop (v2sf)  }
0x57b: {  	s1 =	smov.u32 @p1 s0  }
0x57c: {  	v8 =	vmov s1  }
0x57d: {  	[tilespmem:v9+s16+$0x0] =	vst.idx.msk $0x1, v7  }
0x57e: {  	[tilespmem:v10+s20+$0x0] =	vst.idx.msk $0x1, v8  }
0x57f: {  	v10 =	vld [tilespmem:$0x8090]  }
0x580: {  	v11 =	vld [tilespmem:$0x8080]  }
0x581: {  	v12 =	vld [tilespmem:$0x80A0]  }
0x582: {  	v13 =	vld [tilespmem:$0x80B0];
	_ =	sdelay $0x2  }
0x583: {  	v8 =	vmax.f32 v11, v10  }
0x584: {  	v8 =	vmax.f32 v8, v12  }
0x585: {  	v8 =	vmax.f32 v8, v13  }
0x586: {  	(xrf0) =	vmax.scan.msk.f32 $0xffff, v8;
	_ =	sdelay $0x5  }
0x587: {  	v8, _, _ =	vpop (xrf0)  }
0x588: {  	v9 =	vbroadcast v8, $0xF;
	_ =	sdelay $0x1  }
0x589: {  	vm0 =	veq.f32 v11, v9;
	vm1 =	veq.f32 v12, v9;
	vm2 =	veq.f32 v13, v9  }
0x58a: {  	vm3 =	veq.f32 v10, v9;
	v10 =	vnsel vm2, $0xC0000000, v2  }
0x58b: {  	v10 =	vsel vm1, v3, v10  }
0x58c: {  	v10 =	vsel vm3, v4, v10  }
0x58d: {  	v10 =	vsel vm0, v5, v10  }
0x58e: {  	(xrf0) =	vmin.scan.msk.u32 $0xffff, v10;
	_ =	sdelay $0x5  }
0x58f: {  	v10, _, _ =	vpop (xrf0)  }
0x590: {  	(v2sf) =	vpush v10, $0xF;
	_ =	sdelay $0xe  }
0x591: {  	s0 =	spop (v2sf)  }
0x592: {  	s29 =	sxor.u32 $0x80000000, s0;
	s1 =	sshll.u32 s0, $0x7;
	s0 =	sshll.u32 s0, $0x9  }
0x593: {  	s30 =	sshra.s32 s0, $0x2;
	v10 =	vor.u32 s1, v0;
	s0 =	sor.u32 $0x10, s1;
	s3 =	sor.u32 $0x20, s1  }
0x594: {  	s4 =	sor.u32 $0x30, s1;
	s5 =	sor.u32 $0x40, s1;
	s6 =	sor.u32 $0x50, s1;
	v12 =	vld [tilespmem:s30+$0x6000];
	vm0 =	vlt.s32 v10, $0x40000000  }
0x595: {  	s7 =	sor.u32 $0x60, s1;
	s1 =	sor.u32 $0x70, s1;
	v13 =	vnsel vm0, $0x40000000, v10;
	v14 =	vld [tilespmem:s30+$0x6020];
	_ =	sdelay $0x1  }
0x596: {  	v10 =	vor.u32 s1, v0;
	v15 =	vld [tilespmem:s30+$0x6010]  }
0x597: {  	v16 =	vor.u32 s5, v0;
	v17 =	vor.u32 s6, v0;
	v11 =	vor.u32 s7, v0  }
0x598: {  	v18 =	vor.u32 s3, v0;
	v20 =	vor.u32 s4, v0;
	v12 =	vand.u32 $0x7FFFFFFF, v12;
	v19 =	vld [tilespmem:s30+$0x6030]  }
0x599: {  	v21 =	vor.u32 s0, v0;
	vm0 =	veq.f32 v12, v9;
	v14 =	vand.u32 $0x7FFFFFFF, v14  }
0x59a: {  	v13 =	vnsel vm0, $0x40000000, v13;
	v12 =	vsel vm0, $0xBF800000, v12;
	vm1 =	veq.f32 v14, v9;
	v22 =	vld [tilespmem:s30+$0x6040]  }
0x59b: {  	vm2 =	vgt.f32 v12, $-1.000000000e+00;
	v15 =	vand.u32 $0x7FFFFFFF, v15;
	vm3 =	vlt.s32 v13, v21  }
0x59c: {  	v14 =	vsel vm1, $0xBF800000, v14;
	vm4 =	veq.f32 v15, v9;
	v21 =	vsel vm3, v13, v21;
	v23 =	vld [tilespmem:s30+$0x6050]  }
0x59d: {  	v18 =	vnsel vm1, $0x40000000, v18;
	v13 =	vsel vm4, v21, v13;
	v19 =	vand.u32 $0x7FFFFFFF, v19  }
0x59e: {  	v12 =	vnsel vm2, $0xBF800000, v12;
	vm3 =	vlt.s32 v13, v18;
	vm2 =	veq.f32 v19, v9  }
0x59f: {  	v13 =	vsel vm3, v13, v18;
	v18 =	vsel vm1, $0x1, v6;
	v20 =	vnsel vm2, $0x40000000, v20  }
0x5a0: {  	v21 =	vsel vm0, $0x1, v6;
	v22 =	vand.u32 $0x7FFFFFFF, v22;
	vm0 =	vlt.s32 v13, v20  }
0x5a1: {  	v15 =	vsel vm4, $0xBF800000, v15;
	v13 =	vsel vm0, v13, v20;
	vm0 =	veq.f32 v22, v9  }
0x5a2: {  	vm1 =	vgt.f32 v15, v12;
	v20 =	vsel vm4, $0x1, v6;
	v16 =	vnsel vm0, $0x40000000, v16;
	v24 =	vld [tilespmem:s30+$0x6060]  }
0x5a3: {  	v15 =	vsel vm1, v15, v12;
	v21 =	vadd.s32 v20, v21;
	vm1 =	vlt.s32 v13, v16  }
.Ltmp4:
0x5a4: {  	v25 =	vsel vm2, $0xBF800000, v19;
	vm3 =	vgt.f32 v14, v15;
	v19 =	vsel vm1, v13, v16;
	v20 =	vld [tilespmem:s30+$0x6070];
	(pc) =	sbr.rel @p0 .LBB2_10-.Ltmp4, $4  }
0x5a5: {  	v12 =	vadd.s32 v18, v21;
	v13 =	vsel vm3, v14, v15;
	v14 =	vand.u32 $0x7FFFFFFF, v23  }
0x5a6: {  	v15 =	vsel vm0, $0xBF800000, v22;
	vm3 =	vgt.f32 v25, v13;
	vm1 =	veq.f32 v14, v9  }
0x5a7: {  	v16 =	vsel vm3, v25, v13;
	v21 =	vnsel vm1, $0x40000000, v17;
	v13 =	vsel vm1, $0x1, v6  }
0x5a8: {  	v17 =	vsel vm2, $0x1, v6;
	vm2 =	vlt.s32 v19, v21;
	v18 =	vand.u32 $0x7FFFFFFF, v24  }
0x5a9: {  	vm3 =	veq.f32 v18, v9  }
0x5aa: {  	v19 =	vsel vm2, v19, v21;
	v20 =	vand.u32 $0x7FFFFFFF, v20;
	v11 =	vnsel vm3, $0x40000000, v11  }
0x5ab: {  	vm12 =	veq.f32 v20, v9;
	vm4 =	vlt.s32 v19, v11  }
0x5ac: {  	vm5 =	vgt.f32 v15, v16;
	v9 =	vnsel vm12, $0x40000000, v10;
	v48 =	vsel vm4, v19, v11  }
0x5ad: {  	v50 =	vsel vm0, $0x1, v6;
	v14 =	vsel vm1, $0xBF800000, v14;
	vm13 =	vlt.s32 v48, v9  }
0x5ae: {  	v51 =	vadd.s32 v17, v12;
	v15 =	vsel vm5, v15, v16;
	v9 =	vsel vm13, v48, v9  }
0x5af: {  	v52 =	vsel vm3, $0xBF800000, v18;
	vm14 =	vgt.f32 v14, v15;
	v9 =	vxor.u32 $0x80000000, v9  }
0x5b0: {  	v54 =	vsel vm3, $0x1, v6;
	v10 =	vadd.s32 v50, v51;
	v14 =	vsel vm14, v14, v15;
	(xrf0) =	vmin.scan.msk.u32 $0xffff, v9  }
0x5b1: {  	v49 =	vsel vm12, $0xBF800000, v20;
	v53 =	vadd.s32 v13, v10;
	vm0 =	vgt.f32 v52, v14  }
0x5b2: {  	v56 =	vsel vm12, $0x1, v6;
	v55 =	vsel vm0, v52, v14;
	v9 =	vadd.s32 v54, v53  }
0x5b3: {  	vm0 =	vgt.f32 v49, v55;
	v9 =	vadd.s32 v56, v9  }
0x5b4: {  	v10 =	vsel vm0, v49, v55;
	(xrf0) =	vadd.scan.msk.s32 $0xffff, v9  }
0x5b5: {  	(xrf0) =	vmax.scan.msk.f32 $0xffff, v10  }
0x5b6: {  	v57, _, _ =	vpop (xrf0)  }
0x5b7: {  	(v2sf) =	vpush v57, $0xF;
	_ =	sdelay $0x2  }
0x5b8: {  	(v2sf) =	vpush v8, $0xF;
	v8, _, _ =	vpop (xrf0)  }
0x5b9: {  	(v2sf) =	vpush v8, $0xF;
	v8, _, _ =	vpop (xrf0)  }
0x5ba: {  	(v2sf) =	vpush v8, $0xF;
	_ =	sdelay $0x9  }
0x5bb: {  	s0 =	spop (v2sf)  }
0x5bc: {  	v8 =	vmov s26;
	s0 =	sxor.u32 $0x80000000, s0  }
0x5bd: {  	v58 =	vmov s0  }
0x5be: {  	v59 =	vmov s29;
	s0 =	spop (v2sf)  }
0x5bf: {  	s1 =	spop (v2sf)  }
0x5c0: {  	p0 =	sgt.s32 s1, $0x1;
	s1 =	spop (v2sf)  }
0x5c1: {  	[tilespmem:v8+s21+$0x0] =	vst.idx.msk $0x1, v58;
	s1 =	smov.u32 @p0 s0  }
0x5c2: {  	v8 =	vmov s1;
	[tilespmem:v58+s16+$0x0] =	vst.idx.msk $0x1, v7  }
0x5c3: {  	[tilespmem:v59+s20+$0x0] =	vst.idx.msk $0x1, v8  }
0x5c4: {  	v8 =	vld [tilespmem:$0x8100]  }
0x5c5: {  	v9 =	vld [tilespmem:$0x8110];
	_ =	sdelay $0x3  }
0x5c6: {  	v60 =	vxor.u32 $0x80000000, v8  }
0x5c7: {  	(xrf1) =	vsort.ascd.msk.u32 $0xffff, v60, v8;
	v8 =	vxor.u32 $0x80000000, v9  }
0x5c8: {  	(xrf1) =	vsort.dscd.msk.u32 $0xffff, v8, v9;
	_ =	sdelay $0xc  }
0x5c9: {  	v8, _, _ =	vpop (xrf1)  }
0x5ca: {  	v9, _, _ =	vpop (xrf1)  }
0x5cb: {  	v8 =	vxor.u32 $0x80000000, v8;
	v9 =	vxor.u32 $0x80000000, v9  }
0x5cc: {  	vm15 =	vgt.s32 v8, v9  }
0x5cd: {  	v61 =	vsel vm15, v9, v8  }
0x5ce: {  	v8 =	vsel vm15, v8, v9;
	v62 =	vxor.u32 $0x80000000, v61  }
0x5cf: {  	v63 =	vxor.u32 $0x80000000, v8;
	(xrf1) =	vsort.ascd.msk.u32 $0xffff, v62, v61  }
0x5d0: {  	(xrf1) =	vsort.ascd.msk.u32 $0xffff, v63, v8;
	_ =	sdelay $0xc  }
0x5d1: {  	v8, _, _ =	vpop (xrf1)  }
0x5d2: {  	s25 =	sadd.s32 $0x1, s25;
	v8 =	vxor.u32 $0x80000000, v8;
	v9, _, _ =	vpop (xrf1)  }
0x5d3: {  	p0 =	sne.s32 s25, s11;
	[tilespmem:$0x8100] =	vst v8;
	v8 =	vxor.u32 $0x80000000, v9  }
.Ltmp5:
0x5d4: {  	[tilespmem:$0x8110] =	vst v8;
	(pc) =	sbr.rel @p0 .LBB2_1-.Ltmp5, $4  }
0x5d5: {  	[hbm4b:s10+s2] =	stream.linear.scatter [tilespmem:s21], [sflag:$0x5], $0x80, $0x38;
	[tilespmem:$0x8180] =	vst v63  }
0x5d6: {  	_ =	swait.ge [sflag:s24], $0x80  }
0x5d7: {  	[sflag:s24] =	ssyncset.done $0x0  }
0x5d8: {  	[sflag:s24] =	ssyncadd.s32 $0xFFFFFF80  }
0x5d9: {  	_ =	sfence.sel $0x180000  }
0x5da: {  	[bflag:$0x0] =	sbarrier.arrive $0xFFFF  }
0x5db: {  	_ =	strace $0x90000047  }
0x5dc: {  	s0 =	stileid.u32;
	[bflag:$0x2] =	sbarrier.arrive $0xFFFF  }
0x5dd: {  	p0 =	sne.s32 s0, $0x0;
	s0 =	rddreg [dreg:$0x2]  }
0x5de: {  	s0 =	sadd.s32 @!p0 $0x100000, s0  }
0x5df: {  	[sflag:s0] =	ssyncadd.tile.s32 @!p0 $0x1;
	_ =	shalt  }
.Lfunc_end2:
_tile_overlayer_lowered:
.L_overlay_start_2:
0x5e0: {  	(tag) =	ssettag $0x2  }
0x5e1: {  	s0 =	rddreg [dreg:$0x0];
	s2 =	stileid.u32  }
0x5e2: {  	s1 =	rddreg [dreg:$0x1];
	p0 =	sne.s32 s2, $0x0  }
0x5e3: {  	s3 =	rddreg [dreg:$0x2];
	[bflag:$0x3] =	sbarrier.arrive $0xFFFF;
	s2 =	simm.s32 @!p0 $0x1C05  }
0x5e4: {  	[timem:s3], [sflag:s2] =	dma.local @!p0 [hbm:s0], s1  }
0x5e5: {  	s0 =	simm.s32 @!p0 $0x5  }
0x5e6: {  	_ =	swait.ge @!p0 [sflag:s0], s1  }
0x5e7: {  	s1 =	ssub.s32 @!p0 $0x0, s1;
	[sflag:s0] =	ssyncset.done @!p0 $0x0  }
0x5e8: {  	[sflag:s0] =	ssyncadd.s32 @!p0 s1  }
0x5e9: {  	[bflag:$0x3] =	sbarrier.arrive $0xFFFF  }
0x5ea: {  	_ =	shalt  }

</sc_bundles>
